<compile_context>
chip_gen: v7x
topology: tpu7x:2x2x1
jax: 0.10.2.dev20260603
libtpu: 0.0.44.dev20260713+nightly
codegen_flags: <defaults>
</compile_context>

<pallas_src>
import functools

import jax
import jax.numpy as jnp
from jax import lax
from jax.experimental import pallas as pl
from jax.experimental.pallas import tpu as pltpu
from jax.experimental.pallas import tpu_sc as plsc

N = 10000
E = 320000
D_E = 16
D_H = 256
NCLS = 8

NC = 2
NS = 16
LANE = 16

NP = 10112
RPT = NP // NS
EP = 327680
EPT = EP // NS
K = 128
NBLK = EPT // K


C2 = 128
J_REGS = C2 // LANE


def _zero_accumulator(ebuf, aggs, s):
    def zrow(i, carry):
        for j in range(J_REGS):
            ebuf[i, pl.ds(j * LANE, LANE)] = jnp.zeros((LANE,), jnp.float32)
        return carry
    lax.fori_loop(0, K, zrow, None)
    r0 = s * RPT
    for t in range(RPT // K):
        pltpu.sync_copy(ebuf, aggs.at[pl.ds(r0 + t * K, K)])
    rem = RPT % K
    if rem:
        pltpu.sync_copy(ebuf.at[pl.ds(0, rem)],
                        aggs.at[pl.ds(r0 + (RPT // K) * K, rem)])
    plsc.subcore_barrier()
    return r0


def _sc_pipeline(xtab, es_slice, sdh, aggs, sbds, ebs, xg, sems, bid0, nblk):
    sem_ld, sem_g, sem_st = sems

    def issue_ld(sl, i):
        pltpu.async_copy(sdh.at[bid0 + i], sbds[sl].at[0], sem_ld)
        pltpu.async_copy(es_slice(i), ebs[sl], sem_ld)

    def wait_ld(sl):
        pltpu.make_async_copy(sdh.at[0], sbds[sl].at[0], sem_ld).wait()
        pltpu.make_async_copy(es_slice(0), ebs[sl], sem_ld).wait()

    def st_wait():
        pltpu.make_async_copy(es_slice(0), aggs.at[pl.ds(0, K)], sem_st).wait()

    issue_ld(0, 0)

    def outer(g2, carry):
        for b in (0, 1):
            i = 2 * g2 + b
            sl = b
            wait_ld(sl)
            eb = ebs[sl]
            pltpu.async_copy(xtab.at[sbds[sl].at[0, 0]], xg, sem_g).wait()

            @pl.when(i >= 1)
            def _():
                st_wait()

            @pl.when(i <= nblk - 2)
            def _():
                issue_ld(1 - sl, i + 1)

            def row(r, rcarry):
                for j in range(J_REGS):
                    v = pl.ds(j * LANE, LANE)
                    eb[r, v] = jnp.maximum(eb[r, v] + xg[r, v], 0.0)
                return rcarry
            lax.fori_loop(0, K, row, None)

            pltpu.async_copy(eb, aggs.at[sbds[sl].at[0, 1]], sem_st,
                             add=True)
        return carry

    lax.fori_loop(0, nblk // 2, outer, None)
    st_wait()


_SC_SCRATCH = [
    pltpu.VMEM((1, 2, K), jnp.int32),
    pltpu.VMEM((1, 2, K), jnp.int32),
    pltpu.VMEM((K, C2), jnp.float32),
    pltpu.VMEM((K, C2), jnp.float32),
    pltpu.VMEM((K, C2), jnp.float32),
    pltpu.VMEM_SHARED((NP, C2), jnp.float32),
    pltpu.SemaphoreType.DMA,
    pltpu.SemaphoreType.DMA,
    pltpu.SemaphoreType.DMA,
]


def _sc_agg_edge():
    epw = EP // (NC * NS)
    nblk = epw // K
    mesh = plsc.VectorSubcoreMesh(core_axis_name="c", subcore_axis_name="s")

    @functools.partial(
        pl.kernel,
        out_type=jax.ShapeDtypeStruct((NC, NP, C2), jnp.float32),
        mesh=mesh,
        scratch_types=list(_SC_SCRATCH),
    )
    def k(xtab, es, sdh, out, sbd0, sbd1, eb0, eb1, xg, aggs,
          sem_ld, sem_g, sem_st):
        c = lax.axis_index("c")
        s = lax.axis_index("s")
        r0 = _zero_accumulator(eb0, aggs, s)
        ebase = (c * NS + s) * epw
        bid0 = (c * NS + s) * nblk
        _sc_pipeline(xtab, lambda i: es.at[pl.ds(ebase + i * K, K)], sdh,
                     aggs, (sbd0, sbd1), (eb0, eb1), xg,
                     (sem_ld, sem_g, sem_st), bid0, nblk)
        plsc.subcore_barrier()
        pltpu.sync_copy(aggs.at[pl.ds(r0, RPT)], out.at[c, pl.ds(r0, RPT)])

    return k


def _sc_agg_feat():
    mesh = plsc.VectorSubcoreMesh(core_axis_name="c", subcore_axis_name="s")

    @functools.partial(
        pl.kernel,
        out_type=jax.ShapeDtypeStruct((NC, NP, C2), jnp.float32),
        mesh=mesh,
        scratch_types=list(_SC_SCRATCH),
    )
    def k(x0, x1, es, sdh, out, sbd0, sbd1, eb0, eb1, xg, aggs,
          sem_ld, sem_g, sem_st):
        c = lax.axis_index("c")
        s = lax.axis_index("s")
        r0 = _zero_accumulator(eb0, aggs, s)
        ebase = s * EPT
        bid0 = s * NBLK
        sems = (sem_ld, sem_g, sem_st)

        @pl.when(c == 0)
        def _():
            _sc_pipeline(x0, lambda i: es.at[0, pl.ds(ebase + i * K, K)], sdh,
                         aggs, (sbd0, sbd1), (eb0, eb1), xg, sems,
                         bid0, NBLK)

        @pl.when(c == 1)
        def _():
            _sc_pipeline(x1, lambda i: es.at[1, pl.ds(ebase + i * K, K)], sdh,
                         aggs, (sbd0, sbd1), (eb0, eb1), xg, sems,
                         bid0, NBLK)

        plsc.subcore_barrier()
        pltpu.sync_copy(aggs.at[pl.ds(r0, RPT)], out.at[c, pl.ds(r0, RPT)])

    return k


_BE = 2048


def _e_matmul(cf):

    def body(a_ref, w_ref, b_ref, o_ref):
        h = jnp.dot(a_ref[...], w_ref[...], preferred_element_type=jnp.float32)
        h = h + b_ref[...]
        if cf == C2:
            o_ref[...] = h
        else:
            o_ref[0] = h[:, :C2]
            o_ref[1] = h[:, C2:]

    if cf == C2:
        out_spec = pl.BlockSpec((_BE, C2), lambda i: (i, 0))
        out_shape = jax.ShapeDtypeStruct((EP, C2), jnp.float32)
    else:
        out_spec = pl.BlockSpec((2, _BE, C2), lambda i: (0, i, 0))
        out_shape = jax.ShapeDtypeStruct((2, EP, C2), jnp.float32)

    return pl.pallas_call(
        body,
        grid=(EP // _BE,),
        in_specs=[
            pl.BlockSpec((_BE, D_E), lambda i: (i, 0)),
            pl.BlockSpec((D_E, cf), lambda i: (0, 0)),
            pl.BlockSpec((1, cf), lambda i: (0, 0)),
        ],
        out_specs=out_spec,
        out_shape=out_shape,
    )


_BN = 1000


def _mlp1(cf):

    def body(x_ref, ag_ref, w_ref, b_ref, eps_ref, h_ref, st_ref):
        i = pl.program_id(0)
        if cf == C2:
            agg = ag_ref[0] + ag_ref[1]
        else:
            agg = jnp.concatenate([ag_ref[0], ag_ref[1]], axis=1)
        out = eps_ref[0, 0] * x_ref[...] + agg
        h = jnp.dot(out, w_ref[...], preferred_element_type=jnp.float32) + b_ref[...]
        h_ref[...] = h

        @pl.when(i == 0)
        def _():
            st_ref[...] = jnp.zeros_like(st_ref)
        st_ref[...] += jnp.stack([jnp.sum(h, 0), jnp.sum(h * h, 0)], axis=0)

    return pl.pallas_call(
        body,
        grid=(N // _BN,),
        in_specs=[
            pl.BlockSpec((_BN, cf), lambda i: (i, 0)),
            pl.BlockSpec((2, _BN, C2), lambda i: (0, i, 0)),
            pl.BlockSpec((cf, D_H), lambda i: (0, 0)),
            pl.BlockSpec((1, D_H), lambda i: (0, 0)),
            pl.BlockSpec((1, 1), lambda i: (0, 0)),
        ],
        out_specs=[
            pl.BlockSpec((_BN, D_H), lambda i: (i, 0)),
            pl.BlockSpec((2, D_H), lambda i: (0, 0)),
        ],
        out_shape=[
            jax.ShapeDtypeStruct((N, D_H), jnp.float32),
            jax.ShapeDtypeStruct((2, D_H), jnp.float32),
        ],
    )


def _bn_stats(st_ref):
    mean = st_ref[0:1, :] * (1.0 / N)
    var = st_ref[1:2, :] * (1.0 / N) - mean * mean
    rstd = lax.rsqrt(var + 1e-5)
    return mean, rstd


def _lrelu(h):
    return jnp.where(h >= 0, h, 0.01 * h)


def _mlp2():

    def body(h1_ref, st_ref, g_ref, bt_ref, w_ref, b_ref, h_ref, st2_ref):
        i = pl.program_id(0)
        mean, rstd = _bn_stats(st_ref)
        hn = g_ref[...] * (h1_ref[...] - mean) * rstd + bt_ref[...]
        hn = _lrelu(hn)
        h = jnp.dot(hn, w_ref[...], preferred_element_type=jnp.float32) + b_ref[...]
        h_ref[...] = h

        @pl.when(i == 0)
        def _():
            st2_ref[...] = jnp.zeros_like(st2_ref)
        st2_ref[...] += jnp.stack([jnp.sum(h, 0), jnp.sum(h * h, 0)], axis=0)

    return pl.pallas_call(
        body,
        grid=(N // _BN,),
        in_specs=[
            pl.BlockSpec((_BN, D_H), lambda i: (i, 0)),
            pl.BlockSpec((2, D_H), lambda i: (0, 0)),
            pl.BlockSpec((1, D_H), lambda i: (0, 0)),
            pl.BlockSpec((1, D_H), lambda i: (0, 0)),
            pl.BlockSpec((D_H, D_H), lambda i: (0, 0)),
            pl.BlockSpec((1, D_H), lambda i: (0, 0)),
        ],
        out_specs=[
            pl.BlockSpec((_BN, D_H), lambda i: (i, 0)),
            pl.BlockSpec((2, D_H), lambda i: (0, 0)),
        ],
        out_shape=[
            jax.ShapeDtypeStruct((N, D_H), jnp.float32),
            jax.ShapeDtypeStruct((2, D_H), jnp.float32),
        ],
    )


def _mlp3():
    c2 = D_H // NC

    def body(h2_ref, st_ref, g_ref, b_ref, cur_ref, c0_ref, c1_ref):
        mean, rstd = _bn_stats(st_ref)
        v = g_ref[...] * (h2_ref[...] - mean) * rstd + b_ref[...]
        v = _lrelu(v)
        cur_ref[...] = v
        c0_ref[...] = v[:, :c2]
        c1_ref[...] = v[:, c2:]

    return pl.pallas_call(
        body,
        grid=(N // _BN,),
        in_specs=[
            pl.BlockSpec((_BN, D_H), lambda i: (i, 0)),
            pl.BlockSpec((2, D_H), lambda i: (0, 0)),
            pl.BlockSpec((1, D_H), lambda i: (0, 0)),
            pl.BlockSpec((1, D_H), lambda i: (0, 0)),
        ],
        out_specs=[
            pl.BlockSpec((_BN, D_H), lambda i: (i, 0)),
            pl.BlockSpec((_BN, c2), lambda i: (i, 0)),
            pl.BlockSpec((_BN, c2), lambda i: (i, 0)),
        ],
        out_shape=[
            jax.ShapeDtypeStruct((N, D_H), jnp.float32),
            jax.ShapeDtypeStruct((N, c2), jnp.float32),
            jax.ShapeDtypeStruct((N, c2), jnp.float32),
        ],
    )


def _final():

    def body(a_ref, b_ref, c_ref, w_ref, fb_ref, o_ref):
        h = jnp.concatenate([a_ref[...], b_ref[...], c_ref[...]], axis=1)
        logits = jnp.dot(h, w_ref[...], preferred_element_type=jnp.float32)
        logits = logits + fb_ref[...]
        col = lax.broadcasted_iota(jnp.int32, logits.shape, 1)
        logits = jnp.where(col < NCLS, logits, -1e30)
        m = jnp.max(logits, axis=1, keepdims=True)
        ex = jnp.exp(logits - m)
        o_ref[...] = ex / jnp.sum(ex, axis=1, keepdims=True)

    return pl.pallas_call(
        body,
        grid=(N // _BN,),
        in_specs=[
            pl.BlockSpec((_BN, D_H), lambda i: (i, 0)),
            pl.BlockSpec((_BN, D_H), lambda i: (i, 0)),
            pl.BlockSpec((_BN, D_H), lambda i: (i, 0)),
            pl.BlockSpec((3 * D_H, 128), lambda i: (0, 0)),
            pl.BlockSpec((1, 128), lambda i: (0, 0)),
        ],
        out_specs=pl.BlockSpec((_BN, 128), lambda i: (i, 0)),
        out_shape=jax.ShapeDtypeStruct((N, 128), jnp.float32),
    )


def kernel(x, edge_index, edge_attr, params):
    src = edge_index[0]
    dst = edge_index[1]
    pad = EP - E
    srcp = jnp.concatenate([src, jnp.zeros((pad,), jnp.int32)])
    dstp = jnp.concatenate([dst, jnp.full((pad,), N, jnp.int32)])
    sdh = jnp.stack([srcp.reshape(-1, K), dstp.reshape(-1, K)], axis=1)
    eap = jnp.concatenate([edge_attr, jnp.zeros((pad, D_E), jnp.float32)], axis=0)

    cur = x
    x0 = x1 = None
    hs = []
    for p in params["layers"]:
        cf = cur.shape[1]
        es = _e_matmul(cf)(eap, p["lin_e_w"], p["lin_e_b"].reshape(1, -1))
        if cf == C2:
            agg = _sc_agg_edge()(cur, es, sdh)
        else:
            agg = _sc_agg_feat()(x0, x1, es, sdh)
        h1, st1 = _mlp1(cf)(
            cur, agg, p["w1"], p["b1"].reshape(1, -1),
            (1.0 + p["eps"]).reshape(1, 1),
        )
        h2, st2 = _mlp2()(
            h1, st1, p["g1"].reshape(1, -1), p["bt1"].reshape(1, -1),
            p["w2"], p["b2"].reshape(1, -1),
        )
        cur, x0, x1 = _mlp3()(
            h2, st2, p["g_out"].reshape(1, -1), p["b_out"].reshape(1, -1)
        )
        hs.append(cur)

    fw = jnp.concatenate(
        [params["final_w"],
         jnp.zeros((3 * D_H, 128 - NCLS), jnp.float32)], axis=1)
    fb = jnp.concatenate(
        [params["final_b"], jnp.zeros((128 - NCLS,), jnp.float32)]).reshape(1, -1)
    probs = _final()(hs[0], hs[1], hs[2], fw, fb)
    return probs[:, :NCLS]

# --- scband reference (transcript-rebuilt; emitter-appended) ---
"""Pipeline reference for scband-m3-19164144074969 (READ-ONLY COPY).

The authoritative reference and input builder live on the scoring server;
editing this copy changes nothing except your own understanding.
"""

import jax, jax.numpy as jnp
import numpy as np

N = 10000
E = 320000
D_IN = 128
D_E = 16
D_H = 256
L = 3
C = 8

def _lrelu(x):
    return jnp.where(x >= 0, x, 0.01 * x)

def _bn(x, g, b):
    m = jnp.mean(x, axis=0)
    v = jnp.var(x, axis=0)
    return g * (x - m) / jnp.sqrt(v + 1e-5) + b

def _gine(x, edge_index, edge_attr, p):
    src = edge_index[0]
    dst = edge_index[1]
    e = edge_attr @ p['lin_e_w'] + p['lin_e_b']
    msg = jax.nn.relu(x[src] + e)
    agg = jnp.zeros_like(x).at[dst].add(msg)
    out = (1.0 + p['eps']) * x + agg
    h = out @ p['w1'] + p['b1']
    h = _bn(h, p['g1'], p['bt1'])
    h = _lrelu(h)
    h = h @ p['w2'] + p['b2']
    return h

def _forward(x, edge_index, edge_attr, params):
    hs = []
    cur = x
    for p in params['layers']:
        cur = _gine(cur, edge_index, edge_attr, p)
        cur = _bn(cur, p['g_out'], p['b_out'])
        cur = _lrelu(cur)
        hs.append(cur)
    h = jnp.concatenate(hs, axis=1)
    logits = h @ params['final_w'] + params['final_b']
    return jax.nn.softmax(logits, axis=1)

def setup_inputs(seed: int = 0):
    key = jax.random.key(seed)
    ks = jax.random.split(key, 64)
    x = jax.random.normal(ks[0], (N, D_IN), dtype=jnp.float32)
    edge_index = jax.random.randint(ks[1], (2, E), 0, N, dtype=jnp.int32)
    edge_attr = jax.random.normal(ks[2], (E, D_E), dtype=jnp.float32)
    def gl(k, fan_in, shape):
        return jax.random.normal(k, shape, dtype=jnp.float32) * (1.0 / np.sqrt(fan_in))
    layers = []
    in_ch = D_IN
    ki = 3
    for l in range(L):
        p = {}
        p['lin_e_w'] = gl(ks[ki], D_E, (D_E, in_ch)); ki += 1
        p['lin_e_b'] = jnp.zeros((in_ch,), dtype=jnp.float32)
        p['eps'] = jnp.zeros((), dtype=jnp.float32)
        p['w1'] = gl(ks[ki], in_ch, (in_ch, D_H)); ki += 1
        p['b1'] = jnp.zeros((D_H,), dtype=jnp.float32)
        p['g1'] = jnp.ones((D_H,), dtype=jnp.float32)
        p['bt1'] = jnp.zeros((D_H,), dtype=jnp.float32)
        p['w2'] = gl(ks[ki], D_H, (D_H, D_H)); ki += 1
        p['b2'] = jnp.zeros((D_H,), dtype=jnp.float32)
        p['g_out'] = jnp.ones((D_H,), dtype=jnp.float32)
        p['b_out'] = jnp.zeros((D_H,), dtype=jnp.float32)
        layers.append(p)
        in_ch = D_H
    params = {'layers': layers, 'final_w': gl(ks[ki], D_H * L, (D_H * L, C)), 'final_b': jnp.zeros((C,), dtype=jnp.float32)}
    return {'x': x, 'edge_index': edge_index, 'edge_attr': edge_attr, 'params': params}

def reference(x, edge_index, edge_attr, params):
    return _forward(x, edge_index, edge_attr, params)

if __name__ == "__main__":
    import jax
    _d = setup_inputs()
    print(jax.jit(kernel)(*tuple(_d.values())))

</pallas_src>

<mosaic_0001>
#map = affine_map<(d0, d1) -> (0, 0)>
#map1 = affine_map<(d0, d1) -> (0, 0, 0)>
module attributes {stable_mosaic.version = 14 : i64} {
  func.func @k(%arg0: i32, %arg1: i32, %arg2: memref<10000x128xf32, #tpu.memory_space<hbm>>, %arg3: memref<10000x128xf32, #tpu.memory_space<hbm>>, %arg4: memref<2x327680x128xf32, #tpu.memory_space<hbm>>, %arg5: memref<2560x2x128xi32, #tpu.memory_space<hbm>>, %arg6: memref<2x10112x128xf32, #tpu.memory_space<hbm>>, %arg7: memref<1x2x128xi32, #tpu.memory_space<vmem>>, %arg8: memref<1x2x128xi32, #tpu.memory_space<vmem>>, %arg9: memref<128x128xf32, #tpu.memory_space<vmem>>, %arg10: memref<128x128xf32, #tpu.memory_space<vmem>>, %arg11: memref<128x128xf32, #tpu.memory_space<vmem>>, %arg12: memref<10112x128xf32, #tpu.memory_space<vmem_shared>>, %arg13: memref<!tpu.dma_semaphore, #tpu.memory_space<semaphore_mem>>, %arg14: memref<!tpu.dma_semaphore, #tpu.memory_space<semaphore_mem>>, %arg15: memref<!tpu.dma_semaphore, #tpu.memory_space<semaphore_mem>>) attributes {dimension_semantics = [#tpu.dimension_semantics<core_parallel>, #tpu.dimension_semantics<subcore_parallel>], iteration_bounds = array<i64: 2, 16>, scalar_prefetch = 0 : i64, scratch_operands = 9 : i64, tpu.core_type = #tpu.core_type<sc_vector_subcore>, window_params = [{transform_indices = #map}, {transform_indices = #map}, {transform_indices = #map1}, {transform_indices = #map1}, {transform_indices = #map1}]} {
    %scan3A = arith.constant 0 : i32
    %scan3A_0 = arith.constant 128 : i32
    %scan3A_1 = arith.addi %scan3A, %scan3A_0 : i32
    %scan3A_2 = arith.constant 1 : i32
    scf.for %scan3A_26 = %scan3A to %scan3A_1 step %scan3A_2  : i32 {
      %broadcast_in_dim3A = arith.constant 0.000000e+00 : f32
      %broadcast_in_dim3A_27 = vector.broadcast %broadcast_in_dim3A : f32 to vector<16xf32>
      %swap3A = arith.index_cast %scan3A_26 : i32 to index
      %swap3A_28 = arith.constant 0 : index
      %swap3A_29 = tpu.vector_load %arg9[%swap3A, %swap3A_28] {strides = array<i32>} : memref<128x128xf32, #tpu.memory_space<vmem>>, vector<1x16xf32>,
      %swap3A_30 = vector.shape_cast %swap3A_29 : vector<1x16xf32> to vector<16xf32>
      %swap3A_31 = vector.shape_cast %broadcast_in_dim3A_27 : vector<16xf32> to vector<1x16xf32>
      tpu.vector_store %arg9[%swap3A, %swap3A_28], %swap3A_31 {strides = array<i32>} : memref<128x128xf32, #tpu.memory_space<vmem>>, vector<1x16xf32>,
      %broadcast_in_dim3A_32 = arith.constant 0.000000e+00 : f32
      %broadcast_in_dim3A_33 = vector.broadcast %broadcast_in_dim3A_32 : f32 to vector<16xf32>
      %swap3A_34 = arith.index_cast %scan3A_26 : i32 to index
      %swap3A_35 = arith.constant 16 : index
      %swap3A_36 = tpu.vector_load %arg9[%swap3A_34, %swap3A_35] {strides = array<i32>} : memref<128x128xf32, #tpu.memory_space<vmem>>, vector<1x16xf32>,
      %swap3A_37 = vector.shape_cast %swap3A_36 : vector<1x16xf32> to vector<16xf32>
      %swap3A_38 = vector.shape_cast %broadcast_in_dim3A_33 : vector<16xf32> to vector<1x16xf32>
      tpu.vector_store %arg9[%swap3A_34, %swap3A_35], %swap3A_38 {strides = array<i32>} : memref<128x128xf32, #tpu.memory_space<vmem>>, vector<1x16xf32>,
      %broadcast_in_dim3A_39 = arith.constant 0.000000e+00 : f32
      %broadcast_in_dim3A_40 = vector.broadcast %broadcast_in_dim3A_39 : f32 to vector<16xf32>
      %swap3A_41 = arith.index_cast %scan3A_26 : i32 to index
      %swap3A_42 = arith.constant 32 : index
      %swap3A_43 = tpu.vector_load %arg9[%swap3A_41, %swap3A_42] {strides = array<i32>} : memref<128x128xf32, #tpu.memory_space<vmem>>, vector<1x16xf32>,
      %swap3A_44 = vector.shape_cast %swap3A_43 : vector<1x16xf32> to vector<16xf32>
      %swap3A_45 = vector.shape_cast %broadcast_in_dim3A_40 : vector<16xf32> to vector<1x16xf32>
      tpu.vector_store %arg9[%swap3A_41, %swap3A_42], %swap3A_45 {strides = array<i32>} : memref<128x128xf32, #tpu.memory_space<vmem>>, vector<1x16xf32>,
      %broadcast_in_dim3A_46 = arith.constant 0.000000e+00 : f32
      %broadcast_in_dim3A_47 = vector.broadcast %broadcast_in_dim3A_46 : f32 to vector<16xf32>
      %swap3A_48 = arith.index_cast %scan3A_26 : i32 to index
      %swap3A_49 = arith.constant 48 : index
      %swap3A_50 = tpu.vector_load %arg9[%swap3A_48, %swap3A_49] {strides = array<i32>} : memref<128x128xf32, #tpu.memory_space<vmem>>, vector<1x16xf32>,
      %swap3A_51 = vector.shape_cast %swap3A_50 : vector<1x16xf32> to vector<16xf32>
      %swap3A_52 = vector.shape_cast %broadcast_in_dim3A_47 : vector<16xf32> to vector<1x16xf32>
      tpu.vector_store %arg9[%swap3A_48, %swap3A_49], %swap3A_52 {strides = array<i32>} : memref<128x128xf32, #tpu.memory_space<vmem>>, vector<1x16xf32>,
      %broadcast_in_dim3A_53 = arith.constant 0.000000e+00 : f32
      %broadcast_in_dim3A_54 = vector.broadcast %broadcast_in_dim3A_53 : f32 to vector<16xf32>
      %swap3A_55 = arith.index_cast %scan3A_26 : i32 to index
      %swap3A_56 = arith.constant 64 : index
      %swap3A_57 = tpu.vector_load %arg9[%swap3A_55, %swap3A_56] {strides = array<i32>} : memref<128x128xf32, #tpu.memory_space<vmem>>, vector<1x16xf32>,
      %swap3A_58 = vector.shape_cast %swap3A_57 : vector<1x16xf32> to vector<16xf32>
      %swap3A_59 = vector.shape_cast %broadcast_in_dim3A_54 : vector<16xf32> to vector<1x16xf32>
      tpu.vector_store %arg9[%swap3A_55, %swap3A_56], %swap3A_59 {strides = array<i32>} : memref<128x128xf32, #tpu.memory_space<vmem>>, vector<1x16xf32>,
      %broadcast_in_dim3A_60 = arith.constant 0.000000e+00 : f32
      %broadcast_in_dim3A_61 = vector.broadcast %broadcast_in_dim3A_60 : f32 to vector<16xf32>
      %swap3A_62 = arith.index_cast %scan3A_26 : i32 to index
      %swap3A_63 = arith.constant 80 : index
      %swap3A_64 = tpu.vector_load %arg9[%swap3A_62, %swap3A_63] {strides = array<i32>} : memref<128x128xf32, #tpu.memory_space<vmem>>, vector<1x16xf32>,
      %swap3A_65 = vector.shape_cast %swap3A_64 : vector<1x16xf32> to vector<16xf32>
      %swap3A_66 = vector.shape_cast %broadcast_in_dim3A_61 : vector<16xf32> to vector<1x16xf32>
      tpu.vector_store %arg9[%swap3A_62, %swap3A_63], %swap3A_66 {strides = array<i32>} : memref<128x128xf32, #tpu.memory_space<vmem>>, vector<1x16xf32>,
      %broadcast_in_dim3A_67 = arith.constant 0.000000e+00 : f32
      %broadcast_in_dim3A_68 = vector.broadcast %broadcast_in_dim3A_67 : f32 to vector<16xf32>
      %swap3A_69 = arith.index_cast %scan3A_26 : i32 to index
      %swap3A_70 = arith.constant 96 : index
      %swap3A_71 = tpu.vector_load %arg9[%swap3A_69, %swap3A_70] {strides = array<i32>} : memref<128x128xf32, #tpu.memory_space<vmem>>, vector<1x16xf32>,
      %swap3A_72 = vector.shape_cast %swap3A_71 : vector<1x16xf32> to vector<16xf32>
      %swap3A_73 = vector.shape_cast %broadcast_in_dim3A_68 : vector<16xf32> to vector<1x16xf32>
      tpu.vector_store %arg9[%swap3A_69, %swap3A_70], %swap3A_73 {strides = array<i32>} : memref<128x128xf32, #tpu.memory_space<vmem>>, vector<1x16xf32>,
      %broadcast_in_dim3A_74 = arith.constant 0.000000e+00 : f32
      %broadcast_in_dim3A_75 = vector.broadcast %broadcast_in_dim3A_74 : f32 to vector<16xf32>
      %swap3A_76 = arith.index_cast %scan3A_26 : i32 to index
      %swap3A_77 = arith.constant 112 : index
      %swap3A_78 = tpu.vector_load %arg9[%swap3A_76, %swap3A_77] {strides = array<i32>} : memref<128x128xf32, #tpu.memory_space<vmem>>, vector<1x16xf32>,
      %swap3A_79 = vector.shape_cast %swap3A_78 : vector<1x16xf32> to vector<16xf32>
      %swap3A_80 = vector.shape_cast %broadcast_in_dim3A_75 : vector<16xf32> to vector<1x16xf32>
      tpu.vector_store %arg9[%swap3A_76, %swap3A_77], %swap3A_80 {strides = array<i32>} : memref<128x128xf32, #tpu.memory_space<vmem>>, vector<1x16xf32>,
    }
    %scan3A_3 = arith.constant 128 : i32
    %mul3A = arith.constant 632 : i32
    %mul3A_4 = arith.muli %arg1, %mul3A : i32
    %add3A = arith.constant 0 : i32
    %add3A_5 = arith.addi %mul3A_4, %add3A : i32
    "tpu.region"() ({
      %run_scoped3A = tpu.sem_alloc : memref<!tpu.dma_semaphore, #tpu.memory_space<semaphore_mem>>
      %dma_start3A = arith.constant 0 : i32
      %dma_start3A_26 = tpu.memref_slice %arg12[%add3A_5, %dma_start3A] : memref<10112x128xf32, #tpu.memory_space<vmem_shared>> -> memref<128x128xf32, #tpu.memory_space<vmem_shared>>
      %dma_start3A_27 = arith.constant 0 : i32
      %dma_start3A_28 = tpu.memref_slice %arg12[%add3A_5, %dma_start3A_27] : memref<10112x128xf32, #tpu.memory_space<vmem_shared>> -> memref<128x128xf32, #tpu.memory_space<vmem_shared>>
      tpu.enqueue_dma source(%arg9 : memref<128x128xf32, #tpu.memory_space<vmem>>) target(%dma_start3A_28 : memref<128x128xf32, #tpu.memory_space<vmem_shared>>) target_semaphore(%run_scoped3A : memref<!tpu.dma_semaphore, #tpu.memory_space<semaphore_mem>>)
      %dma_wait3A = arith.constant 0 : i32
      %dma_wait3A_29 = tpu.memref_slice %arg12[%add3A_5, %dma_wait3A] : memref<10112x128xf32, #tpu.memory_space<vmem_shared>> -> memref<128x128xf32, #tpu.memory_space<vmem_shared>>
      %dma_wait3A_30 = arith.constant 0 : i32
      %dma_wait3A_31 = tpu.memref_slice %arg12[%add3A_5, %dma_wait3A_30] : memref<10112x128xf32, #tpu.memory_space<vmem_shared>> -> memref<128x128xf32, #tpu.memory_space<vmem_shared>>
      tpu.wait_dma2 semaphore(%run_scoped3A : memref<!tpu.dma_semaphore, #tpu.memory_space<semaphore_mem>>) src(%arg9 : memref<128x128xf32, #tpu.memory_space<vmem>>) dst(%dma_wait3A_31 : memref<128x128xf32, #tpu.memory_space<vmem_shared>>)
      tpu.yield
    }) : () -> ()
    %add3A_6 = arith.constant 128 : i32
    %add3A_7 = arith.addi %mul3A_4, %add3A_6 : i32
    "tpu.region"() ({
      %run_scoped3A = tpu.sem_alloc : memref<!tpu.dma_semaphore, #tpu.memory_space<semaphore_mem>>
      %dma_start3A = arith.constant 0 : i32
      %dma_start3A_26 = tpu.memref_slice %arg12[%add3A_7, %dma_start3A] : memref<10112x128xf32, #tpu.memory_space<vmem_shared>> -> memref<128x128xf32, #tpu.memory_space<vmem_shared>>
      %dma_start3A_27 = arith.constant 0 : i32
      %dma_start3A_28 = tpu.memref_slice %arg12[%add3A_7, %dma_start3A_27] : memref<10112x128xf32, #tpu.memory_space<vmem_shared>> -> memref<128x128xf32, #tpu.memory_space<vmem_shared>>
      tpu.enqueue_dma source(%arg9 : memref<128x128xf32, #tpu.memory_space<vmem>>) target(%dma_start3A_28 : memref<128x128xf32, #tpu.memory_space<vmem_shared>>) target_semaphore(%run_scoped3A : memref<!tpu.dma_semaphore, #tpu.memory_space<semaphore_mem>>)
      %dma_wait3A = arith.constant 0 : i32
      %dma_wait3A_29 = tpu.memref_slice %arg12[%add3A_7, %dma_wait3A] : memref<10112x128xf32, #tpu.memory_space<vmem_shared>> -> memref<128x128xf32, #tpu.memory_space<vmem_shared>>
      %dma_wait3A_30 = arith.constant 0 : i32
      %dma_wait3A_31 = tpu.memref_slice %arg12[%add3A_7, %dma_wait3A_30] : memref<10112x128xf32, #tpu.memory_space<vmem_shared>> -> memref<128x128xf32, #tpu.memory_space<vmem_shared>>
      tpu.wait_dma2 semaphore(%run_scoped3A : memref<!tpu.dma_semaphore, #tpu.memory_space<semaphore_mem>>) src(%arg9 : memref<128x128xf32, #tpu.memory_space<vmem>>) dst(%dma_wait3A_31 : memref<128x128xf32, #tpu.memory_space<vmem_shared>>)
      tpu.yield
    }) : () -> ()
    %add3A_8 = arith.constant 256 : i32
    %add3A_9 = arith.addi %mul3A_4, %add3A_8 : i32
    "tpu.region"() ({
      %run_scoped3A = tpu.sem_alloc : memref<!tpu.dma_semaphore, #tpu.memory_space<semaphore_mem>>
      %dma_start3A = arith.constant 0 : i32
      %dma_start3A_26 = tpu.memref_slice %arg12[%add3A_9, %dma_start3A] : memref<10112x128xf32, #tpu.memory_space<vmem_shared>> -> memref<128x128xf32, #tpu.memory_space<vmem_shared>>
      %dma_start3A_27 = arith.constant 0 : i32
      %dma_start3A_28 = tpu.memref_slice %arg12[%add3A_9, %dma_start3A_27] : memref<10112x128xf32, #tpu.memory_space<vmem_shared>> -> memref<128x128xf32, #tpu.memory_space<vmem_shared>>
      tpu.enqueue_dma source(%arg9 : memref<128x128xf32, #tpu.memory_space<vmem>>) target(%dma_start3A_28 : memref<128x128xf32, #tpu.memory_space<vmem_shared>>) target_semaphore(%run_scoped3A : memref<!tpu.dma_semaphore, #tpu.memory_space<semaphore_mem>>)
      %dma_wait3A = arith.constant 0 : i32
      %dma_wait3A_29 = tpu.memref_slice %arg12[%add3A_9, %dma_wait3A] : memref<10112x128xf32, #tpu.memory_space<vmem_shared>> -> memref<128x128xf32, #tpu.memory_space<vmem_shared>>
      %dma_wait3A_30 = arith.constant 0 : i32
      %dma_wait3A_31 = tpu.memref_slice %arg12[%add3A_9, %dma_wait3A_30] : memref<10112x128xf32, #tpu.memory_space<vmem_shared>> -> memref<128x128xf32, #tpu.memory_space<vmem_shared>>
      tpu.wait_dma2 semaphore(%run_scoped3A : memref<!tpu.dma_semaphore, #tpu.memory_space<semaphore_mem>>) src(%arg9 : memref<128x128xf32, #tpu.memory_space<vmem>>) dst(%dma_wait3A_31 : memref<128x128xf32, #tpu.memory_space<vmem_shared>>)
      tpu.yield
    }) : () -> ()
    %add3A_10 = arith.constant 384 : i32
    %add3A_11 = arith.addi %mul3A_4, %add3A_10 : i32
    "tpu.region"() ({
      %run_scoped3A = tpu.sem_alloc : memref<!tpu.dma_semaphore, #tpu.memory_space<semaphore_mem>>
      %dma_start3A = arith.constant 0 : i32
      %dma_start3A_26 = tpu.memref_slice %arg12[%add3A_11, %dma_start3A] : memref<10112x128xf32, #tpu.memory_space<vmem_shared>> -> memref<128x128xf32, #tpu.memory_space<vmem_shared>>
      %dma_start3A_27 = arith.constant 0 : i32
      %dma_start3A_28 = tpu.memref_slice %arg12[%add3A_11, %dma_start3A_27] : memref<10112x128xf32, #tpu.memory_space<vmem_shared>> -> memref<128x128xf32, #tpu.memory_space<vmem_shared>>
      tpu.enqueue_dma source(%arg9 : memref<128x128xf32, #tpu.memory_space<vmem>>) target(%dma_start3A_28 : memref<128x128xf32, #tpu.memory_space<vmem_shared>>) target_semaphore(%run_scoped3A : memref<!tpu.dma_semaphore, #tpu.memory_space<semaphore_mem>>)
      %dma_wait3A = arith.constant 0 : i32
      %dma_wait3A_29 = tpu.memref_slice %arg12[%add3A_11, %dma_wait3A] : memref<10112x128xf32, #tpu.memory_space<vmem_shared>> -> memref<128x128xf32, #tpu.memory_space<vmem_shared>>
      %dma_wait3A_30 = arith.constant 0 : i32
      %dma_wait3A_31 = tpu.memref_slice %arg12[%add3A_11, %dma_wait3A_30] : memref<10112x128xf32, #tpu.memory_space<vmem_shared>> -> memref<128x128xf32, #tpu.memory_space<vmem_shared>>
      tpu.wait_dma2 semaphore(%run_scoped3A : memref<!tpu.dma_semaphore, #tpu.memory_space<semaphore_mem>>) src(%arg9 : memref<128x128xf32, #tpu.memory_space<vmem>>) dst(%dma_wait3A_31 : memref<128x128xf32, #tpu.memory_space<vmem_shared>>)
      tpu.yield
    }) : () -> ()
    %add3A_12 = arith.constant 512 : i32
    %add3A_13 = arith.addi %mul3A_4, %add3A_12 : i32
    "tpu.region"() ({
      %run_scoped3A = tpu.sem_alloc : memref<!tpu.dma_semaphore, #tpu.memory_space<semaphore_mem>>
      %dma_start3A = arith.constant 0 : i32
      %dma_start3A_26 = arith.constant 0 : i32
      %dma_start3A_27 = tpu.memref_slice %arg9[%dma_start3A, %dma_start3A_26] : memref<128x128xf32, #tpu.memory_space<vmem>> -> memref<120x128xf32, #tpu.memory_space<vmem>>
      %dma_start3A_28 = arith.constant 0 : i32
      %dma_start3A_29 = tpu.memref_slice %arg12[%add3A_13, %dma_start3A_28] : memref<10112x128xf32, #tpu.memory_space<vmem_shared>> -> memref<120x128xf32, #tpu.memory_space<vmem_shared>>
      %dma_start3A_30 = arith.constant 0 : i32
      %dma_start3A_31 = tpu.memref_slice %arg12[%add3A_13, %dma_start3A_30] : memref<10112x128xf32, #tpu.memory_space<vmem_shared>> -> memref<120x128xf32, #tpu.memory_space<vmem_shared>>
      %dma_start3A_32 = arith.constant 0 : i32
      %dma_start3A_33 = arith.constant 0 : i32
      %dma_start3A_34 = tpu.memref_slice %arg9[%dma_start3A_32, %dma_start3A_33] : memref<128x128xf32, #tpu.memory_space<vmem>> -> memref<120x128xf32, #tpu.memory_space<vmem>>
      tpu.enqueue_dma source(%dma_start3A_34 : memref<120x128xf32, #tpu.memory_space<vmem>>) target(%dma_start3A_31 : memref<120x128xf32, #tpu.memory_space<vmem_shared>>) target_semaphore(%run_scoped3A : memref<!tpu.dma_semaphore, #tpu.memory_space<semaphore_mem>>)
      %dma_wait3A = arith.constant 0 : i32
      %dma_wait3A_35 = arith.constant 0 : i32
      %dma_wait3A_36 = tpu.memref_slice %arg9[%dma_wait3A, %dma_wait3A_35] : memref<128x128xf32, #tpu.memory_space<vmem>> -> memref<120x128xf32, #tpu.memory_space<vmem>>
      %dma_wait3A_37 = arith.constant 0 : i32
      %dma_wait3A_38 = tpu.memref_slice %arg12[%add3A_13, %dma_wait3A_37] : memref<10112x128xf32, #tpu.memory_space<vmem_shared>> -> memref<120x128xf32, #tpu.memory_space<vmem_shared>>
      %dma_wait3A_39 = arith.constant 0 : i32
      %dma_wait3A_40 = tpu.memref_slice %arg12[%add3A_13, %dma_wait3A_39] : memref<10112x128xf32, #tpu.memory_space<vmem_shared>> -> memref<120x128xf32, #tpu.memory_space<vmem_shared>>
      %dma_wait3A_41 = arith.constant 0 : i32
      %dma_wait3A_42 = arith.constant 0 : i32
      %dma_wait3A_43 = tpu.memref_slice %arg9[%dma_wait3A_41, %dma_wait3A_42] : memref<128x128xf32, #tpu.memory_space<vmem>> -> memref<120x128xf32, #tpu.memory_space<vmem>>
      tpu.wait_dma2 semaphore(%run_scoped3A : memref<!tpu.dma_semaphore, #tpu.memory_space<semaphore_mem>>) src(%dma_wait3A_43 : memref<120x128xf32, #tpu.memory_space<vmem>>) dst(%dma_wait3A_40 : memref<120x128xf32, #tpu.memory_space<vmem_shared>>)
      tpu.yield
    }) : () -> ()
    %barrier3A = arith.constant 0 : index
    tpu.barrier barrier_id(%barrier3A)
    %mul3A_14 = arith.constant 20480 : i32
    %mul3A_15 = arith.muli %arg1, %mul3A_14 : i32
    %mul3A_16 = arith.constant 160 : i32
    %mul3A_17 = arith.muli %arg1, %mul3A_16 : i32
    %eq3A = arith.constant 0 : i32
    %eq3A_18 = arith.cmpi eq, %arg0, %eq3A : i32
    %convert_element_type3A = arith.extui %eq3A_18 : i1 to i32
    %cond3A = arith.constant 0 : i32
    %cond3A_19 = arith.cmpi ne, %convert_element_type3A, %cond3A : i32
    scf.if %cond3A_19 {
      %add3A_26 = arith.constant 0 : i32
      %add3A_27 = arith.addi %mul3A_17, %add3A_26 : i32
      %dma_start3A = arith.constant 0 : i32
      %dma_start3A_28 = arith.constant 0 : i32
      %dma_start3A_29 = arith.constant 0 : i32
      %dma_start3A_30 = tpu.memref_slice %arg7[%dma_start3A, %dma_start3A_28, %dma_start3A_29] : memref<1x2x128xi32, #tpu.memory_space<vmem>> -> memref<1x2x128xi32, #tpu.memory_space<vmem>>
      %dma_start3A_31 = tpu.memref_squeeze %dma_start3A_30 : memref<1x2x128xi32, #tpu.memory_space<vmem>> -> memref<2x128xi32, #tpu.memory_space<vmem>>
      %dma_start3A_32 = arith.constant 0 : i32
      %dma_start3A_33 = arith.constant 0 : i32
      %dma_start3A_34 = tpu.memref_slice %arg5[%add3A_27, %dma_start3A_32, %dma_start3A_33] : memref<2560x2x128xi32, #tpu.memory_space<hbm>> -> memref<1x2x128xi32, #tpu.memory_space<hbm>>
      %dma_start3A_35 = tpu.memref_squeeze %dma_start3A_34 : memref<1x2x128xi32, #tpu.memory_space<hbm>> -> memref<2x128xi32, #tpu.memory_space<hbm>>
      %dma_start3A_36 = arith.constant 0 : i32
      %dma_start3A_37 = arith.constant 0 : i32
      %dma_start3A_38 = tpu.memref_slice %arg7[%dma_start3A, %dma_start3A_36, %dma_start3A_37] : memref<1x2x128xi32, #tpu.memory_space<vmem>> -> memref<1x2x128xi32, #tpu.memory_space<vmem>>
      %dma_start3A_39 = tpu.memref_squeeze %dma_start3A_38 : memref<1x2x128xi32, #tpu.memory_space<vmem>> -> memref<2x128xi32, #tpu.memory_space<vmem>>
      %dma_start3A_40 = arith.constant 0 : i32
      %dma_start3A_41 = arith.constant 0 : i32
      %dma_start3A_42 = tpu.memref_slice %arg5[%add3A_27, %dma_start3A_40, %dma_start3A_41] : memref<2560x2x128xi32, #tpu.memory_space<hbm>> -> memref<1x2x128xi32, #tpu.memory_space<hbm>>
      %dma_start3A_43 = tpu.memref_squeeze %dma_start3A_42 : memref<1x2x128xi32, #tpu.memory_space<hbm>> -> memref<2x128xi32, #tpu.memory_space<hbm>>
      tpu.enqueue_dma source(%dma_start3A_43 : memref<2x128xi32, #tpu.memory_space<hbm>>) target(%dma_start3A_39 : memref<2x128xi32, #tpu.memory_space<vmem>>) target_semaphore(%arg13 : memref<!tpu.dma_semaphore, #tpu.memory_space<semaphore_mem>>)
      %add3A_44 = arith.constant 0 : i32
      %add3A_45 = arith.addi %mul3A_15, %add3A_44 : i32
      %dma_start3A_46 = arith.constant 0 : i32
      %dma_start3A_47 = arith.constant 0 : i32
      %dma_start3A_48 = tpu.memref_slice %arg4[%dma_start3A_46, %add3A_45, %dma_start3A_47] : memref<2x327680x128xf32, #tpu.memory_space<hbm>> -> memref<1x128x128xf32, #tpu.memory_space<hbm>>
      %dma_start3A_49 = tpu.memref_squeeze %dma_start3A_48 : memref<1x128x128xf32, #tpu.memory_space<hbm>> -> memref<128x128xf32, #tpu.memory_space<hbm>>
      %dma_start3A_50 = arith.constant 0 : i32
      %dma_start3A_51 = tpu.memref_slice %arg4[%dma_start3A_46, %add3A_45, %dma_start3A_50] : memref<2x327680x128xf32, #tpu.memory_space<hbm>> -> memref<1x128x128xf32, #tpu.memory_space<hbm>>
      %dma_start3A_52 = tpu.memref_squeeze %dma_start3A_51 : memref<1x128x128xf32, #tpu.memory_space<hbm>> -> memref<128x128xf32, #tpu.memory_space<hbm>>
      tpu.enqueue_dma source(%dma_start3A_52 : memref<128x128xf32, #tpu.memory_space<hbm>>) target(%arg9 : memref<128x128xf32, #tpu.memory_space<vmem>>) target_semaphore(%arg13 : memref<!tpu.dma_semaphore, #tpu.memory_space<semaphore_mem>>)
      %scan3A_53 = arith.constant 0 : i32
      %scan3A_54 = arith.constant 80 : i32
      %scan3A_55 = arith.addi %scan3A_53, %scan3A_54 : i32
      %scan3A_56 = arith.constant 1 : i32
      scf.for %scan3A_66 = %scan3A_53 to %scan3A_55 step %scan3A_56  : i32 {
        %mul3A_67 = arith.constant 2 : i32
        %mul3A_68 = arith.muli %mul3A_67, %scan3A_66 : i32
        %add3A_69 = arith.constant 0 : i32
        %add3A_70 = arith.addi %mul3A_68, %add3A_69 : i32
        %dma_wait3A_71 = arith.constant 0 : i32
        %dma_wait3A_72 = arith.constant 0 : i32
        %dma_wait3A_73 = arith.constant 0 : i32
        %dma_wait3A_74 = arith.constant 0 : i32
        %dma_wait3A_75 = tpu.memref_slice %arg7[%dma_wait3A_72, %dma_wait3A_73, %dma_wait3A_74] : memref<1x2x128xi32, #tpu.memory_space<vmem>> -> memref<1x2x128xi32, #tpu.memory_space<vmem>>
        %dma_wait3A_76 = tpu.memref_squeeze %dma_wait3A_75 : memref<1x2x128xi32, #tpu.memory_space<vmem>> -> memref<2x128xi32, #tpu.memory_space<vmem>>
        %dma_wait3A_77 = arith.constant 0 : i32
        %dma_wait3A_78 = arith.constant 0 : i32
        %dma_wait3A_79 = tpu.memref_slice %arg5[%dma_wait3A_71, %dma_wait3A_77, %dma_wait3A_78] : memref<2560x2x128xi32, #tpu.memory_space<hbm>> -> memref<1x2x128xi32, #tpu.memory_space<hbm>>
        %dma_wait3A_80 = tpu.memref_squeeze %dma_wait3A_79 : memref<1x2x128xi32, #tpu.memory_space<hbm>> -> memref<2x128xi32, #tpu.memory_space<hbm>>
        %dma_wait3A_81 = arith.constant 0 : i32
        %dma_wait3A_82 = arith.constant 0 : i32
        %dma_wait3A_83 = tpu.memref_slice %arg7[%dma_wait3A_72, %dma_wait3A_81, %dma_wait3A_82] : memref<1x2x128xi32, #tpu.memory_space<vmem>> -> memref<1x2x128xi32, #tpu.memory_space<vmem>>
        %dma_wait3A_84 = tpu.memref_squeeze %dma_wait3A_83 : memref<1x2x128xi32, #tpu.memory_space<vmem>> -> memref<2x128xi32, #tpu.memory_space<vmem>>
        %dma_wait3A_85 = arith.constant 0 : i32
        %dma_wait3A_86 = arith.constant 0 : i32
        %dma_wait3A_87 = tpu.memref_slice %arg5[%dma_wait3A_71, %dma_wait3A_85, %dma_wait3A_86] : memref<2560x2x128xi32, #tpu.memory_space<hbm>> -> memref<1x2x128xi32, #tpu.memory_space<hbm>>
        %dma_wait3A_88 = tpu.memref_squeeze %dma_wait3A_87 : memref<1x2x128xi32, #tpu.memory_space<hbm>> -> memref<2x128xi32, #tpu.memory_space<hbm>>
        tpu.wait_dma2 semaphore(%arg13 : memref<!tpu.dma_semaphore, #tpu.memory_space<semaphore_mem>>) src(%dma_wait3A_88 : memref<2x128xi32, #tpu.memory_space<hbm>>) dst(%dma_wait3A_84 : memref<2x128xi32, #tpu.memory_space<vmem>>)
        %add3A_89 = arith.constant 0 : i32
        %add3A_90 = arith.addi %mul3A_15, %add3A_89 : i32
        %dma_wait3A_91 = arith.constant 0 : i32
        %dma_wait3A_92 = arith.constant 0 : i32
        %dma_wait3A_93 = tpu.memref_slice %arg4[%dma_wait3A_91, %add3A_90, %dma_wait3A_92] : memref<2x327680x128xf32, #tpu.memory_space<hbm>> -> memref<1x128x128xf32, #tpu.memory_space<hbm>>
        %dma_wait3A_94 = tpu.memref_squeeze %dma_wait3A_93 : memref<1x128x128xf32, #tpu.memory_space<hbm>> -> memref<128x128xf32, #tpu.memory_space<hbm>>
        %dma_wait3A_95 = arith.constant 0 : i32
        %dma_wait3A_96 = tpu.memref_slice %arg4[%dma_wait3A_91, %add3A_90, %dma_wait3A_95] : memref<2x327680x128xf32, #tpu.memory_space<hbm>> -> memref<1x128x128xf32, #tpu.memory_space<hbm>>
        %dma_wait3A_97 = tpu.memref_squeeze %dma_wait3A_96 : memref<1x128x128xf32, #tpu.memory_space<hbm>> -> memref<128x128xf32, #tpu.memory_space<hbm>>
        tpu.wait_dma2 semaphore(%arg13 : memref<!tpu.dma_semaphore, #tpu.memory_space<semaphore_mem>>) src(%dma_wait3A_97 : memref<128x128xf32, #tpu.memory_space<hbm>>) dst(%arg9 : memref<128x128xf32, #tpu.memory_space<vmem>>)
        %dma_start3A_98 = arith.constant 0 : i32
        %dma_start3A_99 = arith.constant 0 : i32
        %dma_start3A_100 = arith.constant 0 : i32
        %dma_start3A_101 = tpu.memref_slice %arg7[%dma_start3A_98, %dma_start3A_99, %dma_start3A_100] : memref<1x2x128xi32, #tpu.memory_space<vmem>> -> memref<1x1x128xi32, #tpu.memory_space<vmem>>
        %dma_start3A_102 = tpu.memref_squeeze %dma_start3A_101 : memref<1x1x128xi32, #tpu.memory_space<vmem>> -> memref<128xi32, #tpu.memory_space<vmem>>
        %dma_start3A_103 = arith.constant 0 : i32
        %dma_start3A_104 = arith.constant 0 : i32
        %dma_start3A_105 = tpu.memref_slice %arg2[%dma_start3A_103, %dma_start3A_104] : memref<10000x128xf32, #tpu.memory_space<hbm>> -> memref<10000x128xf32, #tpu.memory_space<hbm>>
        tpu.enqueue_indirect_dma source(%dma_start3A_105 : memref<10000x128xf32, #tpu.memory_space<hbm>>) target(%arg11 : memref<128x128xf32, #tpu.memory_space<vmem>>) offsets(%dma_start3A_102 : memref<128xi32, #tpu.memory_space<vmem>>) semaphore(%arg14 : memref<!tpu.dma_semaphore, #tpu.memory_space<semaphore_mem>>)
        %dma_wait3A_106 = arith.constant 0 : i32
        %dma_wait3A_107 = arith.constant 0 : i32
        %dma_wait3A_108 = arith.constant 0 : i32
        %dma_wait3A_109 = tpu.memref_slice %arg7[%dma_wait3A_106, %dma_wait3A_107, %dma_wait3A_108] : memref<1x2x128xi32, #tpu.memory_space<vmem>> -> memref<1x1x128xi32, #tpu.memory_space<vmem>>
        %dma_wait3A_110 = tpu.memref_squeeze %dma_wait3A_109 : memref<1x1x128xi32, #tpu.memory_space<vmem>> -> memref<128xi32, #tpu.memory_space<vmem>>
        %dma_wait3A_111 = arith.constant 0 : i32
        %dma_wait3A_112 = arith.constant 0 : i32
        %dma_wait3A_113 = tpu.memref_slice %arg2[%dma_wait3A_111, %dma_wait3A_112] : memref<10000x128xf32, #tpu.memory_space<hbm>> -> memref<10000x128xf32, #tpu.memory_space<hbm>>
        tpu.wait_indirect_dma semaphore(%arg14 : memref<!tpu.dma_semaphore, #tpu.memory_space<semaphore_mem>>) src(%dma_wait3A_113 : memref<10000x128xf32, #tpu.memory_space<hbm>>) dst(%arg11 : memref<128x128xf32, #tpu.memory_space<vmem>>)
        %ge3A = arith.constant 1 : i32
        %ge3A_114 = arith.cmpi sge, %add3A_70, %ge3A : i32
        %convert_element_type3A_115 = arith.extui %ge3A_114 : i1 to i32
        %cond3A_116 = arith.constant 0 : i32
        %cond3A_117 = arith.cmpi ne, %convert_element_type3A_115, %cond3A_116 : i32
        scf.if %cond3A_117 {
          %add3A_205 = arith.constant 0 : i32
          %add3A_206 = arith.addi %mul3A_15, %add3A_205 : i32
          %dma_wait3A_207 = arith.constant 0 : i32
          %dma_wait3A_208 = arith.constant 0 : i32
          %dma_wait3A_209 = arith.constant 0 : i32
          %dma_wait3A_210 = tpu.memref_slice %arg12[%dma_wait3A_208, %dma_wait3A_209] : memref<10112x128xf32, #tpu.memory_space<vmem_shared>> -> memref<128x128xf32, #tpu.memory_space<vmem_shared>>
          %dma_wait3A_211 = arith.constant 0 : i32
          %dma_wait3A_212 = tpu.memref_slice %arg4[%dma_wait3A_207, %add3A_206, %dma_wait3A_211] : memref<2x327680x128xf32, #tpu.memory_space<hbm>> -> memref<1x128x128xf32, #tpu.memory_space<hbm>>
          %dma_wait3A_213 = tpu.memref_squeeze %dma_wait3A_212 : memref<1x128x128xf32, #tpu.memory_space<hbm>> -> memref<128x128xf32, #tpu.memory_space<hbm>>
          tpu.wait_dma2 semaphore(%arg15 : memref<!tpu.dma_semaphore, #tpu.memory_space<semaphore_mem>>) src(%dma_wait3A_213 : memref<128x128xf32, #tpu.memory_space<hbm>>) dst(%dma_wait3A_210 : memref<128x128xf32, #tpu.memory_space<vmem_shared>>)
        } else {
        }
        %le3A = arith.constant 158 : i32
        %le3A_118 = arith.cmpi sle, %add3A_70, %le3A : i32
        %convert_element_type3A_119 = arith.extui %le3A_118 : i1 to i32
        %cond3A_120 = arith.constant 0 : i32
        %cond3A_121 = arith.cmpi ne, %convert_element_type3A_119, %cond3A_120 : i32
        scf.if %cond3A_121 {
          %add3A_205 = arith.constant 1 : i32
          %add3A_206 = arith.addi %add3A_70, %add3A_205 : i32
          %add3A_207 = arith.addi %mul3A_17, %add3A_206 : i32
          %dma_start3A_208 = arith.constant 0 : i32
          %dma_start3A_209 = arith.constant 0 : i32
          %dma_start3A_210 = arith.constant 0 : i32
          %dma_start3A_211 = tpu.memref_slice %arg8[%dma_start3A_208, %dma_start3A_209, %dma_start3A_210] : memref<1x2x128xi32, #tpu.memory_space<vmem>> -> memref<1x2x128xi32, #tpu.memory_space<vmem>>
          %dma_start3A_212 = tpu.memref_squeeze %dma_start3A_211 : memref<1x2x128xi32, #tpu.memory_space<vmem>> -> memref<2x128xi32, #tpu.memory_space<vmem>>
          %dma_start3A_213 = arith.constant 0 : i32
          %dma_start3A_214 = arith.constant 0 : i32
          %dma_start3A_215 = tpu.memref_slice %arg5[%add3A_207, %dma_start3A_213, %dma_start3A_214] : memref<2560x2x128xi32, #tpu.memory_space<hbm>> -> memref<1x2x128xi32, #tpu.memory_space<hbm>>
          %dma_start3A_216 = tpu.memref_squeeze %dma_start3A_215 : memref<1x2x128xi32, #tpu.memory_space<hbm>> -> memref<2x128xi32, #tpu.memory_space<hbm>>
          %dma_start3A_217 = arith.constant 0 : i32
          %dma_start3A_218 = arith.constant 0 : i32
          %dma_start3A_219 = tpu.memref_slice %arg8[%dma_start3A_208, %dma_start3A_217, %dma_start3A_218] : memref<1x2x128xi32, #tpu.memory_space<vmem>> -> memref<1x2x128xi32, #tpu.memory_space<vmem>>
          %dma_start3A_220 = tpu.memref_squeeze %dma_start3A_219 : memref<1x2x128xi32, #tpu.memory_space<vmem>> -> memref<2x128xi32, #tpu.memory_space<vmem>>
          %dma_start3A_221 = arith.constant 0 : i32
          %dma_start3A_222 = arith.constant 0 : i32
          %dma_start3A_223 = tpu.memref_slice %arg5[%add3A_207, %dma_start3A_221, %dma_start3A_222] : memref<2560x2x128xi32, #tpu.memory_space<hbm>> -> memref<1x2x128xi32, #tpu.memory_space<hbm>>
          %dma_start3A_224 = tpu.memref_squeeze %dma_start3A_223 : memref<1x2x128xi32, #tpu.memory_space<hbm>> -> memref<2x128xi32, #tpu.memory_space<hbm>>
          tpu.enqueue_dma source(%dma_start3A_224 : memref<2x128xi32, #tpu.memory_space<hbm>>) target(%dma_start3A_220 : memref<2x128xi32, #tpu.memory_space<vmem>>) target_semaphore(%arg13 : memref<!tpu.dma_semaphore, #tpu.memory_space<semaphore_mem>>)
          %mul3A_225 = arith.constant 128 : i32
          %mul3A_226 = arith.muli %add3A_206, %mul3A_225 : i32
          %add3A_227 = arith.addi %mul3A_15, %mul3A_226 : i32
          %dma_start3A_228 = arith.constant 0 : i32
          %dma_start3A_229 = arith.constant 0 : i32
          %dma_start3A_230 = tpu.memref_slice %arg4[%dma_start3A_228, %add3A_227, %dma_start3A_229] : memref<2x327680x128xf32, #tpu.memory_space<hbm>> -> memref<1x128x128xf32, #tpu.memory_space<hbm>>
          %dma_start3A_231 = tpu.memref_squeeze %dma_start3A_230 : memref<1x128x128xf32, #tpu.memory_space<hbm>> -> memref<128x128xf32, #tpu.memory_space<hbm>>
          %dma_start3A_232 = arith.constant 0 : i32
          %dma_start3A_233 = tpu.memref_slice %arg4[%dma_start3A_228, %add3A_227, %dma_start3A_232] : memref<2x327680x128xf32, #tpu.memory_space<hbm>> -> memref<1x128x128xf32, #tpu.memory_space<hbm>>
          %dma_start3A_234 = tpu.memref_squeeze %dma_start3A_233 : memref<1x128x128xf32, #tpu.memory_space<hbm>> -> memref<128x128xf32, #tpu.memory_space<hbm>>
          tpu.enqueue_dma source(%dma_start3A_234 : memref<128x128xf32, #tpu.memory_space<hbm>>) target(%arg10 : memref<128x128xf32, #tpu.memory_space<vmem>>) target_semaphore(%arg13 : memref<!tpu.dma_semaphore, #tpu.memory_space<semaphore_mem>>)
        } else {
        }
        %scan3A_122 = arith.constant 0 : i32
        %scan3A_123 = arith.constant 128 : i32
        %scan3A_124 = arith.addi %scan3A_122, %scan3A_123 : i32
        %scan3A_125 = arith.constant 1 : i32
        scf.for %scan3A_205 = %scan3A_122 to %scan3A_124 step %scan3A_125  : i32 {
          %get3A = arith.index_cast %scan3A_205 : i32 to index
          %get3A_206 = arith.constant 0 : index
          %get3A_207 = tpu.vector_load %arg9[%get3A, %get3A_206] {strides = array<i32>} : memref<128x128xf32, #tpu.memory_space<vmem>>, vector<1x16xf32>,
          %get3A_208 = vector.shape_cast %get3A_207 : vector<1x16xf32> to vector<16xf32>
          %get3A_209 = arith.index_cast %scan3A_205 : i32 to index
          %get3A_210 = arith.constant 0 : index
          %get3A_211 = tpu.vector_load %arg11[%get3A_209, %get3A_210] {strides = array<i32>} : memref<128x128xf32, #tpu.memory_space<vmem>>, vector<1x16xf32>,
          %get3A_212 = vector.shape_cast %get3A_211 : vector<1x16xf32> to vector<16xf32>
          %add3A_213 = arith.addf %get3A_208, %get3A_212 : vector<16xf32>
          %max3A = arith.constant 0.000000e+00 : f32
          %max3A_214 = vector.broadcast %max3A : f32 to vector<16xf32>
          %max3A_215 = arith.maximumf %add3A_213, %max3A_214 : vector<16xf32>
          %swap3A = arith.index_cast %scan3A_205 : i32 to index
          %swap3A_216 = arith.constant 0 : index
          %swap3A_217 = tpu.vector_load %arg9[%swap3A, %swap3A_216] {strides = array<i32>} : memref<128x128xf32, #tpu.memory_space<vmem>>, vector<1x16xf32>,
          %swap3A_218 = vector.shape_cast %swap3A_217 : vector<1x16xf32> to vector<16xf32>
          %swap3A_219 = vector.shape_cast %max3A_215 : vector<16xf32> to vector<1x16xf32>
          tpu.vector_store %arg9[%swap3A, %swap3A_216], %swap3A_219 {strides = array<i32>} : memref<128x128xf32, #tpu.memory_space<vmem>>, vector<1x16xf32>,
          %get3A_220 = arith.index_cast %scan3A_205 : i32 to index
          %get3A_221 = arith.constant 16 : index
          %get3A_222 = tpu.vector_load %arg9[%get3A_220, %get3A_221] {strides = array<i32>} : memref<128x128xf32, #tpu.memory_space<vmem>>, vector<1x16xf32>,
          %get3A_223 = vector.shape_cast %get3A_222 : vector<1x16xf32> to vector<16xf32>
          %get3A_224 = arith.index_cast %scan3A_205 : i32 to index
          %get3A_225 = arith.constant 16 : index
          %get3A_226 = tpu.vector_load %arg11[%get3A_224, %get3A_225] {strides = array<i32>} : memref<128x128xf32, #tpu.memory_space<vmem>>, vector<1x16xf32>,
          %get3A_227 = vector.shape_cast %get3A_226 : vector<1x16xf32> to vector<16xf32>
          %add3A_228 = arith.addf %get3A_223, %get3A_227 : vector<16xf32>
          %max3A_229 = arith.constant 0.000000e+00 : f32
          %max3A_230 = vector.broadcast %max3A_229 : f32 to vector<16xf32>
          %max3A_231 = arith.maximumf %add3A_228, %max3A_230 : vector<16xf32>
          %swap3A_232 = arith.index_cast %scan3A_205 : i32 to index
          %swap3A_233 = arith.constant 16 : index
          %swap3A_234 = tpu.vector_load %arg9[%swap3A_232, %swap3A_233] {strides = array<i32>} : memref<128x128xf32, #tpu.memory_space<vmem>>, vector<1x16xf32>,
          %swap3A_235 = vector.shape_cast %swap3A_234 : vector<1x16xf32> to vector<16xf32>
          %swap3A_236 = vector.shape_cast %max3A_231 : vector<16xf32> to vector<1x16xf32>
          tpu.vector_store %arg9[%swap3A_232, %swap3A_233], %swap3A_236 {strides = array<i32>} : memref<128x128xf32, #tpu.memory_space<vmem>>, vector<1x16xf32>,
          %get3A_237 = arith.index_cast %scan3A_205 : i32 to index
          %get3A_238 = arith.constant 32 : index
          %get3A_239 = tpu.vector_load %arg9[%get3A_237, %get3A_238] {strides = array<i32>} : memref<128x128xf32, #tpu.memory_space<vmem>>, vector<1x16xf32>,
          %get3A_240 = vector.shape_cast %get3A_239 : vector<1x16xf32> to vector<16xf32>
          %get3A_241 = arith.index_cast %scan3A_205 : i32 to index
          %get3A_242 = arith.constant 32 : index
          %get3A_243 = tpu.vector_load %arg11[%get3A_241, %get3A_242] {strides = array<i32>} : memref<128x128xf32, #tpu.memory_space<vmem>>, vector<1x16xf32>,
          %get3A_244 = vector.shape_cast %get3A_243 : vector<1x16xf32> to vector<16xf32>
          %add3A_245 = arith.addf %get3A_240, %get3A_244 : vector<16xf32>
          %max3A_246 = arith.constant 0.000000e+00 : f32
          %max3A_247 = vector.broadcast %max3A_246 : f32 to vector<16xf32>
          %max3A_248 = arith.maximumf %add3A_245, %max3A_247 : vector<16xf32>
          %swap3A_249 = arith.index_cast %scan3A_205 : i32 to index
          %swap3A_250 = arith.constant 32 : index
          %swap3A_251 = tpu.vector_load %arg9[%swap3A_249, %swap3A_250] {strides = array<i32>} : memref<128x128xf32, #tpu.memory_space<vmem>>, vector<1x16xf32>,
          %swap3A_252 = vector.shape_cast %swap3A_251 : vector<1x16xf32> to vector<16xf32>
          %swap3A_253 = vector.shape_cast %max3A_248 : vector<16xf32> to vector<1x16xf32>
          tpu.vector_store %arg9[%swap3A_249, %swap3A_250], %swap3A_253 {strides = array<i32>} : memref<128x128xf32, #tpu.memory_space<vmem>>, vector<1x16xf32>,
          %get3A_254 = arith.index_cast %scan3A_205 : i32 to index
          %get3A_255 = arith.constant 48 : index
          %get3A_256 = tpu.vector_load %arg9[%get3A_254, %get3A_255] {strides = array<i32>} : memref<128x128xf32, #tpu.memory_space<vmem>>, vector<1x16xf32>,
          %get3A_257 = vector.shape_cast %get3A_256 : vector<1x16xf32> to vector<16xf32>
          %get3A_258 = arith.index_cast %scan3A_205 : i32 to index
          %get3A_259 = arith.constant 48 : index
          %get3A_260 = tpu.vector_load %arg11[%get3A_258, %get3A_259] {strides = array<i32>} : memref<128x128xf32, #tpu.memory_space<vmem>>, vector<1x16xf32>,
          %get3A_261 = vector.shape_cast %get3A_260 : vector<1x16xf32> to vector<16xf32>
          %add3A_262 = arith.addf %get3A_257, %get3A_261 : vector<16xf32>
          %max3A_263 = arith.constant 0.000000e+00 : f32
          %max3A_264 = vector.broadcast %max3A_263 : f32 to vector<16xf32>
          %max3A_265 = arith.maximumf %add3A_262, %max3A_264 : vector<16xf32>
          %swap3A_266 = arith.index_cast %scan3A_205 : i32 to index
          %swap3A_267 = arith.constant 48 : index
          %swap3A_268 = tpu.vector_load %arg9[%swap3A_266, %swap3A_267] {strides = array<i32>} : memref<128x128xf32, #tpu.memory_space<vmem>>, vector<1x16xf32>,
          %swap3A_269 = vector.shape_cast %swap3A_268 : vector<1x16xf32> to vector<16xf32>
          %swap3A_270 = vector.shape_cast %max3A_265 : vector<16xf32> to vector<1x16xf32>
          tpu.vector_store %arg9[%swap3A_266, %swap3A_267], %swap3A_270 {strides = array<i32>} : memref<128x128xf32, #tpu.memory_space<vmem>>, vector<1x16xf32>,
          %get3A_271 = arith.index_cast %scan3A_205 : i32 to index
          %get3A_272 = arith.constant 64 : index
          %get3A_273 = tpu.vector_load %arg9[%get3A_271, %get3A_272] {strides = array<i32>} : memref<128x128xf32, #tpu.memory_space<vmem>>, vector<1x16xf32>,
          %get3A_274 = vector.shape_cast %get3A_273 : vector<1x16xf32> to vector<16xf32>
          %get3A_275 = arith.index_cast %scan3A_205 : i32 to index
          %get3A_276 = arith.constant 64 : index
          %get3A_277 = tpu.vector_load %arg11[%get3A_275, %get3A_276] {strides = array<i32>} : memref<128x128xf32, #tpu.memory_space<vmem>>, vector<1x16xf32>,
          %get3A_278 = vector.shape_cast %get3A_277 : vector<1x16xf32> to vector<16xf32>
          %add3A_279 = arith.addf %get3A_274, %get3A_278 : vector<16xf32>
          %max3A_280 = arith.constant 0.000000e+00 : f32
          %max3A_281 = vector.broadcast %max3A_280 : f32 to vector<16xf32>
          %max3A_282 = arith.maximumf %add3A_279, %max3A_281 : vector<16xf32>
          %swap3A_283 = arith.index_cast %scan3A_205 : i32 to index
          %swap3A_284 = arith.constant 64 : index
          %swap3A_285 = tpu.vector_load %arg9[%swap3A_283, %swap3A_284] {strides = array<i32>} : memref<128x128xf32, #tpu.memory_space<vmem>>, vector<1x16xf32>,
          %swap3A_286 = vector.shape_cast %swap3A_285 : vector<1x16xf32> to vector<16xf32>
          %swap3A_287 = vector.shape_cast %max3A_282 : vector<16xf32> to vector<1x16xf32>
          tpu.vector_store %arg9[%swap3A_283, %swap3A_284], %swap3A_287 {strides = array<i32>} : memref<128x128xf32, #tpu.memory_space<vmem>>, vector<1x16xf32>,
          %get3A_288 = arith.index_cast %scan3A_205 : i32 to index
          %get3A_289 = arith.constant 80 : index
          %get3A_290 = tpu.vector_load %arg9[%get3A_288, %get3A_289] {strides = array<i32>} : memref<128x128xf32, #tpu.memory_space<vmem>>, vector<1x16xf32>,
          %get3A_291 = vector.shape_cast %get3A_290 : vector<1x16xf32> to vector<16xf32>
          %get3A_292 = arith.index_cast %scan3A_205 : i32 to index
          %get3A_293 = arith.constant 80 : index
          %get3A_294 = tpu.vector_load %arg11[%get3A_292, %get3A_293] {strides = array<i32>} : memref<128x128xf32, #tpu.memory_space<vmem>>, vector<1x16xf32>,
          %get3A_295 = vector.shape_cast %get3A_294 : vector<1x16xf32> to vector<16xf32>
          %add3A_296 = arith.addf %get3A_291, %get3A_295 : vector<16xf32>
          %max3A_297 = arith.constant 0.000000e+00 : f32
          %max3A_298 = vector.broadcast %max3A_297 : f32 to vector<16xf32>
          %max3A_299 = arith.maximumf %add3A_296, %max3A_298 : vector<16xf32>
          %swap3A_300 = arith.index_cast %scan3A_205 : i32 to index
          %swap3A_301 = arith.constant 80 : index
          %swap3A_302 = tpu.vector_load %arg9[%swap3A_300, %swap3A_301] {strides = array<i32>} : memref<128x128xf32, #tpu.memory_space<vmem>>, vector<1x16xf32>,
          %swap3A_303 = vector.shape_cast %swap3A_302 : vector<1x16xf32> to vector<16xf32>
          %swap3A_304 = vector.shape_cast %max3A_299 : vector<16xf32> to vector<1x16xf32>
          tpu.vector_store %arg9[%swap3A_300, %swap3A_301], %swap3A_304 {strides = array<i32>} : memref<128x128xf32, #tpu.memory_space<vmem>>, vector<1x16xf32>,
          %get3A_305 = arith.index_cast %scan3A_205 : i32 to index
          %get3A_306 = arith.constant 96 : index
          %get3A_307 = tpu.vector_load %arg9[%get3A_305, %get3A_306] {strides = array<i32>} : memref<128x128xf32, #tpu.memory_space<vmem>>, vector<1x16xf32>,
          %get3A_308 = vector.shape_cast %get3A_307 : vector<1x16xf32> to vector<16xf32>
          %get3A_309 = arith.index_cast %scan3A_205 : i32 to index
          %get3A_310 = arith.constant 96 : index
          %get3A_311 = tpu.vector_load %arg11[%get3A_309, %get3A_310] {strides = array<i32>} : memref<128x128xf32, #tpu.memory_space<vmem>>, vector<1x16xf32>,
          %get3A_312 = vector.shape_cast %get3A_311 : vector<1x16xf32> to vector<16xf32>
          %add3A_313 = arith.addf %get3A_308, %get3A_312 : vector<16xf32>
          %max3A_314 = arith.constant 0.000000e+00 : f32
          %max3A_315 = vector.broadcast %max3A_314 : f32 to vector<16xf32>
          %max3A_316 = arith.maximumf %add3A_313, %max3A_315 : vector<16xf32>
          %swap3A_317 = arith.index_cast %scan3A_205 : i32 to index
          %swap3A_318 = arith.constant 96 : index
          %swap3A_319 = tpu.vector_load %arg9[%swap3A_317, %swap3A_318] {strides = array<i32>} : memref<128x128xf32, #tpu.memory_space<vmem>>, vector<1x16xf32>,
          %swap3A_320 = vector.shape_cast %swap3A_319 : vector<1x16xf32> to vector<16xf32>
          %swap3A_321 = vector.shape_cast %max3A_316 : vector<16xf32> to vector<1x16xf32>
          tpu.vector_store %arg9[%swap3A_317, %swap3A_318], %swap3A_321 {strides = array<i32>} : memref<128x128xf32, #tpu.memory_space<vmem>>, vector<1x16xf32>,
          %get3A_322 = arith.index_cast %scan3A_205 : i32 to index
          %get3A_323 = arith.constant 112 : index
          %get3A_324 = tpu.vector_load %arg9[%get3A_322, %get3A_323] {strides = array<i32>} : memref<128x128xf32, #tpu.memory_space<vmem>>, vector<1x16xf32>,
          %get3A_325 = vector.shape_cast %get3A_324 : vector<1x16xf32> to vector<16xf32>
          %get3A_326 = arith.index_cast %scan3A_205 : i32 to index
          %get3A_327 = arith.constant 112 : index
          %get3A_328 = tpu.vector_load %arg11[%get3A_326, %get3A_327] {strides = array<i32>} : memref<128x128xf32, #tpu.memory_space<vmem>>, vector<1x16xf32>,
          %get3A_329 = vector.shape_cast %get3A_328 : vector<1x16xf32> to vector<16xf32>
          %add3A_330 = arith.addf %get3A_325, %get3A_329 : vector<16xf32>
          %max3A_331 = arith.constant 0.000000e+00 : f32
          %max3A_332 = vector.broadcast %max3A_331 : f32 to vector<16xf32>
          %max3A_333 = arith.maximumf %add3A_330, %max3A_332 : vector<16xf32>
          %swap3A_334 = arith.index_cast %scan3A_205 : i32 to index
          %swap3A_335 = arith.constant 112 : index
          %swap3A_336 = tpu.vector_load %arg9[%swap3A_334, %swap3A_335] {strides = array<i32>} : memref<128x128xf32, #tpu.memory_space<vmem>>, vector<1x16xf32>,
          %swap3A_337 = vector.shape_cast %swap3A_336 : vector<1x16xf32> to vector<16xf32>
          %swap3A_338 = vector.shape_cast %max3A_333 : vector<16xf32> to vector<1x16xf32>
          tpu.vector_store %arg9[%swap3A_334, %swap3A_335], %swap3A_338 {strides = array<i32>} : memref<128x128xf32, #tpu.memory_space<vmem>>, vector<1x16xf32>,
        }
        %scan3A_126 = arith.constant 128 : i32
        %dma_start3A_127 = arith.constant 0 : i32
        %dma_start3A_128 = arith.constant 1 : i32
        %dma_start3A_129 = arith.constant 0 : i32
        %dma_start3A_130 = tpu.memref_slice %arg7[%dma_start3A_127, %dma_start3A_128, %dma_start3A_129] : memref<1x2x128xi32, #tpu.memory_space<vmem>> -> memref<1x1x128xi32, #tpu.memory_space<vmem>>
        %dma_start3A_131 = tpu.memref_squeeze %dma_start3A_130 : memref<1x1x128xi32, #tpu.memory_space<vmem>> -> memref<128xi32, #tpu.memory_space<vmem>>
        %dma_start3A_132 = arith.constant 0 : i32
        %dma_start3A_133 = arith.constant 0 : i32
        %dma_start3A_134 = tpu.memref_slice %arg12[%dma_start3A_132, %dma_start3A_133] : memref<10112x128xf32, #tpu.memory_space<vmem_shared>> -> memref<10112x128xf32, #tpu.memory_space<vmem_shared>>
        tpu.enqueue_indirect_dma source(%arg9 : memref<128x128xf32, #tpu.memory_space<vmem>>) target(%dma_start3A_134 : memref<10112x128xf32, #tpu.memory_space<vmem_shared>>) offsets(%dma_start3A_131 : memref<128xi32, #tpu.memory_space<vmem>>) semaphore(%arg15 : memref<!tpu.dma_semaphore, #tpu.memory_space<semaphore_mem>>) {add = true}
        %mul3A_135 = arith.constant 2 : i32
        %mul3A_136 = arith.muli %mul3A_135, %scan3A_66 : i32
        %add3A_137 = arith.constant 1 : i32
        %add3A_138 = arith.addi %mul3A_136, %add3A_137 : i32
        %dma_wait3A_139 = arith.constant 0 : i32
        %dma_wait3A_140 = arith.constant 0 : i32
        %dma_wait3A_141 = arith.constant 0 : i32
        %dma_wait3A_142 = arith.constant 0 : i32
        %dma_wait3A_143 = tpu.memref_slice %arg8[%dma_wait3A_140, %dma_wait3A_141, %dma_wait3A_142] : memref<1x2x128xi32, #tpu.memory_space<vmem>> -> memref<1x2x128xi32, #tpu.memory_space<vmem>>
        %dma_wait3A_144 = tpu.memref_squeeze %dma_wait3A_143 : memref<1x2x128xi32, #tpu.memory_space<vmem>> -> memref<2x128xi32, #tpu.memory_space<vmem>>
        %dma_wait3A_145 = arith.constant 0 : i32
        %dma_wait3A_146 = arith.constant 0 : i32
        %dma_wait3A_147 = tpu.memref_slice %arg5[%dma_wait3A_139, %dma_wait3A_145, %dma_wait3A_146] : memref<2560x2x128xi32, #tpu.memory_space<hbm>> -> memref<1x2x128xi32, #tpu.memory_space<hbm>>
        %dma_wait3A_148 = tpu.memref_squeeze %dma_wait3A_147 : memref<1x2x128xi32, #tpu.memory_space<hbm>> -> memref<2x128xi32, #tpu.memory_space<hbm>>
        %dma_wait3A_149 = arith.constant 0 : i32
        %dma_wait3A_150 = arith.constant 0 : i32
        %dma_wait3A_151 = tpu.memref_slice %arg8[%dma_wait3A_140, %dma_wait3A_149, %dma_wait3A_150] : memref<1x2x128xi32, #tpu.memory_space<vmem>> -> memref<1x2x128xi32, #tpu.memory_space<vmem>>
        %dma_wait3A_152 = tpu.memref_squeeze %dma_wait3A_151 : memref<1x2x128xi32, #tpu.memory_space<vmem>> -> memref<2x128xi32, #tpu.memory_space<vmem>>
        %dma_wait3A_153 = arith.constant 0 : i32
        %dma_wait3A_154 = arith.constant 0 : i32
        %dma_wait3A_155 = tpu.memref_slice %arg5[%dma_wait3A_139, %dma_wait3A_153, %dma_wait3A_154] : memref<2560x2x128xi32, #tpu.memory_space<hbm>> -> memref<1x2x128xi32, #tpu.memory_space<hbm>>
        %dma_wait3A_156 = tpu.memref_squeeze %dma_wait3A_155 : memref<1x2x128xi32, #tpu.memory_space<hbm>> -> memref<2x128xi32, #tpu.memory_space<hbm>>
        tpu.wait_dma2 semaphore(%arg13 : memref<!tpu.dma_semaphore, #tpu.memory_space<semaphore_mem>>) src(%dma_wait3A_156 : memref<2x128xi32, #tpu.memory_space<hbm>>) dst(%dma_wait3A_152 : memref<2x128xi32, #tpu.memory_space<vmem>>)
        %add3A_157 = arith.constant 0 : i32
        %add3A_158 = arith.addi %mul3A_15, %add3A_157 : i32
        %dma_wait3A_159 = arith.constant 0 : i32
        %dma_wait3A_160 = arith.constant 0 : i32
        %dma_wait3A_161 = tpu.memref_slice %arg4[%dma_wait3A_159, %add3A_158, %dma_wait3A_160] : memref<2x327680x128xf32, #tpu.memory_space<hbm>> -> memref<1x128x128xf32, #tpu.memory_space<hbm>>
        %dma_wait3A_162 = tpu.memref_squeeze %dma_wait3A_161 : memref<1x128x128xf32, #tpu.memory_space<hbm>> -> memref<128x128xf32, #tpu.memory_space<hbm>>
        %dma_wait3A_163 = arith.constant 0 : i32
        %dma_wait3A_164 = tpu.memref_slice %arg4[%dma_wait3A_159, %add3A_158, %dma_wait3A_163] : memref<2x327680x128xf32, #tpu.memory_space<hbm>> -> memref<1x128x128xf32, #tpu.memory_space<hbm>>
        %dma_wait3A_165 = tpu.memref_squeeze %dma_wait3A_164 : memref<1x128x128xf32, #tpu.memory_space<hbm>> -> memref<128x128xf32, #tpu.memory_space<hbm>>
        tpu.wait_dma2 semaphore(%arg13 : memref<!tpu.dma_semaphore, #tpu.memory_space<semaphore_mem>>) src(%dma_wait3A_165 : memref<128x128xf32, #tpu.memory_space<hbm>>) dst(%arg10 : memref<128x128xf32, #tpu.memory_space<vmem>>)
        %dma_start3A_166 = arith.constant 0 : i32
        %dma_start3A_167 = arith.constant 0 : i32
        %dma_start3A_168 = arith.constant 0 : i32
        %dma_start3A_169 = tpu.memref_slice %arg8[%dma_start3A_166, %dma_start3A_167, %dma_start3A_168] : memref<1x2x128xi32, #tpu.memory_space<vmem>> -> memref<1x1x128xi32, #tpu.memory_space<vmem>>
        %dma_start3A_170 = tpu.memref_squeeze %dma_start3A_169 : memref<1x1x128xi32, #tpu.memory_space<vmem>> -> memref<128xi32, #tpu.memory_space<vmem>>
        %dma_start3A_171 = arith.constant 0 : i32
        %dma_start3A_172 = arith.constant 0 : i32
        %dma_start3A_173 = tpu.memref_slice %arg2[%dma_start3A_171, %dma_start3A_172] : memref<10000x128xf32, #tpu.memory_space<hbm>> -> memref<10000x128xf32, #tpu.memory_space<hbm>>
        tpu.enqueue_indirect_dma source(%dma_start3A_173 : memref<10000x128xf32, #tpu.memory_space<hbm>>) target(%arg11 : memref<128x128xf32, #tpu.memory_space<vmem>>) offsets(%dma_start3A_170 : memref<128xi32, #tpu.memory_space<vmem>>) semaphore(%arg14 : memref<!tpu.dma_semaphore, #tpu.memory_space<semaphore_mem>>)
        %dma_wait3A_174 = arith.constant 0 : i32
        %dma_wait3A_175 = arith.constant 0 : i32
        %dma_wait3A_176 = arith.constant 0 : i32
        %dma_wait3A_177 = tpu.memref_slice %arg8[%dma_wait3A_174, %dma_wait3A_175, %dma_wait3A_176] : memref<1x2x128xi32, #tpu.memory_space<vmem>> -> memref<1x1x128xi32, #tpu.memory_space<vmem>>
        %dma_wait3A_178 = tpu.memref_squeeze %dma_wait3A_177 : memref<1x1x128xi32, #tpu.memory_space<vmem>> -> memref<128xi32, #tpu.memory_space<vmem>>
        %dma_wait3A_179 = arith.constant 0 : i32
        %dma_wait3A_180 = arith.constant 0 : i32
        %dma_wait3A_181 = tpu.memref_slice %arg2[%dma_wait3A_179, %dma_wait3A_180] : memref<10000x128xf32, #tpu.memory_space<hbm>> -> memref<10000x128xf32, #tpu.memory_space<hbm>>
        tpu.wait_indirect_dma semaphore(%arg14 : memref<!tpu.dma_semaphore, #tpu.memory_space<semaphore_mem>>) src(%dma_wait3A_181 : memref<10000x128xf32, #tpu.memory_space<hbm>>) dst(%arg11 : memref<128x128xf32, #tpu.memory_space<vmem>>)
        %ge3A_182 = arith.constant 1 : i32
        %ge3A_183 = arith.cmpi sge, %add3A_138, %ge3A_182 : i32
        %convert_element_type3A_184 = arith.extui %ge3A_183 : i1 to i32
        %cond3A_185 = arith.constant 0 : i32
        %cond3A_186 = arith.cmpi ne, %convert_element_type3A_184, %cond3A_185 : i32
        scf.if %cond3A_186 {
          %add3A_205 = arith.constant 0 : i32
          %add3A_206 = arith.addi %mul3A_15, %add3A_205 : i32
          %dma_wait3A_207 = arith.constant 0 : i32
          %dma_wait3A_208 = arith.constant 0 : i32
          %dma_wait3A_209 = arith.constant 0 : i32
          %dma_wait3A_210 = tpu.memref_slice %arg12[%dma_wait3A_208, %dma_wait3A_209] : memref<10112x128xf32, #tpu.memory_space<vmem_shared>> -> memref<128x128xf32, #tpu.memory_space<vmem_shared>>
          %dma_wait3A_211 = arith.constant 0 : i32
          %dma_wait3A_212 = tpu.memref_slice %arg4[%dma_wait3A_207, %add3A_206, %dma_wait3A_211] : memref<2x327680x128xf32, #tpu.memory_space<hbm>> -> memref<1x128x128xf32, #tpu.memory_space<hbm>>
          %dma_wait3A_213 = tpu.memref_squeeze %dma_wait3A_212 : memref<1x128x128xf32, #tpu.memory_space<hbm>> -> memref<128x128xf32, #tpu.memory_space<hbm>>
          tpu.wait_dma2 semaphore(%arg15 : memref<!tpu.dma_semaphore, #tpu.memory_space<semaphore_mem>>) src(%dma_wait3A_213 : memref<128x128xf32, #tpu.memory_space<hbm>>) dst(%dma_wait3A_210 : memref<128x128xf32, #tpu.memory_space<vmem_shared>>)
        } else {
        }
        %le3A_187 = arith.constant 158 : i32
        %le3A_188 = arith.cmpi sle, %add3A_138, %le3A_187 : i32
        %convert_element_type3A_189 = arith.extui %le3A_188 : i1 to i32
        %cond3A_190 = arith.constant 0 : i32
        %cond3A_191 = arith.cmpi ne, %convert_element_type3A_189, %cond3A_190 : i32
        scf.if %cond3A_191 {
          %add3A_205 = arith.constant 1 : i32
          %add3A_206 = arith.addi %add3A_138, %add3A_205 : i32
          %add3A_207 = arith.addi %mul3A_17, %add3A_206 : i32
          %dma_start3A_208 = arith.constant 0 : i32
          %dma_start3A_209 = arith.constant 0 : i32
          %dma_start3A_210 = arith.constant 0 : i32
          %dma_start3A_211 = tpu.memref_slice %arg7[%dma_start3A_208, %dma_start3A_209, %dma_start3A_210] : memref<1x2x128xi32, #tpu.memory_space<vmem>> -> memref<1x2x128xi32, #tpu.memory_space<vmem>>
          %dma_start3A_212 = tpu.memref_squeeze %dma_start3A_211 : memref<1x2x128xi32, #tpu.memory_space<vmem>> -> memref<2x128xi32, #tpu.memory_space<vmem>>
          %dma_start3A_213 = arith.constant 0 : i32
          %dma_start3A_214 = arith.constant 0 : i32
          %dma_start3A_215 = tpu.memref_slice %arg5[%add3A_207, %dma_start3A_213, %dma_start3A_214] : memref<2560x2x128xi32, #tpu.memory_space<hbm>> -> memref<1x2x128xi32, #tpu.memory_space<hbm>>
          %dma_start3A_216 = tpu.memref_squeeze %dma_start3A_215 : memref<1x2x128xi32, #tpu.memory_space<hbm>> -> memref<2x128xi32, #tpu.memory_space<hbm>>
          %dma_start3A_217 = arith.constant 0 : i32
          %dma_start3A_218 = arith.constant 0 : i32
          %dma_start3A_219 = tpu.memref_slice %arg7[%dma_start3A_208, %dma_start3A_217, %dma_start3A_218] : memref<1x2x128xi32, #tpu.memory_space<vmem>> -> memref<1x2x128xi32, #tpu.memory_space<vmem>>
          %dma_start3A_220 = tpu.memref_squeeze %dma_start3A_219 : memref<1x2x128xi32, #tpu.memory_space<vmem>> -> memref<2x128xi32, #tpu.memory_space<vmem>>
          %dma_start3A_221 = arith.constant 0 : i32
          %dma_start3A_222 = arith.constant 0 : i32
          %dma_start3A_223 = tpu.memref_slice %arg5[%add3A_207, %dma_start3A_221, %dma_start3A_222] : memref<2560x2x128xi32, #tpu.memory_space<hbm>> -> memref<1x2x128xi32, #tpu.memory_space<hbm>>
          %dma_start3A_224 = tpu.memref_squeeze %dma_start3A_223 : memref<1x2x128xi32, #tpu.memory_space<hbm>> -> memref<2x128xi32, #tpu.memory_space<hbm>>
          tpu.enqueue_dma source(%dma_start3A_224 : memref<2x128xi32, #tpu.memory_space<hbm>>) target(%dma_start3A_220 : memref<2x128xi32, #tpu.memory_space<vmem>>) target_semaphore(%arg13 : memref<!tpu.dma_semaphore, #tpu.memory_space<semaphore_mem>>)
          %mul3A_225 = arith.constant 128 : i32
          %mul3A_226 = arith.muli %add3A_206, %mul3A_225 : i32
          %add3A_227 = arith.addi %mul3A_15, %mul3A_226 : i32
          %dma_start3A_228 = arith.constant 0 : i32
          %dma_start3A_229 = arith.constant 0 : i32
          %dma_start3A_230 = tpu.memref_slice %arg4[%dma_start3A_228, %add3A_227, %dma_start3A_229] : memref<2x327680x128xf32, #tpu.memory_space<hbm>> -> memref<1x128x128xf32, #tpu.memory_space<hbm>>
          %dma_start3A_231 = tpu.memref_squeeze %dma_start3A_230 : memref<1x128x128xf32, #tpu.memory_space<hbm>> -> memref<128x128xf32, #tpu.memory_space<hbm>>
          %dma_start3A_232 = arith.constant 0 : i32
          %dma_start3A_233 = tpu.memref_slice %arg4[%dma_start3A_228, %add3A_227, %dma_start3A_232] : memref<2x327680x128xf32, #tpu.memory_space<hbm>> -> memref<1x128x128xf32, #tpu.memory_space<hbm>>
          %dma_start3A_234 = tpu.memref_squeeze %dma_start3A_233 : memref<1x128x128xf32, #tpu.memory_space<hbm>> -> memref<128x128xf32, #tpu.memory_space<hbm>>
          tpu.enqueue_dma source(%dma_start3A_234 : memref<128x128xf32, #tpu.memory_space<hbm>>) target(%arg9 : memref<128x128xf32, #tpu.memory_space<vmem>>) target_semaphore(%arg13 : memref<!tpu.dma_semaphore, #tpu.memory_space<semaphore_mem>>)
        } else {
        }
        %scan3A_192 = arith.constant 0 : i32
        %scan3A_193 = arith.constant 128 : i32
        %scan3A_194 = arith.addi %scan3A_192, %scan3A_193 : i32
        %scan3A_195 = arith.constant 1 : i32
        scf.for %scan3A_205 = %scan3A_192 to %scan3A_194 step %scan3A_195  : i32 {
          %get3A = arith.index_cast %scan3A_205 : i32 to index
          %get3A_206 = arith.constant 0 : index
          %get3A_207 = tpu.vector_load %arg10[%get3A, %get3A_206] {strides = array<i32>} : memref<128x128xf32, #tpu.memory_space<vmem>>, vector<1x16xf32>,
          %get3A_208 = vector.shape_cast %get3A_207 : vector<1x16xf32> to vector<16xf32>
          %get3A_209 = arith.index_cast %scan3A_205 : i32 to index
          %get3A_210 = arith.constant 0 : index
          %get3A_211 = tpu.vector_load %arg11[%get3A_209, %get3A_210] {strides = array<i32>} : memref<128x128xf32, #tpu.memory_space<vmem>>, vector<1x16xf32>,
          %get3A_212 = vector.shape_cast %get3A_211 : vector<1x16xf32> to vector<16xf32>
          %add3A_213 = arith.addf %get3A_208, %get3A_212 : vector<16xf32>
          %max3A = arith.constant 0.000000e+00 : f32
          %max3A_214 = vector.broadcast %max3A : f32 to vector<16xf32>
          %max3A_215 = arith.maximumf %add3A_213, %max3A_214 : vector<16xf32>
          %swap3A = arith.index_cast %scan3A_205 : i32 to index
          %swap3A_216 = arith.constant 0 : index
          %swap3A_217 = tpu.vector_load %arg10[%swap3A, %swap3A_216] {strides = array<i32>} : memref<128x128xf32, #tpu.memory_space<vmem>>, vector<1x16xf32>,
          %swap3A_218 = vector.shape_cast %swap3A_217 : vector<1x16xf32> to vector<16xf32>
          %swap3A_219 = vector.shape_cast %max3A_215 : vector<16xf32> to vector<1x16xf32>
          tpu.vector_store %arg10[%swap3A, %swap3A_216], %swap3A_219 {strides = array<i32>} : memref<128x128xf32, #tpu.memory_space<vmem>>, vector<1x16xf32>,
          %get3A_220 = arith.index_cast %scan3A_205 : i32 to index
          %get3A_221 = arith.constant 16 : index
          %get3A_222 = tpu.vector_load %arg10[%get3A_220, %get3A_221] {strides = array<i32>} : memref<128x128xf32, #tpu.memory_space<vmem>>, vector<1x16xf32>,
          %get3A_223 = vector.shape_cast %get3A_222 : vector<1x16xf32> to vector<16xf32>
          %get3A_224 = arith.index_cast %scan3A_205 : i32 to index
          %get3A_225 = arith.constant 16 : index
          %get3A_226 = tpu.vector_load %arg11[%get3A_224, %get3A_225] {strides = array<i32>} : memref<128x128xf32, #tpu.memory_space<vmem>>, vector<1x16xf32>,
          %get3A_227 = vector.shape_cast %get3A_226 : vector<1x16xf32> to vector<16xf32>
          %add3A_228 = arith.addf %get3A_223, %get3A_227 : vector<16xf32>
          %max3A_229 = arith.constant 0.000000e+00 : f32
          %max3A_230 = vector.broadcast %max3A_229 : f32 to vector<16xf32>
          %max3A_231 = arith.maximumf %add3A_228, %max3A_230 : vector<16xf32>
          %swap3A_232 = arith.index_cast %scan3A_205 : i32 to index
          %swap3A_233 = arith.constant 16 : index
          %swap3A_234 = tpu.vector_load %arg10[%swap3A_232, %swap3A_233] {strides = array<i32>} : memref<128x128xf32, #tpu.memory_space<vmem>>, vector<1x16xf32>,
          %swap3A_235 = vector.shape_cast %swap3A_234 : vector<1x16xf32> to vector<16xf32>
          %swap3A_236 = vector.shape_cast %max3A_231 : vector<16xf32> to vector<1x16xf32>
          tpu.vector_store %arg10[%swap3A_232, %swap3A_233], %swap3A_236 {strides = array<i32>} : memref<128x128xf32, #tpu.memory_space<vmem>>, vector<1x16xf32>,
          %get3A_237 = arith.index_cast %scan3A_205 : i32 to index
          %get3A_238 = arith.constant 32 : index
          %get3A_239 = tpu.vector_load %arg10[%get3A_237, %get3A_238] {strides = array<i32>} : memref<128x128xf32, #tpu.memory_space<vmem>>, vector<1x16xf32>,
          %get3A_240 = vector.shape_cast %get3A_239 : vector<1x16xf32> to vector<16xf32>
          %get3A_241 = arith.index_cast %scan3A_205 : i32 to index
          %get3A_242 = arith.constant 32 : index
          %get3A_243 = tpu.vector_load %arg11[%get3A_241, %get3A_242] {strides = array<i32>} : memref<128x128xf32, #tpu.memory_space<vmem>>, vector<1x16xf32>,
          %get3A_244 = vector.shape_cast %get3A_243 : vector<1x16xf32> to vector<16xf32>
          %add3A_245 = arith.addf %get3A_240, %get3A_244 : vector<16xf32>
          %max3A_246 = arith.constant 0.000000e+00 : f32
          %max3A_247 = vector.broadcast %max3A_246 : f32 to vector<16xf32>
          %max3A_248 = arith.maximumf %add3A_245, %max3A_247 : vector<16xf32>
          %swap3A_249 = arith.index_cast %scan3A_205 : i32 to index
          %swap3A_250 = arith.constant 32 : index
          %swap3A_251 = tpu.vector_load %arg10[%swap3A_249, %swap3A_250] {strides = array<i32>} : memref<128x128xf32, #tpu.memory_space<vmem>>, vector<1x16xf32>,
          %swap3A_252 = vector.shape_cast %swap3A_251 : vector<1x16xf32> to vector<16xf32>
          %swap3A_253 = vector.shape_cast %max3A_248 : vector<16xf32> to vector<1x16xf32>
          tpu.vector_store %arg10[%swap3A_249, %swap3A_250], %swap3A_253 {strides = array<i32>} : memref<128x128xf32, #tpu.memory_space<vmem>>, vector<1x16xf32>,
          %get3A_254 = arith.index_cast %scan3A_205 : i32 to index
          %get3A_255 = arith.constant 48 : index
          %get3A_256 = tpu.vector_load %arg10[%get3A_254, %get3A_255] {strides = array<i32>} : memref<128x128xf32, #tpu.memory_space<vmem>>, vector<1x16xf32>,
          %get3A_257 = vector.shape_cast %get3A_256 : vector<1x16xf32> to vector<16xf32>
          %get3A_258 = arith.index_cast %scan3A_205 : i32 to index
          %get3A_259 = arith.constant 48 : index
          %get3A_260 = tpu.vector_load %arg11[%get3A_258, %get3A_259] {strides = array<i32>} : memref<128x128xf32, #tpu.memory_space<vmem>>, vector<1x16xf32>,
          %get3A_261 = vector.shape_cast %get3A_260 : vector<1x16xf32> to vector<16xf32>
          %add3A_262 = arith.addf %get3A_257, %get3A_261 : vector<16xf32>
          %max3A_263 = arith.constant 0.000000e+00 : f32
          %max3A_264 = vector.broadcast %max3A_263 : f32 to vector<16xf32>
          %max3A_265 = arith.maximumf %add3A_262, %max3A_264 : vector<16xf32>
          %swap3A_266 = arith.index_cast %scan3A_205 : i32 to index
          %swap3A_267 = arith.constant 48 : index
          %swap3A_268 = tpu.vector_load %arg10[%swap3A_266, %swap3A_267] {strides = array<i32>} : memref<128x128xf32, #tpu.memory_space<vmem>>, vector<1x16xf32>,
          %swap3A_269 = vector.shape_cast %swap3A_268 : vector<1x16xf32> to vector<16xf32>
          %swap3A_270 = vector.shape_cast %max3A_265 : vector<16xf32> to vector<1x16xf32>
          tpu.vector_store %arg10[%swap3A_266, %swap3A_267], %swap3A_270 {strides = array<i32>} : memref<128x128xf32, #tpu.memory_space<vmem>>, vector<1x16xf32>,
          %get3A_271 = arith.index_cast %scan3A_205 : i32 to index
          %get3A_272 = arith.constant 64 : index
          %get3A_273 = tpu.vector_load %arg10[%get3A_271, %get3A_272] {strides = array<i32>} : memref<128x128xf32, #tpu.memory_space<vmem>>, vector<1x16xf32>,
          %get3A_274 = vector.shape_cast %get3A_273 : vector<1x16xf32> to vector<16xf32>
          %get3A_275 = arith.index_cast %scan3A_205 : i32 to index
          %get3A_276 = arith.constant 64 : index
          %get3A_277 = tpu.vector_load %arg11[%get3A_275, %get3A_276] {strides = array<i32>} : memref<128x128xf32, #tpu.memory_space<vmem>>, vector<1x16xf32>,
          %get3A_278 = vector.shape_cast %get3A_277 : vector<1x16xf32> to vector<16xf32>
          %add3A_279 = arith.addf %get3A_274, %get3A_278 : vector<16xf32>
          %max3A_280 = arith.constant 0.000000e+00 : f32
          %max3A_281 = vector.broadcast %max3A_280 : f32 to vector<16xf32>
          %max3A_282 = arith.maximumf %add3A_279, %max3A_281 : vector<16xf32>
          %swap3A_283 = arith.index_cast %scan3A_205 : i32 to index
          %swap3A_284 = arith.constant 64 : index
          %swap3A_285 = tpu.vector_load %arg10[%swap3A_283, %swap3A_284] {strides = array<i32>} : memref<128x128xf32, #tpu.memory_space<vmem>>, vector<1x16xf32>,
          %swap3A_286 = vector.shape_cast %swap3A_285 : vector<1x16xf32> to vector<16xf32>
          %swap3A_287 = vector.shape_cast %max3A_282 : vector<16xf32> to vector<1x16xf32>
          tpu.vector_store %arg10[%swap3A_283, %swap3A_284], %swap3A_287 {strides = array<i32>} : memref<128x128xf32, #tpu.memory_space<vmem>>, vector<1x16xf32>,
          %get3A_288 = arith.index_cast %scan3A_205 : i32 to index
          %get3A_289 = arith.constant 80 : index
          %get3A_290 = tpu.vector_load %arg10[%get3A_288, %get3A_289] {strides = array<i32>} : memref<128x128xf32, #tpu.memory_space<vmem>>, vector<1x16xf32>,
          %get3A_291 = vector.shape_cast %get3A_290 : vector<1x16xf32> to vector<16xf32>
          %get3A_292 = arith.index_cast %scan3A_205 : i32 to index
          %get3A_293 = arith.constant 80 : index
          %get3A_294 = tpu.vector_load %arg11[%get3A_292, %get3A_293] {strides = array<i32>} : memref<128x128xf32, #tpu.memory_space<vmem>>, vector<1x16xf32>,
          %get3A_295 = vector.shape_cast %get3A_294 : vector<1x16xf32> to vector<16xf32>
          %add3A_296 = arith.addf %get3A_291, %get3A_295 : vector<16xf32>
          %max3A_297 = arith.constant 0.000000e+00 : f32
          %max3A_298 = vector.broadcast %max3A_297 : f32 to vector<16xf32>
          %max3A_299 = arith.maximumf %add3A_296, %max3A_298 : vector<16xf32>
          %swap3A_300 = arith.index_cast %scan3A_205 : i32 to index
          %swap3A_301 = arith.constant 80 : index
          %swap3A_302 = tpu.vector_load %arg10[%swap3A_300, %swap3A_301] {strides = array<i32>} : memref<128x128xf32, #tpu.memory_space<vmem>>, vector<1x16xf32>,
          %swap3A_303 = vector.shape_cast %swap3A_302 : vector<1x16xf32> to vector<16xf32>
          %swap3A_304 = vector.shape_cast %max3A_299 : vector<16xf32> to vector<1x16xf32>
          tpu.vector_store %arg10[%swap3A_300, %swap3A_301], %swap3A_304 {strides = array<i32>} : memref<128x128xf32, #tpu.memory_space<vmem>>, vector<1x16xf32>,
          %get3A_305 = arith.index_cast %scan3A_205 : i32 to index
          %get3A_306 = arith.constant 96 : index
          %get3A_307 = tpu.vector_load %arg10[%get3A_305, %get3A_306] {strides = array<i32>} : memref<128x128xf32, #tpu.memory_space<vmem>>, vector<1x16xf32>,
          %get3A_308 = vector.shape_cast %get3A_307 : vector<1x16xf32> to vector<16xf32>
          %get3A_309 = arith.index_cast %scan3A_205 : i32 to index
          %get3A_310 = arith.constant 96 : index
          %get3A_311 = tpu.vector_load %arg11[%get3A_309, %get3A_310] {strides = array<i32>} : memref<128x128xf32, #tpu.memory_space<vmem>>, vector<1x16xf32>,
          %get3A_312 = vector.shape_cast %get3A_311 : vector<1x16xf32> to vector<16xf32>
          %add3A_313 = arith.addf %get3A_308, %get3A_312 : vector<16xf32>
          %max3A_314 = arith.constant 0.000000e+00 : f32
          %max3A_315 = vector.broadcast %max3A_314 : f32 to vector<16xf32>
          %max3A_316 = arith.maximumf %add3A_313, %max3A_315 : vector<16xf32>
          %swap3A_317 = arith.index_cast %scan3A_205 : i32 to index
          %swap3A_318 = arith.constant 96 : index
          %swap3A_319 = tpu.vector_load %arg10[%swap3A_317, %swap3A_318] {strides = array<i32>} : memref<128x128xf32, #tpu.memory_space<vmem>>, vector<1x16xf32>,
          %swap3A_320 = vector.shape_cast %swap3A_319 : vector<1x16xf32> to vector<16xf32>
          %swap3A_321 = vector.shape_cast %max3A_316 : vector<16xf32> to vector<1x16xf32>
          tpu.vector_store %arg10[%swap3A_317, %swap3A_318], %swap3A_321 {strides = array<i32>} : memref<128x128xf32, #tpu.memory_space<vmem>>, vector<1x16xf32>,
          %get3A_322 = arith.index_cast %scan3A_205 : i32 to index
          %get3A_323 = arith.constant 112 : index
          %get3A_324 = tpu.vector_load %arg10[%get3A_322, %get3A_323] {strides = array<i32>} : memref<128x128xf32, #tpu.memory_space<vmem>>, vector<1x16xf32>,
          %get3A_325 = vector.shape_cast %get3A_324 : vector<1x16xf32> to vector<16xf32>
          %get3A_326 = arith.index_cast %scan3A_205 : i32 to index
          %get3A_327 = arith.constant 112 : index
          %get3A_328 = tpu.vector_load %arg11[%get3A_326, %get3A_327] {strides = array<i32>} : memref<128x128xf32, #tpu.memory_space<vmem>>, vector<1x16xf32>,
          %get3A_329 = vector.shape_cast %get3A_328 : vector<1x16xf32> to vector<16xf32>
          %add3A_330 = arith.addf %get3A_325, %get3A_329 : vector<16xf32>
          %max3A_331 = arith.constant 0.000000e+00 : f32
          %max3A_332 = vector.broadcast %max3A_331 : f32 to vector<16xf32>
          %max3A_333 = arith.maximumf %add3A_330, %max3A_332 : vector<16xf32>
          %swap3A_334 = arith.index_cast %scan3A_205 : i32 to index
          %swap3A_335 = arith.constant 112 : index
          %swap3A_336 = tpu.vector_load %arg10[%swap3A_334, %swap3A_335] {strides = array<i32>} : memref<128x128xf32, #tpu.memory_space<vmem>>, vector<1x16xf32>,
          %swap3A_337 = vector.shape_cast %swap3A_336 : vector<1x16xf32> to vector<16xf32>
          %swap3A_338 = vector.shape_cast %max3A_333 : vector<16xf32> to vector<1x16xf32>
          tpu.vector_store %arg10[%swap3A_334, %swap3A_335], %swap3A_338 {strides = array<i32>} : memref<128x128xf32, #tpu.memory_space<vmem>>, vector<1x16xf32>,
        }
        %scan3A_196 = arith.constant 128 : i32
        %dma_start3A_197 = arith.constant 0 : i32
        %dma_start3A_198 = arith.constant 1 : i32
        %dma_start3A_199 = arith.constant 0 : i32
        %dma_start3A_200 = tpu.memref_slice %arg8[%dma_start3A_197, %dma_start3A_198, %dma_start3A_199] : memref<1x2x128xi32, #tpu.memory_space<vmem>> -> memref<1x1x128xi32, #tpu.memory_space<vmem>>
        %dma_start3A_201 = tpu.memref_squeeze %dma_start3A_200 : memref<1x1x128xi32, #tpu.memory_space<vmem>> -> memref<128xi32, #tpu.memory_space<vmem>>
        %dma_start3A_202 = arith.constant 0 : i32
        %dma_start3A_203 = arith.constant 0 : i32
        %dma_start3A_204 = tpu.memref_slice %arg12[%dma_start3A_202, %dma_start3A_203] : memref<10112x128xf32, #tpu.memory_space<vmem_shared>> -> memref<10112x128xf32, #tpu.memory_space<vmem_shared>>
        tpu.enqueue_indirect_dma source(%arg10 : memref<128x128xf32, #tpu.memory_space<vmem>>) target(%dma_start3A_204 : memref<10112x128xf32, #tpu.memory_space<vmem_shared>>) offsets(%dma_start3A_201 : memref<128xi32, #tpu.memory_space<vmem>>) semaphore(%arg15 : memref<!tpu.dma_semaphore, #tpu.memory_space<semaphore_mem>>) {add = true}
      }
      %scan3A_57 = arith.constant 80 : i32
      %add3A_58 = arith.constant 0 : i32
      %add3A_59 = arith.addi %mul3A_15, %add3A_58 : i32
      %dma_wait3A = arith.constant 0 : i32
      %dma_wait3A_60 = arith.constant 0 : i32
      %dma_wait3A_61 = arith.constant 0 : i32
      %dma_wait3A_62 = tpu.memref_slice %arg12[%dma_wait3A_60, %dma_wait3A_61] : memref<10112x128xf32, #tpu.memory_space<vmem_shared>> -> memref<128x128xf32, #tpu.memory_space<vmem_shared>>
      %dma_wait3A_63 = arith.constant 0 : i32
      %dma_wait3A_64 = tpu.memref_slice %arg4[%dma_wait3A, %add3A_59, %dma_wait3A_63] : memref<2x327680x128xf32, #tpu.memory_space<hbm>> -> memref<1x128x128xf32, #tpu.memory_space<hbm>>
      %dma_wait3A_65 = tpu.memref_squeeze %dma_wait3A_64 : memref<1x128x128xf32, #tpu.memory_space<hbm>> -> memref<128x128xf32, #tpu.memory_space<hbm>>
      tpu.wait_dma2 semaphore(%arg15 : memref<!tpu.dma_semaphore, #tpu.memory_space<semaphore_mem>>) src(%dma_wait3A_65 : memref<128x128xf32, #tpu.memory_space<hbm>>) dst(%dma_wait3A_62 : memref<128x128xf32, #tpu.memory_space<vmem_shared>>)
    } else {
    }
    %eq3A_20 = arith.constant 1 : i32
    %eq3A_21 = arith.cmpi eq, %arg0, %eq3A_20 : i32
    %convert_element_type3A_22 = arith.extui %eq3A_21 : i1 to i32
    %cond3A_23 = arith.constant 0 : i32
    %cond3A_24 = arith.cmpi ne, %convert_element_type3A_22, %cond3A_23 : i32
    scf.if %cond3A_24 {
      %add3A_26 = arith.constant 0 : i32
      %add3A_27 = arith.addi %mul3A_17, %add3A_26 : i32
      %dma_start3A = arith.constant 0 : i32
      %dma_start3A_28 = arith.constant 0 : i32
      %dma_start3A_29 = arith.constant 0 : i32
      %dma_start3A_30 = tpu.memref_slice %arg7[%dma_start3A, %dma_start3A_28, %dma_start3A_29] : memref<1x2x128xi32, #tpu.memory_space<vmem>> -> memref<1x2x128xi32, #tpu.memory_space<vmem>>
      %dma_start3A_31 = tpu.memref_squeeze %dma_start3A_30 : memref<1x2x128xi32, #tpu.memory_space<vmem>> -> memref<2x128xi32, #tpu.memory_space<vmem>>
      %dma_start3A_32 = arith.constant 0 : i32
      %dma_start3A_33 = arith.constant 0 : i32
      %dma_start3A_34 = tpu.memref_slice %arg5[%add3A_27, %dma_start3A_32, %dma_start3A_33] : memref<2560x2x128xi32, #tpu.memory_space<hbm>> -> memref<1x2x128xi32, #tpu.memory_space<hbm>>
      %dma_start3A_35 = tpu.memref_squeeze %dma_start3A_34 : memref<1x2x128xi32, #tpu.memory_space<hbm>> -> memref<2x128xi32, #tpu.memory_space<hbm>>
      %dma_start3A_36 = arith.constant 0 : i32
      %dma_start3A_37 = arith.constant 0 : i32
      %dma_start3A_38 = tpu.memref_slice %arg7[%dma_start3A, %dma_start3A_36, %dma_start3A_37] : memref<1x2x128xi32, #tpu.memory_space<vmem>> -> memref<1x2x128xi32, #tpu.memory_space<vmem>>
      %dma_start3A_39 = tpu.memref_squeeze %dma_start3A_38 : memref<1x2x128xi32, #tpu.memory_space<vmem>> -> memref<2x128xi32, #tpu.memory_space<vmem>>
      %dma_start3A_40 = arith.constant 0 : i32
      %dma_start3A_41 = arith.constant 0 : i32
      %dma_start3A_42 = tpu.memref_slice %arg5[%add3A_27, %dma_start3A_40, %dma_start3A_41] : memref<2560x2x128xi32, #tpu.memory_space<hbm>> -> memref<1x2x128xi32, #tpu.memory_space<hbm>>
      %dma_start3A_43 = tpu.memref_squeeze %dma_start3A_42 : memref<1x2x128xi32, #tpu.memory_space<hbm>> -> memref<2x128xi32, #tpu.memory_space<hbm>>
      tpu.enqueue_dma source(%dma_start3A_43 : memref<2x128xi32, #tpu.memory_space<hbm>>) target(%dma_start3A_39 : memref<2x128xi32, #tpu.memory_space<vmem>>) target_semaphore(%arg13 : memref<!tpu.dma_semaphore, #tpu.memory_space<semaphore_mem>>)
      %add3A_44 = arith.constant 0 : i32
      %add3A_45 = arith.addi %mul3A_15, %add3A_44 : i32
      %dma_start3A_46 = arith.constant 1 : i32
      %dma_start3A_47 = arith.constant 0 : i32
      %dma_start3A_48 = tpu.memref_slice %arg4[%dma_start3A_46, %add3A_45, %dma_start3A_47] : memref<2x327680x128xf32, #tpu.memory_space<hbm>> -> memref<1x128x128xf32, #tpu.memory_space<hbm>>
      %dma_start3A_49 = tpu.memref_squeeze %dma_start3A_48 : memref<1x128x128xf32, #tpu.memory_space<hbm>> -> memref<128x128xf32, #tpu.memory_space<hbm>>
      %dma_start3A_50 = arith.constant 0 : i32
      %dma_start3A_51 = tpu.memref_slice %arg4[%dma_start3A_46, %add3A_45, %dma_start3A_50] : memref<2x327680x128xf32, #tpu.memory_space<hbm>> -> memref<1x128x128xf32, #tpu.memory_space<hbm>>
      %dma_start3A_52 = tpu.memref_squeeze %dma_start3A_51 : memref<1x128x128xf32, #tpu.memory_space<hbm>> -> memref<128x128xf32, #tpu.memory_space<hbm>>
      tpu.enqueue_dma source(%dma_start3A_52 : memref<128x128xf32, #tpu.memory_space<hbm>>) target(%arg9 : memref<128x128xf32, #tpu.memory_space<vmem>>) target_semaphore(%arg13 : memref<!tpu.dma_semaphore, #tpu.memory_space<semaphore_mem>>)
      %scan3A_53 = arith.constant 0 : i32
      %scan3A_54 = arith.constant 80 : i32
      %scan3A_55 = arith.addi %scan3A_53, %scan3A_54 : i32
      %scan3A_56 = arith.constant 1 : i32
      scf.for %scan3A_66 = %scan3A_53 to %scan3A_55 step %scan3A_56  : i32 {
        %mul3A_67 = arith.constant 2 : i32
        %mul3A_68 = arith.muli %mul3A_67, %scan3A_66 : i32
        %add3A_69 = arith.constant 0 : i32
        %add3A_70 = arith.addi %mul3A_68, %add3A_69 : i32
        %dma_wait3A_71 = arith.constant 0 : i32
        %dma_wait3A_72 = arith.constant 0 : i32
        %dma_wait3A_73 = arith.constant 0 : i32
        %dma_wait3A_74 = arith.constant 0 : i32
        %dma_wait3A_75 = tpu.memref_slice %arg7[%dma_wait3A_72, %dma_wait3A_73, %dma_wait3A_74] : memref<1x2x128xi32, #tpu.memory_space<vmem>> -> memref<1x2x128xi32, #tpu.memory_space<vmem>>
        %dma_wait3A_76 = tpu.memref_squeeze %dma_wait3A_75 : memref<1x2x128xi32, #tpu.memory_space<vmem>> -> memref<2x128xi32, #tpu.memory_space<vmem>>
        %dma_wait3A_77 = arith.constant 0 : i32
        %dma_wait3A_78 = arith.constant 0 : i32
        %dma_wait3A_79 = tpu.memref_slice %arg5[%dma_wait3A_71, %dma_wait3A_77, %dma_wait3A_78] : memref<2560x2x128xi32, #tpu.memory_space<hbm>> -> memref<1x2x128xi32, #tpu.memory_space<hbm>>
        %dma_wait3A_80 = tpu.memref_squeeze %dma_wait3A_79 : memref<1x2x128xi32, #tpu.memory_space<hbm>> -> memref<2x128xi32, #tpu.memory_space<hbm>>
        %dma_wait3A_81 = arith.constant 0 : i32
        %dma_wait3A_82 = arith.constant 0 : i32
        %dma_wait3A_83 = tpu.memref_slice %arg7[%dma_wait3A_72, %dma_wait3A_81, %dma_wait3A_82] : memref<1x2x128xi32, #tpu.memory_space<vmem>> -> memref<1x2x128xi32, #tpu.memory_space<vmem>>
        %dma_wait3A_84 = tpu.memref_squeeze %dma_wait3A_83 : memref<1x2x128xi32, #tpu.memory_space<vmem>> -> memref<2x128xi32, #tpu.memory_space<vmem>>
        %dma_wait3A_85 = arith.constant 0 : i32
        %dma_wait3A_86 = arith.constant 0 : i32
        %dma_wait3A_87 = tpu.memref_slice %arg5[%dma_wait3A_71, %dma_wait3A_85, %dma_wait3A_86] : memref<2560x2x128xi32, #tpu.memory_space<hbm>> -> memref<1x2x128xi32, #tpu.memory_space<hbm>>
        %dma_wait3A_88 = tpu.memref_squeeze %dma_wait3A_87 : memref<1x2x128xi32, #tpu.memory_space<hbm>> -> memref<2x128xi32, #tpu.memory_space<hbm>>
        tpu.wait_dma2 semaphore(%arg13 : memref<!tpu.dma_semaphore, #tpu.memory_space<semaphore_mem>>) src(%dma_wait3A_88 : memref<2x128xi32, #tpu.memory_space<hbm>>) dst(%dma_wait3A_84 : memref<2x128xi32, #tpu.memory_space<vmem>>)
        %add3A_89 = arith.constant 0 : i32
        %add3A_90 = arith.addi %mul3A_15, %add3A_89 : i32
        %dma_wait3A_91 = arith.constant 1 : i32
        %dma_wait3A_92 = arith.constant 0 : i32
        %dma_wait3A_93 = tpu.memref_slice %arg4[%dma_wait3A_91, %add3A_90, %dma_wait3A_92] : memref<2x327680x128xf32, #tpu.memory_space<hbm>> -> memref<1x128x128xf32, #tpu.memory_space<hbm>>
        %dma_wait3A_94 = tpu.memref_squeeze %dma_wait3A_93 : memref<1x128x128xf32, #tpu.memory_space<hbm>> -> memref<128x128xf32, #tpu.memory_space<hbm>>
        %dma_wait3A_95 = arith.constant 0 : i32
        %dma_wait3A_96 = tpu.memref_slice %arg4[%dma_wait3A_91, %add3A_90, %dma_wait3A_95] : memref<2x327680x128xf32, #tpu.memory_space<hbm>> -> memref<1x128x128xf32, #tpu.memory_space<hbm>>
        %dma_wait3A_97 = tpu.memref_squeeze %dma_wait3A_96 : memref<1x128x128xf32, #tpu.memory_space<hbm>> -> memref<128x128xf32, #tpu.memory_space<hbm>>
        tpu.wait_dma2 semaphore(%arg13 : memref<!tpu.dma_semaphore, #tpu.memory_space<semaphore_mem>>) src(%dma_wait3A_97 : memref<128x128xf32, #tpu.memory_space<hbm>>) dst(%arg9 : memref<128x128xf32, #tpu.memory_space<vmem>>)
        %dma_start3A_98 = arith.constant 0 : i32
        %dma_start3A_99 = arith.constant 0 : i32
        %dma_start3A_100 = arith.constant 0 : i32
        %dma_start3A_101 = tpu.memref_slice %arg7[%dma_start3A_98, %dma_start3A_99, %dma_start3A_100] : memref<1x2x128xi32, #tpu.memory_space<vmem>> -> memref<1x1x128xi32, #tpu.memory_space<vmem>>
        %dma_start3A_102 = tpu.memref_squeeze %dma_start3A_101 : memref<1x1x128xi32, #tpu.memory_space<vmem>> -> memref<128xi32, #tpu.memory_space<vmem>>
        %dma_start3A_103 = arith.constant 0 : i32
        %dma_start3A_104 = arith.constant 0 : i32
        %dma_start3A_105 = tpu.memref_slice %arg3[%dma_start3A_103, %dma_start3A_104] : memref<10000x128xf32, #tpu.memory_space<hbm>> -> memref<10000x128xf32, #tpu.memory_space<hbm>>
        tpu.enqueue_indirect_dma source(%dma_start3A_105 : memref<10000x128xf32, #tpu.memory_space<hbm>>) target(%arg11 : memref<128x128xf32, #tpu.memory_space<vmem>>) offsets(%dma_start3A_102 : memref<128xi32, #tpu.memory_space<vmem>>) semaphore(%arg14 : memref<!tpu.dma_semaphore, #tpu.memory_space<semaphore_mem>>)
        %dma_wait3A_106 = arith.constant 0 : i32
        %dma_wait3A_107 = arith.constant 0 : i32
        %dma_wait3A_108 = arith.constant 0 : i32
        %dma_wait3A_109 = tpu.memref_slice %arg7[%dma_wait3A_106, %dma_wait3A_107, %dma_wait3A_108] : memref<1x2x128xi32, #tpu.memory_space<vmem>> -> memref<1x1x128xi32, #tpu.memory_space<vmem>>
        %dma_wait3A_110 = tpu.memref_squeeze %dma_wait3A_109 : memref<1x1x128xi32, #tpu.memory_space<vmem>> -> memref<128xi32, #tpu.memory_space<vmem>>
        %dma_wait3A_111 = arith.constant 0 : i32
        %dma_wait3A_112 = arith.constant 0 : i32
        %dma_wait3A_113 = tpu.memref_slice %arg3[%dma_wait3A_111, %dma_wait3A_112] : memref<10000x128xf32, #tpu.memory_space<hbm>> -> memref<10000x128xf32, #tpu.memory_space<hbm>>
        tpu.wait_indirect_dma semaphore(%arg14 : memref<!tpu.dma_semaphore, #tpu.memory_space<semaphore_mem>>) src(%dma_wait3A_113 : memref<10000x128xf32, #tpu.memory_space<hbm>>) dst(%arg11 : memref<128x128xf32, #tpu.memory_space<vmem>>)
        %ge3A = arith.constant 1 : i32
        %ge3A_114 = arith.cmpi sge, %add3A_70, %ge3A : i32
        %convert_element_type3A_115 = arith.extui %ge3A_114 : i1 to i32
        %cond3A_116 = arith.constant 0 : i32
        %cond3A_117 = arith.cmpi ne, %convert_element_type3A_115, %cond3A_116 : i32
        scf.if %cond3A_117 {
          %add3A_205 = arith.constant 0 : i32
          %add3A_206 = arith.addi %mul3A_15, %add3A_205 : i32
          %dma_wait3A_207 = arith.constant 1 : i32
          %dma_wait3A_208 = arith.constant 0 : i32
          %dma_wait3A_209 = arith.constant 0 : i32
          %dma_wait3A_210 = tpu.memref_slice %arg12[%dma_wait3A_208, %dma_wait3A_209] : memref<10112x128xf32, #tpu.memory_space<vmem_shared>> -> memref<128x128xf32, #tpu.memory_space<vmem_shared>>
          %dma_wait3A_211 = arith.constant 0 : i32
          %dma_wait3A_212 = tpu.memref_slice %arg4[%dma_wait3A_207, %add3A_206, %dma_wait3A_211] : memref<2x327680x128xf32, #tpu.memory_space<hbm>> -> memref<1x128x128xf32, #tpu.memory_space<hbm>>
          %dma_wait3A_213 = tpu.memref_squeeze %dma_wait3A_212 : memref<1x128x128xf32, #tpu.memory_space<hbm>> -> memref<128x128xf32, #tpu.memory_space<hbm>>
          tpu.wait_dma2 semaphore(%arg15 : memref<!tpu.dma_semaphore, #tpu.memory_space<semaphore_mem>>) src(%dma_wait3A_213 : memref<128x128xf32, #tpu.memory_space<hbm>>) dst(%dma_wait3A_210 : memref<128x128xf32, #tpu.memory_space<vmem_shared>>)
        } else {
        }
        %le3A = arith.constant 158 : i32
        %le3A_118 = arith.cmpi sle, %add3A_70, %le3A : i32
        %convert_element_type3A_119 = arith.extui %le3A_118 : i1 to i32
        %cond3A_120 = arith.constant 0 : i32
        %cond3A_121 = arith.cmpi ne, %convert_element_type3A_119, %cond3A_120 : i32
        scf.if %cond3A_121 {
          %add3A_205 = arith.constant 1 : i32
          %add3A_206 = arith.addi %add3A_70, %add3A_205 : i32
          %add3A_207 = arith.addi %mul3A_17, %add3A_206 : i32
          %dma_start3A_208 = arith.constant 0 : i32
          %dma_start3A_209 = arith.constant 0 : i32
          %dma_start3A_210 = arith.constant 0 : i32
          %dma_start3A_211 = tpu.memref_slice %arg8[%dma_start3A_208, %dma_start3A_209, %dma_start3A_210] : memref<1x2x128xi32, #tpu.memory_space<vmem>> -> memref<1x2x128xi32, #tpu.memory_space<vmem>>
          %dma_start3A_212 = tpu.memref_squeeze %dma_start3A_211 : memref<1x2x128xi32, #tpu.memory_space<vmem>> -> memref<2x128xi32, #tpu.memory_space<vmem>>
          %dma_start3A_213 = arith.constant 0 : i32
          %dma_start3A_214 = arith.constant 0 : i32
          %dma_start3A_215 = tpu.memref_slice %arg5[%add3A_207, %dma_start3A_213, %dma_start3A_214] : memref<2560x2x128xi32, #tpu.memory_space<hbm>> -> memref<1x2x128xi32, #tpu.memory_space<hbm>>
          %dma_start3A_216 = tpu.memref_squeeze %dma_start3A_215 : memref<1x2x128xi32, #tpu.memory_space<hbm>> -> memref<2x128xi32, #tpu.memory_space<hbm>>
          %dma_start3A_217 = arith.constant 0 : i32
          %dma_start3A_218 = arith.constant 0 : i32
          %dma_start3A_219 = tpu.memref_slice %arg8[%dma_start3A_208, %dma_start3A_217, %dma_start3A_218] : memref<1x2x128xi32, #tpu.memory_space<vmem>> -> memref<1x2x128xi32, #tpu.memory_space<vmem>>
          %dma_start3A_220 = tpu.memref_squeeze %dma_start3A_219 : memref<1x2x128xi32, #tpu.memory_space<vmem>> -> memref<2x128xi32, #tpu.memory_space<vmem>>
          %dma_start3A_221 = arith.constant 0 : i32
          %dma_start3A_222 = arith.constant 0 : i32
          %dma_start3A_223 = tpu.memref_slice %arg5[%add3A_207, %dma_start3A_221, %dma_start3A_222] : memref<2560x2x128xi32, #tpu.memory_space<hbm>> -> memref<1x2x128xi32, #tpu.memory_space<hbm>>
          %dma_start3A_224 = tpu.memref_squeeze %dma_start3A_223 : memref<1x2x128xi32, #tpu.memory_space<hbm>> -> memref<2x128xi32, #tpu.memory_space<hbm>>
          tpu.enqueue_dma source(%dma_start3A_224 : memref<2x128xi32, #tpu.memory_space<hbm>>) target(%dma_start3A_220 : memref<2x128xi32, #tpu.memory_space<vmem>>) target_semaphore(%arg13 : memref<!tpu.dma_semaphore, #tpu.memory_space<semaphore_mem>>)
          %mul3A_225 = arith.constant 128 : i32
          %mul3A_226 = arith.muli %add3A_206, %mul3A_225 : i32
          %add3A_227 = arith.addi %mul3A_15, %mul3A_226 : i32
          %dma_start3A_228 = arith.constant 1 : i32
          %dma_start3A_229 = arith.constant 0 : i32
          %dma_start3A_230 = tpu.memref_slice %arg4[%dma_start3A_228, %add3A_227, %dma_start3A_229] : memref<2x327680x128xf32, #tpu.memory_space<hbm>> -> memref<1x128x128xf32, #tpu.memory_space<hbm>>
          %dma_start3A_231 = tpu.memref_squeeze %dma_start3A_230 : memref<1x128x128xf32, #tpu.memory_space<hbm>> -> memref<128x128xf32, #tpu.memory_space<hbm>>
          %dma_start3A_232 = arith.constant 0 : i32
          %dma_start3A_233 = tpu.memref_slice %arg4[%dma_start3A_228, %add3A_227, %dma_start3A_232] : memref<2x327680x128xf32, #tpu.memory_space<hbm>> -> memref<1x128x128xf32, #tpu.memory_space<hbm>>
          %dma_start3A_234 = tpu.memref_squeeze %dma_start3A_233 : memref<1x128x128xf32, #tpu.memory_space<hbm>> -> memref<128x128xf32, #tpu.memory_space<hbm>>
          tpu.enqueue_dma source(%dma_start3A_234 : memref<128x128xf32, #tpu.memory_space<hbm>>) target(%arg10 : memref<128x128xf32, #tpu.memory_space<vmem>>) target_semaphore(%arg13 : memref<!tpu.dma_semaphore, #tpu.memory_space<semaphore_mem>>)
        } else {
        }
        %scan3A_122 = arith.constant 0 : i32
        %scan3A_123 = arith.constant 128 : i32
        %scan3A_124 = arith.addi %scan3A_122, %scan3A_123 : i32
        %scan3A_125 = arith.constant 1 : i32
        scf.for %scan3A_205 = %scan3A_122 to %scan3A_124 step %scan3A_125  : i32 {
          %get3A = arith.index_cast %scan3A_205 : i32 to index
          %get3A_206 = arith.constant 0 : index
          %get3A_207 = tpu.vector_load %arg9[%get3A, %get3A_206] {strides = array<i32>} : memref<128x128xf32, #tpu.memory_space<vmem>>, vector<1x16xf32>,
          %get3A_208 = vector.shape_cast %get3A_207 : vector<1x16xf32> to vector<16xf32>
          %get3A_209 = arith.index_cast %scan3A_205 : i32 to index
          %get3A_210 = arith.constant 0 : index
          %get3A_211 = tpu.vector_load %arg11[%get3A_209, %get3A_210] {strides = array<i32>} : memref<128x128xf32, #tpu.memory_space<vmem>>, vector<1x16xf32>,
          %get3A_212 = vector.shape_cast %get3A_211 : vector<1x16xf32> to vector<16xf32>
          %add3A_213 = arith.addf %get3A_208, %get3A_212 : vector<16xf32>
          %max3A = arith.constant 0.000000e+00 : f32
          %max3A_214 = vector.broadcast %max3A : f32 to vector<16xf32>
          %max3A_215 = arith.maximumf %add3A_213, %max3A_214 : vector<16xf32>
          %swap3A = arith.index_cast %scan3A_205 : i32 to index
          %swap3A_216 = arith.constant 0 : index
          %swap3A_217 = tpu.vector_load %arg9[%swap3A, %swap3A_216] {strides = array<i32>} : memref<128x128xf32, #tpu.memory_space<vmem>>, vector<1x16xf32>,
          %swap3A_218 = vector.shape_cast %swap3A_217 : vector<1x16xf32> to vector<16xf32>
          %swap3A_219 = vector.shape_cast %max3A_215 : vector<16xf32> to vector<1x16xf32>
          tpu.vector_store %arg9[%swap3A, %swap3A_216], %swap3A_219 {strides = array<i32>} : memref<128x128xf32, #tpu.memory_space<vmem>>, vector<1x16xf32>,
          %get3A_220 = arith.index_cast %scan3A_205 : i32 to index
          %get3A_221 = arith.constant 16 : index
          %get3A_222 = tpu.vector_load %arg9[%get3A_220, %get3A_221] {strides = array<i32>} : memref<128x128xf32, #tpu.memory_space<vmem>>, vector<1x16xf32>,
          %get3A_223 = vector.shape_cast %get3A_222 : vector<1x16xf32> to vector<16xf32>
          %get3A_224 = arith.index_cast %scan3A_205 : i32 to index
          %get3A_225 = arith.constant 16 : index
          %get3A_226 = tpu.vector_load %arg11[%get3A_224, %get3A_225] {strides = array<i32>} : memref<128x128xf32, #tpu.memory_space<vmem>>, vector<1x16xf32>,
          %get3A_227 = vector.shape_cast %get3A_226 : vector<1x16xf32> to vector<16xf32>
          %add3A_228 = arith.addf %get3A_223, %get3A_227 : vector<16xf32>
          %max3A_229 = arith.constant 0.000000e+00 : f32
          %max3A_230 = vector.broadcast %max3A_229 : f32 to vector<16xf32>
          %max3A_231 = arith.maximumf %add3A_228, %max3A_230 : vector<16xf32>
          %swap3A_232 = arith.index_cast %scan3A_205 : i32 to index
          %swap3A_233 = arith.constant 16 : index
          %swap3A_234 = tpu.vector_load %arg9[%swap3A_232, %swap3A_233] {strides = array<i32>} : memref<128x128xf32, #tpu.memory_space<vmem>>, vector<1x16xf32>,
          %swap3A_235 = vector.shape_cast %swap3A_234 : vector<1x16xf32> to vector<16xf32>
          %swap3A_236 = vector.shape_cast %max3A_231 : vector<16xf32> to vector<1x16xf32>
          tpu.vector_store %arg9[%swap3A_232, %swap3A_233], %swap3A_236 {strides = array<i32>} : memref<128x128xf32, #tpu.memory_space<vmem>>, vector<1x16xf32>,
          %get3A_237 = arith.index_cast %scan3A_205 : i32 to index
          %get3A_238 = arith.constant 32 : index
          %get3A_239 = tpu.vector_load %arg9[%get3A_237, %get3A_238] {strides = array<i32>} : memref<128x128xf32, #tpu.memory_space<vmem>>, vector<1x16xf32>,
          %get3A_240 = vector.shape_cast %get3A_239 : vector<1x16xf32> to vector<16xf32>
          %get3A_241 = arith.index_cast %scan3A_205 : i32 to index
          %get3A_242 = arith.constant 32 : index
          %get3A_243 = tpu.vector_load %arg11[%get3A_241, %get3A_242] {strides = array<i32>} : memref<128x128xf32, #tpu.memory_space<vmem>>, vector<1x16xf32>,
          %get3A_244 = vector.shape_cast %get3A_243 : vector<1x16xf32> to vector<16xf32>
          %add3A_245 = arith.addf %get3A_240, %get3A_244 : vector<16xf32>
          %max3A_246 = arith.constant 0.000000e+00 : f32
          %max3A_247 = vector.broadcast %max3A_246 : f32 to vector<16xf32>
          %max3A_248 = arith.maximumf %add3A_245, %max3A_247 : vector<16xf32>
          %swap3A_249 = arith.index_cast %scan3A_205 : i32 to index
          %swap3A_250 = arith.constant 32 : index
          %swap3A_251 = tpu.vector_load %arg9[%swap3A_249, %swap3A_250] {strides = array<i32>} : memref<128x128xf32, #tpu.memory_space<vmem>>, vector<1x16xf32>,
          %swap3A_252 = vector.shape_cast %swap3A_251 : vector<1x16xf32> to vector<16xf32>
          %swap3A_253 = vector.shape_cast %max3A_248 : vector<16xf32> to vector<1x16xf32>
          tpu.vector_store %arg9[%swap3A_249, %swap3A_250], %swap3A_253 {strides = array<i32>} : memref<128x128xf32, #tpu.memory_space<vmem>>, vector<1x16xf32>,
          %get3A_254 = arith.index_cast %scan3A_205 : i32 to index
          %get3A_255 = arith.constant 48 : index
          %get3A_256 = tpu.vector_load %arg9[%get3A_254, %get3A_255] {strides = array<i32>} : memref<128x128xf32, #tpu.memory_space<vmem>>, vector<1x16xf32>,
          %get3A_257 = vector.shape_cast %get3A_256 : vector<1x16xf32> to vector<16xf32>
          %get3A_258 = arith.index_cast %scan3A_205 : i32 to index
          %get3A_259 = arith.constant 48 : index
          %get3A_260 = tpu.vector_load %arg11[%get3A_258, %get3A_259] {strides = array<i32>} : memref<128x128xf32, #tpu.memory_space<vmem>>, vector<1x16xf32>,
          %get3A_261 = vector.shape_cast %get3A_260 : vector<1x16xf32> to vector<16xf32>
          %add3A_262 = arith.addf %get3A_257, %get3A_261 : vector<16xf32>
          %max3A_263 = arith.constant 0.000000e+00 : f32
          %max3A_264 = vector.broadcast %max3A_263 : f32 to vector<16xf32>
          %max3A_265 = arith.maximumf %add3A_262, %max3A_264 : vector<16xf32>
          %swap3A_266 = arith.index_cast %scan3A_205 : i32 to index
          %swap3A_267 = arith.constant 48 : index
          %swap3A_268 = tpu.vector_load %arg9[%swap3A_266, %swap3A_267] {strides = array<i32>} : memref<128x128xf32, #tpu.memory_space<vmem>>, vector<1x16xf32>,
          %swap3A_269 = vector.shape_cast %swap3A_268 : vector<1x16xf32> to vector<16xf32>
          %swap3A_270 = vector.shape_cast %max3A_265 : vector<16xf32> to vector<1x16xf32>
          tpu.vector_store %arg9[%swap3A_266, %swap3A_267], %swap3A_270 {strides = array<i32>} : memref<128x128xf32, #tpu.memory_space<vmem>>, vector<1x16xf32>,
          %get3A_271 = arith.index_cast %scan3A_205 : i32 to index
          %get3A_272 = arith.constant 64 : index
          %get3A_273 = tpu.vector_load %arg9[%get3A_271, %get3A_272] {strides = array<i32>} : memref<128x128xf32, #tpu.memory_space<vmem>>, vector<1x16xf32>,
          %get3A_274 = vector.shape_cast %get3A_273 : vector<1x16xf32> to vector<16xf32>
          %get3A_275 = arith.index_cast %scan3A_205 : i32 to index
          %get3A_276 = arith.constant 64 : index
          %get3A_277 = tpu.vector_load %arg11[%get3A_275, %get3A_276] {strides = array<i32>} : memref<128x128xf32, #tpu.memory_space<vmem>>, vector<1x16xf32>,
          %get3A_278 = vector.shape_cast %get3A_277 : vector<1x16xf32> to vector<16xf32>
          %add3A_279 = arith.addf %get3A_274, %get3A_278 : vector<16xf32>
          %max3A_280 = arith.constant 0.000000e+00 : f32
          %max3A_281 = vector.broadcast %max3A_280 : f32 to vector<16xf32>
          %max3A_282 = arith.maximumf %add3A_279, %max3A_281 : vector<16xf32>
          %swap3A_283 = arith.index_cast %scan3A_205 : i32 to index
          %swap3A_284 = arith.constant 64 : index
          %swap3A_285 = tpu.vector_load %arg9[%swap3A_283, %swap3A_284] {strides = array<i32>} : memref<128x128xf32, #tpu.memory_space<vmem>>, vector<1x16xf32>,
          %swap3A_286 = vector.shape_cast %swap3A_285 : vector<1x16xf32> to vector<16xf32>
          %swap3A_287 = vector.shape_cast %max3A_282 : vector<16xf32> to vector<1x16xf32>
          tpu.vector_store %arg9[%swap3A_283, %swap3A_284], %swap3A_287 {strides = array<i32>} : memref<128x128xf32, #tpu.memory_space<vmem>>, vector<1x16xf32>,
          %get3A_288 = arith.index_cast %scan3A_205 : i32 to index
          %get3A_289 = arith.constant 80 : index
          %get3A_290 = tpu.vector_load %arg9[%get3A_288, %get3A_289] {strides = array<i32>} : memref<128x128xf32, #tpu.memory_space<vmem>>, vector<1x16xf32>,
          %get3A_291 = vector.shape_cast %get3A_290 : vector<1x16xf32> to vector<16xf32>
          %get3A_292 = arith.index_cast %scan3A_205 : i32 to index
          %get3A_293 = arith.constant 80 : index
          %get3A_294 = tpu.vector_load %arg11[%get3A_292, %get3A_293] {strides = array<i32>} : memref<128x128xf32, #tpu.memory_space<vmem>>, vector<1x16xf32>,
          %get3A_295 = vector.shape_cast %get3A_294 : vector<1x16xf32> to vector<16xf32>
          %add3A_296 = arith.addf %get3A_291, %get3A_295 : vector<16xf32>
          %max3A_297 = arith.constant 0.000000e+00 : f32
          %max3A_298 = vector.broadcast %max3A_297 : f32 to vector<16xf32>
          %max3A_299 = arith.maximumf %add3A_296, %max3A_298 : vector<16xf32>
          %swap3A_300 = arith.index_cast %scan3A_205 : i32 to index
          %swap3A_301 = arith.constant 80 : index
          %swap3A_302 = tpu.vector_load %arg9[%swap3A_300, %swap3A_301] {strides = array<i32>} : memref<128x128xf32, #tpu.memory_space<vmem>>, vector<1x16xf32>,
          %swap3A_303 = vector.shape_cast %swap3A_302 : vector<1x16xf32> to vector<16xf32>
          %swap3A_304 = vector.shape_cast %max3A_299 : vector<16xf32> to vector<1x16xf32>
          tpu.vector_store %arg9[%swap3A_300, %swap3A_301], %swap3A_304 {strides = array<i32>} : memref<128x128xf32, #tpu.memory_space<vmem>>, vector<1x16xf32>,
          %get3A_305 = arith.index_cast %scan3A_205 : i32 to index
          %get3A_306 = arith.constant 96 : index
          %get3A_307 = tpu.vector_load %arg9[%get3A_305, %get3A_306] {strides = array<i32>} : memref<128x128xf32, #tpu.memory_space<vmem>>, vector<1x16xf32>,
          %get3A_308 = vector.shape_cast %get3A_307 : vector<1x16xf32> to vector<16xf32>
          %get3A_309 = arith.index_cast %scan3A_205 : i32 to index
          %get3A_310 = arith.constant 96 : index
          %get3A_311 = tpu.vector_load %arg11[%get3A_309, %get3A_310] {strides = array<i32>} : memref<128x128xf32, #tpu.memory_space<vmem>>, vector<1x16xf32>,
          %get3A_312 = vector.shape_cast %get3A_311 : vector<1x16xf32> to vector<16xf32>
          %add3A_313 = arith.addf %get3A_308, %get3A_312 : vector<16xf32>
          %max3A_314 = arith.constant 0.000000e+00 : f32
          %max3A_315 = vector.broadcast %max3A_314 : f32 to vector<16xf32>
          %max3A_316 = arith.maximumf %add3A_313, %max3A_315 : vector<16xf32>
          %swap3A_317 = arith.index_cast %scan3A_205 : i32 to index
          %swap3A_318 = arith.constant 96 : index
          %swap3A_319 = tpu.vector_load %arg9[%swap3A_317, %swap3A_318] {strides = array<i32>} : memref<128x128xf32, #tpu.memory_space<vmem>>, vector<1x16xf32>,
          %swap3A_320 = vector.shape_cast %swap3A_319 : vector<1x16xf32> to vector<16xf32>
          %swap3A_321 = vector.shape_cast %max3A_316 : vector<16xf32> to vector<1x16xf32>
          tpu.vector_store %arg9[%swap3A_317, %swap3A_318], %swap3A_321 {strides = array<i32>} : memref<128x128xf32, #tpu.memory_space<vmem>>, vector<1x16xf32>,
          %get3A_322 = arith.index_cast %scan3A_205 : i32 to index
          %get3A_323 = arith.constant 112 : index
          %get3A_324 = tpu.vector_load %arg9[%get3A_322, %get3A_323] {strides = array<i32>} : memref<128x128xf32, #tpu.memory_space<vmem>>, vector<1x16xf32>,
          %get3A_325 = vector.shape_cast %get3A_324 : vector<1x16xf32> to vector<16xf32>
          %get3A_326 = arith.index_cast %scan3A_205 : i32 to index
          %get3A_327 = arith.constant 112 : index
          %get3A_328 = tpu.vector_load %arg11[%get3A_326, %get3A_327] {strides = array<i32>} : memref<128x128xf32, #tpu.memory_space<vmem>>, vector<1x16xf32>,
          %get3A_329 = vector.shape_cast %get3A_328 : vector<1x16xf32> to vector<16xf32>
          %add3A_330 = arith.addf %get3A_325, %get3A_329 : vector<16xf32>
          %max3A_331 = arith.constant 0.000000e+00 : f32
          %max3A_332 = vector.broadcast %max3A_331 : f32 to vector<16xf32>
          %max3A_333 = arith.maximumf %add3A_330, %max3A_332 : vector<16xf32>
          %swap3A_334 = arith.index_cast %scan3A_205 : i32 to index
          %swap3A_335 = arith.constant 112 : index
          %swap3A_336 = tpu.vector_load %arg9[%swap3A_334, %swap3A_335] {strides = array<i32>} : memref<128x128xf32, #tpu.memory_space<vmem>>, vector<1x16xf32>,
          %swap3A_337 = vector.shape_cast %swap3A_336 : vector<1x16xf32> to vector<16xf32>
          %swap3A_338 = vector.shape_cast %max3A_333 : vector<16xf32> to vector<1x16xf32>
          tpu.vector_store %arg9[%swap3A_334, %swap3A_335], %swap3A_338 {strides = array<i32>} : memref<128x128xf32, #tpu.memory_space<vmem>>, vector<1x16xf32>,
        }
        %scan3A_126 = arith.constant 128 : i32
        %dma_start3A_127 = arith.constant 0 : i32
        %dma_start3A_128 = arith.constant 1 : i32
        %dma_start3A_129 = arith.constant 0 : i32
        %dma_start3A_130 = tpu.memref_slice %arg7[%dma_start3A_127, %dma_start3A_128, %dma_start3A_129] : memref<1x2x128xi32, #tpu.memory_space<vmem>> -> memref<1x1x128xi32, #tpu.memory_space<vmem>>
        %dma_start3A_131 = tpu.memref_squeeze %dma_start3A_130 : memref<1x1x128xi32, #tpu.memory_space<vmem>> -> memref<128xi32, #tpu.memory_space<vmem>>
        %dma_start3A_132 = arith.constant 0 : i32
        %dma_start3A_133 = arith.constant 0 : i32
        %dma_start3A_134 = tpu.memref_slice %arg12[%dma_start3A_132, %dma_start3A_133] : memref<10112x128xf32, #tpu.memory_space<vmem_shared>> -> memref<10112x128xf32, #tpu.memory_space<vmem_shared>>
        tpu.enqueue_indirect_dma source(%arg9 : memref<128x128xf32, #tpu.memory_space<vmem>>) target(%dma_start3A_134 : memref<10112x128xf32, #tpu.memory_space<vmem_shared>>) offsets(%dma_start3A_131 : memref<128xi32, #tpu.memory_space<vmem>>) semaphore(%arg15 : memref<!tpu.dma_semaphore, #tpu.memory_space<semaphore_mem>>) {add = true}
        %mul3A_135 = arith.constant 2 : i32
        %mul3A_136 = arith.muli %mul3A_135, %scan3A_66 : i32
        %add3A_137 = arith.constant 1 : i32
        %add3A_138 = arith.addi %mul3A_136, %add3A_137 : i32
        %dma_wait3A_139 = arith.constant 0 : i32
        %dma_wait3A_140 = arith.constant 0 : i32
        %dma_wait3A_141 = arith.constant 0 : i32
        %dma_wait3A_142 = arith.constant 0 : i32
        %dma_wait3A_143 = tpu.memref_slice %arg8[%dma_wait3A_140, %dma_wait3A_141, %dma_wait3A_142] : memref<1x2x128xi32, #tpu.memory_space<vmem>> -> memref<1x2x128xi32, #tpu.memory_space<vmem>>
        %dma_wait3A_144 = tpu.memref_squeeze %dma_wait3A_143 : memref<1x2x128xi32, #tpu.memory_space<vmem>> -> memref<2x128xi32, #tpu.memory_space<vmem>>
        %dma_wait3A_145 = arith.constant 0 : i32
        %dma_wait3A_146 = arith.constant 0 : i32
        %dma_wait3A_147 = tpu.memref_slice %arg5[%dma_wait3A_139, %dma_wait3A_145, %dma_wait3A_146] : memref<2560x2x128xi32, #tpu.memory_space<hbm>> -> memref<1x2x128xi32, #tpu.memory_space<hbm>>
        %dma_wait3A_148 = tpu.memref_squeeze %dma_wait3A_147 : memref<1x2x128xi32, #tpu.memory_space<hbm>> -> memref<2x128xi32, #tpu.memory_space<hbm>>
        %dma_wait3A_149 = arith.constant 0 : i32
        %dma_wait3A_150 = arith.constant 0 : i32
        %dma_wait3A_151 = tpu.memref_slice %arg8[%dma_wait3A_140, %dma_wait3A_149, %dma_wait3A_150] : memref<1x2x128xi32, #tpu.memory_space<vmem>> -> memref<1x2x128xi32, #tpu.memory_space<vmem>>
        %dma_wait3A_152 = tpu.memref_squeeze %dma_wait3A_151 : memref<1x2x128xi32, #tpu.memory_space<vmem>> -> memref<2x128xi32, #tpu.memory_space<vmem>>
        %dma_wait3A_153 = arith.constant 0 : i32
        %dma_wait3A_154 = arith.constant 0 : i32
        %dma_wait3A_155 = tpu.memref_slice %arg5[%dma_wait3A_139, %dma_wait3A_153, %dma_wait3A_154] : memref<2560x2x128xi32, #tpu.memory_space<hbm>> -> memref<1x2x128xi32, #tpu.memory_space<hbm>>
        %dma_wait3A_156 = tpu.memref_squeeze %dma_wait3A_155 : memref<1x2x128xi32, #tpu.memory_space<hbm>> -> memref<2x128xi32, #tpu.memory_space<hbm>>
        tpu.wait_dma2 semaphore(%arg13 : memref<!tpu.dma_semaphore, #tpu.memory_space<semaphore_mem>>) src(%dma_wait3A_156 : memref<2x128xi32, #tpu.memory_space<hbm>>) dst(%dma_wait3A_152 : memref<2x128xi32, #tpu.memory_space<vmem>>)
        %add3A_157 = arith.constant 0 : i32
        %add3A_158 = arith.addi %mul3A_15, %add3A_157 : i32
        %dma_wait3A_159 = arith.constant 1 : i32
        %dma_wait3A_160 = arith.constant 0 : i32
        %dma_wait3A_161 = tpu.memref_slice %arg4[%dma_wait3A_159, %add3A_158, %dma_wait3A_160] : memref<2x327680x128xf32, #tpu.memory_space<hbm>> -> memref<1x128x128xf32, #tpu.memory_space<hbm>>
        %dma_wait3A_162 = tpu.memref_squeeze %dma_wait3A_161 : memref<1x128x128xf32, #tpu.memory_space<hbm>> -> memref<128x128xf32, #tpu.memory_space<hbm>>
        %dma_wait3A_163 = arith.constant 0 : i32
        %dma_wait3A_164 = tpu.memref_slice %arg4[%dma_wait3A_159, %add3A_158, %dma_wait3A_163] : memref<2x327680x128xf32, #tpu.memory_space<hbm>> -> memref<1x128x128xf32, #tpu.memory_space<hbm>>
        %dma_wait3A_165 = tpu.memref_squeeze %dma_wait3A_164 : memref<1x128x128xf32, #tpu.memory_space<hbm>> -> memref<128x128xf32, #tpu.memory_space<hbm>>
        tpu.wait_dma2 semaphore(%arg13 : memref<!tpu.dma_semaphore, #tpu.memory_space<semaphore_mem>>) src(%dma_wait3A_165 : memref<128x128xf32, #tpu.memory_space<hbm>>) dst(%arg10 : memref<128x128xf32, #tpu.memory_space<vmem>>)
        %dma_start3A_166 = arith.constant 0 : i32
        %dma_start3A_167 = arith.constant 0 : i32
        %dma_start3A_168 = arith.constant 0 : i32
        %dma_start3A_169 = tpu.memref_slice %arg8[%dma_start3A_166, %dma_start3A_167, %dma_start3A_168] : memref<1x2x128xi32, #tpu.memory_space<vmem>> -> memref<1x1x128xi32, #tpu.memory_space<vmem>>
        %dma_start3A_170 = tpu.memref_squeeze %dma_start3A_169 : memref<1x1x128xi32, #tpu.memory_space<vmem>> -> memref<128xi32, #tpu.memory_space<vmem>>
        %dma_start3A_171 = arith.constant 0 : i32
        %dma_start3A_172 = arith.constant 0 : i32
        %dma_start3A_173 = tpu.memref_slice %arg3[%dma_start3A_171, %dma_start3A_172] : memref<10000x128xf32, #tpu.memory_space<hbm>> -> memref<10000x128xf32, #tpu.memory_space<hbm>>
        tpu.enqueue_indirect_dma source(%dma_start3A_173 : memref<10000x128xf32, #tpu.memory_space<hbm>>) target(%arg11 : memref<128x128xf32, #tpu.memory_space<vmem>>) offsets(%dma_start3A_170 : memref<128xi32, #tpu.memory_space<vmem>>) semaphore(%arg14 : memref<!tpu.dma_semaphore, #tpu.memory_space<semaphore_mem>>)
        %dma_wait3A_174 = arith.constant 0 : i32
        %dma_wait3A_175 = arith.constant 0 : i32
        %dma_wait3A_176 = arith.constant 0 : i32
        %dma_wait3A_177 = tpu.memref_slice %arg8[%dma_wait3A_174, %dma_wait3A_175, %dma_wait3A_176] : memref<1x2x128xi32, #tpu.memory_space<vmem>> -> memref<1x1x128xi32, #tpu.memory_space<vmem>>
        %dma_wait3A_178 = tpu.memref_squeeze %dma_wait3A_177 : memref<1x1x128xi32, #tpu.memory_space<vmem>> -> memref<128xi32, #tpu.memory_space<vmem>>
        %dma_wait3A_179 = arith.constant 0 : i32
        %dma_wait3A_180 = arith.constant 0 : i32
        %dma_wait3A_181 = tpu.memref_slice %arg3[%dma_wait3A_179, %dma_wait3A_180] : memref<10000x128xf32, #tpu.memory_space<hbm>> -> memref<10000x128xf32, #tpu.memory_space<hbm>>
        tpu.wait_indirect_dma semaphore(%arg14 : memref<!tpu.dma_semaphore, #tpu.memory_space<semaphore_mem>>) src(%dma_wait3A_181 : memref<10000x128xf32, #tpu.memory_space<hbm>>) dst(%arg11 : memref<128x128xf32, #tpu.memory_space<vmem>>)
        %ge3A_182 = arith.constant 1 : i32
        %ge3A_183 = arith.cmpi sge, %add3A_138, %ge3A_182 : i32
        %convert_element_type3A_184 = arith.extui %ge3A_183 : i1 to i32
        %cond3A_185 = arith.constant 0 : i32
        %cond3A_186 = arith.cmpi ne, %convert_element_type3A_184, %cond3A_185 : i32
        scf.if %cond3A_186 {
          %add3A_205 = arith.constant 0 : i32
          %add3A_206 = arith.addi %mul3A_15, %add3A_205 : i32
          %dma_wait3A_207 = arith.constant 1 : i32
          %dma_wait3A_208 = arith.constant 0 : i32
          %dma_wait3A_209 = arith.constant 0 : i32
          %dma_wait3A_210 = tpu.memref_slice %arg12[%dma_wait3A_208, %dma_wait3A_209] : memref<10112x128xf32, #tpu.memory_space<vmem_shared>> -> memref<128x128xf32, #tpu.memory_space<vmem_shared>>
          %dma_wait3A_211 = arith.constant 0 : i32
          %dma_wait3A_212 = tpu.memref_slice %arg4[%dma_wait3A_207, %add3A_206, %dma_wait3A_211] : memref<2x327680x128xf32, #tpu.memory_space<hbm>> -> memref<1x128x128xf32, #tpu.memory_space<hbm>>
          %dma_wait3A_213 = tpu.memref_squeeze %dma_wait3A_212 : memref<1x128x128xf32, #tpu.memory_space<hbm>> -> memref<128x128xf32, #tpu.memory_space<hbm>>
          tpu.wait_dma2 semaphore(%arg15 : memref<!tpu.dma_semaphore, #tpu.memory_space<semaphore_mem>>) src(%dma_wait3A_213 : memref<128x128xf32, #tpu.memory_space<hbm>>) dst(%dma_wait3A_210 : memref<128x128xf32, #tpu.memory_space<vmem_shared>>)
        } else {
        }
        %le3A_187 = arith.constant 158 : i32
        %le3A_188 = arith.cmpi sle, %add3A_138, %le3A_187 : i32
        %convert_element_type3A_189 = arith.extui %le3A_188 : i1 to i32
        %cond3A_190 = arith.constant 0 : i32
        %cond3A_191 = arith.cmpi ne, %convert_element_type3A_189, %cond3A_190 : i32
        scf.if %cond3A_191 {
          %add3A_205 = arith.constant 1 : i32
          %add3A_206 = arith.addi %add3A_138, %add3A_205 : i32
          %add3A_207 = arith.addi %mul3A_17, %add3A_206 : i32
          %dma_start3A_208 = arith.constant 0 : i32
          %dma_start3A_209 = arith.constant 0 : i32
          %dma_start3A_210 = arith.constant 0 : i32
          %dma_start3A_211 = tpu.memref_slice %arg7[%dma_start3A_208, %dma_start3A_209, %dma_start3A_210] : memref<1x2x128xi32, #tpu.memory_space<vmem>> -> memref<1x2x128xi32, #tpu.memory_space<vmem>>
          %dma_start3A_212 = tpu.memref_squeeze %dma_start3A_211 : memref<1x2x128xi32, #tpu.memory_space<vmem>> -> memref<2x128xi32, #tpu.memory_space<vmem>>
          %dma_start3A_213 = arith.constant 0 : i32
          %dma_start3A_214 = arith.constant 0 : i32
          %dma_start3A_215 = tpu.memref_slice %arg5[%add3A_207, %dma_start3A_213, %dma_start3A_214] : memref<2560x2x128xi32, #tpu.memory_space<hbm>> -> memref<1x2x128xi32, #tpu.memory_space<hbm>>
          %dma_start3A_216 = tpu.memref_squeeze %dma_start3A_215 : memref<1x2x128xi32, #tpu.memory_space<hbm>> -> memref<2x128xi32, #tpu.memory_space<hbm>>
          %dma_start3A_217 = arith.constant 0 : i32
          %dma_start3A_218 = arith.constant 0 : i32
          %dma_start3A_219 = tpu.memref_slice %arg7[%dma_start3A_208, %dma_start3A_217, %dma_start3A_218] : memref<1x2x128xi32, #tpu.memory_space<vmem>> -> memref<1x2x128xi32, #tpu.memory_space<vmem>>
          %dma_start3A_220 = tpu.memref_squeeze %dma_start3A_219 : memref<1x2x128xi32, #tpu.memory_space<vmem>> -> memref<2x128xi32, #tpu.memory_space<vmem>>
          %dma_start3A_221 = arith.constant 0 : i32
          %dma_start3A_222 = arith.constant 0 : i32
          %dma_start3A_223 = tpu.memref_slice %arg5[%add3A_207, %dma_start3A_221, %dma_start3A_222] : memref<2560x2x128xi32, #tpu.memory_space<hbm>> -> memref<1x2x128xi32, #tpu.memory_space<hbm>>
          %dma_start3A_224 = tpu.memref_squeeze %dma_start3A_223 : memref<1x2x128xi32, #tpu.memory_space<hbm>> -> memref<2x128xi32, #tpu.memory_space<hbm>>
          tpu.enqueue_dma source(%dma_start3A_224 : memref<2x128xi32, #tpu.memory_space<hbm>>) target(%dma_start3A_220 : memref<2x128xi32, #tpu.memory_space<vmem>>) target_semaphore(%arg13 : memref<!tpu.dma_semaphore, #tpu.memory_space<semaphore_mem>>)
          %mul3A_225 = arith.constant 128 : i32
          %mul3A_226 = arith.muli %add3A_206, %mul3A_225 : i32
          %add3A_227 = arith.addi %mul3A_15, %mul3A_226 : i32
          %dma_start3A_228 = arith.constant 1 : i32
          %dma_start3A_229 = arith.constant 0 : i32
          %dma_start3A_230 = tpu.memref_slice %arg4[%dma_start3A_228, %add3A_227, %dma_start3A_229] : memref<2x327680x128xf32, #tpu.memory_space<hbm>> -> memref<1x128x128xf32, #tpu.memory_space<hbm>>
          %dma_start3A_231 = tpu.memref_squeeze %dma_start3A_230 : memref<1x128x128xf32, #tpu.memory_space<hbm>> -> memref<128x128xf32, #tpu.memory_space<hbm>>
          %dma_start3A_232 = arith.constant 0 : i32
          %dma_start3A_233 = tpu.memref_slice %arg4[%dma_start3A_228, %add3A_227, %dma_start3A_232] : memref<2x327680x128xf32, #tpu.memory_space<hbm>> -> memref<1x128x128xf32, #tpu.memory_space<hbm>>
          %dma_start3A_234 = tpu.memref_squeeze %dma_start3A_233 : memref<1x128x128xf32, #tpu.memory_space<hbm>> -> memref<128x128xf32, #tpu.memory_space<hbm>>
          tpu.enqueue_dma source(%dma_start3A_234 : memref<128x128xf32, #tpu.memory_space<hbm>>) target(%arg9 : memref<128x128xf32, #tpu.memory_space<vmem>>) target_semaphore(%arg13 : memref<!tpu.dma_semaphore, #tpu.memory_space<semaphore_mem>>)
        } else {
        }
        %scan3A_192 = arith.constant 0 : i32
        %scan3A_193 = arith.constant 128 : i32
        %scan3A_194 = arith.addi %scan3A_192, %scan3A_193 : i32
        %scan3A_195 = arith.constant 1 : i32
        scf.for %scan3A_205 = %scan3A_192 to %scan3A_194 step %scan3A_195  : i32 {
          %get3A = arith.index_cast %scan3A_205 : i32 to index
          %get3A_206 = arith.constant 0 : index
          %get3A_207 = tpu.vector_load %arg10[%get3A, %get3A_206] {strides = array<i32>} : memref<128x128xf32, #tpu.memory_space<vmem>>, vector<1x16xf32>,
          %get3A_208 = vector.shape_cast %get3A_207 : vector<1x16xf32> to vector<16xf32>
          %get3A_209 = arith.index_cast %scan3A_205 : i32 to index
          %get3A_210 = arith.constant 0 : index
          %get3A_211 = tpu.vector_load %arg11[%get3A_209, %get3A_210] {strides = array<i32>} : memref<128x128xf32, #tpu.memory_space<vmem>>, vector<1x16xf32>,
          %get3A_212 = vector.shape_cast %get3A_211 : vector<1x16xf32> to vector<16xf32>
          %add3A_213 = arith.addf %get3A_208, %get3A_212 : vector<16xf32>
          %max3A = arith.constant 0.000000e+00 : f32
          %max3A_214 = vector.broadcast %max3A : f32 to vector<16xf32>
          %max3A_215 = arith.maximumf %add3A_213, %max3A_214 : vector<16xf32>
          %swap3A = arith.index_cast %scan3A_205 : i32 to index
          %swap3A_216 = arith.constant 0 : index
          %swap3A_217 = tpu.vector_load %arg10[%swap3A, %swap3A_216] {strides = array<i32>} : memref<128x128xf32, #tpu.memory_space<vmem>>, vector<1x16xf32>,
          %swap3A_218 = vector.shape_cast %swap3A_217 : vector<1x16xf32> to vector<16xf32>
          %swap3A_219 = vector.shape_cast %max3A_215 : vector<16xf32> to vector<1x16xf32>
          tpu.vector_store %arg10[%swap3A, %swap3A_216], %swap3A_219 {strides = array<i32>} : memref<128x128xf32, #tpu.memory_space<vmem>>, vector<1x16xf32>,
          %get3A_220 = arith.index_cast %scan3A_205 : i32 to index
          %get3A_221 = arith.constant 16 : index
          %get3A_222 = tpu.vector_load %arg10[%get3A_220, %get3A_221] {strides = array<i32>} : memref<128x128xf32, #tpu.memory_space<vmem>>, vector<1x16xf32>,
          %get3A_223 = vector.shape_cast %get3A_222 : vector<1x16xf32> to vector<16xf32>
          %get3A_224 = arith.index_cast %scan3A_205 : i32 to index
          %get3A_225 = arith.constant 16 : index
          %get3A_226 = tpu.vector_load %arg11[%get3A_224, %get3A_225] {strides = array<i32>} : memref<128x128xf32, #tpu.memory_space<vmem>>, vector<1x16xf32>,
          %get3A_227 = vector.shape_cast %get3A_226 : vector<1x16xf32> to vector<16xf32>
          %add3A_228 = arith.addf %get3A_223, %get3A_227 : vector<16xf32>
          %max3A_229 = arith.constant 0.000000e+00 : f32
          %max3A_230 = vector.broadcast %max3A_229 : f32 to vector<16xf32>
          %max3A_231 = arith.maximumf %add3A_228, %max3A_230 : vector<16xf32>
          %swap3A_232 = arith.index_cast %scan3A_205 : i32 to index
          %swap3A_233 = arith.constant 16 : index
          %swap3A_234 = tpu.vector_load %arg10[%swap3A_232, %swap3A_233] {strides = array<i32>} : memref<128x128xf32, #tpu.memory_space<vmem>>, vector<1x16xf32>,
          %swap3A_235 = vector.shape_cast %swap3A_234 : vector<1x16xf32> to vector<16xf32>
          %swap3A_236 = vector.shape_cast %max3A_231 : vector<16xf32> to vector<1x16xf32>
          tpu.vector_store %arg10[%swap3A_232, %swap3A_233], %swap3A_236 {strides = array<i32>} : memref<128x128xf32, #tpu.memory_space<vmem>>, vector<1x16xf32>,
          %get3A_237 = arith.index_cast %scan3A_205 : i32 to index
          %get3A_238 = arith.constant 32 : index
          %get3A_239 = tpu.vector_load %arg10[%get3A_237, %get3A_238] {strides = array<i32>} : memref<128x128xf32, #tpu.memory_space<vmem>>, vector<1x16xf32>,
          %get3A_240 = vector.shape_cast %get3A_239 : vector<1x16xf32> to vector<16xf32>
          %get3A_241 = arith.index_cast %scan3A_205 : i32 to index
          %get3A_242 = arith.constant 32 : index
          %get3A_243 = tpu.vector_load %arg11[%get3A_241, %get3A_242] {strides = array<i32>} : memref<128x128xf32, #tpu.memory_space<vmem>>, vector<1x16xf32>,
          %get3A_244 = vector.shape_cast %get3A_243 : vector<1x16xf32> to vector<16xf32>
          %add3A_245 = arith.addf %get3A_240, %get3A_244 : vector<16xf32>
          %max3A_246 = arith.constant 0.000000e+00 : f32
          %max3A_247 = vector.broadcast %max3A_246 : f32 to vector<16xf32>
          %max3A_248 = arith.maximumf %add3A_245, %max3A_247 : vector<16xf32>
          %swap3A_249 = arith.index_cast %scan3A_205 : i32 to index
          %swap3A_250 = arith.constant 32 : index
          %swap3A_251 = tpu.vector_load %arg10[%swap3A_249, %swap3A_250] {strides = array<i32>} : memref<128x128xf32, #tpu.memory_space<vmem>>, vector<1x16xf32>,
          %swap3A_252 = vector.shape_cast %swap3A_251 : vector<1x16xf32> to vector<16xf32>
          %swap3A_253 = vector.shape_cast %max3A_248 : vector<16xf32> to vector<1x16xf32>
          tpu.vector_store %arg10[%swap3A_249, %swap3A_250], %swap3A_253 {strides = array<i32>} : memref<128x128xf32, #tpu.memory_space<vmem>>, vector<1x16xf32>,
          %get3A_254 = arith.index_cast %scan3A_205 : i32 to index
          %get3A_255 = arith.constant 48 : index
          %get3A_256 = tpu.vector_load %arg10[%get3A_254, %get3A_255] {strides = array<i32>} : memref<128x128xf32, #tpu.memory_space<vmem>>, vector<1x16xf32>,
          %get3A_257 = vector.shape_cast %get3A_256 : vector<1x16xf32> to vector<16xf32>
          %get3A_258 = arith.index_cast %scan3A_205 : i32 to index
          %get3A_259 = arith.constant 48 : index
          %get3A_260 = tpu.vector_load %arg11[%get3A_258, %get3A_259] {strides = array<i32>} : memref<128x128xf32, #tpu.memory_space<vmem>>, vector<1x16xf32>,
          %get3A_261 = vector.shape_cast %get3A_260 : vector<1x16xf32> to vector<16xf32>
          %add3A_262 = arith.addf %get3A_257, %get3A_261 : vector<16xf32>
          %max3A_263 = arith.constant 0.000000e+00 : f32
          %max3A_264 = vector.broadcast %max3A_263 : f32 to vector<16xf32>
          %max3A_265 = arith.maximumf %add3A_262, %max3A_264 : vector<16xf32>
          %swap3A_266 = arith.index_cast %scan3A_205 : i32 to index
          %swap3A_267 = arith.constant 48 : index
          %swap3A_268 = tpu.vector_load %arg10[%swap3A_266, %swap3A_267] {strides = array<i32>} : memref<128x128xf32, #tpu.memory_space<vmem>>, vector<1x16xf32>,
          %swap3A_269 = vector.shape_cast %swap3A_268 : vector<1x16xf32> to vector<16xf32>
          %swap3A_270 = vector.shape_cast %max3A_265 : vector<16xf32> to vector<1x16xf32>
          tpu.vector_store %arg10[%swap3A_266, %swap3A_267], %swap3A_270 {strides = array<i32>} : memref<128x128xf32, #tpu.memory_space<vmem>>, vector<1x16xf32>,
          %get3A_271 = arith.index_cast %scan3A_205 : i32 to index
          %get3A_272 = arith.constant 64 : index
          %get3A_273 = tpu.vector_load %arg10[%get3A_271, %get3A_272] {strides = array<i32>} : memref<128x128xf32, #tpu.memory_space<vmem>>, vector<1x16xf32>,
          %get3A_274 = vector.shape_cast %get3A_273 : vector<1x16xf32> to vector<16xf32>
          %get3A_275 = arith.index_cast %scan3A_205 : i32 to index
          %get3A_276 = arith.constant 64 : index
          %get3A_277 = tpu.vector_load %arg11[%get3A_275, %get3A_276] {strides = array<i32>} : memref<128x128xf32, #tpu.memory_space<vmem>>, vector<1x16xf32>,
          %get3A_278 = vector.shape_cast %get3A_277 : vector<1x16xf32> to vector<16xf32>
          %add3A_279 = arith.addf %get3A_274, %get3A_278 : vector<16xf32>
          %max3A_280 = arith.constant 0.000000e+00 : f32
          %max3A_281 = vector.broadcast %max3A_280 : f32 to vector<16xf32>
          %max3A_282 = arith.maximumf %add3A_279, %max3A_281 : vector<16xf32>
          %swap3A_283 = arith.index_cast %scan3A_205 : i32 to index
          %swap3A_284 = arith.constant 64 : index
          %swap3A_285 = tpu.vector_load %arg10[%swap3A_283, %swap3A_284] {strides = array<i32>} : memref<128x128xf32, #tpu.memory_space<vmem>>, vector<1x16xf32>,
          %swap3A_286 = vector.shape_cast %swap3A_285 : vector<1x16xf32> to vector<16xf32>
          %swap3A_287 = vector.shape_cast %max3A_282 : vector<16xf32> to vector<1x16xf32>
          tpu.vector_store %arg10[%swap3A_283, %swap3A_284], %swap3A_287 {strides = array<i32>} : memref<128x128xf32, #tpu.memory_space<vmem>>, vector<1x16xf32>,
          %get3A_288 = arith.index_cast %scan3A_205 : i32 to index
          %get3A_289 = arith.constant 80 : index
          %get3A_290 = tpu.vector_load %arg10[%get3A_288, %get3A_289] {strides = array<i32>} : memref<128x128xf32, #tpu.memory_space<vmem>>, vector<1x16xf32>,
          %get3A_291 = vector.shape_cast %get3A_290 : vector<1x16xf32> to vector<16xf32>
          %get3A_292 = arith.index_cast %scan3A_205 : i32 to index
          %get3A_293 = arith.constant 80 : index
          %get3A_294 = tpu.vector_load %arg11[%get3A_292, %get3A_293] {strides = array<i32>} : memref<128x128xf32, #tpu.memory_space<vmem>>, vector<1x16xf32>,
          %get3A_295 = vector.shape_cast %get3A_294 : vector<1x16xf32> to vector<16xf32>
          %add3A_296 = arith.addf %get3A_291, %get3A_295 : vector<16xf32>
          %max3A_297 = arith.constant 0.000000e+00 : f32
          %max3A_298 = vector.broadcast %max3A_297 : f32 to vector<16xf32>
          %max3A_299 = arith.maximumf %add3A_296, %max3A_298 : vector<16xf32>
          %swap3A_300 = arith.index_cast %scan3A_205 : i32 to index
          %swap3A_301 = arith.constant 80 : index
          %swap3A_302 = tpu.vector_load %arg10[%swap3A_300, %swap3A_301] {strides = array<i32>} : memref<128x128xf32, #tpu.memory_space<vmem>>, vector<1x16xf32>,
          %swap3A_303 = vector.shape_cast %swap3A_302 : vector<1x16xf32> to vector<16xf32>
          %swap3A_304 = vector.shape_cast %max3A_299 : vector<16xf32> to vector<1x16xf32>
          tpu.vector_store %arg10[%swap3A_300, %swap3A_301], %swap3A_304 {strides = array<i32>} : memref<128x128xf32, #tpu.memory_space<vmem>>, vector<1x16xf32>,
          %get3A_305 = arith.index_cast %scan3A_205 : i32 to index
          %get3A_306 = arith.constant 96 : index
          %get3A_307 = tpu.vector_load %arg10[%get3A_305, %get3A_306] {strides = array<i32>} : memref<128x128xf32, #tpu.memory_space<vmem>>, vector<1x16xf32>,
          %get3A_308 = vector.shape_cast %get3A_307 : vector<1x16xf32> to vector<16xf32>
          %get3A_309 = arith.index_cast %scan3A_205 : i32 to index
          %get3A_310 = arith.constant 96 : index
          %get3A_311 = tpu.vector_load %arg11[%get3A_309, %get3A_310] {strides = array<i32>} : memref<128x128xf32, #tpu.memory_space<vmem>>, vector<1x16xf32>,
          %get3A_312 = vector.shape_cast %get3A_311 : vector<1x16xf32> to vector<16xf32>
          %add3A_313 = arith.addf %get3A_308, %get3A_312 : vector<16xf32>
          %max3A_314 = arith.constant 0.000000e+00 : f32
          %max3A_315 = vector.broadcast %max3A_314 : f32 to vector<16xf32>
          %max3A_316 = arith.maximumf %add3A_313, %max3A_315 : vector<16xf32>
          %swap3A_317 = arith.index_cast %scan3A_205 : i32 to index
          %swap3A_318 = arith.constant 96 : index
          %swap3A_319 = tpu.vector_load %arg10[%swap3A_317, %swap3A_318] {strides = array<i32>} : memref<128x128xf32, #tpu.memory_space<vmem>>, vector<1x16xf32>,
          %swap3A_320 = vector.shape_cast %swap3A_319 : vector<1x16xf32> to vector<16xf32>
          %swap3A_321 = vector.shape_cast %max3A_316 : vector<16xf32> to vector<1x16xf32>
          tpu.vector_store %arg10[%swap3A_317, %swap3A_318], %swap3A_321 {strides = array<i32>} : memref<128x128xf32, #tpu.memory_space<vmem>>, vector<1x16xf32>,
          %get3A_322 = arith.index_cast %scan3A_205 : i32 to index
          %get3A_323 = arith.constant 112 : index
          %get3A_324 = tpu.vector_load %arg10[%get3A_322, %get3A_323] {strides = array<i32>} : memref<128x128xf32, #tpu.memory_space<vmem>>, vector<1x16xf32>,
          %get3A_325 = vector.shape_cast %get3A_324 : vector<1x16xf32> to vector<16xf32>
          %get3A_326 = arith.index_cast %scan3A_205 : i32 to index
          %get3A_327 = arith.constant 112 : index
          %get3A_328 = tpu.vector_load %arg11[%get3A_326, %get3A_327] {strides = array<i32>} : memref<128x128xf32, #tpu.memory_space<vmem>>, vector<1x16xf32>,
          %get3A_329 = vector.shape_cast %get3A_328 : vector<1x16xf32> to vector<16xf32>
          %add3A_330 = arith.addf %get3A_325, %get3A_329 : vector<16xf32>
          %max3A_331 = arith.constant 0.000000e+00 : f32
          %max3A_332 = vector.broadcast %max3A_331 : f32 to vector<16xf32>
          %max3A_333 = arith.maximumf %add3A_330, %max3A_332 : vector<16xf32>
          %swap3A_334 = arith.index_cast %scan3A_205 : i32 to index
          %swap3A_335 = arith.constant 112 : index
          %swap3A_336 = tpu.vector_load %arg10[%swap3A_334, %swap3A_335] {strides = array<i32>} : memref<128x128xf32, #tpu.memory_space<vmem>>, vector<1x16xf32>,
          %swap3A_337 = vector.shape_cast %swap3A_336 : vector<1x16xf32> to vector<16xf32>
          %swap3A_338 = vector.shape_cast %max3A_333 : vector<16xf32> to vector<1x16xf32>
          tpu.vector_store %arg10[%swap3A_334, %swap3A_335], %swap3A_338 {strides = array<i32>} : memref<128x128xf32, #tpu.memory_space<vmem>>, vector<1x16xf32>,
        }
        %scan3A_196 = arith.constant 128 : i32
        %dma_start3A_197 = arith.constant 0 : i32
        %dma_start3A_198 = arith.constant 1 : i32
        %dma_start3A_199 = arith.constant 0 : i32
        %dma_start3A_200 = tpu.memref_slice %arg8[%dma_start3A_197, %dma_start3A_198, %dma_start3A_199] : memref<1x2x128xi32, #tpu.memory_space<vmem>> -> memref<1x1x128xi32, #tpu.memory_space<vmem>>
        %dma_start3A_201 = tpu.memref_squeeze %dma_start3A_200 : memref<1x1x128xi32, #tpu.memory_space<vmem>> -> memref<128xi32, #tpu.memory_space<vmem>>
        %dma_start3A_202 = arith.constant 0 : i32
        %dma_start3A_203 = arith.constant 0 : i32
        %dma_start3A_204 = tpu.memref_slice %arg12[%dma_start3A_202, %dma_start3A_203] : memref<10112x128xf32, #tpu.memory_space<vmem_shared>> -> memref<10112x128xf32, #tpu.memory_space<vmem_shared>>
        tpu.enqueue_indirect_dma source(%arg10 : memref<128x128xf32, #tpu.memory_space<vmem>>) target(%dma_start3A_204 : memref<10112x128xf32, #tpu.memory_space<vmem_shared>>) offsets(%dma_start3A_201 : memref<128xi32, #tpu.memory_space<vmem>>) semaphore(%arg15 : memref<!tpu.dma_semaphore, #tpu.memory_space<semaphore_mem>>) {add = true}
      }
      %scan3A_57 = arith.constant 80 : i32
      %add3A_58 = arith.constant 0 : i32
      %add3A_59 = arith.addi %mul3A_15, %add3A_58 : i32
      %dma_wait3A = arith.constant 1 : i32
      %dma_wait3A_60 = arith.constant 0 : i32
      %dma_wait3A_61 = arith.constant 0 : i32
      %dma_wait3A_62 = tpu.memref_slice %arg12[%dma_wait3A_60, %dma_wait3A_61] : memref<10112x128xf32, #tpu.memory_space<vmem_shared>> -> memref<128x128xf32, #tpu.memory_space<vmem_shared>>
      %dma_wait3A_63 = arith.constant 0 : i32
      %dma_wait3A_64 = tpu.memref_slice %arg4[%dma_wait3A, %add3A_59, %dma_wait3A_63] : memref<2x327680x128xf32, #tpu.memory_space<hbm>> -> memref<1x128x128xf32, #tpu.memory_space<hbm>>
      %dma_wait3A_65 = tpu.memref_squeeze %dma_wait3A_64 : memref<1x128x128xf32, #tpu.memory_space<hbm>> -> memref<128x128xf32, #tpu.memory_space<hbm>>
      tpu.wait_dma2 semaphore(%arg15 : memref<!tpu.dma_semaphore, #tpu.memory_space<semaphore_mem>>) src(%dma_wait3A_65 : memref<128x128xf32, #tpu.memory_space<hbm>>) dst(%dma_wait3A_62 : memref<128x128xf32, #tpu.memory_space<vmem_shared>>)
    } else {
    }
    %barrier3A_25 = arith.constant 0 : index
    tpu.barrier barrier_id(%barrier3A_25)
    "tpu.region"() ({
      %run_scoped3A = tpu.sem_alloc : memref<!tpu.dma_semaphore, #tpu.memory_space<semaphore_mem>>
      %dma_start3A = arith.constant 0 : i32
      %dma_start3A_26 = tpu.memref_slice %arg6[%arg0, %mul3A_4, %dma_start3A] : memref<2x10112x128xf32, #tpu.memory_space<hbm>> -> memref<1x632x128xf32, #tpu.memory_space<hbm>>
      %dma_start3A_27 = tpu.memref_squeeze %dma_start3A_26 : memref<1x632x128xf32, #tpu.memory_space<hbm>> -> memref<632x128xf32, #tpu.memory_space<hbm>>
      %dma_start3A_28 = arith.constant 0 : i32
      %dma_start3A_29 = tpu.memref_slice %arg12[%mul3A_4, %dma_start3A_28] : memref<10112x128xf32, #tpu.memory_space<vmem_shared>> -> memref<632x128xf32, #tpu.memory_space<vmem_shared>>
      tpu.enqueue_dma source(%dma_start3A_29 : memref<632x128xf32, #tpu.memory_space<vmem_shared>>) target(%dma_start3A_27 : memref<632x128xf32, #tpu.memory_space<hbm>>) target_semaphore(%run_scoped3A : memref<!tpu.dma_semaphore, #tpu.memory_space<semaphore_mem>>)
      %dma_wait3A = arith.constant 0 : i32
      %dma_wait3A_30 = tpu.memref_slice %arg6[%arg0, %mul3A_4, %dma_wait3A] : memref<2x10112x128xf32, #tpu.memory_space<hbm>> -> memref<1x632x128xf32, #tpu.memory_space<hbm>>
      %dma_wait3A_31 = tpu.memref_squeeze %dma_wait3A_30 : memref<1x632x128xf32, #tpu.memory_space<hbm>> -> memref<632x128xf32, #tpu.memory_space<hbm>>
      %dma_wait3A_32 = arith.constant 0 : i32
      %dma_wait3A_33 = tpu.memref_slice %arg12[%mul3A_4, %dma_wait3A_32] : memref<10112x128xf32, #tpu.memory_space<vmem_shared>> -> memref<632x128xf32, #tpu.memory_space<vmem_shared>>
      tpu.wait_dma2 semaphore(%run_scoped3A : memref<!tpu.dma_semaphore, #tpu.memory_space<semaphore_mem>>) src(%dma_wait3A_33 : memref<632x128xf32, #tpu.memory_space<vmem_shared>>) dst(%dma_wait3A_31 : memref<632x128xf32, #tpu.memory_space<hbm>>)
      tpu.yield
    }) : () -> ()
    return
  }
}

#map = affine_map<(d0, d1) -> (0, 0)>
#map1 = affine_map<(d0, d1) -> (0, 0, 0)>
module attributes {stable_mosaic.version = 14 : i64} {
  func.func @k(%arg0: i32, %arg1: i32, %arg2: memref<10000x128xf32, #tpu.memory_space<hbm>>, %arg3: memref<10000x128xf32, #tpu.memory_space<hbm>>, %arg4: memref<2x327680x128xf32, #tpu.memory_space<hbm>>, %arg5: memref<2560x2x128xi32, #tpu.memory_space<hbm>>, %arg6: memref<2x10112x128xf32, #tpu.memory_space<hbm>>, %arg7: memref<1x2x128xi32, #tpu.memory_space<vmem>>, %arg8: memref<1x2x128xi32, #tpu.memory_space<vmem>>, %arg9: memref<128x128xf32, #tpu.memory_space<vmem>>, %arg10: memref<128x128xf32, #tpu.memory_space<vmem>>, %arg11: memref<128x128xf32, #tpu.memory_space<vmem>>, %arg12: memref<10112x128xf32, #tpu.memory_space<vmem_shared>>, %arg13: memref<!tpu.dma_semaphore, #tpu.memory_space<semaphore_mem>>, %arg14: memref<!tpu.dma_semaphore, #tpu.memory_space<semaphore_mem>>, %arg15: memref<!tpu.dma_semaphore, #tpu.memory_space<semaphore_mem>>) attributes {dimension_semantics = [#tpu.dimension_semantics<core_parallel>, #tpu.dimension_semantics<subcore_parallel>], iteration_bounds = array<i64: 2, 16>, scalar_prefetch = 0 : i64, scratch_operands = 9 : i64, tpu.core_type = #tpu.core_type<sc_vector_subcore>, window_params = [{transform_indices = #map}, {transform_indices = #map}, {transform_indices = #map1}, {transform_indices = #map1}, {transform_indices = #map1}]} {
    %scan3A = arith.constant 0 : i32
    %scan3A_0 = arith.constant 128 : i32
    %scan3A_1 = arith.addi %scan3A, %scan3A_0 : i32
    %scan3A_2 = arith.constant 1 : i32
    scf.for %scan3A_26 = %scan3A to %scan3A_1 step %scan3A_2  : i32 {
      %broadcast_in_dim3A = arith.constant 0.000000e+00 : f32
      %broadcast_in_dim3A_27 = vector.broadcast %broadcast_in_dim3A : f32 to vector<16xf32>
      %swap3A = arith.index_cast %scan3A_26 : i32 to index
      %swap3A_28 = arith.constant 0 : index
      %swap3A_29 = tpu.vector_load %arg9[%swap3A, %swap3A_28] {strides = array<i32>} : memref<128x128xf32, #tpu.memory_space<vmem>>, vector<1x16xf32>,
      %swap3A_30 = vector.shape_cast %swap3A_29 : vector<1x16xf32> to vector<16xf32>
      %swap3A_31 = vector.shape_cast %broadcast_in_dim3A_27 : vector<16xf32> to vector<1x16xf32>
      tpu.vector_store %arg9[%swap3A, %swap3A_28], %swap3A_31 {strides = array<i32>} : memref<128x128xf32, #tpu.memory_space<vmem>>, vector<1x16xf32>,
      %broadcast_in_dim3A_32 = arith.constant 0.000000e+00 : f32
      %broadcast_in_dim3A_33 = vector.broadcast %broadcast_in_dim3A_32 : f32 to vector<16xf32>
      %swap3A_34 = arith.index_cast %scan3A_26 : i32 to index
      %swap3A_35 = arith.constant 16 : index
      %swap3A_36 = tpu.vector_load %arg9[%swap3A_34, %swap3A_35] {strides = array<i32>} : memref<128x128xf32, #tpu.memory_space<vmem>>, vector<1x16xf32>,
      %swap3A_37 = vector.shape_cast %swap3A_36 : vector<1x16xf32> to vector<16xf32>
      %swap3A_38 = vector.shape_cast %broadcast_in_dim3A_33 : vector<16xf32> to vector<1x16xf32>
      tpu.vector_store %arg9[%swap3A_34, %swap3A_35], %swap3A_38 {strides = array<i32>} : memref<128x128xf32, #tpu.memory_space<vmem>>, vector<1x16xf32>,
      %broadcast_in_dim3A_39 = arith.constant 0.000000e+00 : f32
      %broadcast_in_dim3A_40 = vector.broadcast %broadcast_in_dim3A_39 : f32 to vector<16xf32>
      %swap3A_41 = arith.index_cast %scan3A_26 : i32 to index
      %swap3A_42 = arith.constant 32 : index
      %swap3A_43 = tpu.vector_load %arg9[%swap3A_41, %swap3A_42] {strides = array<i32>} : memref<128x128xf32, #tpu.memory_space<vmem>>, vector<1x16xf32>,
      %swap3A_44 = vector.shape_cast %swap3A_43 : vector<1x16xf32> to vector<16xf32>
      %swap3A_45 = vector.shape_cast %broadcast_in_dim3A_40 : vector<16xf32> to vector<1x16xf32>
      tpu.vector_store %arg9[%swap3A_41, %swap3A_42], %swap3A_45 {strides = array<i32>} : memref<128x128xf32, #tpu.memory_space<vmem>>, vector<1x16xf32>,
      %broadcast_in_dim3A_46 = arith.constant 0.000000e+00 : f32
      %broadcast_in_dim3A_47 = vector.broadcast %broadcast_in_dim3A_46 : f32 to vector<16xf32>
      %swap3A_48 = arith.index_cast %scan3A_26 : i32 to index
      %swap3A_49 = arith.constant 48 : index
      %swap3A_50 = tpu.vector_load %arg9[%swap3A_48, %swap3A_49] {strides = array<i32>} : memref<128x128xf32, #tpu.memory_space<vmem>>, vector<1x16xf32>,
      %swap3A_51 = vector.shape_cast %swap3A_50 : vector<1x16xf32> to vector<16xf32>
      %swap3A_52 = vector.shape_cast %broadcast_in_dim3A_47 : vector<16xf32> to vector<1x16xf32>
      tpu.vector_store %arg9[%swap3A_48, %swap3A_49], %swap3A_52 {strides = array<i32>} : memref<128x128xf32, #tpu.memory_space<vmem>>, vector<1x16xf32>,
      %broadcast_in_dim3A_53 = arith.constant 0.000000e+00 : f32
      %broadcast_in_dim3A_54 = vector.broadcast %broadcast_in_dim3A_53 : f32 to vector<16xf32>
      %swap3A_55 = arith.index_cast %scan3A_26 : i32 to index
      %swap3A_56 = arith.constant 64 : index
      %swap3A_57 = tpu.vector_load %arg9[%swap3A_55, %swap3A_56] {strides = array<i32>} : memref<128x128xf32, #tpu.memory_space<vmem>>, vector<1x16xf32>,
      %swap3A_58 = vector.shape_cast %swap3A_57 : vector<1x16xf32> to vector<16xf32>
      %swap3A_59 = vector.shape_cast %broadcast_in_dim3A_54 : vector<16xf32> to vector<1x16xf32>
      tpu.vector_store %arg9[%swap3A_55, %swap3A_56], %swap3A_59 {strides = array<i32>} : memref<128x128xf32, #tpu.memory_space<vmem>>, vector<1x16xf32>,
      %broadcast_in_dim3A_60 = arith.constant 0.000000e+00 : f32
      %broadcast_in_dim3A_61 = vector.broadcast %broadcast_in_dim3A_60 : f32 to vector<16xf32>
      %swap3A_62 = arith.index_cast %scan3A_26 : i32 to index
      %swap3A_63 = arith.constant 80 : index
      %swap3A_64 = tpu.vector_load %arg9[%swap3A_62, %swap3A_63] {strides = array<i32>} : memref<128x128xf32, #tpu.memory_space<vmem>>, vector<1x16xf32>,
      %swap3A_65 = vector.shape_cast %swap3A_64 : vector<1x16xf32> to vector<16xf32>
      %swap3A_66 = vector.shape_cast %broadcast_in_dim3A_61 : vector<16xf32> to vector<1x16xf32>
      tpu.vector_store %arg9[%swap3A_62, %swap3A_63], %swap3A_66 {strides = array<i32>} : memref<128x128xf32, #tpu.memory_space<vmem>>, vector<1x16xf32>,
      %broadcast_in_dim3A_67 = arith.constant 0.000000e+00 : f32
      %broadcast_in_dim3A_68 = vector.broadcast %broadcast_in_dim3A_67 : f32 to vector<16xf32>
      %swap3A_69 = arith.index_cast %scan3A_26 : i32 to index
      %swap3A_70 = arith.constant 96 : index
      %swap3A_71 = tpu.vector_load %arg9[%swap3A_69, %swap3A_70] {strides = array<i32>} : memref<128x128xf32, #tpu.memory_space<vmem>>, vector<1x16xf32>,
      %swap3A_72 = vector.shape_cast %swap3A_71 : vector<1x16xf32> to vector<16xf32>
      %swap3A_73 = vector.shape_cast %broadcast_in_dim3A_68 : vector<16xf32> to vector<1x16xf32>
      tpu.vector_store %arg9[%swap3A_69, %swap3A_70], %swap3A_73 {strides = array<i32>} : memref<128x128xf32, #tpu.memory_space<vmem>>, vector<1x16xf32>,
      %broadcast_in_dim3A_74 = arith.constant 0.000000e+00 : f32
      %broadcast_in_dim3A_75 = vector.broadcast %broadcast_in_dim3A_74 : f32 to vector<16xf32>
      %swap3A_76 = arith.index_cast %scan3A_26 : i32 to index
      %swap3A_77 = arith.constant 112 : index
      %swap3A_78 = tpu.vector_load %arg9[%swap3A_76, %swap3A_77] {strides = array<i32>} : memref<128x128xf32, #tpu.memory_space<vmem>>, vector<1x16xf32>,
      %swap3A_79 = vector.shape_cast %swap3A_78 : vector<1x16xf32> to vector<16xf32>
      %swap3A_80 = vector.shape_cast %broadcast_in_dim3A_75 : vector<16xf32> to vector<1x16xf32>
      tpu.vector_store %arg9[%swap3A_76, %swap3A_77], %swap3A_80 {strides = array<i32>} : memref<128x128xf32, #tpu.memory_space<vmem>>, vector<1x16xf32>,
    }
    %scan3A_3 = arith.constant 128 : i32
    %mul3A = arith.constant 632 : i32
    %mul3A_4 = arith.muli %arg1, %mul3A : i32
    %add3A = arith.constant 0 : i32
    %add3A_5 = arith.addi %mul3A_4, %add3A : i32
    "tpu.region"() ({
      %run_scoped3A = tpu.sem_alloc : memref<!tpu.dma_semaphore, #tpu.memory_space<semaphore_mem>>
      %dma_start3A = arith.constant 0 : i32
      %dma_start3A_26 = tpu.memref_slice %arg12[%add3A_5, %dma_start3A] : memref<10112x128xf32, #tpu.memory_space<vmem_shared>> -> memref<128x128xf32, #tpu.memory_space<vmem_shared>>
      %dma_start3A_27 = arith.constant 0 : i32
      %dma_start3A_28 = tpu.memref_slice %arg12[%add3A_5, %dma_start3A_27] : memref<10112x128xf32, #tpu.memory_space<vmem_shared>> -> memref<128x128xf32, #tpu.memory_space<vmem_shared>>
      tpu.enqueue_dma source(%arg9 : memref<128x128xf32, #tpu.memory_space<vmem>>) target(%dma_start3A_28 : memref<128x128xf32, #tpu.memory_space<vmem_shared>>) target_semaphore(%run_scoped3A : memref<!tpu.dma_semaphore, #tpu.memory_space<semaphore_mem>>)
      %dma_wait3A = arith.constant 0 : i32
      %dma_wait3A_29 = tpu.memref_slice %arg12[%add3A_5, %dma_wait3A] : memref<10112x128xf32, #tpu.memory_space<vmem_shared>> -> memref<128x128xf32, #tpu.memory_space<vmem_shared>>
      %dma_wait3A_30 = arith.constant 0 : i32
      %dma_wait3A_31 = tpu.memref_slice %arg12[%add3A_5, %dma_wait3A_30] : memref<10112x128xf32, #tpu.memory_space<vmem_shared>> -> memref<128x128xf32, #tpu.memory_space<vmem_shared>>
      tpu.wait_dma2 semaphore(%run_scoped3A : memref<!tpu.dma_semaphore, #tpu.memory_space<semaphore_mem>>) src(%arg9 : memref<128x128xf32, #tpu.memory_space<vmem>>) dst(%dma_wait3A_31 : memref<128x128xf32, #tpu.memory_space<vmem_shared>>)
      tpu.yield
    }) : () -> ()
    %add3A_6 = arith.constant 128 : i32
    %add3A_7 = arith.addi %mul3A_4, %add3A_6 : i32
    "tpu.region"() ({
      %run_scoped3A = tpu.sem_alloc : memref<!tpu.dma_semaphore, #tpu.memory_space<semaphore_mem>>
      %dma_start3A = arith.constant 0 : i32
      %dma_start3A_26 = tpu.memref_slice %arg12[%add3A_7, %dma_start3A] : memref<10112x128xf32, #tpu.memory_space<vmem_shared>> -> memref<128x128xf32, #tpu.memory_space<vmem_shared>>
      %dma_start3A_27 = arith.constant 0 : i32
      %dma_start3A_28 = tpu.memref_slice %arg12[%add3A_7, %dma_start3A_27] : memref<10112x128xf32, #tpu.memory_space<vmem_shared>> -> memref<128x128xf32, #tpu.memory_space<vmem_shared>>
      tpu.enqueue_dma source(%arg9 : memref<128x128xf32, #tpu.memory_space<vmem>>) target(%dma_start3A_28 : memref<128x128xf32, #tpu.memory_space<vmem_shared>>) target_semaphore(%run_scoped3A : memref<!tpu.dma_semaphore, #tpu.memory_space<semaphore_mem>>)
      %dma_wait3A = arith.constant 0 : i32
      %dma_wait3A_29 = tpu.memref_slice %arg12[%add3A_7, %dma_wait3A] : memref<10112x128xf32, #tpu.memory_space<vmem_shared>> -> memref<128x128xf32, #tpu.memory_space<vmem_shared>>
      %dma_wait3A_30 = arith.constant 0 : i32
      %dma_wait3A_31 = tpu.memref_slice %arg12[%add3A_7, %dma_wait3A_30] : memref<10112x128xf32, #tpu.memory_space<vmem_shared>> -> memref<128x128xf32, #tpu.memory_space<vmem_shared>>
      tpu.wait_dma2 semaphore(%run_scoped3A : memref<!tpu.dma_semaphore, #tpu.memory_space<semaphore_mem>>) src(%arg9 : memref<128x128xf32, #tpu.memory_space<vmem>>) dst(%dma_wait3A_31 : memref<128x128xf32, #tpu.memory_space<vmem_shared>>)
      tpu.yield
    }) : () -> ()
    %add3A_8 = arith.constant 256 : i32
    %add3A_9 = arith.addi %mul3A_4, %add3A_8 : i32
    "tpu.region"() ({
      %run_scoped3A = tpu.sem_alloc : memref<!tpu.dma_semaphore, #tpu.memory_space<semaphore_mem>>
      %dma_start3A = arith.constant 0 : i32
      %dma_start3A_26 = tpu.memref_slice %arg12[%add3A_9, %dma_start3A] : memref<10112x128xf32, #tpu.memory_space<vmem_shared>> -> memref<128x128xf32, #tpu.memory_space<vmem_shared>>
      %dma_start3A_27 = arith.constant 0 : i32
      %dma_start3A_28 = tpu.memref_slice %arg12[%add3A_9, %dma_start3A_27] : memref<10112x128xf32, #tpu.memory_space<vmem_shared>> -> memref<128x128xf32, #tpu.memory_space<vmem_shared>>
      tpu.enqueue_dma source(%arg9 : memref<128x128xf32, #tpu.memory_space<vmem>>) target(%dma_start3A_28 : memref<128x128xf32, #tpu.memory_space<vmem_shared>>) target_semaphore(%run_scoped3A : memref<!tpu.dma_semaphore, #tpu.memory_space<semaphore_mem>>)
      %dma_wait3A = arith.constant 0 : i32
      %dma_wait3A_29 = tpu.memref_slice %arg12[%add3A_9, %dma_wait3A] : memref<10112x128xf32, #tpu.memory_space<vmem_shared>> -> memref<128x128xf32, #tpu.memory_space<vmem_shared>>
      %dma_wait3A_30 = arith.constant 0 : i32
      %dma_wait3A_31 = tpu.memref_slice %arg12[%add3A_9, %dma_wait3A_30] : memref<10112x128xf32, #tpu.memory_space<vmem_shared>> -> memref<128x128xf32, #tpu.memory_space<vmem_shared>>
      tpu.wait_dma2 semaphore(%run_scoped3A : memref<!tpu.dma_semaphore, #tpu.memory_space<semaphore_mem>>) src(%arg9 : memref<128x128xf32, #tpu.memory_space<vmem>>) dst(%dma_wait3A_31 : memref<128x128xf32, #tpu.memory_space<vmem_shared>>)
      tpu.yield
    }) : () -> ()
    %add3A_10 = arith.constant 384 : i32
    %add3A_11 = arith.addi %mul3A_4, %add3A_10 : i32
    "tpu.region"() ({
      %run_scoped3A = tpu.sem_alloc : memref<!tpu.dma_semaphore, #tpu.memory_space<semaphore_mem>>
      %dma_start3A = arith.constant 0 : i32
      %dma_start3A_26 = tpu.memref_slice %arg12[%add3A_11, %dma_start3A] : memref<10112x128xf32, #tpu.memory_space<vmem_shared>> -> memref<128x128xf32, #tpu.memory_space<vmem_shared>>
      %dma_start3A_27 = arith.constant 0 : i32
      %dma_start3A_28 = tpu.memref_slice %arg12[%add3A_11, %dma_start3A_27] : memref<10112x128xf32, #tpu.memory_space<vmem_shared>> -> memref<128x128xf32, #tpu.memory_space<vmem_shared>>
      tpu.enqueue_dma source(%arg9 : memref<128x128xf32, #tpu.memory_space<vmem>>) target(%dma_start3A_28 : memref<128x128xf32, #tpu.memory_space<vmem_shared>>) target_semaphore(%run_scoped3A : memref<!tpu.dma_semaphore, #tpu.memory_space<semaphore_mem>>)
      %dma_wait3A = arith.constant 0 : i32
      %dma_wait3A_29 = tpu.memref_slice %arg12[%add3A_11, %dma_wait3A] : memref<10112x128xf32, #tpu.memory_space<vmem_shared>> -> memref<128x128xf32, #tpu.memory_space<vmem_shared>>
      %dma_wait3A_30 = arith.constant 0 : i32
      %dma_wait3A_31 = tpu.memref_slice %arg12[%add3A_11, %dma_wait3A_30] : memref<10112x128xf32, #tpu.memory_space<vmem_shared>> -> memref<128x128xf32, #tpu.memory_space<vmem_shared>>
      tpu.wait_dma2 semaphore(%run_scoped3A : memref<!tpu.dma_semaphore, #tpu.memory_space<semaphore_mem>>) src(%arg9 : memref<128x128xf32, #tpu.memory_space<vmem>>) dst(%dma_wait3A_31 : memref<128x128xf32, #tpu.memory_space<vmem_shared>>)
      tpu.yield
    }) : () -> ()
    %add3A_12 = arith.constant 512 : i32
    %add3A_13 = arith.addi %mul3A_4, %add3A_12 : i32
    "tpu.region"() ({
      %run_scoped3A = tpu.sem_alloc : memref<!tpu.dma_semaphore, #tpu.memory_space<semaphore_mem>>
      %dma_start3A = arith.constant 0 : i32
      %dma_start3A_26 = arith.constant 0 : i32
      %dma_start3A_27 = tpu.memref_slice %arg9[%dma_start3A, %dma_start3A_26] : memref<128x128xf32, #tpu.memory_space<vmem>> -> memref<120x128xf32, #tpu.memory_space<vmem>>
      %dma_start3A_28 = arith.constant 0 : i32
      %dma_start3A_29 = tpu.memref_slice %arg12[%add3A_13, %dma_start3A_28] : memref<10112x128xf32, #tpu.memory_space<vmem_shared>> -> memref<120x128xf32, #tpu.memory_space<vmem_shared>>
      %dma_start3A_30 = arith.constant 0 : i32
      %dma_start3A_31 = tpu.memref_slice %arg12[%add3A_13, %dma_start3A_30] : memref<10112x128xf32, #tpu.memory_space<vmem_shared>> -> memref<120x128xf32, #tpu.memory_space<vmem_shared>>
      %dma_start3A_32 = arith.constant 0 : i32
      %dma_start3A_33 = arith.constant 0 : i32
      %dma_start3A_34 = tpu.memref_slice %arg9[%dma_start3A_32, %dma_start3A_33] : memref<128x128xf32, #tpu.memory_space<vmem>> -> memref<120x128xf32, #tpu.memory_space<vmem>>
      tpu.enqueue_dma source(%dma_start3A_34 : memref<120x128xf32, #tpu.memory_space<vmem>>) target(%dma_start3A_31 : memref<120x128xf32, #tpu.memory_space<vmem_shared>>) target_semaphore(%run_scoped3A : memref<!tpu.dma_semaphore, #tpu.memory_space<semaphore_mem>>)
      %dma_wait3A = arith.constant 0 : i32
      %dma_wait3A_35 = arith.constant 0 : i32
      %dma_wait3A_36 = tpu.memref_slice %arg9[%dma_wait3A, %dma_wait3A_35] : memref<128x128xf32, #tpu.memory_space<vmem>> -> memref<120x128xf32, #tpu.memory_space<vmem>>
      %dma_wait3A_37 = arith.constant 0 : i32
      %dma_wait3A_38 = tpu.memref_slice %arg12[%add3A_13, %dma_wait3A_37] : memref<10112x128xf32, #tpu.memory_space<vmem_shared>> -> memref<120x128xf32, #tpu.memory_space<vmem_shared>>
      %dma_wait3A_39 = arith.constant 0 : i32
      %dma_wait3A_40 = tpu.memref_slice %arg12[%add3A_13, %dma_wait3A_39] : memref<10112x128xf32, #tpu.memory_space<vmem_shared>> -> memref<120x128xf32, #tpu.memory_space<vmem_shared>>
      %dma_wait3A_41 = arith.constant 0 : i32
      %dma_wait3A_42 = arith.constant 0 : i32
      %dma_wait3A_43 = tpu.memref_slice %arg9[%dma_wait3A_41, %dma_wait3A_42] : memref<128x128xf32, #tpu.memory_space<vmem>> -> memref<120x128xf32, #tpu.memory_space<vmem>>
      tpu.wait_dma2 semaphore(%run_scoped3A : memref<!tpu.dma_semaphore, #tpu.memory_space<semaphore_mem>>) src(%dma_wait3A_43 : memref<120x128xf32, #tpu.memory_space<vmem>>) dst(%dma_wait3A_40 : memref<120x128xf32, #tpu.memory_space<vmem_shared>>)
      tpu.yield
    }) : () -> ()
    %barrier3A = arith.constant 0 : index
    tpu.barrier barrier_id(%barrier3A)
    %mul3A_14 = arith.constant 20480 : i32
    %mul3A_15 = arith.muli %arg1, %mul3A_14 : i32
    %mul3A_16 = arith.constant 160 : i32
    %mul3A_17 = arith.muli %arg1, %mul3A_16 : i32
    %eq3A = arith.constant 0 : i32
    %eq3A_18 = arith.cmpi eq, %arg0, %eq3A : i32
    %convert_element_type3A = arith.extui %eq3A_18 : i1 to i32
    %cond3A = arith.constant 0 : i32
    %cond3A_19 = arith.cmpi ne, %convert_element_type3A, %cond3A : i32
    scf.if %cond3A_19 {
      %add3A_26 = arith.constant 0 : i32
      %add3A_27 = arith.addi %mul3A_17, %add3A_26 : i32
      %dma_start3A = arith.constant 0 : i32
      %dma_start3A_28 = arith.constant 0 : i32
      %dma_start3A_29 = arith.constant 0 : i32
      %dma_start3A_30 = tpu.memref_slice %arg7[%dma_start3A, %dma_start3A_28, %dma_start3A_29] : memref<1x2x128xi32, #tpu.memory_space<vmem>> -> memref<1x2x128xi32, #tpu.memory_space<vmem>>
      %dma_start3A_31 = tpu.memref_squeeze %dma_start3A_30 : memref<1x2x128xi32, #tpu.memory_space<vmem>> -> memref<2x128xi32, #tpu.memory_space<vmem>>
      %dma_start3A_32 = arith.constant 0 : i32
      %dma_start3A_33 = arith.constant 0 : i32
      %dma_start3A_34 = tpu.memref_slice %arg5[%add3A_27, %dma_start3A_32, %dma_start3A_33] : memref<2560x2x128xi32, #tpu.memory_space<hbm>> -> memref<1x2x128xi32, #tpu.memory_space<hbm>>
      %dma_start3A_35 = tpu.memref_squeeze %dma_start3A_34 : memref<1x2x128xi32, #tpu.memory_space<hbm>> -> memref<2x128xi32, #tpu.memory_space<hbm>>
      %dma_start3A_36 = arith.constant 0 : i32
      %dma_start3A_37 = arith.constant 0 : i32
      %dma_start3A_38 = tpu.memref_slice %arg7[%dma_start3A, %dma_start3A_36, %dma_start3A_37] : memref<1x2x128xi32, #tpu.memory_space<vmem>> -> memref<1x2x128xi32, #tpu.memory_space<vmem>>
      %dma_start3A_39 = tpu.memref_squeeze %dma_start3A_38 : memref<1x2x128xi32, #tpu.memory_space<vmem>> -> memref<2x128xi32, #tpu.memory_space<vmem>>
      %dma_start3A_40 = arith.constant 0 : i32
      %dma_start3A_41 = arith.constant 0 : i32
      %dma_start3A_42 = tpu.memref_slice %arg5[%add3A_27, %dma_start3A_40, %dma_start3A_41] : memref<2560x2x128xi32, #tpu.memory_space<hbm>> -> memref<1x2x128xi32, #tpu.memory_space<hbm>>
      %dma_start3A_43 = tpu.memref_squeeze %dma_start3A_42 : memref<1x2x128xi32, #tpu.memory_space<hbm>> -> memref<2x128xi32, #tpu.memory_space<hbm>>
      tpu.enqueue_dma source(%dma_start3A_43 : memref<2x128xi32, #tpu.memory_space<hbm>>) target(%dma_start3A_39 : memref<2x128xi32, #tpu.memory_space<vmem>>) target_semaphore(%arg13 : memref<!tpu.dma_semaphore, #tpu.memory_space<semaphore_mem>>)
      %add3A_44 = arith.constant 0 : i32
      %add3A_45 = arith.addi %mul3A_15, %add3A_44 : i32
      %dma_start3A_46 = arith.constant 0 : i32
      %dma_start3A_47 = arith.constant 0 : i32
      %dma_start3A_48 = tpu.memref_slice %arg4[%dma_start3A_46, %add3A_45, %dma_start3A_47] : memref<2x327680x128xf32, #tpu.memory_space<hbm>> -> memref<1x128x128xf32, #tpu.memory_space<hbm>>
      %dma_start3A_49 = tpu.memref_squeeze %dma_start3A_48 : memref<1x128x128xf32, #tpu.memory_space<hbm>> -> memref<128x128xf32, #tpu.memory_space<hbm>>
      %dma_start3A_50 = arith.constant 0 : i32
      %dma_start3A_51 = tpu.memref_slice %arg4[%dma_start3A_46, %add3A_45, %dma_start3A_50] : memref<2x327680x128xf32, #tpu.memory_space<hbm>> -> memref<1x128x128xf32, #tpu.memory_space<hbm>>
      %dma_start3A_52 = tpu.memref_squeeze %dma_start3A_51 : memref<1x128x128xf32, #tpu.memory_space<hbm>> -> memref<128x128xf32, #tpu.memory_space<hbm>>
      tpu.enqueue_dma source(%dma_start3A_52 : memref<128x128xf32, #tpu.memory_space<hbm>>) target(%arg9 : memref<128x128xf32, #tpu.memory_space<vmem>>) target_semaphore(%arg13 : memref<!tpu.dma_semaphore, #tpu.memory_space<semaphore_mem>>)
      %scan3A_53 = arith.constant 0 : i32
      %scan3A_54 = arith.constant 80 : i32
      %scan3A_55 = arith.addi %scan3A_53, %scan3A_54 : i32
      %scan3A_56 = arith.constant 1 : i32
      scf.for %scan3A_66 = %scan3A_53 to %scan3A_55 step %scan3A_56  : i32 {
        %mul3A_67 = arith.constant 2 : i32
        %mul3A_68 = arith.muli %mul3A_67, %scan3A_66 : i32
        %add3A_69 = arith.constant 0 : i32
        %add3A_70 = arith.addi %mul3A_68, %add3A_69 : i32
        %dma_wait3A_71 = arith.constant 0 : i32
        %dma_wait3A_72 = arith.constant 0 : i32
        %dma_wait3A_73 = arith.constant 0 : i32
        %dma_wait3A_74 = arith.constant 0 : i32
        %dma_wait3A_75 = tpu.memref_slice %arg7[%dma_wait3A_72, %dma_wait3A_73, %dma_wait3A_74] : memref<1x2x128xi32, #tpu.memory_space<vmem>> -> memref<1x2x128xi32, #tpu.memory_space<vmem>>
        %dma_wait3A_76 = tpu.memref_squeeze %dma_wait3A_75 : memref<1x2x128xi32, #tpu.memory_space<vmem>> -> memref<2x128xi32, #tpu.memory_space<vmem>>
        %dma_wait3A_77 = arith.constant 0 : i32
        %dma_wait3A_78 = arith.constant 0 : i32
        %dma_wait3A_79 = tpu.memref_slice %arg5[%dma_wait3A_71, %dma_wait3A_77, %dma_wait3A_78] : memref<2560x2x128xi32, #tpu.memory_space<hbm>> -> memref<1x2x128xi32, #tpu.memory_space<hbm>>
        %dma_wait3A_80 = tpu.memref_squeeze %dma_wait3A_79 : memref<1x2x128xi32, #tpu.memory_space<hbm>> -> memref<2x128xi32, #tpu.memory_space<hbm>>
        %dma_wait3A_81 = arith.constant 0 : i32
        %dma_wait3A_82 = arith.constant 0 : i32
        %dma_wait3A_83 = tpu.memref_slice %arg7[%dma_wait3A_72, %dma_wait3A_81, %dma_wait3A_82] : memref<1x2x128xi32, #tpu.memory_space<vmem>> -> memref<1x2x128xi32, #tpu.memory_space<vmem>>
        %dma_wait3A_84 = tpu.memref_squeeze %dma_wait3A_83 : memref<1x2x128xi32, #tpu.memory_space<vmem>> -> memref<2x128xi32, #tpu.memory_space<vmem>>
        %dma_wait3A_85 = arith.constant 0 : i32
        %dma_wait3A_86 = arith.constant 0 : i32
        %dma_wait3A_87 = tpu.memref_slice %arg5[%dma_wait3A_71, %dma_wait3A_85, %dma_wait3A_86] : memref<2560x2x128xi32, #tpu.memory_space<hbm>> -> memref<1x2x128xi32, #tpu.memory_space<hbm>>
        %dma_wait3A_88 = tpu.memref_squeeze %dma_wait3A_87 : memref<1x2x128xi32, #tpu.memory_space<hbm>> -> memref<2x128xi32, #tpu.memory_space<hbm>>
        tpu.wait_dma2 semaphore(%arg13 : memref<!tpu.dma_semaphore, #tpu.memory_space<semaphore_mem>>) src(%dma_wait3A_88 : memref<2x128xi32, #tpu.memory_space<hbm>>) dst(%dma_wait3A_84 : memref<2x128xi32, #tpu.memory_space<vmem>>)
        %add3A_89 = arith.constant 0 : i32
        %add3A_90 = arith.addi %mul3A_15, %add3A_89 : i32
        %dma_wait3A_91 = arith.constant 0 : i32
        %dma_wait3A_92 = arith.constant 0 : i32
        %dma_wait3A_93 = tpu.memref_slice %arg4[%dma_wait3A_91, %add3A_90, %dma_wait3A_92] : memref<2x327680x128xf32, #tpu.memory_space<hbm>> -> memref<1x128x128xf32, #tpu.memory_space<hbm>>
        %dma_wait3A_94 = tpu.memref_squeeze %dma_wait3A_93 : memref<1x128x128xf32, #tpu.memory_space<hbm>> -> memref<128x128xf32, #tpu.memory_space<hbm>>
        %dma_wait3A_95 = arith.constant 0 : i32
        %dma_wait3A_96 = tpu.memref_slice %arg4[%dma_wait3A_91, %add3A_90, %dma_wait3A_95] : memref<2x327680x128xf32, #tpu.memory_space<hbm>> -> memref<1x128x128xf32, #tpu.memory_space<hbm>>
        %dma_wait3A_97 = tpu.memref_squeeze %dma_wait3A_96 : memref<1x128x128xf32, #tpu.memory_space<hbm>> -> memref<128x128xf32, #tpu.memory_space<hbm>>
        tpu.wait_dma2 semaphore(%arg13 : memref<!tpu.dma_semaphore, #tpu.memory_space<semaphore_mem>>) src(%dma_wait3A_97 : memref<128x128xf32, #tpu.memory_space<hbm>>) dst(%arg9 : memref<128x128xf32, #tpu.memory_space<vmem>>)
        %dma_start3A_98 = arith.constant 0 : i32
        %dma_start3A_99 = arith.constant 0 : i32
        %dma_start3A_100 = arith.constant 0 : i32
        %dma_start3A_101 = tpu.memref_slice %arg7[%dma_start3A_98, %dma_start3A_99, %dma_start3A_100] : memref<1x2x128xi32, #tpu.memory_space<vmem>> -> memref<1x1x128xi32, #tpu.memory_space<vmem>>
        %dma_start3A_102 = tpu.memref_squeeze %dma_start3A_101 : memref<1x1x128xi32, #tpu.memory_space<vmem>> -> memref<128xi32, #tpu.memory_space<vmem>>
        %dma_start3A_103 = arith.constant 0 : i32
        %dma_start3A_104 = arith.constant 0 : i32
        %dma_start3A_105 = tpu.memref_slice %arg2[%dma_start3A_103, %dma_start3A_104] : memref<10000x128xf32, #tpu.memory_space<hbm>> -> memref<10000x128xf32, #tpu.memory_space<hbm>>
        tpu.enqueue_indirect_dma source(%dma_start3A_105 : memref<10000x128xf32, #tpu.memory_space<hbm>>) target(%arg11 : memref<128x128xf32, #tpu.memory_space<vmem>>) offsets(%dma_start3A_102 : memref<128xi32, #tpu.memory_space<vmem>>) semaphore(%arg14 : memref<!tpu.dma_semaphore, #tpu.memory_space<semaphore_mem>>)
        %dma_wait3A_106 = arith.constant 0 : i32
        %dma_wait3A_107 = arith.constant 0 : i32
        %dma_wait3A_108 = arith.constant 0 : i32
        %dma_wait3A_109 = tpu.memref_slice %arg7[%dma_wait3A_106, %dma_wait3A_107, %dma_wait3A_108] : memref<1x2x128xi32, #tpu.memory_space<vmem>> -> memref<1x1x128xi32, #tpu.memory_space<vmem>>
        %dma_wait3A_110 = tpu.memref_squeeze %dma_wait3A_109 : memref<1x1x128xi32, #tpu.memory_space<vmem>> -> memref<128xi32, #tpu.memory_space<vmem>>
        %dma_wait3A_111 = arith.constant 0 : i32
        %dma_wait3A_112 = arith.constant 0 : i32
        %dma_wait3A_113 = tpu.memref_slice %arg2[%dma_wait3A_111, %dma_wait3A_112] : memref<10000x128xf32, #tpu.memory_space<hbm>> -> memref<10000x128xf32, #tpu.memory_space<hbm>>
        tpu.wait_indirect_dma semaphore(%arg14 : memref<!tpu.dma_semaphore, #tpu.memory_space<semaphore_mem>>) src(%dma_wait3A_113 : memref<10000x128xf32, #tpu.memory_space<hbm>>) dst(%arg11 : memref<128x128xf32, #tpu.memory_space<vmem>>)
        %ge3A = arith.constant 1 : i32
        %ge3A_114 = arith.cmpi sge, %add3A_70, %ge3A : i32
        %convert_element_type3A_115 = arith.extui %ge3A_114 : i1 to i32
        %cond3A_116 = arith.constant 0 : i32
        %cond3A_117 = arith.cmpi ne, %convert_element_type3A_115, %cond3A_116 : i32
        scf.if %cond3A_117 {
          %add3A_205 = arith.constant 0 : i32
          %add3A_206 = arith.addi %mul3A_15, %add3A_205 : i32
          %dma_wait3A_207 = arith.constant 0 : i32
          %dma_wait3A_208 = arith.constant 0 : i32
          %dma_wait3A_209 = arith.constant 0 : i32
          %dma_wait3A_210 = tpu.memref_slice %arg12[%dma_wait3A_208, %dma_wait3A_209] : memref<10112x128xf32, #tpu.memory_space<vmem_shared>> -> memref<128x128xf32, #tpu.memory_space<vmem_shared>>
          %dma_wait3A_211 = arith.constant 0 : i32
          %dma_wait3A_212 = tpu.memref_slice %arg4[%dma_wait3A_207, %add3A_206, %dma_wait3A_211] : memref<2x327680x128xf32, #tpu.memory_space<hbm>> -> memref<1x128x128xf32, #tpu.memory_space<hbm>>
          %dma_wait3A_213 = tpu.memref_squeeze %dma_wait3A_212 : memref<1x128x128xf32, #tpu.memory_space<hbm>> -> memref<128x128xf32, #tpu.memory_space<hbm>>
          tpu.wait_dma2 semaphore(%arg15 : memref<!tpu.dma_semaphore, #tpu.memory_space<semaphore_mem>>) src(%dma_wait3A_213 : memref<128x128xf32, #tpu.memory_space<hbm>>) dst(%dma_wait3A_210 : memref<128x128xf32, #tpu.memory_space<vmem_shared>>)
        } else {
        }
        %le3A = arith.constant 158 : i32
        %le3A_118 = arith.cmpi sle, %add3A_70, %le3A : i32
        %convert_element_type3A_119 = arith.extui %le3A_118 : i1 to i32
        %cond3A_120 = arith.constant 0 : i32
        %cond3A_121 = arith.cmpi ne, %convert_element_type3A_119, %cond3A_120 : i32
        scf.if %cond3A_121 {
          %add3A_205 = arith.constant 1 : i32
          %add3A_206 = arith.addi %add3A_70, %add3A_205 : i32
          %add3A_207 = arith.addi %mul3A_17, %add3A_206 : i32
          %dma_start3A_208 = arith.constant 0 : i32
          %dma_start3A_209 = arith.constant 0 : i32
          %dma_start3A_210 = arith.constant 0 : i32
          %dma_start3A_211 = tpu.memref_slice %arg8[%dma_start3A_208, %dma_start3A_209, %dma_start3A_210] : memref<1x2x128xi32, #tpu.memory_space<vmem>> -> memref<1x2x128xi32, #tpu.memory_space<vmem>>
          %dma_start3A_212 = tpu.memref_squeeze %dma_start3A_211 : memref<1x2x128xi32, #tpu.memory_space<vmem>> -> memref<2x128xi32, #tpu.memory_space<vmem>>
          %dma_start3A_213 = arith.constant 0 : i32
          %dma_start3A_214 = arith.constant 0 : i32
          %dma_start3A_215 = tpu.memref_slice %arg5[%add3A_207, %dma_start3A_213, %dma_start3A_214] : memref<2560x2x128xi32, #tpu.memory_space<hbm>> -> memref<1x2x128xi32, #tpu.memory_space<hbm>>
          %dma_start3A_216 = tpu.memref_squeeze %dma_start3A_215 : memref<1x2x128xi32, #tpu.memory_space<hbm>> -> memref<2x128xi32, #tpu.memory_space<hbm>>
          %dma_start3A_217 = arith.constant 0 : i32
          %dma_start3A_218 = arith.constant 0 : i32
          %dma_start3A_219 = tpu.memref_slice %arg8[%dma_start3A_208, %dma_start3A_217, %dma_start3A_218] : memref<1x2x128xi32, #tpu.memory_space<vmem>> -> memref<1x2x128xi32, #tpu.memory_space<vmem>>
          %dma_start3A_220 = tpu.memref_squeeze %dma_start3A_219 : memref<1x2x128xi32, #tpu.memory_space<vmem>> -> memref<2x128xi32, #tpu.memory_space<vmem>>
          %dma_start3A_221 = arith.constant 0 : i32
          %dma_start3A_222 = arith.constant 0 : i32
          %dma_start3A_223 = tpu.memref_slice %arg5[%add3A_207, %dma_start3A_221, %dma_start3A_222] : memref<2560x2x128xi32, #tpu.memory_space<hbm>> -> memref<1x2x128xi32, #tpu.memory_space<hbm>>
          %dma_start3A_224 = tpu.memref_squeeze %dma_start3A_223 : memref<1x2x128xi32, #tpu.memory_space<hbm>> -> memref<2x128xi32, #tpu.memory_space<hbm>>
          tpu.enqueue_dma source(%dma_start3A_224 : memref<2x128xi32, #tpu.memory_space<hbm>>) target(%dma_start3A_220 : memref<2x128xi32, #tpu.memory_space<vmem>>) target_semaphore(%arg13 : memref<!tpu.dma_semaphore, #tpu.memory_space<semaphore_mem>>)
          %mul3A_225 = arith.constant 128 : i32
          %mul3A_226 = arith.muli %add3A_206, %mul3A_225 : i32
          %add3A_227 = arith.addi %mul3A_15, %mul3A_226 : i32
          %dma_start3A_228 = arith.constant 0 : i32
          %dma_start3A_229 = arith.constant 0 : i32
          %dma_start3A_230 = tpu.memref_slice %arg4[%dma_start3A_228, %add3A_227, %dma_start3A_229] : memref<2x327680x128xf32, #tpu.memory_space<hbm>> -> memref<1x128x128xf32, #tpu.memory_space<hbm>>
          %dma_start3A_231 = tpu.memref_squeeze %dma_start3A_230 : memref<1x128x128xf32, #tpu.memory_space<hbm>> -> memref<128x128xf32, #tpu.memory_space<hbm>>
          %dma_start3A_232 = arith.constant 0 : i32
          %dma_start3A_233 = tpu.memref_slice %arg4[%dma_start3A_228, %add3A_227, %dma_start3A_232] : memref<2x327680x128xf32, #tpu.memory_space<hbm>> -> memref<1x128x128xf32, #tpu.memory_space<hbm>>
          %dma_start3A_234 = tpu.memref_squeeze %dma_start3A_233 : memref<1x128x128xf32, #tpu.memory_space<hbm>> -> memref<128x128xf32, #tpu.memory_space<hbm>>
          tpu.enqueue_dma source(%dma_start3A_234 : memref<128x128xf32, #tpu.memory_space<hbm>>) target(%arg10 : memref<128x128xf32, #tpu.memory_space<vmem>>) target_semaphore(%arg13 : memref<!tpu.dma_semaphore, #tpu.memory_space<semaphore_mem>>)
        } else {
        }
        %scan3A_122 = arith.constant 0 : i32
        %scan3A_123 = arith.constant 128 : i32
        %scan3A_124 = arith.addi %scan3A_122, %scan3A_123 : i32
        %scan3A_125 = arith.constant 1 : i32
        scf.for %scan3A_205 = %scan3A_122 to %scan3A_124 step %scan3A_125  : i32 {
          %get3A = arith.index_cast %scan3A_205 : i32 to index
          %get3A_206 = arith.constant 0 : index
          %get3A_207 = tpu.vector_load %arg9[%get3A, %get3A_206] {strides = array<i32>} : memref<128x128xf32, #tpu.memory_space<vmem>>, vector<1x16xf32>,
          %get3A_208 = vector.shape_cast %get3A_207 : vector<1x16xf32> to vector<16xf32>
          %get3A_209 = arith.index_cast %scan3A_205 : i32 to index
          %get3A_210 = arith.constant 0 : index
          %get3A_211 = tpu.vector_load %arg11[%get3A_209, %get3A_210] {strides = array<i32>} : memref<128x128xf32, #tpu.memory_space<vmem>>, vector<1x16xf32>,
          %get3A_212 = vector.shape_cast %get3A_211 : vector<1x16xf32> to vector<16xf32>
          %add3A_213 = arith.addf %get3A_208, %get3A_212 : vector<16xf32>
          %max3A = arith.constant 0.000000e+00 : f32
          %max3A_214 = vector.broadcast %max3A : f32 to vector<16xf32>
          %max3A_215 = arith.maximumf %add3A_213, %max3A_214 : vector<16xf32>
          %swap3A = arith.index_cast %scan3A_205 : i32 to index
          %swap3A_216 = arith.constant 0 : index
          %swap3A_217 = tpu.vector_load %arg9[%swap3A, %swap3A_216] {strides = array<i32>} : memref<128x128xf32, #tpu.memory_space<vmem>>, vector<1x16xf32>,
          %swap3A_218 = vector.shape_cast %swap3A_217 : vector<1x16xf32> to vector<16xf32>
          %swap3A_219 = vector.shape_cast %max3A_215 : vector<16xf32> to vector<1x16xf32>
          tpu.vector_store %arg9[%swap3A, %swap3A_216], %swap3A_219 {strides = array<i32>} : memref<128x128xf32, #tpu.memory_space<vmem>>, vector<1x16xf32>,
          %get3A_220 = arith.index_cast %scan3A_205 : i32 to index
          %get3A_221 = arith.constant 16 : index
          %get3A_222 = tpu.vector_load %arg9[%get3A_220, %get3A_221] {strides = array<i32>} : memref<128x128xf32, #tpu.memory_space<vmem>>, vector<1x16xf32>,
          %get3A_223 = vector.shape_cast %get3A_222 : vector<1x16xf32> to vector<16xf32>
          %get3A_224 = arith.index_cast %scan3A_205 : i32 to index
          %get3A_225 = arith.constant 16 : index
          %get3A_226 = tpu.vector_load %arg11[%get3A_224, %get3A_225] {strides = array<i32>} : memref<128x128xf32, #tpu.memory_space<vmem>>, vector<1x16xf32>,
          %get3A_227 = vector.shape_cast %get3A_226 : vector<1x16xf32> to vector<16xf32>
          %add3A_228 = arith.addf %get3A_223, %get3A_227 : vector<16xf32>
          %max3A_229 = arith.constant 0.000000e+00 : f32
          %max3A_230 = vector.broadcast %max3A_229 : f32 to vector<16xf32>
          %max3A_231 = arith.maximumf %add3A_228, %max3A_230 : vector<16xf32>
          %swap3A_232 = arith.index_cast %scan3A_205 : i32 to index
          %swap3A_233 = arith.constant 16 : index
          %swap3A_234 = tpu.vector_load %arg9[%swap3A_232, %swap3A_233] {strides = array<i32>} : memref<128x128xf32, #tpu.memory_space<vmem>>, vector<1x16xf32>,
          %swap3A_235 = vector.shape_cast %swap3A_234 : vector<1x16xf32> to vector<16xf32>
          %swap3A_236 = vector.shape_cast %max3A_231 : vector<16xf32> to vector<1x16xf32>
          tpu.vector_store %arg9[%swap3A_232, %swap3A_233], %swap3A_236 {strides = array<i32>} : memref<128x128xf32, #tpu.memory_space<vmem>>, vector<1x16xf32>,
          %get3A_237 = arith.index_cast %scan3A_205 : i32 to index
          %get3A_238 = arith.constant 32 : index
          %get3A_239 = tpu.vector_load %arg9[%get3A_237, %get3A_238] {strides = array<i32>} : memref<128x128xf32, #tpu.memory_space<vmem>>, vector<1x16xf32>,
          %get3A_240 = vector.shape_cast %get3A_239 : vector<1x16xf32> to vector<16xf32>
          %get3A_241 = arith.index_cast %scan3A_205 : i32 to index
          %get3A_242 = arith.constant 32 : index
          %get3A_243 = tpu.vector_load %arg11[%get3A_241, %get3A_242] {strides = array<i32>} : memref<128x128xf32, #tpu.memory_space<vmem>>, vector<1x16xf32>,
          %get3A_244 = vector.shape_cast %get3A_243 : vector<1x16xf32> to vector<16xf32>
          %add3A_245 = arith.addf %get3A_240, %get3A_244 : vector<16xf32>
          %max3A_246 = arith.constant 0.000000e+00 : f32
          %max3A_247 = vector.broadcast %max3A_246 : f32 to vector<16xf32>
          %max3A_248 = arith.maximumf %add3A_245, %max3A_247 : vector<16xf32>
          %swap3A_249 = arith.index_cast %scan3A_205 : i32 to index
          %swap3A_250 = arith.constant 32 : index
          %swap3A_251 = tpu.vector_load %arg9[%swap3A_249, %swap3A_250] {strides = array<i32>} : memref<128x128xf32, #tpu.memory_space<vmem>>, vector<1x16xf32>,
          %swap3A_252 = vector.shape_cast %swap3A_251 : vector<1x16xf32> to vector<16xf32>
          %swap3A_253 = vector.shape_cast %max3A_248 : vector<16xf32> to vector<1x16xf32>
          tpu.vector_store %arg9[%swap3A_249, %swap3A_250], %swap3A_253 {strides = array<i32>} : memref<128x128xf32, #tpu.memory_space<vmem>>, vector<1x16xf32>,
          %get3A_254 = arith.index_cast %scan3A_205 : i32 to index
          %get3A_255 = arith.constant 48 : index
          %get3A_256 = tpu.vector_load %arg9[%get3A_254, %get3A_255] {strides = array<i32>} : memref<128x128xf32, #tpu.memory_space<vmem>>, vector<1x16xf32>,
          %get3A_257 = vector.shape_cast %get3A_256 : vector<1x16xf32> to vector<16xf32>
          %get3A_258 = arith.index_cast %scan3A_205 : i32 to index
          %get3A_259 = arith.constant 48 : index
          %get3A_260 = tpu.vector_load %arg11[%get3A_258, %get3A_259] {strides = array<i32>} : memref<128x128xf32, #tpu.memory_space<vmem>>, vector<1x16xf32>,
          %get3A_261 = vector.shape_cast %get3A_260 : vector<1x16xf32> to vector<16xf32>
          %add3A_262 = arith.addf %get3A_257, %get3A_261 : vector<16xf32>
          %max3A_263 = arith.constant 0.000000e+00 : f32
          %max3A_264 = vector.broadcast %max3A_263 : f32 to vector<16xf32>
          %max3A_265 = arith.maximumf %add3A_262, %max3A_264 : vector<16xf32>
          %swap3A_266 = arith.index_cast %scan3A_205 : i32 to index
          %swap3A_267 = arith.constant 48 : index
          %swap3A_268 = tpu.vector_load %arg9[%swap3A_266, %swap3A_267] {strides = array<i32>} : memref<128x128xf32, #tpu.memory_space<vmem>>, vector<1x16xf32>,
          %swap3A_269 = vector.shape_cast %swap3A_268 : vector<1x16xf32> to vector<16xf32>
          %swap3A_270 = vector.shape_cast %max3A_265 : vector<16xf32> to vector<1x16xf32>
          tpu.vector_store %arg9[%swap3A_266, %swap3A_267], %swap3A_270 {strides = array<i32>} : memref<128x128xf32, #tpu.memory_space<vmem>>, vector<1x16xf32>,
          %get3A_271 = arith.index_cast %scan3A_205 : i32 to index
          %get3A_272 = arith.constant 64 : index
          %get3A_273 = tpu.vector_load %arg9[%get3A_271, %get3A_272] {strides = array<i32>} : memref<128x128xf32, #tpu.memory_space<vmem>>, vector<1x16xf32>,
          %get3A_274 = vector.shape_cast %get3A_273 : vector<1x16xf32> to vector<16xf32>
          %get3A_275 = arith.index_cast %scan3A_205 : i32 to index
          %get3A_276 = arith.constant 64 : index
          %get3A_277 = tpu.vector_load %arg11[%get3A_275, %get3A_276] {strides = array<i32>} : memref<128x128xf32, #tpu.memory_space<vmem>>, vector<1x16xf32>,
          %get3A_278 = vector.shape_cast %get3A_277 : vector<1x16xf32> to vector<16xf32>
          %add3A_279 = arith.addf %get3A_274, %get3A_278 : vector<16xf32>
          %max3A_280 = arith.constant 0.000000e+00 : f32
          %max3A_281 = vector.broadcast %max3A_280 : f32 to vector<16xf32>
          %max3A_282 = arith.maximumf %add3A_279, %max3A_281 : vector<16xf32>
          %swap3A_283 = arith.index_cast %scan3A_205 : i32 to index
          %swap3A_284 = arith.constant 64 : index
          %swap3A_285 = tpu.vector_load %arg9[%swap3A_283, %swap3A_284] {strides = array<i32>} : memref<128x128xf32, #tpu.memory_space<vmem>>, vector<1x16xf32>,
          %swap3A_286 = vector.shape_cast %swap3A_285 : vector<1x16xf32> to vector<16xf32>
          %swap3A_287 = vector.shape_cast %max3A_282 : vector<16xf32> to vector<1x16xf32>
          tpu.vector_store %arg9[%swap3A_283, %swap3A_284], %swap3A_287 {strides = array<i32>} : memref<128x128xf32, #tpu.memory_space<vmem>>, vector<1x16xf32>,
          %get3A_288 = arith.index_cast %scan3A_205 : i32 to index
          %get3A_289 = arith.constant 80 : index
          %get3A_290 = tpu.vector_load %arg9[%get3A_288, %get3A_289] {strides = array<i32>} : memref<128x128xf32, #tpu.memory_space<vmem>>, vector<1x16xf32>,
          %get3A_291 = vector.shape_cast %get3A_290 : vector<1x16xf32> to vector<16xf32>
          %get3A_292 = arith.index_cast %scan3A_205 : i32 to index
          %get3A_293 = arith.constant 80 : index
          %get3A_294 = tpu.vector_load %arg11[%get3A_292, %get3A_293] {strides = array<i32>} : memref<128x128xf32, #tpu.memory_space<vmem>>, vector<1x16xf32>,
          %get3A_295 = vector.shape_cast %get3A_294 : vector<1x16xf32> to vector<16xf32>
          %add3A_296 = arith.addf %get3A_291, %get3A_295 : vector<16xf32>
          %max3A_297 = arith.constant 0.000000e+00 : f32
          %max3A_298 = vector.broadcast %max3A_297 : f32 to vector<16xf32>
          %max3A_299 = arith.maximumf %add3A_296, %max3A_298 : vector<16xf32>
          %swap3A_300 = arith.index_cast %scan3A_205 : i32 to index
          %swap3A_301 = arith.constant 80 : index
          %swap3A_302 = tpu.vector_load %arg9[%swap3A_300, %swap3A_301] {strides = array<i32>} : memref<128x128xf32, #tpu.memory_space<vmem>>, vector<1x16xf32>,
          %swap3A_303 = vector.shape_cast %swap3A_302 : vector<1x16xf32> to vector<16xf32>
          %swap3A_304 = vector.shape_cast %max3A_299 : vector<16xf32> to vector<1x16xf32>
          tpu.vector_store %arg9[%swap3A_300, %swap3A_301], %swap3A_304 {strides = array<i32>} : memref<128x128xf32, #tpu.memory_space<vmem>>, vector<1x16xf32>,
          %get3A_305 = arith.index_cast %scan3A_205 : i32 to index
          %get3A_306 = arith.constant 96 : index
          %get3A_307 = tpu.vector_load %arg9[%get3A_305, %get3A_306] {strides = array<i32>} : memref<128x128xf32, #tpu.memory_space<vmem>>, vector<1x16xf32>,
          %get3A_308 = vector.shape_cast %get3A_307 : vector<1x16xf32> to vector<16xf32>
          %get3A_309 = arith.index_cast %scan3A_205 : i32 to index
          %get3A_310 = arith.constant 96 : index
          %get3A_311 = tpu.vector_load %arg11[%get3A_309, %get3A_310] {strides = array<i32>} : memref<128x128xf32, #tpu.memory_space<vmem>>, vector<1x16xf32>,
          %get3A_312 = vector.shape_cast %get3A_311 : vector<1x16xf32> to vector<16xf32>
          %add3A_313 = arith.addf %get3A_308, %get3A_312 : vector<16xf32>
          %max3A_314 = arith.constant 0.000000e+00 : f32
          %max3A_315 = vector.broadcast %max3A_314 : f32 to vector<16xf32>
          %max3A_316 = arith.maximumf %add3A_313, %max3A_315 : vector<16xf32>
          %swap3A_317 = arith.index_cast %scan3A_205 : i32 to index
          %swap3A_318 = arith.constant 96 : index
          %swap3A_319 = tpu.vector_load %arg9[%swap3A_317, %swap3A_318] {strides = array<i32>} : memref<128x128xf32, #tpu.memory_space<vmem>>, vector<1x16xf32>,
          %swap3A_320 = vector.shape_cast %swap3A_319 : vector<1x16xf32> to vector<16xf32>
          %swap3A_321 = vector.shape_cast %max3A_316 : vector<16xf32> to vector<1x16xf32>
          tpu.vector_store %arg9[%swap3A_317, %swap3A_318], %swap3A_321 {strides = array<i32>} : memref<128x128xf32, #tpu.memory_space<vmem>>, vector<1x16xf32>,
          %get3A_322 = arith.index_cast %scan3A_205 : i32 to index
          %get3A_323 = arith.constant 112 : index
          %get3A_324 = tpu.vector_load %arg9[%get3A_322, %get3A_323] {strides = array<i32>} : memref<128x128xf32, #tpu.memory_space<vmem>>, vector<1x16xf32>,
          %get3A_325 = vector.shape_cast %get3A_324 : vector<1x16xf32> to vector<16xf32>
          %get3A_326 = arith.index_cast %scan3A_205 : i32 to index
          %get3A_327 = arith.constant 112 : index
          %get3A_328 = tpu.vector_load %arg11[%get3A_326, %get3A_327] {strides = array<i32>} : memref<128x128xf32, #tpu.memory_space<vmem>>, vector<1x16xf32>,
          %get3A_329 = vector.shape_cast %get3A_328 : vector<1x16xf32> to vector<16xf32>
          %add3A_330 = arith.addf %get3A_325, %get3A_329 : vector<16xf32>
          %max3A_331 = arith.constant 0.000000e+00 : f32
          %max3A_332 = vector.broadcast %max3A_331 : f32 to vector<16xf32>
          %max3A_333 = arith.maximumf %add3A_330, %max3A_332 : vector<16xf32>
          %swap3A_334 = arith.index_cast %scan3A_205 : i32 to index
          %swap3A_335 = arith.constant 112 : index
          %swap3A_336 = tpu.vector_load %arg9[%swap3A_334, %swap3A_335] {strides = array<i32>} : memref<128x128xf32, #tpu.memory_space<vmem>>, vector<1x16xf32>,
          %swap3A_337 = vector.shape_cast %swap3A_336 : vector<1x16xf32> to vector<16xf32>
          %swap3A_338 = vector.shape_cast %max3A_333 : vector<16xf32> to vector<1x16xf32>
          tpu.vector_store %arg9[%swap3A_334, %swap3A_335], %swap3A_338 {strides = array<i32>} : memref<128x128xf32, #tpu.memory_space<vmem>>, vector<1x16xf32>,
        }
        %scan3A_126 = arith.constant 128 : i32
        %dma_start3A_127 = arith.constant 0 : i32
        %dma_start3A_128 = arith.constant 1 : i32
        %dma_start3A_129 = arith.constant 0 : i32
        %dma_start3A_130 = tpu.memref_slice %arg7[%dma_start3A_127, %dma_start3A_128, %dma_start3A_129] : memref<1x2x128xi32, #tpu.memory_space<vmem>> -> memref<1x1x128xi32, #tpu.memory_space<vmem>>
        %dma_start3A_131 = tpu.memref_squeeze %dma_start3A_130 : memref<1x1x128xi32, #tpu.memory_space<vmem>> -> memref<128xi32, #tpu.memory_space<vmem>>
        %dma_start3A_132 = arith.constant 0 : i32
        %dma_start3A_133 = arith.constant 0 : i32
        %dma_start3A_134 = tpu.memref_slice %arg12[%dma_start3A_132, %dma_start3A_133] : memref<10112x128xf32, #tpu.memory_space<vmem_shared>> -> memref<10112x128xf32, #tpu.memory_space<vmem_shared>>
        tpu.enqueue_indirect_dma source(%arg9 : memref<128x128xf32, #tpu.memory_space<vmem>>) target(%dma_start3A_134 : memref<10112x128xf32, #tpu.memory_space<vmem_shared>>) offsets(%dma_start3A_131 : memref<128xi32, #tpu.memory_space<vmem>>) semaphore(%arg15 : memref<!tpu.dma_semaphore, #tpu.memory_space<semaphore_mem>>) {add = true}
        %mul3A_135 = arith.constant 2 : i32
        %mul3A_136 = arith.muli %mul3A_135, %scan3A_66 : i32
        %add3A_137 = arith.constant 1 : i32
        %add3A_138 = arith.addi %mul3A_136, %add3A_137 : i32
        %dma_wait3A_139 = arith.constant 0 : i32
        %dma_wait3A_140 = arith.constant 0 : i32
        %dma_wait3A_141 = arith.constant 0 : i32
        %dma_wait3A_142 = arith.constant 0 : i32
        %dma_wait3A_143 = tpu.memref_slice %arg8[%dma_wait3A_140, %dma_wait3A_141, %dma_wait3A_142] : memref<1x2x128xi32, #tpu.memory_space<vmem>> -> memref<1x2x128xi32, #tpu.memory_space<vmem>>
        %dma_wait3A_144 = tpu.memref_squeeze %dma_wait3A_143 : memref<1x2x128xi32, #tpu.memory_space<vmem>> -> memref<2x128xi32, #tpu.memory_space<vmem>>
        %dma_wait3A_145 = arith.constant 0 : i32
        %dma_wait3A_146 = arith.constant 0 : i32
        %dma_wait3A_147 = tpu.memref_slice %arg5[%dma_wait3A_139, %dma_wait3A_145, %dma_wait3A_146] : memref<2560x2x128xi32, #tpu.memory_space<hbm>> -> memref<1x2x128xi32, #tpu.memory_space<hbm>>
        %dma_wait3A_148 = tpu.memref_squeeze %dma_wait3A_147 : memref<1x2x128xi32, #tpu.memory_space<hbm>> -> memref<2x128xi32, #tpu.memory_space<hbm>>
        %dma_wait3A_149 = arith.constant 0 : i32
        %dma_wait3A_150 = arith.constant 0 : i32
        %dma_wait3A_151 = tpu.memref_slice %arg8[%dma_wait3A_140, %dma_wait3A_149, %dma_wait3A_150] : memref<1x2x128xi32, #tpu.memory_space<vmem>> -> memref<1x2x128xi32, #tpu.memory_space<vmem>>
        %dma_wait3A_152 = tpu.memref_squeeze %dma_wait3A_151 : memref<1x2x128xi32, #tpu.memory_space<vmem>> -> memref<2x128xi32, #tpu.memory_space<vmem>>
        %dma_wait3A_153 = arith.constant 0 : i32
        %dma_wait3A_154 = arith.constant 0 : i32
        %dma_wait3A_155 = tpu.memref_slice %arg5[%dma_wait3A_139, %dma_wait3A_153, %dma_wait3A_154] : memref<2560x2x128xi32, #tpu.memory_space<hbm>> -> memref<1x2x128xi32, #tpu.memory_space<hbm>>
        %dma_wait3A_156 = tpu.memref_squeeze %dma_wait3A_155 : memref<1x2x128xi32, #tpu.memory_space<hbm>> -> memref<2x128xi32, #tpu.memory_space<hbm>>
        tpu.wait_dma2 semaphore(%arg13 : memref<!tpu.dma_semaphore, #tpu.memory_space<semaphore_mem>>) src(%dma_wait3A_156 : memref<2x128xi32, #tpu.memory_space<hbm>>) dst(%dma_wait3A_152 : memref<2x128xi32, #tpu.memory_space<vmem>>)
        %add3A_157 = arith.constant 0 : i32
        %add3A_158 = arith.addi %mul3A_15, %add3A_157 : i32
        %dma_wait3A_159 = arith.constant 0 : i32
        %dma_wait3A_160 = arith.constant 0 : i32
        %dma_wait3A_161 = tpu.memref_slice %arg4[%dma_wait3A_159, %add3A_158, %dma_wait3A_160] : memref<2x327680x128xf32, #tpu.memory_space<hbm>> -> memref<1x128x128xf32, #tpu.memory_space<hbm>>
        %dma_wait3A_162 = tpu.memref_squeeze %dma_wait3A_161 : memref<1x128x128xf32, #tpu.memory_space<hbm>> -> memref<128x128xf32, #tpu.memory_space<hbm>>
        %dma_wait3A_163 = arith.constant 0 : i32
        %dma_wait3A_164 = tpu.memref_slice %arg4[%dma_wait3A_159, %add3A_158, %dma_wait3A_163] : memref<2x327680x128xf32, #tpu.memory_space<hbm>> -> memref<1x128x128xf32, #tpu.memory_space<hbm>>
        %dma_wait3A_165 = tpu.memref_squeeze %dma_wait3A_164 : memref<1x128x128xf32, #tpu.memory_space<hbm>> -> memref<128x128xf32, #tpu.memory_space<hbm>>
        tpu.wait_dma2 semaphore(%arg13 : memref<!tpu.dma_semaphore, #tpu.memory_space<semaphore_mem>>) src(%dma_wait3A_165 : memref<128x128xf32, #tpu.memory_space<hbm>>) dst(%arg10 : memref<128x128xf32, #tpu.memory_space<vmem>>)
        %dma_start3A_166 = arith.constant 0 : i32
        %dma_start3A_167 = arith.constant 0 : i32
        %dma_start3A_168 = arith.constant 0 : i32
        %dma_start3A_169 = tpu.memref_slice %arg8[%dma_start3A_166, %dma_start3A_167, %dma_start3A_168] : memref<1x2x128xi32, #tpu.memory_space<vmem>> -> memref<1x1x128xi32, #tpu.memory_space<vmem>>
        %dma_start3A_170 = tpu.memref_squeeze %dma_start3A_169 : memref<1x1x128xi32, #tpu.memory_space<vmem>> -> memref<128xi32, #tpu.memory_space<vmem>>
        %dma_start3A_171 = arith.constant 0 : i32
        %dma_start3A_172 = arith.constant 0 : i32
        %dma_start3A_173 = tpu.memref_slice %arg2[%dma_start3A_171, %dma_start3A_172] : memref<10000x128xf32, #tpu.memory_space<hbm>> -> memref<10000x128xf32, #tpu.memory_space<hbm>>
        tpu.enqueue_indirect_dma source(%dma_start3A_173 : memref<10000x128xf32, #tpu.memory_space<hbm>>) target(%arg11 : memref<128x128xf32, #tpu.memory_space<vmem>>) offsets(%dma_start3A_170 : memref<128xi32, #tpu.memory_space<vmem>>) semaphore(%arg14 : memref<!tpu.dma_semaphore, #tpu.memory_space<semaphore_mem>>)
        %dma_wait3A_174 = arith.constant 0 : i32
        %dma_wait3A_175 = arith.constant 0 : i32
        %dma_wait3A_176 = arith.constant 0 : i32
        %dma_wait3A_177 = tpu.memref_slice %arg8[%dma_wait3A_174, %dma_wait3A_175, %dma_wait3A_176] : memref<1x2x128xi32, #tpu.memory_space<vmem>> -> memref<1x1x128xi32, #tpu.memory_space<vmem>>
        %dma_wait3A_178 = tpu.memref_squeeze %dma_wait3A_177 : memref<1x1x128xi32, #tpu.memory_space<vmem>> -> memref<128xi32, #tpu.memory_space<vmem>>
        %dma_wait3A_179 = arith.constant 0 : i32
        %dma_wait3A_180 = arith.constant 0 : i32
        %dma_wait3A_181 = tpu.memref_slice %arg2[%dma_wait3A_179, %dma_wait3A_180] : memref<10000x128xf32, #tpu.memory_space<hbm>> -> memref<10000x128xf32, #tpu.memory_space<hbm>>
        tpu.wait_indirect_dma semaphore(%arg14 : memref<!tpu.dma_semaphore, #tpu.memory_space<semaphore_mem>>) src(%dma_wait3A_181 : memref<10000x128xf32, #tpu.memory_space<hbm>>) dst(%arg11 : memref<128x128xf32, #tpu.memory_space<vmem>>)
        %ge3A_182 = arith.constant 1 : i32
        %ge3A_183 = arith.cmpi sge, %add3A_138, %ge3A_182 : i32
        %convert_element_type3A_184 = arith.extui %ge3A_183 : i1 to i32
        %cond3A_185 = arith.constant 0 : i32
        %cond3A_186 = arith.cmpi ne, %convert_element_type3A_184, %cond3A_185 : i32
        scf.if %cond3A_186 {
          %add3A_205 = arith.constant 0 : i32
          %add3A_206 = arith.addi %mul3A_15, %add3A_205 : i32
          %dma_wait3A_207 = arith.constant 0 : i32
          %dma_wait3A_208 = arith.constant 0 : i32
          %dma_wait3A_209 = arith.constant 0 : i32
          %dma_wait3A_210 = tpu.memref_slice %arg12[%dma_wait3A_208, %dma_wait3A_209] : memref<10112x128xf32, #tpu.memory_space<vmem_shared>> -> memref<128x128xf32, #tpu.memory_space<vmem_shared>>
          %dma_wait3A_211 = arith.constant 0 : i32
          %dma_wait3A_212 = tpu.memref_slice %arg4[%dma_wait3A_207, %add3A_206, %dma_wait3A_211] : memref<2x327680x128xf32, #tpu.memory_space<hbm>> -> memref<1x128x128xf32, #tpu.memory_space<hbm>>
          %dma_wait3A_213 = tpu.memref_squeeze %dma_wait3A_212 : memref<1x128x128xf32, #tpu.memory_space<hbm>> -> memref<128x128xf32, #tpu.memory_space<hbm>>
          tpu.wait_dma2 semaphore(%arg15 : memref<!tpu.dma_semaphore, #tpu.memory_space<semaphore_mem>>) src(%dma_wait3A_213 : memref<128x128xf32, #tpu.memory_space<hbm>>) dst(%dma_wait3A_210 : memref<128x128xf32, #tpu.memory_space<vmem_shared>>)
        } else {
        }
        %le3A_187 = arith.constant 158 : i32
        %le3A_188 = arith.cmpi sle, %add3A_138, %le3A_187 : i32
        %convert_element_type3A_189 = arith.extui %le3A_188 : i1 to i32
        %cond3A_190 = arith.constant 0 : i32
        %cond3A_191 = arith.cmpi ne, %convert_element_type3A_189, %cond3A_190 : i32
        scf.if %cond3A_191 {
          %add3A_205 = arith.constant 1 : i32
          %add3A_206 = arith.addi %add3A_138, %add3A_205 : i32
          %add3A_207 = arith.addi %mul3A_17, %add3A_206 : i32
          %dma_start3A_208 = arith.constant 0 : i32
          %dma_start3A_209 = arith.constant 0 : i32
          %dma_start3A_210 = arith.constant 0 : i32
          %dma_start3A_211 = tpu.memref_slice %arg7[%dma_start3A_208, %dma_start3A_209, %dma_start3A_210] : memref<1x2x128xi32, #tpu.memory_space<vmem>> -> memref<1x2x128xi32, #tpu.memory_space<vmem>>
          %dma_start3A_212 = tpu.memref_squeeze %dma_start3A_211 : memref<1x2x128xi32, #tpu.memory_space<vmem>> -> memref<2x128xi32, #tpu.memory_space<vmem>>
          %dma_start3A_213 = arith.constant 0 : i32
          %dma_start3A_214 = arith.constant 0 : i32
          %dma_start3A_215 = tpu.memref_slice %arg5[%add3A_207, %dma_start3A_213, %dma_start3A_214] : memref<2560x2x128xi32, #tpu.memory_space<hbm>> -> memref<1x2x128xi32, #tpu.memory_space<hbm>>
          %dma_start3A_216 = tpu.memref_squeeze %dma_start3A_215 : memref<1x2x128xi32, #tpu.memory_space<hbm>> -> memref<2x128xi32, #tpu.memory_space<hbm>>
          %dma_start3A_217 = arith.constant 0 : i32
          %dma_start3A_218 = arith.constant 0 : i32
          %dma_start3A_219 = tpu.memref_slice %arg7[%dma_start3A_208, %dma_start3A_217, %dma_start3A_218] : memref<1x2x128xi32, #tpu.memory_space<vmem>> -> memref<1x2x128xi32, #tpu.memory_space<vmem>>
          %dma_start3A_220 = tpu.memref_squeeze %dma_start3A_219 : memref<1x2x128xi32, #tpu.memory_space<vmem>> -> memref<2x128xi32, #tpu.memory_space<vmem>>
          %dma_start3A_221 = arith.constant 0 : i32
          %dma_start3A_222 = arith.constant 0 : i32
          %dma_start3A_223 = tpu.memref_slice %arg5[%add3A_207, %dma_start3A_221, %dma_start3A_222] : memref<2560x2x128xi32, #tpu.memory_space<hbm>> -> memref<1x2x128xi32, #tpu.memory_space<hbm>>
          %dma_start3A_224 = tpu.memref_squeeze %dma_start3A_223 : memref<1x2x128xi32, #tpu.memory_space<hbm>> -> memref<2x128xi32, #tpu.memory_space<hbm>>
          tpu.enqueue_dma source(%dma_start3A_224 : memref<2x128xi32, #tpu.memory_space<hbm>>) target(%dma_start3A_220 : memref<2x128xi32, #tpu.memory_space<vmem>>) target_semaphore(%arg13 : memref<!tpu.dma_semaphore, #tpu.memory_space<semaphore_mem>>)
          %mul3A_225 = arith.constant 128 : i32
          %mul3A_226 = arith.muli %add3A_206, %mul3A_225 : i32
          %add3A_227 = arith.addi %mul3A_15, %mul3A_226 : i32
          %dma_start3A_228 = arith.constant 0 : i32
          %dma_start3A_229 = arith.constant 0 : i32
          %dma_start3A_230 = tpu.memref_slice %arg4[%dma_start3A_228, %add3A_227, %dma_start3A_229] : memref<2x327680x128xf32, #tpu.memory_space<hbm>> -> memref<1x128x128xf32, #tpu.memory_space<hbm>>
          %dma_start3A_231 = tpu.memref_squeeze %dma_start3A_230 : memref<1x128x128xf32, #tpu.memory_space<hbm>> -> memref<128x128xf32, #tpu.memory_space<hbm>>
          %dma_start3A_232 = arith.constant 0 : i32
          %dma_start3A_233 = tpu.memref_slice %arg4[%dma_start3A_228, %add3A_227, %dma_start3A_232] : memref<2x327680x128xf32, #tpu.memory_space<hbm>> -> memref<1x128x128xf32, #tpu.memory_space<hbm>>
          %dma_start3A_234 = tpu.memref_squeeze %dma_start3A_233 : memref<1x128x128xf32, #tpu.memory_space<hbm>> -> memref<128x128xf32, #tpu.memory_space<hbm>>
          tpu.enqueue_dma source(%dma_start3A_234 : memref<128x128xf32, #tpu.memory_space<hbm>>) target(%arg9 : memref<128x128xf32, #tpu.memory_space<vmem>>) target_semaphore(%arg13 : memref<!tpu.dma_semaphore, #tpu.memory_space<semaphore_mem>>)
        } else {
        }
        %scan3A_192 = arith.constant 0 : i32
        %scan3A_193 = arith.constant 128 : i32
        %scan3A_194 = arith.addi %scan3A_192, %scan3A_193 : i32
        %scan3A_195 = arith.constant 1 : i32
        scf.for %scan3A_205 = %scan3A_192 to %scan3A_194 step %scan3A_195  : i32 {
          %get3A = arith.index_cast %scan3A_205 : i32 to index
          %get3A_206 = arith.constant 0 : index
          %get3A_207 = tpu.vector_load %arg10[%get3A, %get3A_206] {strides = array<i32>} : memref<128x128xf32, #tpu.memory_space<vmem>>, vector<1x16xf32>,
          %get3A_208 = vector.shape_cast %get3A_207 : vector<1x16xf32> to vector<16xf32>
          %get3A_209 = arith.index_cast %scan3A_205 : i32 to index
          %get3A_210 = arith.constant 0 : index
          %get3A_211 = tpu.vector_load %arg11[%get3A_209, %get3A_210] {strides = array<i32>} : memref<128x128xf32, #tpu.memory_space<vmem>>, vector<1x16xf32>,
          %get3A_212 = vector.shape_cast %get3A_211 : vector<1x16xf32> to vector<16xf32>
          %add3A_213 = arith.addf %get3A_208, %get3A_212 : vector<16xf32>
          %max3A = arith.constant 0.000000e+00 : f32
          %max3A_214 = vector.broadcast %max3A : f32 to vector<16xf32>
          %max3A_215 = arith.maximumf %add3A_213, %max3A_214 : vector<16xf32>
          %swap3A = arith.index_cast %scan3A_205 : i32 to index
          %swap3A_216 = arith.constant 0 : index
          %swap3A_217 = tpu.vector_load %arg10[%swap3A, %swap3A_216] {strides = array<i32>} : memref<128x128xf32, #tpu.memory_space<vmem>>, vector<1x16xf32>,
          %swap3A_218 = vector.shape_cast %swap3A_217 : vector<1x16xf32> to vector<16xf32>
          %swap3A_219 = vector.shape_cast %max3A_215 : vector<16xf32> to vector<1x16xf32>
          tpu.vector_store %arg10[%swap3A, %swap3A_216], %swap3A_219 {strides = array<i32>} : memref<128x128xf32, #tpu.memory_space<vmem>>, vector<1x16xf32>,
          %get3A_220 = arith.index_cast %scan3A_205 : i32 to index
          %get3A_221 = arith.constant 16 : index
          %get3A_222 = tpu.vector_load %arg10[%get3A_220, %get3A_221] {strides = array<i32>} : memref<128x128xf32, #tpu.memory_space<vmem>>, vector<1x16xf32>,
          %get3A_223 = vector.shape_cast %get3A_222 : vector<1x16xf32> to vector<16xf32>
          %get3A_224 = arith.index_cast %scan3A_205 : i32 to index
          %get3A_225 = arith.constant 16 : index
          %get3A_226 = tpu.vector_load %arg11[%get3A_224, %get3A_225] {strides = array<i32>} : memref<128x128xf32, #tpu.memory_space<vmem>>, vector<1x16xf32>,
          %get3A_227 = vector.shape_cast %get3A_226 : vector<1x16xf32> to vector<16xf32>
          %add3A_228 = arith.addf %get3A_223, %get3A_227 : vector<16xf32>
          %max3A_229 = arith.constant 0.000000e+00 : f32
          %max3A_230 = vector.broadcast %max3A_229 : f32 to vector<16xf32>
          %max3A_231 = arith.maximumf %add3A_228, %max3A_230 : vector<16xf32>
          %swap3A_232 = arith.index_cast %scan3A_205 : i32 to index
          %swap3A_233 = arith.constant 16 : index
          %swap3A_234 = tpu.vector_load %arg10[%swap3A_232, %swap3A_233] {strides = array<i32>} : memref<128x128xf32, #tpu.memory_space<vmem>>, vector<1x16xf32>,
          %swap3A_235 = vector.shape_cast %swap3A_234 : vector<1x16xf32> to vector<16xf32>
          %swap3A_236 = vector.shape_cast %max3A_231 : vector<16xf32> to vector<1x16xf32>
          tpu.vector_store %arg10[%swap3A_232, %swap3A_233], %swap3A_236 {strides = array<i32>} : memref<128x128xf32, #tpu.memory_space<vmem>>, vector<1x16xf32>,
          %get3A_237 = arith.index_cast %scan3A_205 : i32 to index
          %get3A_238 = arith.constant 32 : index
          %get3A_239 = tpu.vector_load %arg10[%get3A_237, %get3A_238] {strides = array<i32>} : memref<128x128xf32, #tpu.memory_space<vmem>>, vector<1x16xf32>,
          %get3A_240 = vector.shape_cast %get3A_239 : vector<1x16xf32> to vector<16xf32>
          %get3A_241 = arith.index_cast %scan3A_205 : i32 to index
          %get3A_242 = arith.constant 32 : index
          %get3A_243 = tpu.vector_load %arg11[%get3A_241, %get3A_242] {strides = array<i32>} : memref<128x128xf32, #tpu.memory_space<vmem>>, vector<1x16xf32>,
          %get3A_244 = vector.shape_cast %get3A_243 : vector<1x16xf32> to vector<16xf32>
          %add3A_245 = arith.addf %get3A_240, %get3A_244 : vector<16xf32>
          %max3A_246 = arith.constant 0.000000e+00 : f32
          %max3A_247 = vector.broadcast %max3A_246 : f32 to vector<16xf32>
          %max3A_248 = arith.maximumf %add3A_245, %max3A_247 : vector<16xf32>
          %swap3A_249 = arith.index_cast %scan3A_205 : i32 to index
          %swap3A_250 = arith.constant 32 : index
          %swap3A_251 = tpu.vector_load %arg10[%swap3A_249, %swap3A_250] {strides = array<i32>} : memref<128x128xf32, #tpu.memory_space<vmem>>, vector<1x16xf32>,
          %swap3A_252 = vector.shape_cast %swap3A_251 : vector<1x16xf32> to vector<16xf32>
          %swap3A_253 = vector.shape_cast %max3A_248 : vector<16xf32> to vector<1x16xf32>
          tpu.vector_store %arg10[%swap3A_249, %swap3A_250], %swap3A_253 {strides = array<i32>} : memref<128x128xf32, #tpu.memory_space<vmem>>, vector<1x16xf32>,
          %get3A_254 = arith.index_cast %scan3A_205 : i32 to index
          %get3A_255 = arith.constant 48 : index
          %get3A_256 = tpu.vector_load %arg10[%get3A_254, %get3A_255] {strides = array<i32>} : memref<128x128xf32, #tpu.memory_space<vmem>>, vector<1x16xf32>,
          %get3A_257 = vector.shape_cast %get3A_256 : vector<1x16xf32> to vector<16xf32>
          %get3A_258 = arith.index_cast %scan3A_205 : i32 to index
          %get3A_259 = arith.constant 48 : index
          %get3A_260 = tpu.vector_load %arg11[%get3A_258, %get3A_259] {strides = array<i32>} : memref<128x128xf32, #tpu.memory_space<vmem>>, vector<1x16xf32>,
          %get3A_261 = vector.shape_cast %get3A_260 : vector<1x16xf32> to vector<16xf32>
          %add3A_262 = arith.addf %get3A_257, %get3A_261 : vector<16xf32>
          %max3A_263 = arith.constant 0.000000e+00 : f32
          %max3A_264 = vector.broadcast %max3A_263 : f32 to vector<16xf32>
          %max3A_265 = arith.maximumf %add3A_262, %max3A_264 : vector<16xf32>
          %swap3A_266 = arith.index_cast %scan3A_205 : i32 to index
          %swap3A_267 = arith.constant 48 : index
          %swap3A_268 = tpu.vector_load %arg10[%swap3A_266, %swap3A_267] {strides = array<i32>} : memref<128x128xf32, #tpu.memory_space<vmem>>, vector<1x16xf32>,
          %swap3A_269 = vector.shape_cast %swap3A_268 : vector<1x16xf32> to vector<16xf32>
          %swap3A_270 = vector.shape_cast %max3A_265 : vector<16xf32> to vector<1x16xf32>
          tpu.vector_store %arg10[%swap3A_266, %swap3A_267], %swap3A_270 {strides = array<i32>} : memref<128x128xf32, #tpu.memory_space<vmem>>, vector<1x16xf32>,
          %get3A_271 = arith.index_cast %scan3A_205 : i32 to index
          %get3A_272 = arith.constant 64 : index
          %get3A_273 = tpu.vector_load %arg10[%get3A_271, %get3A_272] {strides = array<i32>} : memref<128x128xf32, #tpu.memory_space<vmem>>, vector<1x16xf32>,
          %get3A_274 = vector.shape_cast %get3A_273 : vector<1x16xf32> to vector<16xf32>
          %get3A_275 = arith.index_cast %scan3A_205 : i32 to index
          %get3A_276 = arith.constant 64 : index
          %get3A_277 = tpu.vector_load %arg11[%get3A_275, %get3A_276] {strides = array<i32>} : memref<128x128xf32, #tpu.memory_space<vmem>>, vector<1x16xf32>,
          %get3A_278 = vector.shape_cast %get3A_277 : vector<1x16xf32> to vector<16xf32>
          %add3A_279 = arith.addf %get3A_274, %get3A_278 : vector<16xf32>
          %max3A_280 = arith.constant 0.000000e+00 : f32
          %max3A_281 = vector.broadcast %max3A_280 : f32 to vector<16xf32>
          %max3A_282 = arith.maximumf %add3A_279, %max3A_281 : vector<16xf32>
          %swap3A_283 = arith.index_cast %scan3A_205 : i32 to index
          %swap3A_284 = arith.constant 64 : index
          %swap3A_285 = tpu.vector_load %arg10[%swap3A_283, %swap3A_284] {strides = array<i32>} : memref<128x128xf32, #tpu.memory_space<vmem>>, vector<1x16xf32>,
          %swap3A_286 = vector.shape_cast %swap3A_285 : vector<1x16xf32> to vector<16xf32>
          %swap3A_287 = vector.shape_cast %max3A_282 : vector<16xf32> to vector<1x16xf32>
          tpu.vector_store %arg10[%swap3A_283, %swap3A_284], %swap3A_287 {strides = array<i32>} : memref<128x128xf32, #tpu.memory_space<vmem>>, vector<1x16xf32>,
          %get3A_288 = arith.index_cast %scan3A_205 : i32 to index
          %get3A_289 = arith.constant 80 : index
          %get3A_290 = tpu.vector_load %arg10[%get3A_288, %get3A_289] {strides = array<i32>} : memref<128x128xf32, #tpu.memory_space<vmem>>, vector<1x16xf32>,
          %get3A_291 = vector.shape_cast %get3A_290 : vector<1x16xf32> to vector<16xf32>
          %get3A_292 = arith.index_cast %scan3A_205 : i32 to index
          %get3A_293 = arith.constant 80 : index
          %get3A_294 = tpu.vector_load %arg11[%get3A_292, %get3A_293] {strides = array<i32>} : memref<128x128xf32, #tpu.memory_space<vmem>>, vector<1x16xf32>,
          %get3A_295 = vector.shape_cast %get3A_294 : vector<1x16xf32> to vector<16xf32>
          %add3A_296 = arith.addf %get3A_291, %get3A_295 : vector<16xf32>
          %max3A_297 = arith.constant 0.000000e+00 : f32
          %max3A_298 = vector.broadcast %max3A_297 : f32 to vector<16xf32>
          %max3A_299 = arith.maximumf %add3A_296, %max3A_298 : vector<16xf32>
          %swap3A_300 = arith.index_cast %scan3A_205 : i32 to index
          %swap3A_301 = arith.constant 80 : index
          %swap3A_302 = tpu.vector_load %arg10[%swap3A_300, %swap3A_301] {strides = array<i32>} : memref<128x128xf32, #tpu.memory_space<vmem>>, vector<1x16xf32>,
          %swap3A_303 = vector.shape_cast %swap3A_302 : vector<1x16xf32> to vector<16xf32>
          %swap3A_304 = vector.shape_cast %max3A_299 : vector<16xf32> to vector<1x16xf32>
          tpu.vector_store %arg10[%swap3A_300, %swap3A_301], %swap3A_304 {strides = array<i32>} : memref<128x128xf32, #tpu.memory_space<vmem>>, vector<1x16xf32>,
          %get3A_305 = arith.index_cast %scan3A_205 : i32 to index
          %get3A_306 = arith.constant 96 : index
          %get3A_307 = tpu.vector_load %arg10[%get3A_305, %get3A_306] {strides = array<i32>} : memref<128x128xf32, #tpu.memory_space<vmem>>, vector<1x16xf32>,
          %get3A_308 = vector.shape_cast %get3A_307 : vector<1x16xf32> to vector<16xf32>
          %get3A_309 = arith.index_cast %scan3A_205 : i32 to index
          %get3A_310 = arith.constant 96 : index
          %get3A_311 = tpu.vector_load %arg11[%get3A_309, %get3A_310] {strides = array<i32>} : memref<128x128xf32, #tpu.memory_space<vmem>>, vector<1x16xf32>,
          %get3A_312 = vector.shape_cast %get3A_311 : vector<1x16xf32> to vector<16xf32>
          %add3A_313 = arith.addf %get3A_308, %get3A_312 : vector<16xf32>
          %max3A_314 = arith.constant 0.000000e+00 : f32
          %max3A_315 = vector.broadcast %max3A_314 : f32 to vector<16xf32>
          %max3A_316 = arith.maximumf %add3A_313, %max3A_315 : vector<16xf32>
          %swap3A_317 = arith.index_cast %scan3A_205 : i32 to index
          %swap3A_318 = arith.constant 96 : index
          %swap3A_319 = tpu.vector_load %arg10[%swap3A_317, %swap3A_318] {strides = array<i32>} : memref<128x128xf32, #tpu.memory_space<vmem>>, vector<1x16xf32>,
          %swap3A_320 = vector.shape_cast %swap3A_319 : vector<1x16xf32> to vector<16xf32>
          %swap3A_321 = vector.shape_cast %max3A_316 : vector<16xf32> to vector<1x16xf32>
          tpu.vector_store %arg10[%swap3A_317, %swap3A_318], %swap3A_321 {strides = array<i32>} : memref<128x128xf32, #tpu.memory_space<vmem>>, vector<1x16xf32>,
          %get3A_322 = arith.index_cast %scan3A_205 : i32 to index
          %get3A_323 = arith.constant 112 : index
          %get3A_324 = tpu.vector_load %arg10[%get3A_322, %get3A_323] {strides = array<i32>} : memref<128x128xf32, #tpu.memory_space<vmem>>, vector<1x16xf32>,
          %get3A_325 = vector.shape_cast %get3A_324 : vector<1x16xf32> to vector<16xf32>
          %get3A_326 = arith.index_cast %scan3A_205 : i32 to index
          %get3A_327 = arith.constant 112 : index
          %get3A_328 = tpu.vector_load %arg11[%get3A_326, %get3A_327] {strides = array<i32>} : memref<128x128xf32, #tpu.memory_space<vmem>>, vector<1x16xf32>,
          %get3A_329 = vector.shape_cast %get3A_328 : vector<1x16xf32> to vector<16xf32>
          %add3A_330 = arith.addf %get3A_325, %get3A_329 : vector<16xf32>
          %max3A_331 = arith.constant 0.000000e+00 : f32
          %max3A_332 = vector.broadcast %max3A_331 : f32 to vector<16xf32>
          %max3A_333 = arith.maximumf %add3A_330, %max3A_332 : vector<16xf32>
          %swap3A_334 = arith.index_cast %scan3A_205 : i32 to index
          %swap3A_335 = arith.constant 112 : index
          %swap3A_336 = tpu.vector_load %arg10[%swap3A_334, %swap3A_335] {strides = array<i32>} : memref<128x128xf32, #tpu.memory_space<vmem>>, vector<1x16xf32>,
          %swap3A_337 = vector.shape_cast %swap3A_336 : vector<1x16xf32> to vector<16xf32>
          %swap3A_338 = vector.shape_cast %max3A_333 : vector<16xf32> to vector<1x16xf32>
          tpu.vector_store %arg10[%swap3A_334, %swap3A_335], %swap3A_338 {strides = array<i32>} : memref<128x128xf32, #tpu.memory_space<vmem>>, vector<1x16xf32>,
        }
        %scan3A_196 = arith.constant 128 : i32
        %dma_start3A_197 = arith.constant 0 : i32
        %dma_start3A_198 = arith.constant 1 : i32
        %dma_start3A_199 = arith.constant 0 : i32
        %dma_start3A_200 = tpu.memref_slice %arg8[%dma_start3A_197, %dma_start3A_198, %dma_start3A_199] : memref<1x2x128xi32, #tpu.memory_space<vmem>> -> memref<1x1x128xi32, #tpu.memory_space<vmem>>
        %dma_start3A_201 = tpu.memref_squeeze %dma_start3A_200 : memref<1x1x128xi32, #tpu.memory_space<vmem>> -> memref<128xi32, #tpu.memory_space<vmem>>
        %dma_start3A_202 = arith.constant 0 : i32
        %dma_start3A_203 = arith.constant 0 : i32
        %dma_start3A_204 = tpu.memref_slice %arg12[%dma_start3A_202, %dma_start3A_203] : memref<10112x128xf32, #tpu.memory_space<vmem_shared>> -> memref<10112x128xf32, #tpu.memory_space<vmem_shared>>
        tpu.enqueue_indirect_dma source(%arg10 : memref<128x128xf32, #tpu.memory_space<vmem>>) target(%dma_start3A_204 : memref<10112x128xf32, #tpu.memory_space<vmem_shared>>) offsets(%dma_start3A_201 : memref<128xi32, #tpu.memory_space<vmem>>) semaphore(%arg15 : memref<!tpu.dma_semaphore, #tpu.memory_space<semaphore_mem>>) {add = true}
      }
      %scan3A_57 = arith.constant 80 : i32
      %add3A_58 = arith.constant 0 : i32
      %add3A_59 = arith.addi %mul3A_15, %add3A_58 : i32
      %dma_wait3A = arith.constant 0 : i32
      %dma_wait3A_60 = arith.constant 0 : i32
      %dma_wait3A_61 = arith.constant 0 : i32
      %dma_wait3A_62 = tpu.memref_slice %arg12[%dma_wait3A_60, %dma_wait3A_61] : memref<10112x128xf32, #tpu.memory_space<vmem_shared>> -> memref<128x128xf32, #tpu.memory_space<vmem_shared>>
      %dma_wait3A_63 = arith.constant 0 : i32
      %dma_wait3A_64 = tpu.memref_slice %arg4[%dma_wait3A, %add3A_59, %dma_wait3A_63] : memref<2x327680x128xf32, #tpu.memory_space<hbm>> -> memref<1x128x128xf32, #tpu.memory_space<hbm>>
      %dma_wait3A_65 = tpu.memref_squeeze %dma_wait3A_64 : memref<1x128x128xf32, #tpu.memory_space<hbm>> -> memref<128x128xf32, #tpu.memory_space<hbm>>
      tpu.wait_dma2 semaphore(%arg15 : memref<!tpu.dma_semaphore, #tpu.memory_space<semaphore_mem>>) src(%dma_wait3A_65 : memref<128x128xf32, #tpu.memory_space<hbm>>) dst(%dma_wait3A_62 : memref<128x128xf32, #tpu.memory_space<vmem_shared>>)
    } else {
    }
    %eq3A_20 = arith.constant 1 : i32
    %eq3A_21 = arith.cmpi eq, %arg0, %eq3A_20 : i32
    %convert_element_type3A_22 = arith.extui %eq3A_21 : i1 to i32
    %cond3A_23 = arith.constant 0 : i32
    %cond3A_24 = arith.cmpi ne, %convert_element_type3A_22, %cond3A_23 : i32
    scf.if %cond3A_24 {
      %add3A_26 = arith.constant 0 : i32
      %add3A_27 = arith.addi %mul3A_17, %add3A_26 : i32
      %dma_start3A = arith.constant 0 : i32
      %dma_start3A_28 = arith.constant 0 : i32
      %dma_start3A_29 = arith.constant 0 : i32
      %dma_start3A_30 = tpu.memref_slice %arg7[%dma_start3A, %dma_start3A_28, %dma_start3A_29] : memref<1x2x128xi32, #tpu.memory_space<vmem>> -> memref<1x2x128xi32, #tpu.memory_space<vmem>>
      %dma_start3A_31 = tpu.memref_squeeze %dma_start3A_30 : memref<1x2x128xi32, #tpu.memory_space<vmem>> -> memref<2x128xi32, #tpu.memory_space<vmem>>
      %dma_start3A_32 = arith.constant 0 : i32
      %dma_start3A_33 = arith.constant 0 : i32
      %dma_start3A_34 = tpu.memref_slice %arg5[%add3A_27, %dma_start3A_32, %dma_start3A_33] : memref<2560x2x128xi32, #tpu.memory_space<hbm>> -> memref<1x2x128xi32, #tpu.memory_space<hbm>>
      %dma_start3A_35 = tpu.memref_squeeze %dma_start3A_34 : memref<1x2x128xi32, #tpu.memory_space<hbm>> -> memref<2x128xi32, #tpu.memory_space<hbm>>
      %dma_start3A_36 = arith.constant 0 : i32
      %dma_start3A_37 = arith.constant 0 : i32
      %dma_start3A_38 = tpu.memref_slice %arg7[%dma_start3A, %dma_start3A_36, %dma_start3A_37] : memref<1x2x128xi32, #tpu.memory_space<vmem>> -> memref<1x2x128xi32, #tpu.memory_space<vmem>>
      %dma_start3A_39 = tpu.memref_squeeze %dma_start3A_38 : memref<1x2x128xi32, #tpu.memory_space<vmem>> -> memref<2x128xi32, #tpu.memory_space<vmem>>
      %dma_start3A_40 = arith.constant 0 : i32
      %dma_start3A_41 = arith.constant 0 : i32
      %dma_start3A_42 = tpu.memref_slice %arg5[%add3A_27, %dma_start3A_40, %dma_start3A_41] : memref<2560x2x128xi32, #tpu.memory_space<hbm>> -> memref<1x2x128xi32, #tpu.memory_space<hbm>>
      %dma_start3A_43 = tpu.memref_squeeze %dma_start3A_42 : memref<1x2x128xi32, #tpu.memory_space<hbm>> -> memref<2x128xi32, #tpu.memory_space<hbm>>
      tpu.enqueue_dma source(%dma_start3A_43 : memref<2x128xi32, #tpu.memory_space<hbm>>) target(%dma_start3A_39 : memref<2x128xi32, #tpu.memory_space<vmem>>) target_semaphore(%arg13 : memref<!tpu.dma_semaphore, #tpu.memory_space<semaphore_mem>>)
      %add3A_44 = arith.constant 0 : i32
      %add3A_45 = arith.addi %mul3A_15, %add3A_44 : i32
      %dma_start3A_46 = arith.constant 1 : i32
      %dma_start3A_47 = arith.constant 0 : i32
      %dma_start3A_48 = tpu.memref_slice %arg4[%dma_start3A_46, %add3A_45, %dma_start3A_47] : memref<2x327680x128xf32, #tpu.memory_space<hbm>> -> memref<1x128x128xf32, #tpu.memory_space<hbm>>
      %dma_start3A_49 = tpu.memref_squeeze %dma_start3A_48 : memref<1x128x128xf32, #tpu.memory_space<hbm>> -> memref<128x128xf32, #tpu.memory_space<hbm>>
      %dma_start3A_50 = arith.constant 0 : i32
      %dma_start3A_51 = tpu.memref_slice %arg4[%dma_start3A_46, %add3A_45, %dma_start3A_50] : memref<2x327680x128xf32, #tpu.memory_space<hbm>> -> memref<1x128x128xf32, #tpu.memory_space<hbm>>
      %dma_start3A_52 = tpu.memref_squeeze %dma_start3A_51 : memref<1x128x128xf32, #tpu.memory_space<hbm>> -> memref<128x128xf32, #tpu.memory_space<hbm>>
      tpu.enqueue_dma source(%dma_start3A_52 : memref<128x128xf32, #tpu.memory_space<hbm>>) target(%arg9 : memref<128x128xf32, #tpu.memory_space<vmem>>) target_semaphore(%arg13 : memref<!tpu.dma_semaphore, #tpu.memory_space<semaphore_mem>>)
      %scan3A_53 = arith.constant 0 : i32
      %scan3A_54 = arith.constant 80 : i32
      %scan3A_55 = arith.addi %scan3A_53, %scan3A_54 : i32
      %scan3A_56 = arith.constant 1 : i32
      scf.for %scan3A_66 = %scan3A_53 to %scan3A_55 step %scan3A_56  : i32 {
        %mul3A_67 = arith.constant 2 : i32
        %mul3A_68 = arith.muli %mul3A_67, %scan3A_66 : i32
        %add3A_69 = arith.constant 0 : i32
        %add3A_70 = arith.addi %mul3A_68, %add3A_69 : i32
        %dma_wait3A_71 = arith.constant 0 : i32
        %dma_wait3A_72 = arith.constant 0 : i32
        %dma_wait3A_73 = arith.constant 0 : i32
        %dma_wait3A_74 = arith.constant 0 : i32
        %dma_wait3A_75 = tpu.memref_slice %arg7[%dma_wait3A_72, %dma_wait3A_73, %dma_wait3A_74] : memref<1x2x128xi32, #tpu.memory_space<vmem>> -> memref<1x2x128xi32, #tpu.memory_space<vmem>>
        %dma_wait3A_76 = tpu.memref_squeeze %dma_wait3A_75 : memref<1x2x128xi32, #tpu.memory_space<vmem>> -> memref<2x128xi32, #tpu.memory_space<vmem>>
        %dma_wait3A_77 = arith.constant 0 : i32
        %dma_wait3A_78 = arith.constant 0 : i32
        %dma_wait3A_79 = tpu.memref_slice %arg5[%dma_wait3A_71, %dma_wait3A_77, %dma_wait3A_78] : memref<2560x2x128xi32, #tpu.memory_space<hbm>> -> memref<1x2x128xi32, #tpu.memory_space<hbm>>
        %dma_wait3A_80 = tpu.memref_squeeze %dma_wait3A_79 : memref<1x2x128xi32, #tpu.memory_space<hbm>> -> memref<2x128xi32, #tpu.memory_space<hbm>>
        %dma_wait3A_81 = arith.constant 0 : i32
        %dma_wait3A_82 = arith.constant 0 : i32
        %dma_wait3A_83 = tpu.memref_slice %arg7[%dma_wait3A_72, %dma_wait3A_81, %dma_wait3A_82] : memref<1x2x128xi32, #tpu.memory_space<vmem>> -> memref<1x2x128xi32, #tpu.memory_space<vmem>>
        %dma_wait3A_84 = tpu.memref_squeeze %dma_wait3A_83 : memref<1x2x128xi32, #tpu.memory_space<vmem>> -> memref<2x128xi32, #tpu.memory_space<vmem>>
        %dma_wait3A_85 = arith.constant 0 : i32
        %dma_wait3A_86 = arith.constant 0 : i32
        %dma_wait3A_87 = tpu.memref_slice %arg5[%dma_wait3A_71, %dma_wait3A_85, %dma_wait3A_86] : memref<2560x2x128xi32, #tpu.memory_space<hbm>> -> memref<1x2x128xi32, #tpu.memory_space<hbm>>
        %dma_wait3A_88 = tpu.memref_squeeze %dma_wait3A_87 : memref<1x2x128xi32, #tpu.memory_space<hbm>> -> memref<2x128xi32, #tpu.memory_space<hbm>>
        tpu.wait_dma2 semaphore(%arg13 : memref<!tpu.dma_semaphore, #tpu.memory_space<semaphore_mem>>) src(%dma_wait3A_88 : memref<2x128xi32, #tpu.memory_space<hbm>>) dst(%dma_wait3A_84 : memref<2x128xi32, #tpu.memory_space<vmem>>)
        %add3A_89 = arith.constant 0 : i32
        %add3A_90 = arith.addi %mul3A_15, %add3A_89 : i32
        %dma_wait3A_91 = arith.constant 1 : i32
        %dma_wait3A_92 = arith.constant 0 : i32
        %dma_wait3A_93 = tpu.memref_slice %arg4[%dma_wait3A_91, %add3A_90, %dma_wait3A_92] : memref<2x327680x128xf32, #tpu.memory_space<hbm>> -> memref<1x128x128xf32, #tpu.memory_space<hbm>>
        %dma_wait3A_94 = tpu.memref_squeeze %dma_wait3A_93 : memref<1x128x128xf32, #tpu.memory_space<hbm>> -> memref<128x128xf32, #tpu.memory_space<hbm>>
        %dma_wait3A_95 = arith.constant 0 : i32
        %dma_wait3A_96 = tpu.memref_slice %arg4[%dma_wait3A_91, %add3A_90, %dma_wait3A_95] : memref<2x327680x128xf32, #tpu.memory_space<hbm>> -> memref<1x128x128xf32, #tpu.memory_space<hbm>>
        %dma_wait3A_97 = tpu.memref_squeeze %dma_wait3A_96 : memref<1x128x128xf32, #tpu.memory_space<hbm>> -> memref<128x128xf32, #tpu.memory_space<hbm>>
        tpu.wait_dma2 semaphore(%arg13 : memref<!tpu.dma_semaphore, #tpu.memory_space<semaphore_mem>>) src(%dma_wait3A_97 : memref<128x128xf32, #tpu.memory_space<hbm>>) dst(%arg9 : memref<128x128xf32, #tpu.memory_space<vmem>>)
        %dma_start3A_98 = arith.constant 0 : i32
        %dma_start3A_99 = arith.constant 0 : i32
        %dma_start3A_100 = arith.constant 0 : i32
        %dma_start3A_101 = tpu.memref_slice %arg7[%dma_start3A_98, %dma_start3A_99, %dma_start3A_100] : memref<1x2x128xi32, #tpu.memory_space<vmem>> -> memref<1x1x128xi32, #tpu.memory_space<vmem>>
        %dma_start3A_102 = tpu.memref_squeeze %dma_start3A_101 : memref<1x1x128xi32, #tpu.memory_space<vmem>> -> memref<128xi32, #tpu.memory_space<vmem>>
        %dma_start3A_103 = arith.constant 0 : i32
        %dma_start3A_104 = arith.constant 0 : i32
        %dma_start3A_105 = tpu.memref_slice %arg3[%dma_start3A_103, %dma_start3A_104] : memref<10000x128xf32, #tpu.memory_space<hbm>> -> memref<10000x128xf32, #tpu.memory_space<hbm>>
        tpu.enqueue_indirect_dma source(%dma_start3A_105 : memref<10000x128xf32, #tpu.memory_space<hbm>>) target(%arg11 : memref<128x128xf32, #tpu.memory_space<vmem>>) offsets(%dma_start3A_102 : memref<128xi32, #tpu.memory_space<vmem>>) semaphore(%arg14 : memref<!tpu.dma_semaphore, #tpu.memory_space<semaphore_mem>>)
        %dma_wait3A_106 = arith.constant 0 : i32
        %dma_wait3A_107 = arith.constant 0 : i32
        %dma_wait3A_108 = arith.constant 0 : i32
        %dma_wait3A_109 = tpu.memref_slice %arg7[%dma_wait3A_106, %dma_wait3A_107, %dma_wait3A_108] : memref<1x2x128xi32, #tpu.memory_space<vmem>> -> memref<1x1x128xi32, #tpu.memory_space<vmem>>
        %dma_wait3A_110 = tpu.memref_squeeze %dma_wait3A_109 : memref<1x1x128xi32, #tpu.memory_space<vmem>> -> memref<128xi32, #tpu.memory_space<vmem>>
        %dma_wait3A_111 = arith.constant 0 : i32
        %dma_wait3A_112 = arith.constant 0 : i32
        %dma_wait3A_113 = tpu.memref_slice %arg3[%dma_wait3A_111, %dma_wait3A_112] : memref<10000x128xf32, #tpu.memory_space<hbm>> -> memref<10000x128xf32, #tpu.memory_space<hbm>>
        tpu.wait_indirect_dma semaphore(%arg14 : memref<!tpu.dma_semaphore, #tpu.memory_space<semaphore_mem>>) src(%dma_wait3A_113 : memref<10000x128xf32, #tpu.memory_space<hbm>>) dst(%arg11 : memref<128x128xf32, #tpu.memory_space<vmem>>)
        %ge3A = arith.constant 1 : i32
        %ge3A_114 = arith.cmpi sge, %add3A_70, %ge3A : i32
        %convert_element_type3A_115 = arith.extui %ge3A_114 : i1 to i32
        %cond3A_116 = arith.constant 0 : i32
        %cond3A_117 = arith.cmpi ne, %convert_element_type3A_115, %cond3A_116 : i32
        scf.if %cond3A_117 {
          %add3A_205 = arith.constant 0 : i32
          %add3A_206 = arith.addi %mul3A_15, %add3A_205 : i32
          %dma_wait3A_207 = arith.constant 1 : i32
          %dma_wait3A_208 = arith.constant 0 : i32
          %dma_wait3A_209 = arith.constant 0 : i32
          %dma_wait3A_210 = tpu.memref_slice %arg12[%dma_wait3A_208, %dma_wait3A_209] : memref<10112x128xf32, #tpu.memory_space<vmem_shared>> -> memref<128x128xf32, #tpu.memory_space<vmem_shared>>
          %dma_wait3A_211 = arith.constant 0 : i32
          %dma_wait3A_212 = tpu.memref_slice %arg4[%dma_wait3A_207, %add3A_206, %dma_wait3A_211] : memref<2x327680x128xf32, #tpu.memory_space<hbm>> -> memref<1x128x128xf32, #tpu.memory_space<hbm>>
          %dma_wait3A_213 = tpu.memref_squeeze %dma_wait3A_212 : memref<1x128x128xf32, #tpu.memory_space<hbm>> -> memref<128x128xf32, #tpu.memory_space<hbm>>
          tpu.wait_dma2 semaphore(%arg15 : memref<!tpu.dma_semaphore, #tpu.memory_space<semaphore_mem>>) src(%dma_wait3A_213 : memref<128x128xf32, #tpu.memory_space<hbm>>) dst(%dma_wait3A_210 : memref<128x128xf32, #tpu.memory_space<vmem_shared>>)
        } else {
        }
        %le3A = arith.constant 158 : i32
        %le3A_118 = arith.cmpi sle, %add3A_70, %le3A : i32
        %convert_element_type3A_119 = arith.extui %le3A_118 : i1 to i32
        %cond3A_120 = arith.constant 0 : i32
        %cond3A_121 = arith.cmpi ne, %convert_element_type3A_119, %cond3A_120 : i32
        scf.if %cond3A_121 {
          %add3A_205 = arith.constant 1 : i32
          %add3A_206 = arith.addi %add3A_70, %add3A_205 : i32
          %add3A_207 = arith.addi %mul3A_17, %add3A_206 : i32
          %dma_start3A_208 = arith.constant 0 : i32
          %dma_start3A_209 = arith.constant 0 : i32
          %dma_start3A_210 = arith.constant 0 : i32
          %dma_start3A_211 = tpu.memref_slice %arg8[%dma_start3A_208, %dma_start3A_209, %dma_start3A_210] : memref<1x2x128xi32, #tpu.memory_space<vmem>> -> memref<1x2x128xi32, #tpu.memory_space<vmem>>
          %dma_start3A_212 = tpu.memref_squeeze %dma_start3A_211 : memref<1x2x128xi32, #tpu.memory_space<vmem>> -> memref<2x128xi32, #tpu.memory_space<vmem>>
          %dma_start3A_213 = arith.constant 0 : i32
          %dma_start3A_214 = arith.constant 0 : i32
          %dma_start3A_215 = tpu.memref_slice %arg5[%add3A_207, %dma_start3A_213, %dma_start3A_214] : memref<2560x2x128xi32, #tpu.memory_space<hbm>> -> memref<1x2x128xi32, #tpu.memory_space<hbm>>
          %dma_start3A_216 = tpu.memref_squeeze %dma_start3A_215 : memref<1x2x128xi32, #tpu.memory_space<hbm>> -> memref<2x128xi32, #tpu.memory_space<hbm>>
          %dma_start3A_217 = arith.constant 0 : i32
          %dma_start3A_218 = arith.constant 0 : i32
          %dma_start3A_219 = tpu.memref_slice %arg8[%dma_start3A_208, %dma_start3A_217, %dma_start3A_218] : memref<1x2x128xi32, #tpu.memory_space<vmem>> -> memref<1x2x128xi32, #tpu.memory_space<vmem>>
          %dma_start3A_220 = tpu.memref_squeeze %dma_start3A_219 : memref<1x2x128xi32, #tpu.memory_space<vmem>> -> memref<2x128xi32, #tpu.memory_space<vmem>>
          %dma_start3A_221 = arith.constant 0 : i32
          %dma_start3A_222 = arith.constant 0 : i32
          %dma_start3A_223 = tpu.memref_slice %arg5[%add3A_207, %dma_start3A_221, %dma_start3A_222] : memref<2560x2x128xi32, #tpu.memory_space<hbm>> -> memref<1x2x128xi32, #tpu.memory_space<hbm>>
          %dma_start3A_224 = tpu.memref_squeeze %dma_start3A_223 : memref<1x2x128xi32, #tpu.memory_space<hbm>> -> memref<2x128xi32, #tpu.memory_space<hbm>>
          tpu.enqueue_dma source(%dma_start3A_224 : memref<2x128xi32, #tpu.memory_space<hbm>>) target(%dma_start3A_220 : memref<2x128xi32, #tpu.memory_space<vmem>>) target_semaphore(%arg13 : memref<!tpu.dma_semaphore, #tpu.memory_space<semaphore_mem>>)
          %mul3A_225 = arith.constant 128 : i32
          %mul3A_226 = arith.muli %add3A_206, %mul3A_225 : i32
          %add3A_227 = arith.addi %mul3A_15, %mul3A_226 : i32
          %dma_start3A_228 = arith.constant 1 : i32
          %dma_start3A_229 = arith.constant 0 : i32
          %dma_start3A_230 = tpu.memref_slice %arg4[%dma_start3A_228, %add3A_227, %dma_start3A_229] : memref<2x327680x128xf32, #tpu.memory_space<hbm>> -> memref<1x128x128xf32, #tpu.memory_space<hbm>>
          %dma_start3A_231 = tpu.memref_squeeze %dma_start3A_230 : memref<1x128x128xf32, #tpu.memory_space<hbm>> -> memref<128x128xf32, #tpu.memory_space<hbm>>
          %dma_start3A_232 = arith.constant 0 : i32
          %dma_start3A_233 = tpu.memref_slice %arg4[%dma_start3A_228, %add3A_227, %dma_start3A_232] : memref<2x327680x128xf32, #tpu.memory_space<hbm>> -> memref<1x128x128xf32, #tpu.memory_space<hbm>>
          %dma_start3A_234 = tpu.memref_squeeze %dma_start3A_233 : memref<1x128x128xf32, #tpu.memory_space<hbm>> -> memref<128x128xf32, #tpu.memory_space<hbm>>
          tpu.enqueue_dma source(%dma_start3A_234 : memref<128x128xf32, #tpu.memory_space<hbm>>) target(%arg10 : memref<128x128xf32, #tpu.memory_space<vmem>>) target_semaphore(%arg13 : memref<!tpu.dma_semaphore, #tpu.memory_space<semaphore_mem>>)
        } else {
        }
        %scan3A_122 = arith.constant 0 : i32
        %scan3A_123 = arith.constant 128 : i32
        %scan3A_124 = arith.addi %scan3A_122, %scan3A_123 : i32
        %scan3A_125 = arith.constant 1 : i32
        scf.for %scan3A_205 = %scan3A_122 to %scan3A_124 step %scan3A_125  : i32 {
          %get3A = arith.index_cast %scan3A_205 : i32 to index
          %get3A_206 = arith.constant 0 : index
          %get3A_207 = tpu.vector_load %arg9[%get3A, %get3A_206] {strides = array<i32>} : memref<128x128xf32, #tpu.memory_space<vmem>>, vector<1x16xf32>,
          %get3A_208 = vector.shape_cast %get3A_207 : vector<1x16xf32> to vector<16xf32>
          %get3A_209 = arith.index_cast %scan3A_205 : i32 to index
          %get3A_210 = arith.constant 0 : index
          %get3A_211 = tpu.vector_load %arg11[%get3A_209, %get3A_210] {strides = array<i32>} : memref<128x128xf32, #tpu.memory_space<vmem>>, vector<1x16xf32>,
          %get3A_212 = vector.shape_cast %get3A_211 : vector<1x16xf32> to vector<16xf32>
          %add3A_213 = arith.addf %get3A_208, %get3A_212 : vector<16xf32>
          %max3A = arith.constant 0.000000e+00 : f32
          %max3A_214 = vector.broadcast %max3A : f32 to vector<16xf32>
          %max3A_215 = arith.maximumf %add3A_213, %max3A_214 : vector<16xf32>
          %swap3A = arith.index_cast %scan3A_205 : i32 to index
          %swap3A_216 = arith.constant 0 : index
          %swap3A_217 = tpu.vector_load %arg9[%swap3A, %swap3A_216] {strides = array<i32>} : memref<128x128xf32, #tpu.memory_space<vmem>>, vector<1x16xf32>,
          %swap3A_218 = vector.shape_cast %swap3A_217 : vector<1x16xf32> to vector<16xf32>
          %swap3A_219 = vector.shape_cast %max3A_215 : vector<16xf32> to vector<1x16xf32>
          tpu.vector_store %arg9[%swap3A, %swap3A_216], %swap3A_219 {strides = array<i32>} : memref<128x128xf32, #tpu.memory_space<vmem>>, vector<1x16xf32>,
          %get3A_220 = arith.index_cast %scan3A_205 : i32 to index
          %get3A_221 = arith.constant 16 : index
          %get3A_222 = tpu.vector_load %arg9[%get3A_220, %get3A_221] {strides = array<i32>} : memref<128x128xf32, #tpu.memory_space<vmem>>, vector<1x16xf32>,
          %get3A_223 = vector.shape_cast %get3A_222 : vector<1x16xf32> to vector<16xf32>
          %get3A_224 = arith.index_cast %scan3A_205 : i32 to index
          %get3A_225 = arith.constant 16 : index
          %get3A_226 = tpu.vector_load %arg11[%get3A_224, %get3A_225] {strides = array<i32>} : memref<128x128xf32, #tpu.memory_space<vmem>>, vector<1x16xf32>,
          %get3A_227 = vector.shape_cast %get3A_226 : vector<1x16xf32> to vector<16xf32>
          %add3A_228 = arith.addf %get3A_223, %get3A_227 : vector<16xf32>
          %max3A_229 = arith.constant 0.000000e+00 : f32
          %max3A_230 = vector.broadcast %max3A_229 : f32 to vector<16xf32>
          %max3A_231 = arith.maximumf %add3A_228, %max3A_230 : vector<16xf32>
          %swap3A_232 = arith.index_cast %scan3A_205 : i32 to index
          %swap3A_233 = arith.constant 16 : index
          %swap3A_234 = tpu.vector_load %arg9[%swap3A_232, %swap3A_233] {strides = array<i32>} : memref<128x128xf32, #tpu.memory_space<vmem>>, vector<1x16xf32>,
          %swap3A_235 = vector.shape_cast %swap3A_234 : vector<1x16xf32> to vector<16xf32>
          %swap3A_236 = vector.shape_cast %max3A_231 : vector<16xf32> to vector<1x16xf32>
          tpu.vector_store %arg9[%swap3A_232, %swap3A_233], %swap3A_236 {strides = array<i32>} : memref<128x128xf32, #tpu.memory_space<vmem>>, vector<1x16xf32>,
          %get3A_237 = arith.index_cast %scan3A_205 : i32 to index
          %get3A_238 = arith.constant 32 : index
          %get3A_239 = tpu.vector_load %arg9[%get3A_237, %get3A_238] {strides = array<i32>} : memref<128x128xf32, #tpu.memory_space<vmem>>, vector<1x16xf32>,
          %get3A_240 = vector.shape_cast %get3A_239 : vector<1x16xf32> to vector<16xf32>
          %get3A_241 = arith.index_cast %scan3A_205 : i32 to index
          %get3A_242 = arith.constant 32 : index
          %get3A_243 = tpu.vector_load %arg11[%get3A_241, %get3A_242] {strides = array<i32>} : memref<128x128xf32, #tpu.memory_space<vmem>>, vector<1x16xf32>,
          %get3A_244 = vector.shape_cast %get3A_243 : vector<1x16xf32> to vector<16xf32>
          %add3A_245 = arith.addf %get3A_240, %get3A_244 : vector<16xf32>
          %max3A_246 = arith.constant 0.000000e+00 : f32
          %max3A_247 = vector.broadcast %max3A_246 : f32 to vector<16xf32>
          %max3A_248 = arith.maximumf %add3A_245, %max3A_247 : vector<16xf32>
          %swap3A_249 = arith.index_cast %scan3A_205 : i32 to index
          %swap3A_250 = arith.constant 32 : index
          %swap3A_251 = tpu.vector_load %arg9[%swap3A_249, %swap3A_250] {strides = array<i32>} : memref<128x128xf32, #tpu.memory_space<vmem>>, vector<1x16xf32>,
          %swap3A_252 = vector.shape_cast %swap3A_251 : vector<1x16xf32> to vector<16xf32>
          %swap3A_253 = vector.shape_cast %max3A_248 : vector<16xf32> to vector<1x16xf32>
          tpu.vector_store %arg9[%swap3A_249, %swap3A_250], %swap3A_253 {strides = array<i32>} : memref<128x128xf32, #tpu.memory_space<vmem>>, vector<1x16xf32>,
          %get3A_254 = arith.index_cast %scan3A_205 : i32 to index
          %get3A_255 = arith.constant 48 : index
          %get3A_256 = tpu.vector_load %arg9[%get3A_254, %get3A_255] {strides = array<i32>} : memref<128x128xf32, #tpu.memory_space<vmem>>, vector<1x16xf32>,
          %get3A_257 = vector.shape_cast %get3A_256 : vector<1x16xf32> to vector<16xf32>
          %get3A_258 = arith.index_cast %scan3A_205 : i32 to index
          %get3A_259 = arith.constant 48 : index
          %get3A_260 = tpu.vector_load %arg11[%get3A_258, %get3A_259] {strides = array<i32>} : memref<128x128xf32, #tpu.memory_space<vmem>>, vector<1x16xf32>,
          %get3A_261 = vector.shape_cast %get3A_260 : vector<1x16xf32> to vector<16xf32>
          %add3A_262 = arith.addf %get3A_257, %get3A_261 : vector<16xf32>
          %max3A_263 = arith.constant 0.000000e+00 : f32
          %max3A_264 = vector.broadcast %max3A_263 : f32 to vector<16xf32>
          %max3A_265 = arith.maximumf %add3A_262, %max3A_264 : vector<16xf32>
          %swap3A_266 = arith.index_cast %scan3A_205 : i32 to index
          %swap3A_267 = arith.constant 48 : index
          %swap3A_268 = tpu.vector_load %arg9[%swap3A_266, %swap3A_267] {strides = array<i32>} : memref<128x128xf32, #tpu.memory_space<vmem>>, vector<1x16xf32>,
          %swap3A_269 = vector.shape_cast %swap3A_268 : vector<1x16xf32> to vector<16xf32>
          %swap3A_270 = vector.shape_cast %max3A_265 : vector<16xf32> to vector<1x16xf32>
          tpu.vector_store %arg9[%swap3A_266, %swap3A_267], %swap3A_270 {strides = array<i32>} : memref<128x128xf32, #tpu.memory_space<vmem>>, vector<1x16xf32>,
          %get3A_271 = arith.index_cast %scan3A_205 : i32 to index
          %get3A_272 = arith.constant 64 : index
          %get3A_273 = tpu.vector_load %arg9[%get3A_271, %get3A_272] {strides = array<i32>} : memref<128x128xf32, #tpu.memory_space<vmem>>, vector<1x16xf32>,
          %get3A_274 = vector.shape_cast %get3A_273 : vector<1x16xf32> to vector<16xf32>
          %get3A_275 = arith.index_cast %scan3A_205 : i32 to index
          %get3A_276 = arith.constant 64 : index
          %get3A_277 = tpu.vector_load %arg11[%get3A_275, %get3A_276] {strides = array<i32>} : memref<128x128xf32, #tpu.memory_space<vmem>>, vector<1x16xf32>,
          %get3A_278 = vector.shape_cast %get3A_277 : vector<1x16xf32> to vector<16xf32>
          %add3A_279 = arith.addf %get3A_274, %get3A_278 : vector<16xf32>
          %max3A_280 = arith.constant 0.000000e+00 : f32
          %max3A_281 = vector.broadcast %max3A_280 : f32 to vector<16xf32>
          %max3A_282 = arith.maximumf %add3A_279, %max3A_281 : vector<16xf32>
          %swap3A_283 = arith.index_cast %scan3A_205 : i32 to index
          %swap3A_284 = arith.constant 64 : index
          %swap3A_285 = tpu.vector_load %arg9[%swap3A_283, %swap3A_284] {strides = array<i32>} : memref<128x128xf32, #tpu.memory_space<vmem>>, vector<1x16xf32>,
          %swap3A_286 = vector.shape_cast %swap3A_285 : vector<1x16xf32> to vector<16xf32>
          %swap3A_287 = vector.shape_cast %max3A_282 : vector<16xf32> to vector<1x16xf32>
          tpu.vector_store %arg9[%swap3A_283, %swap3A_284], %swap3A_287 {strides = array<i32>} : memref<128x128xf32, #tpu.memory_space<vmem>>, vector<1x16xf32>,
          %get3A_288 = arith.index_cast %scan3A_205 : i32 to index
          %get3A_289 = arith.constant 80 : index
          %get3A_290 = tpu.vector_load %arg9[%get3A_288, %get3A_289] {strides = array<i32>} : memref<128x128xf32, #tpu.memory_space<vmem>>, vector<1x16xf32>,
          %get3A_291 = vector.shape_cast %get3A_290 : vector<1x16xf32> to vector<16xf32>
          %get3A_292 = arith.index_cast %scan3A_205 : i32 to index
          %get3A_293 = arith.constant 80 : index
          %get3A_294 = tpu.vector_load %arg11[%get3A_292, %get3A_293] {strides = array<i32>} : memref<128x128xf32, #tpu.memory_space<vmem>>, vector<1x16xf32>,
          %get3A_295 = vector.shape_cast %get3A_294 : vector<1x16xf32> to vector<16xf32>
          %add3A_296 = arith.addf %get3A_291, %get3A_295 : vector<16xf32>
          %max3A_297 = arith.constant 0.000000e+00 : f32
          %max3A_298 = vector.broadcast %max3A_297 : f32 to vector<16xf32>
          %max3A_299 = arith.maximumf %add3A_296, %max3A_298 : vector<16xf32>
          %swap3A_300 = arith.index_cast %scan3A_205 : i32 to index
          %swap3A_301 = arith.constant 80 : index
          %swap3A_302 = tpu.vector_load %arg9[%swap3A_300, %swap3A_301] {strides = array<i32>} : memref<128x128xf32, #tpu.memory_space<vmem>>, vector<1x16xf32>,
          %swap3A_303 = vector.shape_cast %swap3A_302 : vector<1x16xf32> to vector<16xf32>
          %swap3A_304 = vector.shape_cast %max3A_299 : vector<16xf32> to vector<1x16xf32>
          tpu.vector_store %arg9[%swap3A_300, %swap3A_301], %swap3A_304 {strides = array<i32>} : memref<128x128xf32, #tpu.memory_space<vmem>>, vector<1x16xf32>,
          %get3A_305 = arith.index_cast %scan3A_205 : i32 to index
          %get3A_306 = arith.constant 96 : index
          %get3A_307 = tpu.vector_load %arg9[%get3A_305, %get3A_306] {strides = array<i32>} : memref<128x128xf32, #tpu.memory_space<vmem>>, vector<1x16xf32>,
          %get3A_308 = vector.shape_cast %get3A_307 : vector<1x16xf32> to vector<16xf32>
          %get3A_309 = arith.index_cast %scan3A_205 : i32 to index
          %get3A_310 = arith.constant 96 : index
          %get3A_311 = tpu.vector_load %arg11[%get3A_309, %get3A_310] {strides = array<i32>} : memref<128x128xf32, #tpu.memory_space<vmem>>, vector<1x16xf32>,
          %get3A_312 = vector.shape_cast %get3A_311 : vector<1x16xf32> to vector<16xf32>
          %add3A_313 = arith.addf %get3A_308, %get3A_312 : vector<16xf32>
          %max3A_314 = arith.constant 0.000000e+00 : f32
          %max3A_315 = vector.broadcast %max3A_314 : f32 to vector<16xf32>
          %max3A_316 = arith.maximumf %add3A_313, %max3A_315 : vector<16xf32>
          %swap3A_317 = arith.index_cast %scan3A_205 : i32 to index
          %swap3A_318 = arith.constant 96 : index
          %swap3A_319 = tpu.vector_load %arg9[%swap3A_317, %swap3A_318] {strides = array<i32>} : memref<128x128xf32, #tpu.memory_space<vmem>>, vector<1x16xf32>,
          %swap3A_320 = vector.shape_cast %swap3A_319 : vector<1x16xf32> to vector<16xf32>
          %swap3A_321 = vector.shape_cast %max3A_316 : vector<16xf32> to vector<1x16xf32>
          tpu.vector_store %arg9[%swap3A_317, %swap3A_318], %swap3A_321 {strides = array<i32>} : memref<128x128xf32, #tpu.memory_space<vmem>>, vector<1x16xf32>,
          %get3A_322 = arith.index_cast %scan3A_205 : i32 to index
          %get3A_323 = arith.constant 112 : index
          %get3A_324 = tpu.vector_load %arg9[%get3A_322, %get3A_323] {strides = array<i32>} : memref<128x128xf32, #tpu.memory_space<vmem>>, vector<1x16xf32>,
          %get3A_325 = vector.shape_cast %get3A_324 : vector<1x16xf32> to vector<16xf32>
          %get3A_326 = arith.index_cast %scan3A_205 : i32 to index
          %get3A_327 = arith.constant 112 : index
          %get3A_328 = tpu.vector_load %arg11[%get3A_326, %get3A_327] {strides = array<i32>} : memref<128x128xf32, #tpu.memory_space<vmem>>, vector<1x16xf32>,
          %get3A_329 = vector.shape_cast %get3A_328 : vector<1x16xf32> to vector<16xf32>
          %add3A_330 = arith.addf %get3A_325, %get3A_329 : vector<16xf32>
          %max3A_331 = arith.constant 0.000000e+00 : f32
          %max3A_332 = vector.broadcast %max3A_331 : f32 to vector<16xf32>
          %max3A_333 = arith.maximumf %add3A_330, %max3A_332 : vector<16xf32>
          %swap3A_334 = arith.index_cast %scan3A_205 : i32 to index
          %swap3A_335 = arith.constant 112 : index
          %swap3A_336 = tpu.vector_load %arg9[%swap3A_334, %swap3A_335] {strides = array<i32>} : memref<128x128xf32, #tpu.memory_space<vmem>>, vector<1x16xf32>,
          %swap3A_337 = vector.shape_cast %swap3A_336 : vector<1x16xf32> to vector<16xf32>
          %swap3A_338 = vector.shape_cast %max3A_333 : vector<16xf32> to vector<1x16xf32>
          tpu.vector_store %arg9[%swap3A_334, %swap3A_335], %swap3A_338 {strides = array<i32>} : memref<128x128xf32, #tpu.memory_space<vmem>>, vector<1x16xf32>,
        }
        %scan3A_126 = arith.constant 128 : i32
        %dma_start3A_127 = arith.constant 0 : i32
        %dma_start3A_128 = arith.constant 1 : i32
        %dma_start3A_129 = arith.constant 0 : i32
        %dma_start3A_130 = tpu.memref_slice %arg7[%dma_start3A_127, %dma_start3A_128, %dma_start3A_129] : memref<1x2x128xi32, #tpu.memory_space<vmem>> -> memref<1x1x128xi32, #tpu.memory_space<vmem>>
        %dma_start3A_131 = tpu.memref_squeeze %dma_start3A_130 : memref<1x1x128xi32, #tpu.memory_space<vmem>> -> memref<128xi32, #tpu.memory_space<vmem>>
        %dma_start3A_132 = arith.constant 0 : i32
        %dma_start3A_133 = arith.constant 0 : i32
        %dma_start3A_134 = tpu.memref_slice %arg12[%dma_start3A_132, %dma_start3A_133] : memref<10112x128xf32, #tpu.memory_space<vmem_shared>> -> memref<10112x128xf32, #tpu.memory_space<vmem_shared>>
        tpu.enqueue_indirect_dma source(%arg9 : memref<128x128xf32, #tpu.memory_space<vmem>>) target(%dma_start3A_134 : memref<10112x128xf32, #tpu.memory_space<vmem_shared>>) offsets(%dma_start3A_131 : memref<128xi32, #tpu.memory_space<vmem>>) semaphore(%arg15 : memref<!tpu.dma_semaphore, #tpu.memory_space<semaphore_mem>>) {add = true}
        %mul3A_135 = arith.constant 2 : i32
        %mul3A_136 = arith.muli %mul3A_135, %scan3A_66 : i32
        %add3A_137 = arith.constant 1 : i32
        %add3A_138 = arith.addi %mul3A_136, %add3A_137 : i32
        %dma_wait3A_139 = arith.constant 0 : i32
        %dma_wait3A_140 = arith.constant 0 : i32
        %dma_wait3A_141 = arith.constant 0 : i32
        %dma_wait3A_142 = arith.constant 0 : i32
        %dma_wait3A_143 = tpu.memref_slice %arg8[%dma_wait3A_140, %dma_wait3A_141, %dma_wait3A_142] : memref<1x2x128xi32, #tpu.memory_space<vmem>> -> memref<1x2x128xi32, #tpu.memory_space<vmem>>
        %dma_wait3A_144 = tpu.memref_squeeze %dma_wait3A_143 : memref<1x2x128xi32, #tpu.memory_space<vmem>> -> memref<2x128xi32, #tpu.memory_space<vmem>>
        %dma_wait3A_145 = arith.constant 0 : i32
        %dma_wait3A_146 = arith.constant 0 : i32
        %dma_wait3A_147 = tpu.memref_slice %arg5[%dma_wait3A_139, %dma_wait3A_145, %dma_wait3A_146] : memref<2560x2x128xi32, #tpu.memory_space<hbm>> -> memref<1x2x128xi32, #tpu.memory_space<hbm>>
        %dma_wait3A_148 = tpu.memref_squeeze %dma_wait3A_147 : memref<1x2x128xi32, #tpu.memory_space<hbm>> -> memref<2x128xi32, #tpu.memory_space<hbm>>
        %dma_wait3A_149 = arith.constant 0 : i32
        %dma_wait3A_150 = arith.constant 0 : i32
        %dma_wait3A_151 = tpu.memref_slice %arg8[%dma_wait3A_140, %dma_wait3A_149, %dma_wait3A_150] : memref<1x2x128xi32, #tpu.memory_space<vmem>> -> memref<1x2x128xi32, #tpu.memory_space<vmem>>
        %dma_wait3A_152 = tpu.memref_squeeze %dma_wait3A_151 : memref<1x2x128xi32, #tpu.memory_space<vmem>> -> memref<2x128xi32, #tpu.memory_space<vmem>>
        %dma_wait3A_153 = arith.constant 0 : i32
        %dma_wait3A_154 = arith.constant 0 : i32
        %dma_wait3A_155 = tpu.memref_slice %arg5[%dma_wait3A_139, %dma_wait3A_153, %dma_wait3A_154] : memref<2560x2x128xi32, #tpu.memory_space<hbm>> -> memref<1x2x128xi32, #tpu.memory_space<hbm>>
        %dma_wait3A_156 = tpu.memref_squeeze %dma_wait3A_155 : memref<1x2x128xi32, #tpu.memory_space<hbm>> -> memref<2x128xi32, #tpu.memory_space<hbm>>
        tpu.wait_dma2 semaphore(%arg13 : memref<!tpu.dma_semaphore, #tpu.memory_space<semaphore_mem>>) src(%dma_wait3A_156 : memref<2x128xi32, #tpu.memory_space<hbm>>) dst(%dma_wait3A_152 : memref<2x128xi32, #tpu.memory_space<vmem>>)
        %add3A_157 = arith.constant 0 : i32
        %add3A_158 = arith.addi %mul3A_15, %add3A_157 : i32
        %dma_wait3A_159 = arith.constant 1 : i32
        %dma_wait3A_160 = arith.constant 0 : i32
        %dma_wait3A_161 = tpu.memref_slice %arg4[%dma_wait3A_159, %add3A_158, %dma_wait3A_160] : memref<2x327680x128xf32, #tpu.memory_space<hbm>> -> memref<1x128x128xf32, #tpu.memory_space<hbm>>
        %dma_wait3A_162 = tpu.memref_squeeze %dma_wait3A_161 : memref<1x128x128xf32, #tpu.memory_space<hbm>> -> memref<128x128xf32, #tpu.memory_space<hbm>>
        %dma_wait3A_163 = arith.constant 0 : i32
        %dma_wait3A_164 = tpu.memref_slice %arg4[%dma_wait3A_159, %add3A_158, %dma_wait3A_163] : memref<2x327680x128xf32, #tpu.memory_space<hbm>> -> memref<1x128x128xf32, #tpu.memory_space<hbm>>
        %dma_wait3A_165 = tpu.memref_squeeze %dma_wait3A_164 : memref<1x128x128xf32, #tpu.memory_space<hbm>> -> memref<128x128xf32, #tpu.memory_space<hbm>>
        tpu.wait_dma2 semaphore(%arg13 : memref<!tpu.dma_semaphore, #tpu.memory_space<semaphore_mem>>) src(%dma_wait3A_165 : memref<128x128xf32, #tpu.memory_space<hbm>>) dst(%arg10 : memref<128x128xf32, #tpu.memory_space<vmem>>)
        %dma_start3A_166 = arith.constant 0 : i32
        %dma_start3A_167 = arith.constant 0 : i32
        %dma_start3A_168 = arith.constant 0 : i32
        %dma_start3A_169 = tpu.memref_slice %arg8[%dma_start3A_166, %dma_start3A_167, %dma_start3A_168] : memref<1x2x128xi32, #tpu.memory_space<vmem>> -> memref<1x1x128xi32, #tpu.memory_space<vmem>>
        %dma_start3A_170 = tpu.memref_squeeze %dma_start3A_169 : memref<1x1x128xi32, #tpu.memory_space<vmem>> -> memref<128xi32, #tpu.memory_space<vmem>>
        %dma_start3A_171 = arith.constant 0 : i32
        %dma_start3A_172 = arith.constant 0 : i32
        %dma_start3A_173 = tpu.memref_slice %arg3[%dma_start3A_171, %dma_start3A_172] : memref<10000x128xf32, #tpu.memory_space<hbm>> -> memref<10000x128xf32, #tpu.memory_space<hbm>>
        tpu.enqueue_indirect_dma source(%dma_start3A_173 : memref<10000x128xf32, #tpu.memory_space<hbm>>) target(%arg11 : memref<128x128xf32, #tpu.memory_space<vmem>>) offsets(%dma_start3A_170 : memref<128xi32, #tpu.memory_space<vmem>>) semaphore(%arg14 : memref<!tpu.dma_semaphore, #tpu.memory_space<semaphore_mem>>)
        %dma_wait3A_174 = arith.constant 0 : i32
        %dma_wait3A_175 = arith.constant 0 : i32
        %dma_wait3A_176 = arith.constant 0 : i32
        %dma_wait3A_177 = tpu.memref_slice %arg8[%dma_wait3A_174, %dma_wait3A_175, %dma_wait3A_176] : memref<1x2x128xi32, #tpu.memory_space<vmem>> -> memref<1x1x128xi32, #tpu.memory_space<vmem>>
        %dma_wait3A_178 = tpu.memref_squeeze %dma_wait3A_177 : memref<1x1x128xi32, #tpu.memory_space<vmem>> -> memref<128xi32, #tpu.memory_space<vmem>>
        %dma_wait3A_179 = arith.constant 0 : i32
        %dma_wait3A_180 = arith.constant 0 : i32
        %dma_wait3A_181 = tpu.memref_slice %arg3[%dma_wait3A_179, %dma_wait3A_180] : memref<10000x128xf32, #tpu.memory_space<hbm>> -> memref<10000x128xf32, #tpu.memory_space<hbm>>
        tpu.wait_indirect_dma semaphore(%arg14 : memref<!tpu.dma_semaphore, #tpu.memory_space<semaphore_mem>>) src(%dma_wait3A_181 : memref<10000x128xf32, #tpu.memory_space<hbm>>) dst(%arg11 : memref<128x128xf32, #tpu.memory_space<vmem>>)
        %ge3A_182 = arith.constant 1 : i32
        %ge3A_183 = arith.cmpi sge, %add3A_138, %ge3A_182 : i32
        %convert_element_type3A_184 = arith.extui %ge3A_183 : i1 to i32
        %cond3A_185 = arith.constant 0 : i32
        %cond3A_186 = arith.cmpi ne, %convert_element_type3A_184, %cond3A_185 : i32
        scf.if %cond3A_186 {
          %add3A_205 = arith.constant 0 : i32
          %add3A_206 = arith.addi %mul3A_15, %add3A_205 : i32
          %dma_wait3A_207 = arith.constant 1 : i32
          %dma_wait3A_208 = arith.constant 0 : i32
          %dma_wait3A_209 = arith.constant 0 : i32
          %dma_wait3A_210 = tpu.memref_slice %arg12[%dma_wait3A_208, %dma_wait3A_209] : memref<10112x128xf32, #tpu.memory_space<vmem_shared>> -> memref<128x128xf32, #tpu.memory_space<vmem_shared>>
          %dma_wait3A_211 = arith.constant 0 : i32
          %dma_wait3A_212 = tpu.memref_slice %arg4[%dma_wait3A_207, %add3A_206, %dma_wait3A_211] : memref<2x327680x128xf32, #tpu.memory_space<hbm>> -> memref<1x128x128xf32, #tpu.memory_space<hbm>>
          %dma_wait3A_213 = tpu.memref_squeeze %dma_wait3A_212 : memref<1x128x128xf32, #tpu.memory_space<hbm>> -> memref<128x128xf32, #tpu.memory_space<hbm>>
          tpu.wait_dma2 semaphore(%arg15 : memref<!tpu.dma_semaphore, #tpu.memory_space<semaphore_mem>>) src(%dma_wait3A_213 : memref<128x128xf32, #tpu.memory_space<hbm>>) dst(%dma_wait3A_210 : memref<128x128xf32, #tpu.memory_space<vmem_shared>>)
        } else {
        }
        %le3A_187 = arith.constant 158 : i32
        %le3A_188 = arith.cmpi sle, %add3A_138, %le3A_187 : i32
        %convert_element_type3A_189 = arith.extui %le3A_188 : i1 to i32
        %cond3A_190 = arith.constant 0 : i32
        %cond3A_191 = arith.cmpi ne, %convert_element_type3A_189, %cond3A_190 : i32
        scf.if %cond3A_191 {
          %add3A_205 = arith.constant 1 : i32
          %add3A_206 = arith.addi %add3A_138, %add3A_205 : i32
          %add3A_207 = arith.addi %mul3A_17, %add3A_206 : i32
          %dma_start3A_208 = arith.constant 0 : i32
          %dma_start3A_209 = arith.constant 0 : i32
          %dma_start3A_210 = arith.constant 0 : i32
          %dma_start3A_211 = tpu.memref_slice %arg7[%dma_start3A_208, %dma_start3A_209, %dma_start3A_210] : memref<1x2x128xi32, #tpu.memory_space<vmem>> -> memref<1x2x128xi32, #tpu.memory_space<vmem>>
          %dma_start3A_212 = tpu.memref_squeeze %dma_start3A_211 : memref<1x2x128xi32, #tpu.memory_space<vmem>> -> memref<2x128xi32, #tpu.memory_space<vmem>>
          %dma_start3A_213 = arith.constant 0 : i32
          %dma_start3A_214 = arith.constant 0 : i32
          %dma_start3A_215 = tpu.memref_slice %arg5[%add3A_207, %dma_start3A_213, %dma_start3A_214] : memref<2560x2x128xi32, #tpu.memory_space<hbm>> -> memref<1x2x128xi32, #tpu.memory_space<hbm>>
          %dma_start3A_216 = tpu.memref_squeeze %dma_start3A_215 : memref<1x2x128xi32, #tpu.memory_space<hbm>> -> memref<2x128xi32, #tpu.memory_space<hbm>>
          %dma_start3A_217 = arith.constant 0 : i32
          %dma_start3A_218 = arith.constant 0 : i32
          %dma_start3A_219 = tpu.memref_slice %arg7[%dma_start3A_208, %dma_start3A_217, %dma_start3A_218] : memref<1x2x128xi32, #tpu.memory_space<vmem>> -> memref<1x2x128xi32, #tpu.memory_space<vmem>>
          %dma_start3A_220 = tpu.memref_squeeze %dma_start3A_219 : memref<1x2x128xi32, #tpu.memory_space<vmem>> -> memref<2x128xi32, #tpu.memory_space<vmem>>
          %dma_start3A_221 = arith.constant 0 : i32
          %dma_start3A_222 = arith.constant 0 : i32
          %dma_start3A_223 = tpu.memref_slice %arg5[%add3A_207, %dma_start3A_221, %dma_start3A_222] : memref<2560x2x128xi32, #tpu.memory_space<hbm>> -> memref<1x2x128xi32, #tpu.memory_space<hbm>>
          %dma_start3A_224 = tpu.memref_squeeze %dma_start3A_223 : memref<1x2x128xi32, #tpu.memory_space<hbm>> -> memref<2x128xi32, #tpu.memory_space<hbm>>
          tpu.enqueue_dma source(%dma_start3A_224 : memref<2x128xi32, #tpu.memory_space<hbm>>) target(%dma_start3A_220 : memref<2x128xi32, #tpu.memory_space<vmem>>) target_semaphore(%arg13 : memref<!tpu.dma_semaphore, #tpu.memory_space<semaphore_mem>>)
          %mul3A_225 = arith.constant 128 : i32
          %mul3A_226 = arith.muli %add3A_206, %mul3A_225 : i32
          %add3A_227 = arith.addi %mul3A_15, %mul3A_226 : i32
          %dma_start3A_228 = arith.constant 1 : i32
          %dma_start3A_229 = arith.constant 0 : i32
          %dma_start3A_230 = tpu.memref_slice %arg4[%dma_start3A_228, %add3A_227, %dma_start3A_229] : memref<2x327680x128xf32, #tpu.memory_space<hbm>> -> memref<1x128x128xf32, #tpu.memory_space<hbm>>
          %dma_start3A_231 = tpu.memref_squeeze %dma_start3A_230 : memref<1x128x128xf32, #tpu.memory_space<hbm>> -> memref<128x128xf32, #tpu.memory_space<hbm>>
          %dma_start3A_232 = arith.constant 0 : i32
          %dma_start3A_233 = tpu.memref_slice %arg4[%dma_start3A_228, %add3A_227, %dma_start3A_232] : memref<2x327680x128xf32, #tpu.memory_space<hbm>> -> memref<1x128x128xf32, #tpu.memory_space<hbm>>
          %dma_start3A_234 = tpu.memref_squeeze %dma_start3A_233 : memref<1x128x128xf32, #tpu.memory_space<hbm>> -> memref<128x128xf32, #tpu.memory_space<hbm>>
          tpu.enqueue_dma source(%dma_start3A_234 : memref<128x128xf32, #tpu.memory_space<hbm>>) target(%arg9 : memref<128x128xf32, #tpu.memory_space<vmem>>) target_semaphore(%arg13 : memref<!tpu.dma_semaphore, #tpu.memory_space<semaphore_mem>>)
        } else {
        }
        %scan3A_192 = arith.constant 0 : i32
        %scan3A_193 = arith.constant 128 : i32
        %scan3A_194 = arith.addi %scan3A_192, %scan3A_193 : i32
        %scan3A_195 = arith.constant 1 : i32
        scf.for %scan3A_205 = %scan3A_192 to %scan3A_194 step %scan3A_195  : i32 {
          %get3A = arith.index_cast %scan3A_205 : i32 to index
          %get3A_206 = arith.constant 0 : index
          %get3A_207 = tpu.vector_load %arg10[%get3A, %get3A_206] {strides = array<i32>} : memref<128x128xf32, #tpu.memory_space<vmem>>, vector<1x16xf32>,
          %get3A_208 = vector.shape_cast %get3A_207 : vector<1x16xf32> to vector<16xf32>
          %get3A_209 = arith.index_cast %scan3A_205 : i32 to index
          %get3A_210 = arith.constant 0 : index
          %get3A_211 = tpu.vector_load %arg11[%get3A_209, %get3A_210] {strides = array<i32>} : memref<128x128xf32, #tpu.memory_space<vmem>>, vector<1x16xf32>,
          %get3A_212 = vector.shape_cast %get3A_211 : vector<1x16xf32> to vector<16xf32>
          %add3A_213 = arith.addf %get3A_208, %get3A_212 : vector<16xf32>
          %max3A = arith.constant 0.000000e+00 : f32
          %max3A_214 = vector.broadcast %max3A : f32 to vector<16xf32>
          %max3A_215 = arith.maximumf %add3A_213, %max3A_214 : vector<16xf32>
          %swap3A = arith.index_cast %scan3A_205 : i32 to index
          %swap3A_216 = arith.constant 0 : index
          %swap3A_217 = tpu.vector_load %arg10[%swap3A, %swap3A_216] {strides = array<i32>} : memref<128x128xf32, #tpu.memory_space<vmem>>, vector<1x16xf32>,
          %swap3A_218 = vector.shape_cast %swap3A_217 : vector<1x16xf32> to vector<16xf32>
          %swap3A_219 = vector.shape_cast %max3A_215 : vector<16xf32> to vector<1x16xf32>
          tpu.vector_store %arg10[%swap3A, %swap3A_216], %swap3A_219 {strides = array<i32>} : memref<128x128xf32, #tpu.memory_space<vmem>>, vector<1x16xf32>,
          %get3A_220 = arith.index_cast %scan3A_205 : i32 to index
          %get3A_221 = arith.constant 16 : index
          %get3A_222 = tpu.vector_load %arg10[%get3A_220, %get3A_221] {strides = array<i32>} : memref<128x128xf32, #tpu.memory_space<vmem>>, vector<1x16xf32>,
          %get3A_223 = vector.shape_cast %get3A_222 : vector<1x16xf32> to vector<16xf32>
          %get3A_224 = arith.index_cast %scan3A_205 : i32 to index
          %get3A_225 = arith.constant 16 : index
          %get3A_226 = tpu.vector_load %arg11[%get3A_224, %get3A_225] {strides = array<i32>} : memref<128x128xf32, #tpu.memory_space<vmem>>, vector<1x16xf32>,
          %get3A_227 = vector.shape_cast %get3A_226 : vector<1x16xf32> to vector<16xf32>
          %add3A_228 = arith.addf %get3A_223, %get3A_227 : vector<16xf32>
          %max3A_229 = arith.constant 0.000000e+00 : f32
          %max3A_230 = vector.broadcast %max3A_229 : f32 to vector<16xf32>
          %max3A_231 = arith.maximumf %add3A_228, %max3A_230 : vector<16xf32>
          %swap3A_232 = arith.index_cast %scan3A_205 : i32 to index
          %swap3A_233 = arith.constant 16 : index
          %swap3A_234 = tpu.vector_load %arg10[%swap3A_232, %swap3A_233] {strides = array<i32>} : memref<128x128xf32, #tpu.memory_space<vmem>>, vector<1x16xf32>,
          %swap3A_235 = vector.shape_cast %swap3A_234 : vector<1x16xf32> to vector<16xf32>
          %swap3A_236 = vector.shape_cast %max3A_231 : vector<16xf32> to vector<1x16xf32>
          tpu.vector_store %arg10[%swap3A_232, %swap3A_233], %swap3A_236 {strides = array<i32>} : memref<128x128xf32, #tpu.memory_space<vmem>>, vector<1x16xf32>,
          %get3A_237 = arith.index_cast %scan3A_205 : i32 to index
          %get3A_238 = arith.constant 32 : index
          %get3A_239 = tpu.vector_load %arg10[%get3A_237, %get3A_238] {strides = array<i32>} : memref<128x128xf32, #tpu.memory_space<vmem>>, vector<1x16xf32>,
          %get3A_240 = vector.shape_cast %get3A_239 : vector<1x16xf32> to vector<16xf32>
          %get3A_241 = arith.index_cast %scan3A_205 : i32 to index
          %get3A_242 = arith.constant 32 : index
          %get3A_243 = tpu.vector_load %arg11[%get3A_241, %get3A_242] {strides = array<i32>} : memref<128x128xf32, #tpu.memory_space<vmem>>, vector<1x16xf32>,
          %get3A_244 = vector.shape_cast %get3A_243 : vector<1x16xf32> to vector<16xf32>
          %add3A_245 = arith.addf %get3A_240, %get3A_244 : vector<16xf32>
          %max3A_246 = arith.constant 0.000000e+00 : f32
          %max3A_247 = vector.broadcast %max3A_246 : f32 to vector<16xf32>
          %max3A_248 = arith.maximumf %add3A_245, %max3A_247 : vector<16xf32>
          %swap3A_249 = arith.index_cast %scan3A_205 : i32 to index
          %swap3A_250 = arith.constant 32 : index
          %swap3A_251 = tpu.vector_load %arg10[%swap3A_249, %swap3A_250] {strides = array<i32>} : memref<128x128xf32, #tpu.memory_space<vmem>>, vector<1x16xf32>,
          %swap3A_252 = vector.shape_cast %swap3A_251 : vector<1x16xf32> to vector<16xf32>
          %swap3A_253 = vector.shape_cast %max3A_248 : vector<16xf32> to vector<1x16xf32>
          tpu.vector_store %arg10[%swap3A_249, %swap3A_250], %swap3A_253 {strides = array<i32>} : memref<128x128xf32, #tpu.memory_space<vmem>>, vector<1x16xf32>,
          %get3A_254 = arith.index_cast %scan3A_205 : i32 to index
          %get3A_255 = arith.constant 48 : index
          %get3A_256 = tpu.vector_load %arg10[%get3A_254, %get3A_255] {strides = array<i32>} : memref<128x128xf32, #tpu.memory_space<vmem>>, vector<1x16xf32>,
          %get3A_257 = vector.shape_cast %get3A_256 : vector<1x16xf32> to vector<16xf32>
          %get3A_258 = arith.index_cast %scan3A_205 : i32 to index
          %get3A_259 = arith.constant 48 : index
          %get3A_260 = tpu.vector_load %arg11[%get3A_258, %get3A_259] {strides = array<i32>} : memref<128x128xf32, #tpu.memory_space<vmem>>, vector<1x16xf32>,
          %get3A_261 = vector.shape_cast %get3A_260 : vector<1x16xf32> to vector<16xf32>
          %add3A_262 = arith.addf %get3A_257, %get3A_261 : vector<16xf32>
          %max3A_263 = arith.constant 0.000000e+00 : f32
          %max3A_264 = vector.broadcast %max3A_263 : f32 to vector<16xf32>
          %max3A_265 = arith.maximumf %add3A_262, %max3A_264 : vector<16xf32>
          %swap3A_266 = arith.index_cast %scan3A_205 : i32 to index
          %swap3A_267 = arith.constant 48 : index
          %swap3A_268 = tpu.vector_load %arg10[%swap3A_266, %swap3A_267] {strides = array<i32>} : memref<128x128xf32, #tpu.memory_space<vmem>>, vector<1x16xf32>,
          %swap3A_269 = vector.shape_cast %swap3A_268 : vector<1x16xf32> to vector<16xf32>
          %swap3A_270 = vector.shape_cast %max3A_265 : vector<16xf32> to vector<1x16xf32>
          tpu.vector_store %arg10[%swap3A_266, %swap3A_267], %swap3A_270 {strides = array<i32>} : memref<128x128xf32, #tpu.memory_space<vmem>>, vector<1x16xf32>,
          %get3A_271 = arith.index_cast %scan3A_205 : i32 to index
          %get3A_272 = arith.constant 64 : index
          %get3A_273 = tpu.vector_load %arg10[%get3A_271, %get3A_272] {strides = array<i32>} : memref<128x128xf32, #tpu.memory_space<vmem>>, vector<1x16xf32>,
          %get3A_274 = vector.shape_cast %get3A_273 : vector<1x16xf32> to vector<16xf32>
          %get3A_275 = arith.index_cast %scan3A_205 : i32 to index
          %get3A_276 = arith.constant 64 : index
          %get3A_277 = tpu.vector_load %arg11[%get3A_275, %get3A_276] {strides = array<i32>} : memref<128x128xf32, #tpu.memory_space<vmem>>, vector<1x16xf32>,
          %get3A_278 = vector.shape_cast %get3A_277 : vector<1x16xf32> to vector<16xf32>
          %add3A_279 = arith.addf %get3A_274, %get3A_278 : vector<16xf32>
          %max3A_280 = arith.constant 0.000000e+00 : f32
          %max3A_281 = vector.broadcast %max3A_280 : f32 to vector<16xf32>
          %max3A_282 = arith.maximumf %add3A_279, %max3A_281 : vector<16xf32>
          %swap3A_283 = arith.index_cast %scan3A_205 : i32 to index
          %swap3A_284 = arith.constant 64 : index
          %swap3A_285 = tpu.vector_load %arg10[%swap3A_283, %swap3A_284] {strides = array<i32>} : memref<128x128xf32, #tpu.memory_space<vmem>>, vector<1x16xf32>,
          %swap3A_286 = vector.shape_cast %swap3A_285 : vector<1x16xf32> to vector<16xf32>
          %swap3A_287 = vector.shape_cast %max3A_282 : vector<16xf32> to vector<1x16xf32>
          tpu.vector_store %arg10[%swap3A_283, %swap3A_284], %swap3A_287 {strides = array<i32>} : memref<128x128xf32, #tpu.memory_space<vmem>>, vector<1x16xf32>,
          %get3A_288 = arith.index_cast %scan3A_205 : i32 to index
          %get3A_289 = arith.constant 80 : index
          %get3A_290 = tpu.vector_load %arg10[%get3A_288, %get3A_289] {strides = array<i32>} : memref<128x128xf32, #tpu.memory_space<vmem>>, vector<1x16xf32>,
          %get3A_291 = vector.shape_cast %get3A_290 : vector<1x16xf32> to vector<16xf32>
          %get3A_292 = arith.index_cast %scan3A_205 : i32 to index
          %get3A_293 = arith.constant 80 : index
          %get3A_294 = tpu.vector_load %arg11[%get3A_292, %get3A_293] {strides = array<i32>} : memref<128x128xf32, #tpu.memory_space<vmem>>, vector<1x16xf32>,
          %get3A_295 = vector.shape_cast %get3A_294 : vector<1x16xf32> to vector<16xf32>
          %add3A_296 = arith.addf %get3A_291, %get3A_295 : vector<16xf32>
          %max3A_297 = arith.constant 0.000000e+00 : f32
          %max3A_298 = vector.broadcast %max3A_297 : f32 to vector<16xf32>
          %max3A_299 = arith.maximumf %add3A_296, %max3A_298 : vector<16xf32>
          %swap3A_300 = arith.index_cast %scan3A_205 : i32 to index
          %swap3A_301 = arith.constant 80 : index
          %swap3A_302 = tpu.vector_load %arg10[%swap3A_300, %swap3A_301] {strides = array<i32>} : memref<128x128xf32, #tpu.memory_space<vmem>>, vector<1x16xf32>,
          %swap3A_303 = vector.shape_cast %swap3A_302 : vector<1x16xf32> to vector<16xf32>
          %swap3A_304 = vector.shape_cast %max3A_299 : vector<16xf32> to vector<1x16xf32>
          tpu.vector_store %arg10[%swap3A_300, %swap3A_301], %swap3A_304 {strides = array<i32>} : memref<128x128xf32, #tpu.memory_space<vmem>>, vector<1x16xf32>,
          %get3A_305 = arith.index_cast %scan3A_205 : i32 to index
          %get3A_306 = arith.constant 96 : index
          %get3A_307 = tpu.vector_load %arg10[%get3A_305, %get3A_306] {strides = array<i32>} : memref<128x128xf32, #tpu.memory_space<vmem>>, vector<1x16xf32>,
          %get3A_308 = vector.shape_cast %get3A_307 : vector<1x16xf32> to vector<16xf32>
          %get3A_309 = arith.index_cast %scan3A_205 : i32 to index
          %get3A_310 = arith.constant 96 : index
          %get3A_311 = tpu.vector_load %arg11[%get3A_309, %get3A_310] {strides = array<i32>} : memref<128x128xf32, #tpu.memory_space<vmem>>, vector<1x16xf32>,
          %get3A_312 = vector.shape_cast %get3A_311 : vector<1x16xf32> to vector<16xf32>
          %add3A_313 = arith.addf %get3A_308, %get3A_312 : vector<16xf32>
          %max3A_314 = arith.constant 0.000000e+00 : f32
          %max3A_315 = vector.broadcast %max3A_314 : f32 to vector<16xf32>
          %max3A_316 = arith.maximumf %add3A_313, %max3A_315 : vector<16xf32>
          %swap3A_317 = arith.index_cast %scan3A_205 : i32 to index
          %swap3A_318 = arith.constant 96 : index
          %swap3A_319 = tpu.vector_load %arg10[%swap3A_317, %swap3A_318] {strides = array<i32>} : memref<128x128xf32, #tpu.memory_space<vmem>>, vector<1x16xf32>,
          %swap3A_320 = vector.shape_cast %swap3A_319 : vector<1x16xf32> to vector<16xf32>
          %swap3A_321 = vector.shape_cast %max3A_316 : vector<16xf32> to vector<1x16xf32>
          tpu.vector_store %arg10[%swap3A_317, %swap3A_318], %swap3A_321 {strides = array<i32>} : memref<128x128xf32, #tpu.memory_space<vmem>>, vector<1x16xf32>,
          %get3A_322 = arith.index_cast %scan3A_205 : i32 to index
          %get3A_323 = arith.constant 112 : index
          %get3A_324 = tpu.vector_load %arg10[%get3A_322, %get3A_323] {strides = array<i32>} : memref<128x128xf32, #tpu.memory_space<vmem>>, vector<1x16xf32>,
          %get3A_325 = vector.shape_cast %get3A_324 : vector<1x16xf32> to vector<16xf32>
          %get3A_326 = arith.index_cast %scan3A_205 : i32 to index
          %get3A_327 = arith.constant 112 : index
          %get3A_328 = tpu.vector_load %arg11[%get3A_326, %get3A_327] {strides = array<i32>} : memref<128x128xf32, #tpu.memory_space<vmem>>, vector<1x16xf32>,
          %get3A_329 = vector.shape_cast %get3A_328 : vector<1x16xf32> to vector<16xf32>
          %add3A_330 = arith.addf %get3A_325, %get3A_329 : vector<16xf32>
          %max3A_331 = arith.constant 0.000000e+00 : f32
          %max3A_332 = vector.broadcast %max3A_331 : f32 to vector<16xf32>
          %max3A_333 = arith.maximumf %add3A_330, %max3A_332 : vector<16xf32>
          %swap3A_334 = arith.index_cast %scan3A_205 : i32 to index
          %swap3A_335 = arith.constant 112 : index
          %swap3A_336 = tpu.vector_load %arg10[%swap3A_334, %swap3A_335] {strides = array<i32>} : memref<128x128xf32, #tpu.memory_space<vmem>>, vector<1x16xf32>,
          %swap3A_337 = vector.shape_cast %swap3A_336 : vector<1x16xf32> to vector<16xf32>
          %swap3A_338 = vector.shape_cast %max3A_333 : vector<16xf32> to vector<1x16xf32>
          tpu.vector_store %arg10[%swap3A_334, %swap3A_335], %swap3A_338 {strides = array<i32>} : memref<128x128xf32, #tpu.memory_space<vmem>>, vector<1x16xf32>,
        }
        %scan3A_196 = arith.constant 128 : i32
        %dma_start3A_197 = arith.constant 0 : i32
        %dma_start3A_198 = arith.constant 1 : i32
        %dma_start3A_199 = arith.constant 0 : i32
        %dma_start3A_200 = tpu.memref_slice %arg8[%dma_start3A_197, %dma_start3A_198, %dma_start3A_199] : memref<1x2x128xi32, #tpu.memory_space<vmem>> -> memref<1x1x128xi32, #tpu.memory_space<vmem>>
        %dma_start3A_201 = tpu.memref_squeeze %dma_start3A_200 : memref<1x1x128xi32, #tpu.memory_space<vmem>> -> memref<128xi32, #tpu.memory_space<vmem>>
        %dma_start3A_202 = arith.constant 0 : i32
        %dma_start3A_203 = arith.constant 0 : i32
        %dma_start3A_204 = tpu.memref_slice %arg12[%dma_start3A_202, %dma_start3A_203] : memref<10112x128xf32, #tpu.memory_space<vmem_shared>> -> memref<10112x128xf32, #tpu.memory_space<vmem_shared>>
        tpu.enqueue_indirect_dma source(%arg10 : memref<128x128xf32, #tpu.memory_space<vmem>>) target(%dma_start3A_204 : memref<10112x128xf32, #tpu.memory_space<vmem_shared>>) offsets(%dma_start3A_201 : memref<128xi32, #tpu.memory_space<vmem>>) semaphore(%arg15 : memref<!tpu.dma_semaphore, #tpu.memory_space<semaphore_mem>>) {add = true}
      }
      %scan3A_57 = arith.constant 80 : i32
      %add3A_58 = arith.constant 0 : i32
      %add3A_59 = arith.addi %mul3A_15, %add3A_58 : i32
      %dma_wait3A = arith.constant 1 : i32
      %dma_wait3A_60 = arith.constant 0 : i32
      %dma_wait3A_61 = arith.constant 0 : i32
      %dma_wait3A_62 = tpu.memref_slice %arg12[%dma_wait3A_60, %dma_wait3A_61] : memref<10112x128xf32, #tpu.memory_space<vmem_shared>> -> memref<128x128xf32, #tpu.memory_space<vmem_shared>>
      %dma_wait3A_63 = arith.constant 0 : i32
      %dma_wait3A_64 = tpu.memref_slice %arg4[%dma_wait3A, %add3A_59, %dma_wait3A_63] : memref<2x327680x128xf32, #tpu.memory_space<hbm>> -> memref<1x128x128xf32, #tpu.memory_space<hbm>>
      %dma_wait3A_65 = tpu.memref_squeeze %dma_wait3A_64 : memref<1x128x128xf32, #tpu.memory_space<hbm>> -> memref<128x128xf32, #tpu.memory_space<hbm>>
      tpu.wait_dma2 semaphore(%arg15 : memref<!tpu.dma_semaphore, #tpu.memory_space<semaphore_mem>>) src(%dma_wait3A_65 : memref<128x128xf32, #tpu.memory_space<hbm>>) dst(%dma_wait3A_62 : memref<128x128xf32, #tpu.memory_space<vmem_shared>>)
    } else {
    }
    %barrier3A_25 = arith.constant 0 : index
    tpu.barrier barrier_id(%barrier3A_25)
    "tpu.region"() ({
      %run_scoped3A = tpu.sem_alloc : memref<!tpu.dma_semaphore, #tpu.memory_space<semaphore_mem>>
      %dma_start3A = arith.constant 0 : i32
      %dma_start3A_26 = tpu.memref_slice %arg6[%arg0, %mul3A_4, %dma_start3A] : memref<2x10112x128xf32, #tpu.memory_space<hbm>> -> memref<1x632x128xf32, #tpu.memory_space<hbm>>
      %dma_start3A_27 = tpu.memref_squeeze %dma_start3A_26 : memref<1x632x128xf32, #tpu.memory_space<hbm>> -> memref<632x128xf32, #tpu.memory_space<hbm>>
      %dma_start3A_28 = arith.constant 0 : i32
      %dma_start3A_29 = tpu.memref_slice %arg12[%mul3A_4, %dma_start3A_28] : memref<10112x128xf32, #tpu.memory_space<vmem_shared>> -> memref<632x128xf32, #tpu.memory_space<vmem_shared>>
      tpu.enqueue_dma source(%dma_start3A_29 : memref<632x128xf32, #tpu.memory_space<vmem_shared>>) target(%dma_start3A_27 : memref<632x128xf32, #tpu.memory_space<hbm>>) target_semaphore(%run_scoped3A : memref<!tpu.dma_semaphore, #tpu.memory_space<semaphore_mem>>)
      %dma_wait3A = arith.constant 0 : i32
      %dma_wait3A_30 = tpu.memref_slice %arg6[%arg0, %mul3A_4, %dma_wait3A] : memref<2x10112x128xf32, #tpu.memory_space<hbm>> -> memref<1x632x128xf32, #tpu.memory_space<hbm>>
      %dma_wait3A_31 = tpu.memref_squeeze %dma_wait3A_30 : memref<1x632x128xf32, #tpu.memory_space<hbm>> -> memref<632x128xf32, #tpu.memory_space<hbm>>
      %dma_wait3A_32 = arith.constant 0 : i32
      %dma_wait3A_33 = tpu.memref_slice %arg12[%mul3A_4, %dma_wait3A_32] : memref<10112x128xf32, #tpu.memory_space<vmem_shared>> -> memref<632x128xf32, #tpu.memory_space<vmem_shared>>
      tpu.wait_dma2 semaphore(%run_scoped3A : memref<!tpu.dma_semaphore, #tpu.memory_space<semaphore_mem>>) src(%dma_wait3A_33 : memref<632x128xf32, #tpu.memory_space<vmem_shared>>) dst(%dma_wait3A_31 : memref<632x128xf32, #tpu.memory_space<hbm>>)
      tpu.yield
    }) : () -> ()
    return
  }
}

#map = affine_map<(d0, d1) -> (0, 0)>
#map1 = affine_map<(d0, d1) -> (0, 0, 0)>
module attributes {stable_mosaic.version = 14 : i64} {
  func.func @k(%arg0: i32, %arg1: i32, %arg2: memref<10000x128xf32, #tpu.memory_space<hbm>>, %arg3: memref<327680x128xf32, #tpu.memory_space<hbm>>, %arg4: memref<2560x2x128xi32, #tpu.memory_space<hbm>>, %arg5: memref<2x10112x128xf32, #tpu.memory_space<hbm>>, %arg6: memref<1x2x128xi32, #tpu.memory_space<vmem>>, %arg7: memref<1x2x128xi32, #tpu.memory_space<vmem>>, %arg8: memref<128x128xf32, #tpu.memory_space<vmem>>, %arg9: memref<128x128xf32, #tpu.memory_space<vmem>>, %arg10: memref<128x128xf32, #tpu.memory_space<vmem>>, %arg11: memref<10112x128xf32, #tpu.memory_space<vmem_shared>>, %arg12: memref<!tpu.dma_semaphore, #tpu.memory_space<semaphore_mem>>, %arg13: memref<!tpu.dma_semaphore, #tpu.memory_space<semaphore_mem>>, %arg14: memref<!tpu.dma_semaphore, #tpu.memory_space<semaphore_mem>>) attributes {dimension_semantics = [#tpu.dimension_semantics<core_parallel>, #tpu.dimension_semantics<subcore_parallel>], iteration_bounds = array<i64: 2, 16>, scalar_prefetch = 0 : i64, scratch_operands = 9 : i64, tpu.core_type = #tpu.core_type<sc_vector_subcore>, window_params = [{transform_indices = #map}, {transform_indices = #map}, {transform_indices = #map1}, {transform_indices = #map1}]} {
    %scan3A = arith.constant 0 : i32
    %scan3A_0 = arith.constant 128 : i32
    %scan3A_1 = arith.addi %scan3A, %scan3A_0 : i32
    %scan3A_2 = arith.constant 1 : i32
    scf.for %scan3A_60 = %scan3A to %scan3A_1 step %scan3A_2  : i32 {
      %broadcast_in_dim3A = arith.constant 0.000000e+00 : f32
      %broadcast_in_dim3A_61 = vector.broadcast %broadcast_in_dim3A : f32 to vector<16xf32>
      %swap3A = arith.index_cast %scan3A_60 : i32 to index
      %swap3A_62 = arith.constant 0 : index
      %swap3A_63 = tpu.vector_load %arg8[%swap3A, %swap3A_62] {strides = array<i32>} : memref<128x128xf32, #tpu.memory_space<vmem>>, vector<1x16xf32>,
      %swap3A_64 = vector.shape_cast %swap3A_63 : vector<1x16xf32> to vector<16xf32>
      %swap3A_65 = vector.shape_cast %broadcast_in_dim3A_61 : vector<16xf32> to vector<1x16xf32>
      tpu.vector_store %arg8[%swap3A, %swap3A_62], %swap3A_65 {strides = array<i32>} : memref<128x128xf32, #tpu.memory_space<vmem>>, vector<1x16xf32>,
      %broadcast_in_dim3A_66 = arith.constant 0.000000e+00 : f32
      %broadcast_in_dim3A_67 = vector.broadcast %broadcast_in_dim3A_66 : f32 to vector<16xf32>
      %swap3A_68 = arith.index_cast %scan3A_60 : i32 to index
      %swap3A_69 = arith.constant 16 : index
      %swap3A_70 = tpu.vector_load %arg8[%swap3A_68, %swap3A_69] {strides = array<i32>} : memref<128x128xf32, #tpu.memory_space<vmem>>, vector<1x16xf32>,
      %swap3A_71 = vector.shape_cast %swap3A_70 : vector<1x16xf32> to vector<16xf32>
      %swap3A_72 = vector.shape_cast %broadcast_in_dim3A_67 : vector<16xf32> to vector<1x16xf32>
      tpu.vector_store %arg8[%swap3A_68, %swap3A_69], %swap3A_72 {strides = array<i32>} : memref<128x128xf32, #tpu.memory_space<vmem>>, vector<1x16xf32>,
      %broadcast_in_dim3A_73 = arith.constant 0.000000e+00 : f32
      %broadcast_in_dim3A_74 = vector.broadcast %broadcast_in_dim3A_73 : f32 to vector<16xf32>
      %swap3A_75 = arith.index_cast %scan3A_60 : i32 to index
      %swap3A_76 = arith.constant 32 : index
      %swap3A_77 = tpu.vector_load %arg8[%swap3A_75, %swap3A_76] {strides = array<i32>} : memref<128x128xf32, #tpu.memory_space<vmem>>, vector<1x16xf32>,
      %swap3A_78 = vector.shape_cast %swap3A_77 : vector<1x16xf32> to vector<16xf32>
      %swap3A_79 = vector.shape_cast %broadcast_in_dim3A_74 : vector<16xf32> to vector<1x16xf32>
      tpu.vector_store %arg8[%swap3A_75, %swap3A_76], %swap3A_79 {strides = array<i32>} : memref<128x128xf32, #tpu.memory_space<vmem>>, vector<1x16xf32>,
      %broadcast_in_dim3A_80 = arith.constant 0.000000e+00 : f32
      %broadcast_in_dim3A_81 = vector.broadcast %broadcast_in_dim3A_80 : f32 to vector<16xf32>
      %swap3A_82 = arith.index_cast %scan3A_60 : i32 to index
      %swap3A_83 = arith.constant 48 : index
      %swap3A_84 = tpu.vector_load %arg8[%swap3A_82, %swap3A_83] {strides = array<i32>} : memref<128x128xf32, #tpu.memory_space<vmem>>, vector<1x16xf32>,
      %swap3A_85 = vector.shape_cast %swap3A_84 : vector<1x16xf32> to vector<16xf32>
      %swap3A_86 = vector.shape_cast %broadcast_in_dim3A_81 : vector<16xf32> to vector<1x16xf32>
      tpu.vector_store %arg8[%swap3A_82, %swap3A_83], %swap3A_86 {strides = array<i32>} : memref<128x128xf32, #tpu.memory_space<vmem>>, vector<1x16xf32>,
      %broadcast_in_dim3A_87 = arith.constant 0.000000e+00 : f32
      %broadcast_in_dim3A_88 = vector.broadcast %broadcast_in_dim3A_87 : f32 to vector<16xf32>
      %swap3A_89 = arith.index_cast %scan3A_60 : i32 to index
      %swap3A_90 = arith.constant 64 : index
      %swap3A_91 = tpu.vector_load %arg8[%swap3A_89, %swap3A_90] {strides = array<i32>} : memref<128x128xf32, #tpu.memory_space<vmem>>, vector<1x16xf32>,
      %swap3A_92 = vector.shape_cast %swap3A_91 : vector<1x16xf32> to vector<16xf32>
      %swap3A_93 = vector.shape_cast %broadcast_in_dim3A_88 : vector<16xf32> to vector<1x16xf32>
      tpu.vector_store %arg8[%swap3A_89, %swap3A_90], %swap3A_93 {strides = array<i32>} : memref<128x128xf32, #tpu.memory_space<vmem>>, vector<1x16xf32>,
      %broadcast_in_dim3A_94 = arith.constant 0.000000e+00 : f32
      %broadcast_in_dim3A_95 = vector.broadcast %broadcast_in_dim3A_94 : f32 to vector<16xf32>
      %swap3A_96 = arith.index_cast %scan3A_60 : i32 to index
      %swap3A_97 = arith.constant 80 : index
      %swap3A_98 = tpu.vector_load %arg8[%swap3A_96, %swap3A_97] {strides = array<i32>} : memref<128x128xf32, #tpu.memory_space<vmem>>, vector<1x16xf32>,
      %swap3A_99 = vector.shape_cast %swap3A_98 : vector<1x16xf32> to vector<16xf32>
      %swap3A_100 = vector.shape_cast %broadcast_in_dim3A_95 : vector<16xf32> to vector<1x16xf32>
      tpu.vector_store %arg8[%swap3A_96, %swap3A_97], %swap3A_100 {strides = array<i32>} : memref<128x128xf32, #tpu.memory_space<vmem>>, vector<1x16xf32>,
      %broadcast_in_dim3A_101 = arith.constant 0.000000e+00 : f32
      %broadcast_in_dim3A_102 = vector.broadcast %broadcast_in_dim3A_101 : f32 to vector<16xf32>
      %swap3A_103 = arith.index_cast %scan3A_60 : i32 to index
      %swap3A_104 = arith.constant 96 : index
      %swap3A_105 = tpu.vector_load %arg8[%swap3A_103, %swap3A_104] {strides = array<i32>} : memref<128x128xf32, #tpu.memory_space<vmem>>, vector<1x16xf32>,
      %swap3A_106 = vector.shape_cast %swap3A_105 : vector<1x16xf32> to vector<16xf32>
      %swap3A_107 = vector.shape_cast %broadcast_in_dim3A_102 : vector<16xf32> to vector<1x16xf32>
      tpu.vector_store %arg8[%swap3A_103, %swap3A_104], %swap3A_107 {strides = array<i32>} : memref<128x128xf32, #tpu.memory_space<vmem>>, vector<1x16xf32>,
      %broadcast_in_dim3A_108 = arith.constant 0.000000e+00 : f32
      %broadcast_in_dim3A_109 = vector.broadcast %broadcast_in_dim3A_108 : f32 to vector<16xf32>
      %swap3A_110 = arith.index_cast %scan3A_60 : i32 to index
      %swap3A_111 = arith.constant 112 : index
      %swap3A_112 = tpu.vector_load %arg8[%swap3A_110, %swap3A_111] {strides = array<i32>} : memref<128x128xf32, #tpu.memory_space<vmem>>, vector<1x16xf32>,
      %swap3A_113 = vector.shape_cast %swap3A_112 : vector<1x16xf32> to vector<16xf32>
      %swap3A_114 = vector.shape_cast %broadcast_in_dim3A_109 : vector<16xf32> to vector<1x16xf32>
      tpu.vector_store %arg8[%swap3A_110, %swap3A_111], %swap3A_114 {strides = array<i32>} : memref<128x128xf32, #tpu.memory_space<vmem>>, vector<1x16xf32>,
    }
    %scan3A_3 = arith.constant 128 : i32
    %mul3A = arith.constant 632 : i32
    %mul3A_4 = arith.muli %arg1, %mul3A : i32
    %add3A = arith.constant 0 : i32
    %add3A_5 = arith.addi %mul3A_4, %add3A : i32
    "tpu.region"() ({
      %run_scoped3A = tpu.sem_alloc : memref<!tpu.dma_semaphore, #tpu.memory_space<semaphore_mem>>
      %dma_start3A_60 = arith.constant 0 : i32
      %dma_start3A_61 = tpu.memref_slice %arg11[%add3A_5, %dma_start3A_60] : memref<10112x128xf32, #tpu.memory_space<vmem_shared>> -> memref<128x128xf32, #tpu.memory_space<vmem_shared>>
      %dma_start3A_62 = arith.constant 0 : i32
      %dma_start3A_63 = tpu.memref_slice %arg11[%add3A_5, %dma_start3A_62] : memref<10112x128xf32, #tpu.memory_space<vmem_shared>> -> memref<128x128xf32, #tpu.memory_space<vmem_shared>>
      tpu.enqueue_dma source(%arg8 : memref<128x128xf32, #tpu.memory_space<vmem>>) target(%dma_start3A_63 : memref<128x128xf32, #tpu.memory_space<vmem_shared>>) target_semaphore(%run_scoped3A : memref<!tpu.dma_semaphore, #tpu.memory_space<semaphore_mem>>)
      %dma_wait3A_64 = arith.constant 0 : i32
      %dma_wait3A_65 = tpu.memref_slice %arg11[%add3A_5, %dma_wait3A_64] : memref<10112x128xf32, #tpu.memory_space<vmem_shared>> -> memref<128x128xf32, #tpu.memory_space<vmem_shared>>
      %dma_wait3A_66 = arith.constant 0 : i32
      %dma_wait3A_67 = tpu.memref_slice %arg11[%add3A_5, %dma_wait3A_66] : memref<10112x128xf32, #tpu.memory_space<vmem_shared>> -> memref<128x128xf32, #tpu.memory_space<vmem_shared>>
      tpu.wait_dma2 semaphore(%run_scoped3A : memref<!tpu.dma_semaphore, #tpu.memory_space<semaphore_mem>>) src(%arg8 : memref<128x128xf32, #tpu.memory_space<vmem>>) dst(%dma_wait3A_67 : memref<128x128xf32, #tpu.memory_space<vmem_shared>>)
      tpu.yield
    }) : () -> ()
    %add3A_6 = arith.constant 128 : i32
    %add3A_7 = arith.addi %mul3A_4, %add3A_6 : i32
    "tpu.region"() ({
      %run_scoped3A = tpu.sem_alloc : memref<!tpu.dma_semaphore, #tpu.memory_space<semaphore_mem>>
      %dma_start3A_60 = arith.constant 0 : i32
      %dma_start3A_61 = tpu.memref_slice %arg11[%add3A_7, %dma_start3A_60] : memref<10112x128xf32, #tpu.memory_space<vmem_shared>> -> memref<128x128xf32, #tpu.memory_space<vmem_shared>>
      %dma_start3A_62 = arith.constant 0 : i32
      %dma_start3A_63 = tpu.memref_slice %arg11[%add3A_7, %dma_start3A_62] : memref<10112x128xf32, #tpu.memory_space<vmem_shared>> -> memref<128x128xf32, #tpu.memory_space<vmem_shared>>
      tpu.enqueue_dma source(%arg8 : memref<128x128xf32, #tpu.memory_space<vmem>>) target(%dma_start3A_63 : memref<128x128xf32, #tpu.memory_space<vmem_shared>>) target_semaphore(%run_scoped3A : memref<!tpu.dma_semaphore, #tpu.memory_space<semaphore_mem>>)
      %dma_wait3A_64 = arith.constant 0 : i32
      %dma_wait3A_65 = tpu.memref_slice %arg11[%add3A_7, %dma_wait3A_64] : memref<10112x128xf32, #tpu.memory_space<vmem_shared>> -> memref<128x128xf32, #tpu.memory_space<vmem_shared>>
      %dma_wait3A_66 = arith.constant 0 : i32
      %dma_wait3A_67 = tpu.memref_slice %arg11[%add3A_7, %dma_wait3A_66] : memref<10112x128xf32, #tpu.memory_space<vmem_shared>> -> memref<128x128xf32, #tpu.memory_space<vmem_shared>>
      tpu.wait_dma2 semaphore(%run_scoped3A : memref<!tpu.dma_semaphore, #tpu.memory_space<semaphore_mem>>) src(%arg8 : memref<128x128xf32, #tpu.memory_space<vmem>>) dst(%dma_wait3A_67 : memref<128x128xf32, #tpu.memory_space<vmem_shared>>)
      tpu.yield
    }) : () -> ()
    %add3A_8 = arith.constant 256 : i32
    %add3A_9 = arith.addi %mul3A_4, %add3A_8 : i32
    "tpu.region"() ({
      %run_scoped3A = tpu.sem_alloc : memref<!tpu.dma_semaphore, #tpu.memory_space<semaphore_mem>>
      %dma_start3A_60 = arith.constant 0 : i32
      %dma_start3A_61 = tpu.memref_slice %arg11[%add3A_9, %dma_start3A_60] : memref<10112x128xf32, #tpu.memory_space<vmem_shared>> -> memref<128x128xf32, #tpu.memory_space<vmem_shared>>
      %dma_start3A_62 = arith.constant 0 : i32
      %dma_start3A_63 = tpu.memref_slice %arg11[%add3A_9, %dma_start3A_62] : memref<10112x128xf32, #tpu.memory_space<vmem_shared>> -> memref<128x128xf32, #tpu.memory_space<vmem_shared>>
      tpu.enqueue_dma source(%arg8 : memref<128x128xf32, #tpu.memory_space<vmem>>) target(%dma_start3A_63 : memref<128x128xf32, #tpu.memory_space<vmem_shared>>) target_semaphore(%run_scoped3A : memref<!tpu.dma_semaphore, #tpu.memory_space<semaphore_mem>>)
      %dma_wait3A_64 = arith.constant 0 : i32
      %dma_wait3A_65 = tpu.memref_slice %arg11[%add3A_9, %dma_wait3A_64] : memref<10112x128xf32, #tpu.memory_space<vmem_shared>> -> memref<128x128xf32, #tpu.memory_space<vmem_shared>>
      %dma_wait3A_66 = arith.constant 0 : i32
      %dma_wait3A_67 = tpu.memref_slice %arg11[%add3A_9, %dma_wait3A_66] : memref<10112x128xf32, #tpu.memory_space<vmem_shared>> -> memref<128x128xf32, #tpu.memory_space<vmem_shared>>
      tpu.wait_dma2 semaphore(%run_scoped3A : memref<!tpu.dma_semaphore, #tpu.memory_space<semaphore_mem>>) src(%arg8 : memref<128x128xf32, #tpu.memory_space<vmem>>) dst(%dma_wait3A_67 : memref<128x128xf32, #tpu.memory_space<vmem_shared>>)
      tpu.yield
    }) : () -> ()
    %add3A_10 = arith.constant 384 : i32
    %add3A_11 = arith.addi %mul3A_4, %add3A_10 : i32
    "tpu.region"() ({
      %run_scoped3A = tpu.sem_alloc : memref<!tpu.dma_semaphore, #tpu.memory_space<semaphore_mem>>
      %dma_start3A_60 = arith.constant 0 : i32
      %dma_start3A_61 = tpu.memref_slice %arg11[%add3A_11, %dma_start3A_60] : memref<10112x128xf32, #tpu.memory_space<vmem_shared>> -> memref<128x128xf32, #tpu.memory_space<vmem_shared>>
      %dma_start3A_62 = arith.constant 0 : i32
      %dma_start3A_63 = tpu.memref_slice %arg11[%add3A_11, %dma_start3A_62] : memref<10112x128xf32, #tpu.memory_space<vmem_shared>> -> memref<128x128xf32, #tpu.memory_space<vmem_shared>>
      tpu.enqueue_dma source(%arg8 : memref<128x128xf32, #tpu.memory_space<vmem>>) target(%dma_start3A_63 : memref<128x128xf32, #tpu.memory_space<vmem_shared>>) target_semaphore(%run_scoped3A : memref<!tpu.dma_semaphore, #tpu.memory_space<semaphore_mem>>)
      %dma_wait3A_64 = arith.constant 0 : i32
      %dma_wait3A_65 = tpu.memref_slice %arg11[%add3A_11, %dma_wait3A_64] : memref<10112x128xf32, #tpu.memory_space<vmem_shared>> -> memref<128x128xf32, #tpu.memory_space<vmem_shared>>
      %dma_wait3A_66 = arith.constant 0 : i32
      %dma_wait3A_67 = tpu.memref_slice %arg11[%add3A_11, %dma_wait3A_66] : memref<10112x128xf32, #tpu.memory_space<vmem_shared>> -> memref<128x128xf32, #tpu.memory_space<vmem_shared>>
      tpu.wait_dma2 semaphore(%run_scoped3A : memref<!tpu.dma_semaphore, #tpu.memory_space<semaphore_mem>>) src(%arg8 : memref<128x128xf32, #tpu.memory_space<vmem>>) dst(%dma_wait3A_67 : memref<128x128xf32, #tpu.memory_space<vmem_shared>>)
      tpu.yield
    }) : () -> ()
    %add3A_12 = arith.constant 512 : i32
    %add3A_13 = arith.addi %mul3A_4, %add3A_12 : i32
    "tpu.region"() ({
      %run_scoped3A = tpu.sem_alloc : memref<!tpu.dma_semaphore, #tpu.memory_space<semaphore_mem>>
      %dma_start3A_60 = arith.constant 0 : i32
      %dma_start3A_61 = arith.constant 0 : i32
      %dma_start3A_62 = tpu.memref_slice %arg8[%dma_start3A_60, %dma_start3A_61] : memref<128x128xf32, #tpu.memory_space<vmem>> -> memref<120x128xf32, #tpu.memory_space<vmem>>
      %dma_start3A_63 = arith.constant 0 : i32
      %dma_start3A_64 = tpu.memref_slice %arg11[%add3A_13, %dma_start3A_63] : memref<10112x128xf32, #tpu.memory_space<vmem_shared>> -> memref<120x128xf32, #tpu.memory_space<vmem_shared>>
      %dma_start3A_65 = arith.constant 0 : i32
      %dma_start3A_66 = tpu.memref_slice %arg11[%add3A_13, %dma_start3A_65] : memref<10112x128xf32, #tpu.memory_space<vmem_shared>> -> memref<120x128xf32, #tpu.memory_space<vmem_shared>>
      %dma_start3A_67 = arith.constant 0 : i32
      %dma_start3A_68 = arith.constant 0 : i32
      %dma_start3A_69 = tpu.memref_slice %arg8[%dma_start3A_67, %dma_start3A_68] : memref<128x128xf32, #tpu.memory_space<vmem>> -> memref<120x128xf32, #tpu.memory_space<vmem>>
      tpu.enqueue_dma source(%dma_start3A_69 : memref<120x128xf32, #tpu.memory_space<vmem>>) target(%dma_start3A_66 : memref<120x128xf32, #tpu.memory_space<vmem_shared>>) target_semaphore(%run_scoped3A : memref<!tpu.dma_semaphore, #tpu.memory_space<semaphore_mem>>)
      %dma_wait3A_70 = arith.constant 0 : i32
      %dma_wait3A_71 = arith.constant 0 : i32
      %dma_wait3A_72 = tpu.memref_slice %arg8[%dma_wait3A_70, %dma_wait3A_71] : memref<128x128xf32, #tpu.memory_space<vmem>> -> memref<120x128xf32, #tpu.memory_space<vmem>>
      %dma_wait3A_73 = arith.constant 0 : i32
      %dma_wait3A_74 = tpu.memref_slice %arg11[%add3A_13, %dma_wait3A_73] : memref<10112x128xf32, #tpu.memory_space<vmem_shared>> -> memref<120x128xf32, #tpu.memory_space<vmem_shared>>
      %dma_wait3A_75 = arith.constant 0 : i32
      %dma_wait3A_76 = tpu.memref_slice %arg11[%add3A_13, %dma_wait3A_75] : memref<10112x128xf32, #tpu.memory_space<vmem_shared>> -> memref<120x128xf32, #tpu.memory_space<vmem_shared>>
      %dma_wait3A_77 = arith.constant 0 : i32
      %dma_wait3A_78 = arith.constant 0 : i32
      %dma_wait3A_79 = tpu.memref_slice %arg8[%dma_wait3A_77, %dma_wait3A_78] : memref<128x128xf32, #tpu.memory_space<vmem>> -> memref<120x128xf32, #tpu.memory_space<vmem>>
      tpu.wait_dma2 semaphore(%run_scoped3A : memref<!tpu.dma_semaphore, #tpu.memory_space<semaphore_mem>>) src(%dma_wait3A_79 : memref<120x128xf32, #tpu.memory_space<vmem>>) dst(%dma_wait3A_76 : memref<120x128xf32, #tpu.memory_space<vmem_shared>>)
      tpu.yield
    }) : () -> ()
    %barrier3A = arith.constant 0 : index
    tpu.barrier barrier_id(%barrier3A)
    %mul3A_14 = arith.constant 16 : i32
    %mul3A_15 = arith.muli %arg0, %mul3A_14 : i32
    %add3A_16 = arith.addi %mul3A_15, %arg1 : i32
    %mul3A_17 = arith.constant 10240 : i32
    %mul3A_18 = arith.muli %add3A_16, %mul3A_17 : i32
    %mul3A_19 = arith.constant 16 : i32
    %mul3A_20 = arith.muli %arg0, %mul3A_19 : i32
    %add3A_21 = arith.addi %mul3A_20, %arg1 : i32
    %mul3A_22 = arith.constant 80 : i32
    %mul3A_23 = arith.muli %add3A_21, %mul3A_22 : i32
    %add3A_24 = arith.constant 0 : i32
    %add3A_25 = arith.addi %mul3A_23, %add3A_24 : i32
    %dma_start3A = arith.constant 0 : i32
    %dma_start3A_26 = arith.constant 0 : i32
    %dma_start3A_27 = arith.constant 0 : i32
    %dma_start3A_28 = tpu.memref_slice %arg6[%dma_start3A, %dma_start3A_26, %dma_start3A_27] : memref<1x2x128xi32, #tpu.memory_space<vmem>> -> memref<1x2x128xi32, #tpu.memory_space<vmem>>
    %dma_start3A_29 = tpu.memref_squeeze %dma_start3A_28 : memref<1x2x128xi32, #tpu.memory_space<vmem>> -> memref<2x128xi32, #tpu.memory_space<vmem>>
    %dma_start3A_30 = arith.constant 0 : i32
    %dma_start3A_31 = arith.constant 0 : i32
    %dma_start3A_32 = tpu.memref_slice %arg4[%add3A_25, %dma_start3A_30, %dma_start3A_31] : memref<2560x2x128xi32, #tpu.memory_space<hbm>> -> memref<1x2x128xi32, #tpu.memory_space<hbm>>
    %dma_start3A_33 = tpu.memref_squeeze %dma_start3A_32 : memref<1x2x128xi32, #tpu.memory_space<hbm>> -> memref<2x128xi32, #tpu.memory_space<hbm>>
    %dma_start3A_34 = arith.constant 0 : i32
    %dma_start3A_35 = arith.constant 0 : i32
    %dma_start3A_36 = tpu.memref_slice %arg6[%dma_start3A, %dma_start3A_34, %dma_start3A_35] : memref<1x2x128xi32, #tpu.memory_space<vmem>> -> memref<1x2x128xi32, #tpu.memory_space<vmem>>
    %dma_start3A_37 = tpu.memref_squeeze %dma_start3A_36 : memref<1x2x128xi32, #tpu.memory_space<vmem>> -> memref<2x128xi32, #tpu.memory_space<vmem>>
    %dma_start3A_38 = arith.constant 0 : i32
    %dma_start3A_39 = arith.constant 0 : i32
    %dma_start3A_40 = tpu.memref_slice %arg4[%add3A_25, %dma_start3A_38, %dma_start3A_39] : memref<2560x2x128xi32, #tpu.memory_space<hbm>> -> memref<1x2x128xi32, #tpu.memory_space<hbm>>
    %dma_start3A_41 = tpu.memref_squeeze %dma_start3A_40 : memref<1x2x128xi32, #tpu.memory_space<hbm>> -> memref<2x128xi32, #tpu.memory_space<hbm>>
    tpu.enqueue_dma source(%dma_start3A_41 : memref<2x128xi32, #tpu.memory_space<hbm>>) target(%dma_start3A_37 : memref<2x128xi32, #tpu.memory_space<vmem>>) target_semaphore(%arg12 : memref<!tpu.dma_semaphore, #tpu.memory_space<semaphore_mem>>)
    %add3A_42 = arith.constant 0 : i32
    %add3A_43 = arith.addi %mul3A_18, %add3A_42 : i32
    %dma_start3A_44 = arith.constant 0 : i32
    %dma_start3A_45 = tpu.memref_slice %arg3[%add3A_43, %dma_start3A_44] : memref<327680x128xf32, #tpu.memory_space<hbm>> -> memref<128x128xf32, #tpu.memory_space<hbm>>
    %dma_start3A_46 = arith.constant 0 : i32
    %dma_start3A_47 = tpu.memref_slice %arg3[%add3A_43, %dma_start3A_46] : memref<327680x128xf32, #tpu.memory_space<hbm>> -> memref<128x128xf32, #tpu.memory_space<hbm>>
    tpu.enqueue_dma source(%dma_start3A_47 : memref<128x128xf32, #tpu.memory_space<hbm>>) target(%arg8 : memref<128x128xf32, #tpu.memory_space<vmem>>) target_semaphore(%arg12 : memref<!tpu.dma_semaphore, #tpu.memory_space<semaphore_mem>>)
    %scan3A_48 = arith.constant 0 : i32
    %scan3A_49 = arith.constant 40 : i32
    %scan3A_50 = arith.addi %scan3A_48, %scan3A_49 : i32
    %scan3A_51 = arith.constant 1 : i32
    scf.for %scan3A_60 = %scan3A_48 to %scan3A_50 step %scan3A_51  : i32 {
      %mul3A_61 = arith.constant 2 : i32
      %mul3A_62 = arith.muli %mul3A_61, %scan3A_60 : i32
      %add3A_63 = arith.constant 0 : i32
      %add3A_64 = arith.addi %mul3A_62, %add3A_63 : i32
      %dma_wait3A_65 = arith.constant 0 : i32
      %dma_wait3A_66 = arith.constant 0 : i32
      %dma_wait3A_67 = arith.constant 0 : i32
      %dma_wait3A_68 = arith.constant 0 : i32
      %dma_wait3A_69 = tpu.memref_slice %arg6[%dma_wait3A_66, %dma_wait3A_67, %dma_wait3A_68] : memref<1x2x128xi32, #tpu.memory_space<vmem>> -> memref<1x2x128xi32, #tpu.memory_space<vmem>>
      %dma_wait3A_70 = tpu.memref_squeeze %dma_wait3A_69 : memref<1x2x128xi32, #tpu.memory_space<vmem>> -> memref<2x128xi32, #tpu.memory_space<vmem>>
      %dma_wait3A_71 = arith.constant 0 : i32
      %dma_wait3A_72 = arith.constant 0 : i32
      %dma_wait3A_73 = tpu.memref_slice %arg4[%dma_wait3A_65, %dma_wait3A_71, %dma_wait3A_72] : memref<2560x2x128xi32, #tpu.memory_space<hbm>> -> memref<1x2x128xi32, #tpu.memory_space<hbm>>
      %dma_wait3A_74 = tpu.memref_squeeze %dma_wait3A_73 : memref<1x2x128xi32, #tpu.memory_space<hbm>> -> memref<2x128xi32, #tpu.memory_space<hbm>>
      %dma_wait3A_75 = arith.constant 0 : i32
      %dma_wait3A_76 = arith.constant 0 : i32
      %dma_wait3A_77 = tpu.memref_slice %arg6[%dma_wait3A_66, %dma_wait3A_75, %dma_wait3A_76] : memref<1x2x128xi32, #tpu.memory_space<vmem>> -> memref<1x2x128xi32, #tpu.memory_space<vmem>>
      %dma_wait3A_78 = tpu.memref_squeeze %dma_wait3A_77 : memref<1x2x128xi32, #tpu.memory_space<vmem>> -> memref<2x128xi32, #tpu.memory_space<vmem>>
      %dma_wait3A_79 = arith.constant 0 : i32
      %dma_wait3A_80 = arith.constant 0 : i32
      %dma_wait3A_81 = tpu.memref_slice %arg4[%dma_wait3A_65, %dma_wait3A_79, %dma_wait3A_80] : memref<2560x2x128xi32, #tpu.memory_space<hbm>> -> memref<1x2x128xi32, #tpu.memory_space<hbm>>
      %dma_wait3A_82 = tpu.memref_squeeze %dma_wait3A_81 : memref<1x2x128xi32, #tpu.memory_space<hbm>> -> memref<2x128xi32, #tpu.memory_space<hbm>>
      tpu.wait_dma2 semaphore(%arg12 : memref<!tpu.dma_semaphore, #tpu.memory_space<semaphore_mem>>) src(%dma_wait3A_82 : memref<2x128xi32, #tpu.memory_space<hbm>>) dst(%dma_wait3A_78 : memref<2x128xi32, #tpu.memory_space<vmem>>)
      %add3A_83 = arith.constant 0 : i32
      %add3A_84 = arith.addi %mul3A_18, %add3A_83 : i32
      %dma_wait3A_85 = arith.constant 0 : i32
      %dma_wait3A_86 = tpu.memref_slice %arg3[%add3A_84, %dma_wait3A_85] : memref<327680x128xf32, #tpu.memory_space<hbm>> -> memref<128x128xf32, #tpu.memory_space<hbm>>
      %dma_wait3A_87 = arith.constant 0 : i32
      %dma_wait3A_88 = tpu.memref_slice %arg3[%add3A_84, %dma_wait3A_87] : memref<327680x128xf32, #tpu.memory_space<hbm>> -> memref<128x128xf32, #tpu.memory_space<hbm>>
      tpu.wait_dma2 semaphore(%arg12 : memref<!tpu.dma_semaphore, #tpu.memory_space<semaphore_mem>>) src(%dma_wait3A_88 : memref<128x128xf32, #tpu.memory_space<hbm>>) dst(%arg8 : memref<128x128xf32, #tpu.memory_space<vmem>>)
      %dma_start3A_89 = arith.constant 0 : i32
      %dma_start3A_90 = arith.constant 0 : i32
      %dma_start3A_91 = arith.constant 0 : i32
      %dma_start3A_92 = tpu.memref_slice %arg6[%dma_start3A_89, %dma_start3A_90, %dma_start3A_91] : memref<1x2x128xi32, #tpu.memory_space<vmem>> -> memref<1x1x128xi32, #tpu.memory_space<vmem>>
      %dma_start3A_93 = tpu.memref_squeeze %dma_start3A_92 : memref<1x1x128xi32, #tpu.memory_space<vmem>> -> memref<128xi32, #tpu.memory_space<vmem>>
      %dma_start3A_94 = arith.constant 0 : i32
      %dma_start3A_95 = arith.constant 0 : i32
      %dma_start3A_96 = tpu.memref_slice %arg2[%dma_start3A_94, %dma_start3A_95] : memref<10000x128xf32, #tpu.memory_space<hbm>> -> memref<10000x128xf32, #tpu.memory_space<hbm>>
      tpu.enqueue_indirect_dma source(%dma_start3A_96 : memref<10000x128xf32, #tpu.memory_space<hbm>>) target(%arg10 : memref<128x128xf32, #tpu.memory_space<vmem>>) offsets(%dma_start3A_93 : memref<128xi32, #tpu.memory_space<vmem>>) semaphore(%arg13 : memref<!tpu.dma_semaphore, #tpu.memory_space<semaphore_mem>>)
      %dma_wait3A_97 = arith.constant 0 : i32
      %dma_wait3A_98 = arith.constant 0 : i32
      %dma_wait3A_99 = arith.constant 0 : i32
      %dma_wait3A_100 = tpu.memref_slice %arg6[%dma_wait3A_97, %dma_wait3A_98, %dma_wait3A_99] : memref<1x2x128xi32, #tpu.memory_space<vmem>> -> memref<1x1x128xi32, #tpu.memory_space<vmem>>
      %dma_wait3A_101 = tpu.memref_squeeze %dma_wait3A_100 : memref<1x1x128xi32, #tpu.memory_space<vmem>> -> memref<128xi32, #tpu.memory_space<vmem>>
      %dma_wait3A_102 = arith.constant 0 : i32
      %dma_wait3A_103 = arith.constant 0 : i32
      %dma_wait3A_104 = tpu.memref_slice %arg2[%dma_wait3A_102, %dma_wait3A_103] : memref<10000x128xf32, #tpu.memory_space<hbm>> -> memref<10000x128xf32, #tpu.memory_space<hbm>>
      tpu.wait_indirect_dma semaphore(%arg13 : memref<!tpu.dma_semaphore, #tpu.memory_space<semaphore_mem>>) src(%dma_wait3A_104 : memref<10000x128xf32, #tpu.memory_space<hbm>>) dst(%arg10 : memref<128x128xf32, #tpu.memory_space<vmem>>)
      %ge3A = arith.constant 1 : i32
      %ge3A_105 = arith.cmpi sge, %add3A_64, %ge3A : i32
      %convert_element_type3A = arith.extui %ge3A_105 : i1 to i32
      %cond3A = arith.constant 0 : i32
      %cond3A_106 = arith.cmpi ne, %convert_element_type3A, %cond3A : i32
      scf.if %cond3A_106 {
        %add3A_191 = arith.constant 0 : i32
        %add3A_192 = arith.addi %mul3A_18, %add3A_191 : i32
        %dma_wait3A_193 = arith.constant 0 : i32
        %dma_wait3A_194 = arith.constant 0 : i32
        %dma_wait3A_195 = tpu.memref_slice %arg11[%dma_wait3A_193, %dma_wait3A_194] : memref<10112x128xf32, #tpu.memory_space<vmem_shared>> -> memref<128x128xf32, #tpu.memory_space<vmem_shared>>
        %dma_wait3A_196 = arith.constant 0 : i32
        %dma_wait3A_197 = tpu.memref_slice %arg3[%add3A_192, %dma_wait3A_196] : memref<327680x128xf32, #tpu.memory_space<hbm>> -> memref<128x128xf32, #tpu.memory_space<hbm>>
        tpu.wait_dma2 semaphore(%arg14 : memref<!tpu.dma_semaphore, #tpu.memory_space<semaphore_mem>>) src(%dma_wait3A_197 : memref<128x128xf32, #tpu.memory_space<hbm>>) dst(%dma_wait3A_195 : memref<128x128xf32, #tpu.memory_space<vmem_shared>>)
      } else {
      }
      %le3A = arith.constant 78 : i32
      %le3A_107 = arith.cmpi sle, %add3A_64, %le3A : i32
      %convert_element_type3A_108 = arith.extui %le3A_107 : i1 to i32
      %cond3A_109 = arith.constant 0 : i32
      %cond3A_110 = arith.cmpi ne, %convert_element_type3A_108, %cond3A_109 : i32
      scf.if %cond3A_110 {
        %add3A_191 = arith.constant 1 : i32
        %add3A_192 = arith.addi %add3A_64, %add3A_191 : i32
        %add3A_193 = arith.addi %mul3A_23, %add3A_192 : i32
        %dma_start3A_194 = arith.constant 0 : i32
        %dma_start3A_195 = arith.constant 0 : i32
        %dma_start3A_196 = arith.constant 0 : i32
        %dma_start3A_197 = tpu.memref_slice %arg7[%dma_start3A_194, %dma_start3A_195, %dma_start3A_196] : memref<1x2x128xi32, #tpu.memory_space<vmem>> -> memref<1x2x128xi32, #tpu.memory_space<vmem>>
        %dma_start3A_198 = tpu.memref_squeeze %dma_start3A_197 : memref<1x2x128xi32, #tpu.memory_space<vmem>> -> memref<2x128xi32, #tpu.memory_space<vmem>>
        %dma_start3A_199 = arith.constant 0 : i32
        %dma_start3A_200 = arith.constant 0 : i32
        %dma_start3A_201 = tpu.memref_slice %arg4[%add3A_193, %dma_start3A_199, %dma_start3A_200] : memref<2560x2x128xi32, #tpu.memory_space<hbm>> -> memref<1x2x128xi32, #tpu.memory_space<hbm>>
        %dma_start3A_202 = tpu.memref_squeeze %dma_start3A_201 : memref<1x2x128xi32, #tpu.memory_space<hbm>> -> memref<2x128xi32, #tpu.memory_space<hbm>>
        %dma_start3A_203 = arith.constant 0 : i32
        %dma_start3A_204 = arith.constant 0 : i32
        %dma_start3A_205 = tpu.memref_slice %arg7[%dma_start3A_194, %dma_start3A_203, %dma_start3A_204] : memref<1x2x128xi32, #tpu.memory_space<vmem>> -> memref<1x2x128xi32, #tpu.memory_space<vmem>>
        %dma_start3A_206 = tpu.memref_squeeze %dma_start3A_205 : memref<1x2x128xi32, #tpu.memory_space<vmem>> -> memref<2x128xi32, #tpu.memory_space<vmem>>
        %dma_start3A_207 = arith.constant 0 : i32
        %dma_start3A_208 = arith.constant 0 : i32
        %dma_start3A_209 = tpu.memref_slice %arg4[%add3A_193, %dma_start3A_207, %dma_start3A_208] : memref<2560x2x128xi32, #tpu.memory_space<hbm>> -> memref<1x2x128xi32, #tpu.memory_space<hbm>>
        %dma_start3A_210 = tpu.memref_squeeze %dma_start3A_209 : memref<1x2x128xi32, #tpu.memory_space<hbm>> -> memref<2x128xi32, #tpu.memory_space<hbm>>
        tpu.enqueue_dma source(%dma_start3A_210 : memref<2x128xi32, #tpu.memory_space<hbm>>) target(%dma_start3A_206 : memref<2x128xi32, #tpu.memory_space<vmem>>) target_semaphore(%arg12 : memref<!tpu.dma_semaphore, #tpu.memory_space<semaphore_mem>>)
        %mul3A_211 = arith.constant 128 : i32
        %mul3A_212 = arith.muli %add3A_192, %mul3A_211 : i32
        %add3A_213 = arith.addi %mul3A_18, %mul3A_212 : i32
        %dma_start3A_214 = arith.constant 0 : i32
        %dma_start3A_215 = tpu.memref_slice %arg3[%add3A_213, %dma_start3A_214] : memref<327680x128xf32, #tpu.memory_space<hbm>> -> memref<128x128xf32, #tpu.memory_space<hbm>>
        %dma_start3A_216 = arith.constant 0 : i32
        %dma_start3A_217 = tpu.memref_slice %arg3[%add3A_213, %dma_start3A_216] : memref<327680x128xf32, #tpu.memory_space<hbm>> -> memref<128x128xf32, #tpu.memory_space<hbm>>
        tpu.enqueue_dma source(%dma_start3A_217 : memref<128x128xf32, #tpu.memory_space<hbm>>) target(%arg9 : memref<128x128xf32, #tpu.memory_space<vmem>>) target_semaphore(%arg12 : memref<!tpu.dma_semaphore, #tpu.memory_space<semaphore_mem>>)
      } else {
      }
      %scan3A_111 = arith.constant 0 : i32
      %scan3A_112 = arith.constant 128 : i32
      %scan3A_113 = arith.addi %scan3A_111, %scan3A_112 : i32
      %scan3A_114 = arith.constant 1 : i32
      scf.for %scan3A_191 = %scan3A_111 to %scan3A_113 step %scan3A_114  : i32 {
        %get3A = arith.index_cast %scan3A_191 : i32 to index
        %get3A_192 = arith.constant 0 : index
        %get3A_193 = tpu.vector_load %arg8[%get3A, %get3A_192] {strides = array<i32>} : memref<128x128xf32, #tpu.memory_space<vmem>>, vector<1x16xf32>,
        %get3A_194 = vector.shape_cast %get3A_193 : vector<1x16xf32> to vector<16xf32>
        %get3A_195 = arith.index_cast %scan3A_191 : i32 to index
        %get3A_196 = arith.constant 0 : index
        %get3A_197 = tpu.vector_load %arg10[%get3A_195, %get3A_196] {strides = array<i32>} : memref<128x128xf32, #tpu.memory_space<vmem>>, vector<1x16xf32>,
        %get3A_198 = vector.shape_cast %get3A_197 : vector<1x16xf32> to vector<16xf32>
        %add3A_199 = arith.addf %get3A_194, %get3A_198 : vector<16xf32>
        %max3A = arith.constant 0.000000e+00 : f32
        %max3A_200 = vector.broadcast %max3A : f32 to vector<16xf32>
        %max3A_201 = arith.maximumf %add3A_199, %max3A_200 : vector<16xf32>
        %swap3A = arith.index_cast %scan3A_191 : i32 to index
        %swap3A_202 = arith.constant 0 : index
        %swap3A_203 = tpu.vector_load %arg8[%swap3A, %swap3A_202] {strides = array<i32>} : memref<128x128xf32, #tpu.memory_space<vmem>>, vector<1x16xf32>,
        %swap3A_204 = vector.shape_cast %swap3A_203 : vector<1x16xf32> to vector<16xf32>
        %swap3A_205 = vector.shape_cast %max3A_201 : vector<16xf32> to vector<1x16xf32>
        tpu.vector_store %arg8[%swap3A, %swap3A_202], %swap3A_205 {strides = array<i32>} : memref<128x128xf32, #tpu.memory_space<vmem>>, vector<1x16xf32>,
        %get3A_206 = arith.index_cast %scan3A_191 : i32 to index
        %get3A_207 = arith.constant 16 : index
        %get3A_208 = tpu.vector_load %arg8[%get3A_206, %get3A_207] {strides = array<i32>} : memref<128x128xf32, #tpu.memory_space<vmem>>, vector<1x16xf32>,
        %get3A_209 = vector.shape_cast %get3A_208 : vector<1x16xf32> to vector<16xf32>
        %get3A_210 = arith.index_cast %scan3A_191 : i32 to index
        %get3A_211 = arith.constant 16 : index
        %get3A_212 = tpu.vector_load %arg10[%get3A_210, %get3A_211] {strides = array<i32>} : memref<128x128xf32, #tpu.memory_space<vmem>>, vector<1x16xf32>,
        %get3A_213 = vector.shape_cast %get3A_212 : vector<1x16xf32> to vector<16xf32>
        %add3A_214 = arith.addf %get3A_209, %get3A_213 : vector<16xf32>
        %max3A_215 = arith.constant 0.000000e+00 : f32
        %max3A_216 = vector.broadcast %max3A_215 : f32 to vector<16xf32>
        %max3A_217 = arith.maximumf %add3A_214, %max3A_216 : vector<16xf32>
        %swap3A_218 = arith.index_cast %scan3A_191 : i32 to index
        %swap3A_219 = arith.constant 16 : index
        %swap3A_220 = tpu.vector_load %arg8[%swap3A_218, %swap3A_219] {strides = array<i32>} : memref<128x128xf32, #tpu.memory_space<vmem>>, vector<1x16xf32>,
        %swap3A_221 = vector.shape_cast %swap3A_220 : vector<1x16xf32> to vector<16xf32>
        %swap3A_222 = vector.shape_cast %max3A_217 : vector<16xf32> to vector<1x16xf32>
        tpu.vector_store %arg8[%swap3A_218, %swap3A_219], %swap3A_222 {strides = array<i32>} : memref<128x128xf32, #tpu.memory_space<vmem>>, vector<1x16xf32>,
        %get3A_223 = arith.index_cast %scan3A_191 : i32 to index
        %get3A_224 = arith.constant 32 : index
        %get3A_225 = tpu.vector_load %arg8[%get3A_223, %get3A_224] {strides = array<i32>} : memref<128x128xf32, #tpu.memory_space<vmem>>, vector<1x16xf32>,
        %get3A_226 = vector.shape_cast %get3A_225 : vector<1x16xf32> to vector<16xf32>
        %get3A_227 = arith.index_cast %scan3A_191 : i32 to index
        %get3A_228 = arith.constant 32 : index
        %get3A_229 = tpu.vector_load %arg10[%get3A_227, %get3A_228] {strides = array<i32>} : memref<128x128xf32, #tpu.memory_space<vmem>>, vector<1x16xf32>,
        %get3A_230 = vector.shape_cast %get3A_229 : vector<1x16xf32> to vector<16xf32>
        %add3A_231 = arith.addf %get3A_226, %get3A_230 : vector<16xf32>
        %max3A_232 = arith.constant 0.000000e+00 : f32
        %max3A_233 = vector.broadcast %max3A_232 : f32 to vector<16xf32>
        %max3A_234 = arith.maximumf %add3A_231, %max3A_233 : vector<16xf32>
        %swap3A_235 = arith.index_cast %scan3A_191 : i32 to index
        %swap3A_236 = arith.constant 32 : index
        %swap3A_237 = tpu.vector_load %arg8[%swap3A_235, %swap3A_236] {strides = array<i32>} : memref<128x128xf32, #tpu.memory_space<vmem>>, vector<1x16xf32>,
        %swap3A_238 = vector.shape_cast %swap3A_237 : vector<1x16xf32> to vector<16xf32>
        %swap3A_239 = vector.shape_cast %max3A_234 : vector<16xf32> to vector<1x16xf32>
        tpu.vector_store %arg8[%swap3A_235, %swap3A_236], %swap3A_239 {strides = array<i32>} : memref<128x128xf32, #tpu.memory_space<vmem>>, vector<1x16xf32>,
        %get3A_240 = arith.index_cast %scan3A_191 : i32 to index
        %get3A_241 = arith.constant 48 : index
        %get3A_242 = tpu.vector_load %arg8[%get3A_240, %get3A_241] {strides = array<i32>} : memref<128x128xf32, #tpu.memory_space<vmem>>, vector<1x16xf32>,
        %get3A_243 = vector.shape_cast %get3A_242 : vector<1x16xf32> to vector<16xf32>
        %get3A_244 = arith.index_cast %scan3A_191 : i32 to index
        %get3A_245 = arith.constant 48 : index
        %get3A_246 = tpu.vector_load %arg10[%get3A_244, %get3A_245] {strides = array<i32>} : memref<128x128xf32, #tpu.memory_space<vmem>>, vector<1x16xf32>,
        %get3A_247 = vector.shape_cast %get3A_246 : vector<1x16xf32> to vector<16xf32>
        %add3A_248 = arith.addf %get3A_243, %get3A_247 : vector<16xf32>
        %max3A_249 = arith.constant 0.000000e+00 : f32
        %max3A_250 = vector.broadcast %max3A_249 : f32 to vector<16xf32>
        %max3A_251 = arith.maximumf %add3A_248, %max3A_250 : vector<16xf32>
        %swap3A_252 = arith.index_cast %scan3A_191 : i32 to index
        %swap3A_253 = arith.constant 48 : index
        %swap3A_254 = tpu.vector_load %arg8[%swap3A_252, %swap3A_253] {strides = array<i32>} : memref<128x128xf32, #tpu.memory_space<vmem>>, vector<1x16xf32>,
        %swap3A_255 = vector.shape_cast %swap3A_254 : vector<1x16xf32> to vector<16xf32>
        %swap3A_256 = vector.shape_cast %max3A_251 : vector<16xf32> to vector<1x16xf32>
        tpu.vector_store %arg8[%swap3A_252, %swap3A_253], %swap3A_256 {strides = array<i32>} : memref<128x128xf32, #tpu.memory_space<vmem>>, vector<1x16xf32>,
        %get3A_257 = arith.index_cast %scan3A_191 : i32 to index
        %get3A_258 = arith.constant 64 : index
        %get3A_259 = tpu.vector_load %arg8[%get3A_257, %get3A_258] {strides = array<i32>} : memref<128x128xf32, #tpu.memory_space<vmem>>, vector<1x16xf32>,
        %get3A_260 = vector.shape_cast %get3A_259 : vector<1x16xf32> to vector<16xf32>
        %get3A_261 = arith.index_cast %scan3A_191 : i32 to index
        %get3A_262 = arith.constant 64 : index
        %get3A_263 = tpu.vector_load %arg10[%get3A_261, %get3A_262] {strides = array<i32>} : memref<128x128xf32, #tpu.memory_space<vmem>>, vector<1x16xf32>,
        %get3A_264 = vector.shape_cast %get3A_263 : vector<1x16xf32> to vector<16xf32>
        %add3A_265 = arith.addf %get3A_260, %get3A_264 : vector<16xf32>
        %max3A_266 = arith.constant 0.000000e+00 : f32
        %max3A_267 = vector.broadcast %max3A_266 : f32 to vector<16xf32>
        %max3A_268 = arith.maximumf %add3A_265, %max3A_267 : vector<16xf32>
        %swap3A_269 = arith.index_cast %scan3A_191 : i32 to index
        %swap3A_270 = arith.constant 64 : index
        %swap3A_271 = tpu.vector_load %arg8[%swap3A_269, %swap3A_270] {strides = array<i32>} : memref<128x128xf32, #tpu.memory_space<vmem>>, vector<1x16xf32>,
        %swap3A_272 = vector.shape_cast %swap3A_271 : vector<1x16xf32> to vector<16xf32>
        %swap3A_273 = vector.shape_cast %max3A_268 : vector<16xf32> to vector<1x16xf32>
        tpu.vector_store %arg8[%swap3A_269, %swap3A_270], %swap3A_273 {strides = array<i32>} : memref<128x128xf32, #tpu.memory_space<vmem>>, vector<1x16xf32>,
        %get3A_274 = arith.index_cast %scan3A_191 : i32 to index
        %get3A_275 = arith.constant 80 : index
        %get3A_276 = tpu.vector_load %arg8[%get3A_274, %get3A_275] {strides = array<i32>} : memref<128x128xf32, #tpu.memory_space<vmem>>, vector<1x16xf32>,
        %get3A_277 = vector.shape_cast %get3A_276 : vector<1x16xf32> to vector<16xf32>
        %get3A_278 = arith.index_cast %scan3A_191 : i32 to index
        %get3A_279 = arith.constant 80 : index
        %get3A_280 = tpu.vector_load %arg10[%get3A_278, %get3A_279] {strides = array<i32>} : memref<128x128xf32, #tpu.memory_space<vmem>>, vector<1x16xf32>,
        %get3A_281 = vector.shape_cast %get3A_280 : vector<1x16xf32> to vector<16xf32>
        %add3A_282 = arith.addf %get3A_277, %get3A_281 : vector<16xf32>
        %max3A_283 = arith.constant 0.000000e+00 : f32
        %max3A_284 = vector.broadcast %max3A_283 : f32 to vector<16xf32>
        %max3A_285 = arith.maximumf %add3A_282, %max3A_284 : vector<16xf32>
        %swap3A_286 = arith.index_cast %scan3A_191 : i32 to index
        %swap3A_287 = arith.constant 80 : index
        %swap3A_288 = tpu.vector_load %arg8[%swap3A_286, %swap3A_287] {strides = array<i32>} : memref<128x128xf32, #tpu.memory_space<vmem>>, vector<1x16xf32>,
        %swap3A_289 = vector.shape_cast %swap3A_288 : vector<1x16xf32> to vector<16xf32>
        %swap3A_290 = vector.shape_cast %max3A_285 : vector<16xf32> to vector<1x16xf32>
        tpu.vector_store %arg8[%swap3A_286, %swap3A_287], %swap3A_290 {strides = array<i32>} : memref<128x128xf32, #tpu.memory_space<vmem>>, vector<1x16xf32>,
        %get3A_291 = arith.index_cast %scan3A_191 : i32 to index
        %get3A_292 = arith.constant 96 : index
        %get3A_293 = tpu.vector_load %arg8[%get3A_291, %get3A_292] {strides = array<i32>} : memref<128x128xf32, #tpu.memory_space<vmem>>, vector<1x16xf32>,
        %get3A_294 = vector.shape_cast %get3A_293 : vector<1x16xf32> to vector<16xf32>
        %get3A_295 = arith.index_cast %scan3A_191 : i32 to index
        %get3A_296 = arith.constant 96 : index
        %get3A_297 = tpu.vector_load %arg10[%get3A_295, %get3A_296] {strides = array<i32>} : memref<128x128xf32, #tpu.memory_space<vmem>>, vector<1x16xf32>,
        %get3A_298 = vector.shape_cast %get3A_297 : vector<1x16xf32> to vector<16xf32>
        %add3A_299 = arith.addf %get3A_294, %get3A_298 : vector<16xf32>
        %max3A_300 = arith.constant 0.000000e+00 : f32
        %max3A_301 = vector.broadcast %max3A_300 : f32 to vector<16xf32>
        %max3A_302 = arith.maximumf %add3A_299, %max3A_301 : vector<16xf32>
        %swap3A_303 = arith.index_cast %scan3A_191 : i32 to index
        %swap3A_304 = arith.constant 96 : index
        %swap3A_305 = tpu.vector_load %arg8[%swap3A_303, %swap3A_304] {strides = array<i32>} : memref<128x128xf32, #tpu.memory_space<vmem>>, vector<1x16xf32>,
        %swap3A_306 = vector.shape_cast %swap3A_305 : vector<1x16xf32> to vector<16xf32>
        %swap3A_307 = vector.shape_cast %max3A_302 : vector<16xf32> to vector<1x16xf32>
        tpu.vector_store %arg8[%swap3A_303, %swap3A_304], %swap3A_307 {strides = array<i32>} : memref<128x128xf32, #tpu.memory_space<vmem>>, vector<1x16xf32>,
        %get3A_308 = arith.index_cast %scan3A_191 : i32 to index
        %get3A_309 = arith.constant 112 : index
        %get3A_310 = tpu.vector_load %arg8[%get3A_308, %get3A_309] {strides = array<i32>} : memref<128x128xf32, #tpu.memory_space<vmem>>, vector<1x16xf32>,
        %get3A_311 = vector.shape_cast %get3A_310 : vector<1x16xf32> to vector<16xf32>
        %get3A_312 = arith.index_cast %scan3A_191 : i32 to index
        %get3A_313 = arith.constant 112 : index
        %get3A_314 = tpu.vector_load %arg10[%get3A_312, %get3A_313] {strides = array<i32>} : memref<128x128xf32, #tpu.memory_space<vmem>>, vector<1x16xf32>,
        %get3A_315 = vector.shape_cast %get3A_314 : vector<1x16xf32> to vector<16xf32>
        %add3A_316 = arith.addf %get3A_311, %get3A_315 : vector<16xf32>
        %max3A_317 = arith.constant 0.000000e+00 : f32
        %max3A_318 = vector.broadcast %max3A_317 : f32 to vector<16xf32>
        %max3A_319 = arith.maximumf %add3A_316, %max3A_318 : vector<16xf32>
        %swap3A_320 = arith.index_cast %scan3A_191 : i32 to index
        %swap3A_321 = arith.constant 112 : index
        %swap3A_322 = tpu.vector_load %arg8[%swap3A_320, %swap3A_321] {strides = array<i32>} : memref<128x128xf32, #tpu.memory_space<vmem>>, vector<1x16xf32>,
        %swap3A_323 = vector.shape_cast %swap3A_322 : vector<1x16xf32> to vector<16xf32>
        %swap3A_324 = vector.shape_cast %max3A_319 : vector<16xf32> to vector<1x16xf32>
        tpu.vector_store %arg8[%swap3A_320, %swap3A_321], %swap3A_324 {strides = array<i32>} : memref<128x128xf32, #tpu.memory_space<vmem>>, vector<1x16xf32>,
      }
      %scan3A_115 = arith.constant 128 : i32
      %dma_start3A_116 = arith.constant 0 : i32
      %dma_start3A_117 = arith.constant 1 : i32
      %dma_start3A_118 = arith.constant 0 : i32
      %dma_start3A_119 = tpu.memref_slice %arg6[%dma_start3A_116, %dma_start3A_117, %dma_start3A_118] : memref<1x2x128xi32, #tpu.memory_space<vmem>> -> memref<1x1x128xi32, #tpu.memory_space<vmem>>
      %dma_start3A_120 = tpu.memref_squeeze %dma_start3A_119 : memref<1x1x128xi32, #tpu.memory_space<vmem>> -> memref<128xi32, #tpu.memory_space<vmem>>
      %dma_start3A_121 = arith.constant 0 : i32
      %dma_start3A_122 = arith.constant 0 : i32
      %dma_start3A_123 = tpu.memref_slice %arg11[%dma_start3A_121, %dma_start3A_122] : memref<10112x128xf32, #tpu.memory_space<vmem_shared>> -> memref<10112x128xf32, #tpu.memory_space<vmem_shared>>
      tpu.enqueue_indirect_dma source(%arg8 : memref<128x128xf32, #tpu.memory_space<vmem>>) target(%dma_start3A_123 : memref<10112x128xf32, #tpu.memory_space<vmem_shared>>) offsets(%dma_start3A_120 : memref<128xi32, #tpu.memory_space<vmem>>) semaphore(%arg14 : memref<!tpu.dma_semaphore, #tpu.memory_space<semaphore_mem>>) {add = true}
      %mul3A_124 = arith.constant 2 : i32
      %mul3A_125 = arith.muli %mul3A_124, %scan3A_60 : i32
      %add3A_126 = arith.constant 1 : i32
      %add3A_127 = arith.addi %mul3A_125, %add3A_126 : i32
      %dma_wait3A_128 = arith.constant 0 : i32
      %dma_wait3A_129 = arith.constant 0 : i32
      %dma_wait3A_130 = arith.constant 0 : i32
      %dma_wait3A_131 = arith.constant 0 : i32
      %dma_wait3A_132 = tpu.memref_slice %arg7[%dma_wait3A_129, %dma_wait3A_130, %dma_wait3A_131] : memref<1x2x128xi32, #tpu.memory_space<vmem>> -> memref<1x2x128xi32, #tpu.memory_space<vmem>>
      %dma_wait3A_133 = tpu.memref_squeeze %dma_wait3A_132 : memref<1x2x128xi32, #tpu.memory_space<vmem>> -> memref<2x128xi32, #tpu.memory_space<vmem>>
      %dma_wait3A_134 = arith.constant 0 : i32
      %dma_wait3A_135 = arith.constant 0 : i32
      %dma_wait3A_136 = tpu.memref_slice %arg4[%dma_wait3A_128, %dma_wait3A_134, %dma_wait3A_135] : memref<2560x2x128xi32, #tpu.memory_space<hbm>> -> memref<1x2x128xi32, #tpu.memory_space<hbm>>
      %dma_wait3A_137 = tpu.memref_squeeze %dma_wait3A_136 : memref<1x2x128xi32, #tpu.memory_space<hbm>> -> memref<2x128xi32, #tpu.memory_space<hbm>>
      %dma_wait3A_138 = arith.constant 0 : i32
      %dma_wait3A_139 = arith.constant 0 : i32
      %dma_wait3A_140 = tpu.memref_slice %arg7[%dma_wait3A_129, %dma_wait3A_138, %dma_wait3A_139] : memref<1x2x128xi32, #tpu.memory_space<vmem>> -> memref<1x2x128xi32, #tpu.memory_space<vmem>>
      %dma_wait3A_141 = tpu.memref_squeeze %dma_wait3A_140 : memref<1x2x128xi32, #tpu.memory_space<vmem>> -> memref<2x128xi32, #tpu.memory_space<vmem>>
      %dma_wait3A_142 = arith.constant 0 : i32
      %dma_wait3A_143 = arith.constant 0 : i32
      %dma_wait3A_144 = tpu.memref_slice %arg4[%dma_wait3A_128, %dma_wait3A_142, %dma_wait3A_143] : memref<2560x2x128xi32, #tpu.memory_space<hbm>> -> memref<1x2x128xi32, #tpu.memory_space<hbm>>
      %dma_wait3A_145 = tpu.memref_squeeze %dma_wait3A_144 : memref<1x2x128xi32, #tpu.memory_space<hbm>> -> memref<2x128xi32, #tpu.memory_space<hbm>>
      tpu.wait_dma2 semaphore(%arg12 : memref<!tpu.dma_semaphore, #tpu.memory_space<semaphore_mem>>) src(%dma_wait3A_145 : memref<2x128xi32, #tpu.memory_space<hbm>>) dst(%dma_wait3A_141 : memref<2x128xi32, #tpu.memory_space<vmem>>)
      %add3A_146 = arith.constant 0 : i32
      %add3A_147 = arith.addi %mul3A_18, %add3A_146 : i32
      %dma_wait3A_148 = arith.constant 0 : i32
      %dma_wait3A_149 = tpu.memref_slice %arg3[%add3A_147, %dma_wait3A_148] : memref<327680x128xf32, #tpu.memory_space<hbm>> -> memref<128x128xf32, #tpu.memory_space<hbm>>
      %dma_wait3A_150 = arith.constant 0 : i32
      %dma_wait3A_151 = tpu.memref_slice %arg3[%add3A_147, %dma_wait3A_150] : memref<327680x128xf32, #tpu.memory_space<hbm>> -> memref<128x128xf32, #tpu.memory_space<hbm>>
      tpu.wait_dma2 semaphore(%arg12 : memref<!tpu.dma_semaphore, #tpu.memory_space<semaphore_mem>>) src(%dma_wait3A_151 : memref<128x128xf32, #tpu.memory_space<hbm>>) dst(%arg9 : memref<128x128xf32, #tpu.memory_space<vmem>>)
      %dma_start3A_152 = arith.constant 0 : i32
      %dma_start3A_153 = arith.constant 0 : i32
      %dma_start3A_154 = arith.constant 0 : i32
      %dma_start3A_155 = tpu.memref_slice %arg7[%dma_start3A_152, %dma_start3A_153, %dma_start3A_154] : memref<1x2x128xi32, #tpu.memory_space<vmem>> -> memref<1x1x128xi32, #tpu.memory_space<vmem>>
      %dma_start3A_156 = tpu.memref_squeeze %dma_start3A_155 : memref<1x1x128xi32, #tpu.memory_space<vmem>> -> memref<128xi32, #tpu.memory_space<vmem>>
      %dma_start3A_157 = arith.constant 0 : i32
      %dma_start3A_158 = arith.constant 0 : i32
      %dma_start3A_159 = tpu.memref_slice %arg2[%dma_start3A_157, %dma_start3A_158] : memref<10000x128xf32, #tpu.memory_space<hbm>> -> memref<10000x128xf32, #tpu.memory_space<hbm>>
      tpu.enqueue_indirect_dma source(%dma_start3A_159 : memref<10000x128xf32, #tpu.memory_space<hbm>>) target(%arg10 : memref<128x128xf32, #tpu.memory_space<vmem>>) offsets(%dma_start3A_156 : memref<128xi32, #tpu.memory_space<vmem>>) semaphore(%arg13 : memref<!tpu.dma_semaphore, #tpu.memory_space<semaphore_mem>>)
      %dma_wait3A_160 = arith.constant 0 : i32
      %dma_wait3A_161 = arith.constant 0 : i32
      %dma_wait3A_162 = arith.constant 0 : i32
      %dma_wait3A_163 = tpu.memref_slice %arg7[%dma_wait3A_160, %dma_wait3A_161, %dma_wait3A_162] : memref<1x2x128xi32, #tpu.memory_space<vmem>> -> memref<1x1x128xi32, #tpu.memory_space<vmem>>
      %dma_wait3A_164 = tpu.memref_squeeze %dma_wait3A_163 : memref<1x1x128xi32, #tpu.memory_space<vmem>> -> memref<128xi32, #tpu.memory_space<vmem>>
      %dma_wait3A_165 = arith.constant 0 : i32
      %dma_wait3A_166 = arith.constant 0 : i32
      %dma_wait3A_167 = tpu.memref_slice %arg2[%dma_wait3A_165, %dma_wait3A_166] : memref<10000x128xf32, #tpu.memory_space<hbm>> -> memref<10000x128xf32, #tpu.memory_space<hbm>>
      tpu.wait_indirect_dma semaphore(%arg13 : memref<!tpu.dma_semaphore, #tpu.memory_space<semaphore_mem>>) src(%dma_wait3A_167 : memref<10000x128xf32, #tpu.memory_space<hbm>>) dst(%arg10 : memref<128x128xf32, #tpu.memory_space<vmem>>)
      %ge3A_168 = arith.constant 1 : i32
      %ge3A_169 = arith.cmpi sge, %add3A_127, %ge3A_168 : i32
      %convert_element_type3A_170 = arith.extui %ge3A_169 : i1 to i32
      %cond3A_171 = arith.constant 0 : i32
      %cond3A_172 = arith.cmpi ne, %convert_element_type3A_170, %cond3A_171 : i32
      scf.if %cond3A_172 {
        %add3A_191 = arith.constant 0 : i32
        %add3A_192 = arith.addi %mul3A_18, %add3A_191 : i32
        %dma_wait3A_193 = arith.constant 0 : i32
        %dma_wait3A_194 = arith.constant 0 : i32
        %dma_wait3A_195 = tpu.memref_slice %arg11[%dma_wait3A_193, %dma_wait3A_194] : memref<10112x128xf32, #tpu.memory_space<vmem_shared>> -> memref<128x128xf32, #tpu.memory_space<vmem_shared>>
        %dma_wait3A_196 = arith.constant 0 : i32
        %dma_wait3A_197 = tpu.memref_slice %arg3[%add3A_192, %dma_wait3A_196] : memref<327680x128xf32, #tpu.memory_space<hbm>> -> memref<128x128xf32, #tpu.memory_space<hbm>>
        tpu.wait_dma2 semaphore(%arg14 : memref<!tpu.dma_semaphore, #tpu.memory_space<semaphore_mem>>) src(%dma_wait3A_197 : memref<128x128xf32, #tpu.memory_space<hbm>>) dst(%dma_wait3A_195 : memref<128x128xf32, #tpu.memory_space<vmem_shared>>)
      } else {
      }
      %le3A_173 = arith.constant 78 : i32
      %le3A_174 = arith.cmpi sle, %add3A_127, %le3A_173 : i32
      %convert_element_type3A_175 = arith.extui %le3A_174 : i1 to i32
      %cond3A_176 = arith.constant 0 : i32
      %cond3A_177 = arith.cmpi ne, %convert_element_type3A_175, %cond3A_176 : i32
      scf.if %cond3A_177 {
        %add3A_191 = arith.constant 1 : i32
        %add3A_192 = arith.addi %add3A_127, %add3A_191 : i32
        %add3A_193 = arith.addi %mul3A_23, %add3A_192 : i32
        %dma_start3A_194 = arith.constant 0 : i32
        %dma_start3A_195 = arith.constant 0 : i32
        %dma_start3A_196 = arith.constant 0 : i32
        %dma_start3A_197 = tpu.memref_slice %arg6[%dma_start3A_194, %dma_start3A_195, %dma_start3A_196] : memref<1x2x128xi32, #tpu.memory_space<vmem>> -> memref<1x2x128xi32, #tpu.memory_space<vmem>>
        %dma_start3A_198 = tpu.memref_squeeze %dma_start3A_197 : memref<1x2x128xi32, #tpu.memory_space<vmem>> -> memref<2x128xi32, #tpu.memory_space<vmem>>
        %dma_start3A_199 = arith.constant 0 : i32
        %dma_start3A_200 = arith.constant 0 : i32
        %dma_start3A_201 = tpu.memref_slice %arg4[%add3A_193, %dma_start3A_199, %dma_start3A_200] : memref<2560x2x128xi32, #tpu.memory_space<hbm>> -> memref<1x2x128xi32, #tpu.memory_space<hbm>>
        %dma_start3A_202 = tpu.memref_squeeze %dma_start3A_201 : memref<1x2x128xi32, #tpu.memory_space<hbm>> -> memref<2x128xi32, #tpu.memory_space<hbm>>
        %dma_start3A_203 = arith.constant 0 : i32
        %dma_start3A_204 = arith.constant 0 : i32
        %dma_start3A_205 = tpu.memref_slice %arg6[%dma_start3A_194, %dma_start3A_203, %dma_start3A_204] : memref<1x2x128xi32, #tpu.memory_space<vmem>> -> memref<1x2x128xi32, #tpu.memory_space<vmem>>
        %dma_start3A_206 = tpu.memref_squeeze %dma_start3A_205 : memref<1x2x128xi32, #tpu.memory_space<vmem>> -> memref<2x128xi32, #tpu.memory_space<vmem>>
        %dma_start3A_207 = arith.constant 0 : i32
        %dma_start3A_208 = arith.constant 0 : i32
        %dma_start3A_209 = tpu.memref_slice %arg4[%add3A_193, %dma_start3A_207, %dma_start3A_208] : memref<2560x2x128xi32, #tpu.memory_space<hbm>> -> memref<1x2x128xi32, #tpu.memory_space<hbm>>
        %dma_start3A_210 = tpu.memref_squeeze %dma_start3A_209 : memref<1x2x128xi32, #tpu.memory_space<hbm>> -> memref<2x128xi32, #tpu.memory_space<hbm>>
        tpu.enqueue_dma source(%dma_start3A_210 : memref<2x128xi32, #tpu.memory_space<hbm>>) target(%dma_start3A_206 : memref<2x128xi32, #tpu.memory_space<vmem>>) target_semaphore(%arg12 : memref<!tpu.dma_semaphore, #tpu.memory_space<semaphore_mem>>)
        %mul3A_211 = arith.constant 128 : i32
        %mul3A_212 = arith.muli %add3A_192, %mul3A_211 : i32
        %add3A_213 = arith.addi %mul3A_18, %mul3A_212 : i32
        %dma_start3A_214 = arith.constant 0 : i32
        %dma_start3A_215 = tpu.memref_slice %arg3[%add3A_213, %dma_start3A_214] : memref<327680x128xf32, #tpu.memory_space<hbm>> -> memref<128x128xf32, #tpu.memory_space<hbm>>
        %dma_start3A_216 = arith.constant 0 : i32
        %dma_start3A_217 = tpu.memref_slice %arg3[%add3A_213, %dma_start3A_216] : memref<327680x128xf32, #tpu.memory_space<hbm>> -> memref<128x128xf32, #tpu.memory_space<hbm>>
        tpu.enqueue_dma source(%dma_start3A_217 : memref<128x128xf32, #tpu.memory_space<hbm>>) target(%arg8 : memref<128x128xf32, #tpu.memory_space<vmem>>) target_semaphore(%arg12 : memref<!tpu.dma_semaphore, #tpu.memory_space<semaphore_mem>>)
      } else {
      }
      %scan3A_178 = arith.constant 0 : i32
      %scan3A_179 = arith.constant 128 : i32
      %scan3A_180 = arith.addi %scan3A_178, %scan3A_179 : i32
      %scan3A_181 = arith.constant 1 : i32
      scf.for %scan3A_191 = %scan3A_178 to %scan3A_180 step %scan3A_181  : i32 {
        %get3A = arith.index_cast %scan3A_191 : i32 to index
        %get3A_192 = arith.constant 0 : index
        %get3A_193 = tpu.vector_load %arg9[%get3A, %get3A_192] {strides = array<i32>} : memref<128x128xf32, #tpu.memory_space<vmem>>, vector<1x16xf32>,
        %get3A_194 = vector.shape_cast %get3A_193 : vector<1x16xf32> to vector<16xf32>
        %get3A_195 = arith.index_cast %scan3A_191 : i32 to index
        %get3A_196 = arith.constant 0 : index
        %get3A_197 = tpu.vector_load %arg10[%get3A_195, %get3A_196] {strides = array<i32>} : memref<128x128xf32, #tpu.memory_space<vmem>>, vector<1x16xf32>,
        %get3A_198 = vector.shape_cast %get3A_197 : vector<1x16xf32> to vector<16xf32>
        %add3A_199 = arith.addf %get3A_194, %get3A_198 : vector<16xf32>
        %max3A = arith.constant 0.000000e+00 : f32
        %max3A_200 = vector.broadcast %max3A : f32 to vector<16xf32>
        %max3A_201 = arith.maximumf %add3A_199, %max3A_200 : vector<16xf32>
        %swap3A = arith.index_cast %scan3A_191 : i32 to index
        %swap3A_202 = arith.constant 0 : index
        %swap3A_203 = tpu.vector_load %arg9[%swap3A, %swap3A_202] {strides = array<i32>} : memref<128x128xf32, #tpu.memory_space<vmem>>, vector<1x16xf32>,
        %swap3A_204 = vector.shape_cast %swap3A_203 : vector<1x16xf32> to vector<16xf32>
        %swap3A_205 = vector.shape_cast %max3A_201 : vector<16xf32> to vector<1x16xf32>
        tpu.vector_store %arg9[%swap3A, %swap3A_202], %swap3A_205 {strides = array<i32>} : memref<128x128xf32, #tpu.memory_space<vmem>>, vector<1x16xf32>,
        %get3A_206 = arith.index_cast %scan3A_191 : i32 to index
        %get3A_207 = arith.constant 16 : index
        %get3A_208 = tpu.vector_load %arg9[%get3A_206, %get3A_207] {strides = array<i32>} : memref<128x128xf32, #tpu.memory_space<vmem>>, vector<1x16xf32>,
        %get3A_209 = vector.shape_cast %get3A_208 : vector<1x16xf32> to vector<16xf32>
        %get3A_210 = arith.index_cast %scan3A_191 : i32 to index
        %get3A_211 = arith.constant 16 : index
        %get3A_212 = tpu.vector_load %arg10[%get3A_210, %get3A_211] {strides = array<i32>} : memref<128x128xf32, #tpu.memory_space<vmem>>, vector<1x16xf32>,
        %get3A_213 = vector.shape_cast %get3A_212 : vector<1x16xf32> to vector<16xf32>
        %add3A_214 = arith.addf %get3A_209, %get3A_213 : vector<16xf32>
        %max3A_215 = arith.constant 0.000000e+00 : f32
        %max3A_216 = vector.broadcast %max3A_215 : f32 to vector<16xf32>
        %max3A_217 = arith.maximumf %add3A_214, %max3A_216 : vector<16xf32>
        %swap3A_218 = arith.index_cast %scan3A_191 : i32 to index
        %swap3A_219 = arith.constant 16 : index
        %swap3A_220 = tpu.vector_load %arg9[%swap3A_218, %swap3A_219] {strides = array<i32>} : memref<128x128xf32, #tpu.memory_space<vmem>>, vector<1x16xf32>,
        %swap3A_221 = vector.shape_cast %swap3A_220 : vector<1x16xf32> to vector<16xf32>
        %swap3A_222 = vector.shape_cast %max3A_217 : vector<16xf32> to vector<1x16xf32>
        tpu.vector_store %arg9[%swap3A_218, %swap3A_219], %swap3A_222 {strides = array<i32>} : memref<128x128xf32, #tpu.memory_space<vmem>>, vector<1x16xf32>,
        %get3A_223 = arith.index_cast %scan3A_191 : i32 to index
        %get3A_224 = arith.constant 32 : index
        %get3A_225 = tpu.vector_load %arg9[%get3A_223, %get3A_224] {strides = array<i32>} : memref<128x128xf32, #tpu.memory_space<vmem>>, vector<1x16xf32>,
        %get3A_226 = vector.shape_cast %get3A_225 : vector<1x16xf32> to vector<16xf32>
        %get3A_227 = arith.index_cast %scan3A_191 : i32 to index
        %get3A_228 = arith.constant 32 : index
        %get3A_229 = tpu.vector_load %arg10[%get3A_227, %get3A_228] {strides = array<i32>} : memref<128x128xf32, #tpu.memory_space<vmem>>, vector<1x16xf32>,
        %get3A_230 = vector.shape_cast %get3A_229 : vector<1x16xf32> to vector<16xf32>
        %add3A_231 = arith.addf %get3A_226, %get3A_230 : vector<16xf32>
        %max3A_232 = arith.constant 0.000000e+00 : f32
        %max3A_233 = vector.broadcast %max3A_232 : f32 to vector<16xf32>
        %max3A_234 = arith.maximumf %add3A_231, %max3A_233 : vector<16xf32>
        %swap3A_235 = arith.index_cast %scan3A_191 : i32 to index
        %swap3A_236 = arith.constant 32 : index
        %swap3A_237 = tpu.vector_load %arg9[%swap3A_235, %swap3A_236] {strides = array<i32>} : memref<128x128xf32, #tpu.memory_space<vmem>>, vector<1x16xf32>,
        %swap3A_238 = vector.shape_cast %swap3A_237 : vector<1x16xf32> to vector<16xf32>
        %swap3A_239 = vector.shape_cast %max3A_234 : vector<16xf32> to vector<1x16xf32>
        tpu.vector_store %arg9[%swap3A_235, %swap3A_236], %swap3A_239 {strides = array<i32>} : memref<128x128xf32, #tpu.memory_space<vmem>>, vector<1x16xf32>,
        %get3A_240 = arith.index_cast %scan3A_191 : i32 to index
        %get3A_241 = arith.constant 48 : index
        %get3A_242 = tpu.vector_load %arg9[%get3A_240, %get3A_241] {strides = array<i32>} : memref<128x128xf32, #tpu.memory_space<vmem>>, vector<1x16xf32>,
        %get3A_243 = vector.shape_cast %get3A_242 : vector<1x16xf32> to vector<16xf32>
        %get3A_244 = arith.index_cast %scan3A_191 : i32 to index
        %get3A_245 = arith.constant 48 : index
        %get3A_246 = tpu.vector_load %arg10[%get3A_244, %get3A_245] {strides = array<i32>} : memref<128x128xf32, #tpu.memory_space<vmem>>, vector<1x16xf32>,
        %get3A_247 = vector.shape_cast %get3A_246 : vector<1x16xf32> to vector<16xf32>
        %add3A_248 = arith.addf %get3A_243, %get3A_247 : vector<16xf32>
        %max3A_249 = arith.constant 0.000000e+00 : f32
        %max3A_250 = vector.broadcast %max3A_249 : f32 to vector<16xf32>
        %max3A_251 = arith.maximumf %add3A_248, %max3A_250 : vector<16xf32>
        %swap3A_252 = arith.index_cast %scan3A_191 : i32 to index
        %swap3A_253 = arith.constant 48 : index
        %swap3A_254 = tpu.vector_load %arg9[%swap3A_252, %swap3A_253] {strides = array<i32>} : memref<128x128xf32, #tpu.memory_space<vmem>>, vector<1x16xf32>,
        %swap3A_255 = vector.shape_cast %swap3A_254 : vector<1x16xf32> to vector<16xf32>
        %swap3A_256 = vector.shape_cast %max3A_251 : vector<16xf32> to vector<1x16xf32>
        tpu.vector_store %arg9[%swap3A_252, %swap3A_253], %swap3A_256 {strides = array<i32>} : memref<128x128xf32, #tpu.memory_space<vmem>>, vector<1x16xf32>,
        %get3A_257 = arith.index_cast %scan3A_191 : i32 to index
        %get3A_258 = arith.constant 64 : index
        %get3A_259 = tpu.vector_load %arg9[%get3A_257, %get3A_258] {strides = array<i32>} : memref<128x128xf32, #tpu.memory_space<vmem>>, vector<1x16xf32>,
        %get3A_260 = vector.shape_cast %get3A_259 : vector<1x16xf32> to vector<16xf32>
        %get3A_261 = arith.index_cast %scan3A_191 : i32 to index
        %get3A_262 = arith.constant 64 : index
        %get3A_263 = tpu.vector_load %arg10[%get3A_261, %get3A_262] {strides = array<i32>} : memref<128x128xf32, #tpu.memory_space<vmem>>, vector<1x16xf32>,
        %get3A_264 = vector.shape_cast %get3A_263 : vector<1x16xf32> to vector<16xf32>
        %add3A_265 = arith.addf %get3A_260, %get3A_264 : vector<16xf32>
        %max3A_266 = arith.constant 0.000000e+00 : f32
        %max3A_267 = vector.broadcast %max3A_266 : f32 to vector<16xf32>
        %max3A_268 = arith.maximumf %add3A_265, %max3A_267 : vector<16xf32>
        %swap3A_269 = arith.index_cast %scan3A_191 : i32 to index
        %swap3A_270 = arith.constant 64 : index
        %swap3A_271 = tpu.vector_load %arg9[%swap3A_269, %swap3A_270] {strides = array<i32>} : memref<128x128xf32, #tpu.memory_space<vmem>>, vector<1x16xf32>,
        %swap3A_272 = vector.shape_cast %swap3A_271 : vector<1x16xf32> to vector<16xf32>
        %swap3A_273 = vector.shape_cast %max3A_268 : vector<16xf32> to vector<1x16xf32>
        tpu.vector_store %arg9[%swap3A_269, %swap3A_270], %swap3A_273 {strides = array<i32>} : memref<128x128xf32, #tpu.memory_space<vmem>>, vector<1x16xf32>,
        %get3A_274 = arith.index_cast %scan3A_191 : i32 to index
        %get3A_275 = arith.constant 80 : index
        %get3A_276 = tpu.vector_load %arg9[%get3A_274, %get3A_275] {strides = array<i32>} : memref<128x128xf32, #tpu.memory_space<vmem>>, vector<1x16xf32>,
        %get3A_277 = vector.shape_cast %get3A_276 : vector<1x16xf32> to vector<16xf32>
        %get3A_278 = arith.index_cast %scan3A_191 : i32 to index
        %get3A_279 = arith.constant 80 : index
        %get3A_280 = tpu.vector_load %arg10[%get3A_278, %get3A_279] {strides = array<i32>} : memref<128x128xf32, #tpu.memory_space<vmem>>, vector<1x16xf32>,
        %get3A_281 = vector.shape_cast %get3A_280 : vector<1x16xf32> to vector<16xf32>
        %add3A_282 = arith.addf %get3A_277, %get3A_281 : vector<16xf32>
        %max3A_283 = arith.constant 0.000000e+00 : f32
        %max3A_284 = vector.broadcast %max3A_283 : f32 to vector<16xf32>
        %max3A_285 = arith.maximumf %add3A_282, %max3A_284 : vector<16xf32>
        %swap3A_286 = arith.index_cast %scan3A_191 : i32 to index
        %swap3A_287 = arith.constant 80 : index
        %swap3A_288 = tpu.vector_load %arg9[%swap3A_286, %swap3A_287] {strides = array<i32>} : memref<128x128xf32, #tpu.memory_space<vmem>>, vector<1x16xf32>,
        %swap3A_289 = vector.shape_cast %swap3A_288 : vector<1x16xf32> to vector<16xf32>
        %swap3A_290 = vector.shape_cast %max3A_285 : vector<16xf32> to vector<1x16xf32>
        tpu.vector_store %arg9[%swap3A_286, %swap3A_287], %swap3A_290 {strides = array<i32>} : memref<128x128xf32, #tpu.memory_space<vmem>>, vector<1x16xf32>,
        %get3A_291 = arith.index_cast %scan3A_191 : i32 to index
        %get3A_292 = arith.constant 96 : index
        %get3A_293 = tpu.vector_load %arg9[%get3A_291, %get3A_292] {strides = array<i32>} : memref<128x128xf32, #tpu.memory_space<vmem>>, vector<1x16xf32>,
        %get3A_294 = vector.shape_cast %get3A_293 : vector<1x16xf32> to vector<16xf32>
        %get3A_295 = arith.index_cast %scan3A_191 : i32 to index
        %get3A_296 = arith.constant 96 : index
        %get3A_297 = tpu.vector_load %arg10[%get3A_295, %get3A_296] {strides = array<i32>} : memref<128x128xf32, #tpu.memory_space<vmem>>, vector<1x16xf32>,
        %get3A_298 = vector.shape_cast %get3A_297 : vector<1x16xf32> to vector<16xf32>
        %add3A_299 = arith.addf %get3A_294, %get3A_298 : vector<16xf32>
        %max3A_300 = arith.constant 0.000000e+00 : f32
        %max3A_301 = vector.broadcast %max3A_300 : f32 to vector<16xf32>
        %max3A_302 = arith.maximumf %add3A_299, %max3A_301 : vector<16xf32>
        %swap3A_303 = arith.index_cast %scan3A_191 : i32 to index
        %swap3A_304 = arith.constant 96 : index
        %swap3A_305 = tpu.vector_load %arg9[%swap3A_303, %swap3A_304] {strides = array<i32>} : memref<128x128xf32, #tpu.memory_space<vmem>>, vector<1x16xf32>,
        %swap3A_306 = vector.shape_cast %swap3A_305 : vector<1x16xf32> to vector<16xf32>
        %swap3A_307 = vector.shape_cast %max3A_302 : vector<16xf32> to vector<1x16xf32>
        tpu.vector_store %arg9[%swap3A_303, %swap3A_304], %swap3A_307 {strides = array<i32>} : memref<128x128xf32, #tpu.memory_space<vmem>>, vector<1x16xf32>,
        %get3A_308 = arith.index_cast %scan3A_191 : i32 to index
        %get3A_309 = arith.constant 112 : index
        %get3A_310 = tpu.vector_load %arg9[%get3A_308, %get3A_309] {strides = array<i32>} : memref<128x128xf32, #tpu.memory_space<vmem>>, vector<1x16xf32>,
        %get3A_311 = vector.shape_cast %get3A_310 : vector<1x16xf32> to vector<16xf32>
        %get3A_312 = arith.index_cast %scan3A_191 : i32 to index
        %get3A_313 = arith.constant 112 : index
        %get3A_314 = tpu.vector_load %arg10[%get3A_312, %get3A_313] {strides = array<i32>} : memref<128x128xf32, #tpu.memory_space<vmem>>, vector<1x16xf32>,
        %get3A_315 = vector.shape_cast %get3A_314 : vector<1x16xf32> to vector<16xf32>
        %add3A_316 = arith.addf %get3A_311, %get3A_315 : vector<16xf32>
        %max3A_317 = arith.constant 0.000000e+00 : f32
        %max3A_318 = vector.broadcast %max3A_317 : f32 to vector<16xf32>
        %max3A_319 = arith.maximumf %add3A_316, %max3A_318 : vector<16xf32>
        %swap3A_320 = arith.index_cast %scan3A_191 : i32 to index
        %swap3A_321 = arith.constant 112 : index
        %swap3A_322 = tpu.vector_load %arg9[%swap3A_320, %swap3A_321] {strides = array<i32>} : memref<128x128xf32, #tpu.memory_space<vmem>>, vector<1x16xf32>,
        %swap3A_323 = vector.shape_cast %swap3A_322 : vector<1x16xf32> to vector<16xf32>
        %swap3A_324 = vector.shape_cast %max3A_319 : vector<16xf32> to vector<1x16xf32>
        tpu.vector_store %arg9[%swap3A_320, %swap3A_321], %swap3A_324 {strides = array<i32>} : memref<128x128xf32, #tpu.memory_space<vmem>>, vector<1x16xf32>,
      }
      %scan3A_182 = arith.constant 128 : i32
      %dma_start3A_183 = arith.constant 0 : i32
      %dma_start3A_184 = arith.constant 1 : i32
      %dma_start3A_185 = arith.constant 0 : i32
      %dma_start3A_186 = tpu.memref_slice %arg7[%dma_start3A_183, %dma_start3A_184, %dma_start3A_185] : memref<1x2x128xi32, #tpu.memory_space<vmem>> -> memref<1x1x128xi32, #tpu.memory_space<vmem>>
      %dma_start3A_187 = tpu.memref_squeeze %dma_start3A_186 : memref<1x1x128xi32, #tpu.memory_space<vmem>> -> memref<128xi32, #tpu.memory_space<vmem>>
      %dma_start3A_188 = arith.constant 0 : i32
      %dma_start3A_189 = arith.constant 0 : i32
      %dma_start3A_190 = tpu.memref_slice %arg11[%dma_start3A_188, %dma_start3A_189] : memref<10112x128xf32, #tpu.memory_space<vmem_shared>> -> memref<10112x128xf32, #tpu.memory_space<vmem_shared>>
      tpu.enqueue_indirect_dma source(%arg9 : memref<128x128xf32, #tpu.memory_space<vmem>>) target(%dma_start3A_190 : memref<10112x128xf32, #tpu.memory_space<vmem_shared>>) offsets(%dma_start3A_187 : memref<128xi32, #tpu.memory_space<vmem>>) semaphore(%arg14 : memref<!tpu.dma_semaphore, #tpu.memory_space<semaphore_mem>>) {add = true}
    }
    %scan3A_52 = arith.constant 40 : i32
    %add3A_53 = arith.constant 0 : i32
    %add3A_54 = arith.addi %mul3A_18, %add3A_53 : i32
    %dma_wait3A = arith.constant 0 : i32
    %dma_wait3A_55 = arith.constant 0 : i32
    %dma_wait3A_56 = tpu.memref_slice %arg11[%dma_wait3A, %dma_wait3A_55] : memref<10112x128xf32, #tpu.memory_space<vmem_shared>> -> memref<128x128xf32, #tpu.memory_space<vmem_shared>>
    %dma_wait3A_57 = arith.constant 0 : i32
    %dma_wait3A_58 = tpu.memref_slice %arg3[%add3A_54, %dma_wait3A_57] : memref<327680x128xf32, #tpu.memory_space<hbm>> -> memref<128x128xf32, #tpu.memory_space<hbm>>
    tpu.wait_dma2 semaphore(%arg14 : memref<!tpu.dma_semaphore, #tpu.memory_space<semaphore_mem>>) src(%dma_wait3A_58 : memref<128x128xf32, #tpu.memory_space<hbm>>) dst(%dma_wait3A_56 : memref<128x128xf32, #tpu.memory_space<vmem_shared>>)
    %barrier3A_59 = arith.constant 0 : index
    tpu.barrier barrier_id(%barrier3A_59)
    "tpu.region"() ({
      %run_scoped3A = tpu.sem_alloc : memref<!tpu.dma_semaphore, #tpu.memory_space<semaphore_mem>>
      %dma_start3A_60 = arith.constant 0 : i32
      %dma_start3A_61 = tpu.memref_slice %arg5[%arg0, %mul3A_4, %dma_start3A_60] : memref<2x10112x128xf32, #tpu.memory_space<hbm>> -> memref<1x632x128xf32, #tpu.memory_space<hbm>>
      %dma_start3A_62 = tpu.memref_squeeze %dma_start3A_61 : memref<1x632x128xf32, #tpu.memory_space<hbm>> -> memref<632x128xf32, #tpu.memory_space<hbm>>
      %dma_start3A_63 = arith.constant 0 : i32
      %dma_start3A_64 = tpu.memref_slice %arg11[%mul3A_4, %dma_start3A_63] : memref<10112x128xf32, #tpu.memory_space<vmem_shared>> -> memref<632x128xf32, #tpu.memory_space<vmem_shared>>
      tpu.enqueue_dma source(%dma_start3A_64 : memref<632x128xf32, #tpu.memory_space<vmem_shared>>) target(%dma_start3A_62 : memref<632x128xf32, #tpu.memory_space<hbm>>) target_semaphore(%run_scoped3A : memref<!tpu.dma_semaphore, #tpu.memory_space<semaphore_mem>>)
      %dma_wait3A_65 = arith.constant 0 : i32
      %dma_wait3A_66 = tpu.memref_slice %arg5[%arg0, %mul3A_4, %dma_wait3A_65] : memref<2x10112x128xf32, #tpu.memory_space<hbm>> -> memref<1x632x128xf32, #tpu.memory_space<hbm>>
      %dma_wait3A_67 = tpu.memref_squeeze %dma_wait3A_66 : memref<1x632x128xf32, #tpu.memory_space<hbm>> -> memref<632x128xf32, #tpu.memory_space<hbm>>
      %dma_wait3A_68 = arith.constant 0 : i32
      %dma_wait3A_69 = tpu.memref_slice %arg11[%mul3A_4, %dma_wait3A_68] : memref<10112x128xf32, #tpu.memory_space<vmem_shared>> -> memref<632x128xf32, #tpu.memory_space<vmem_shared>>
      tpu.wait_dma2 semaphore(%run_scoped3A : memref<!tpu.dma_semaphore, #tpu.memory_space<semaphore_mem>>) src(%dma_wait3A_69 : memref<632x128xf32, #tpu.memory_space<vmem_shared>>) dst(%dma_wait3A_67 : memref<632x128xf32, #tpu.memory_space<hbm>>)
      tpu.yield
    }) : () -> ()
    return
  }
}

module attributes {stable_mosaic.version = 14 : i64} {
  func.func @body(%arg0: i32, %arg1: memref<2048x16xf32, #tpu.memory_space<vmem>>, %arg2: memref<16x128xf32, #tpu.memory_space<vmem>>, %arg3: memref<1x128xf32, #tpu.memory_space<vmem>>, %arg4: memref<2048x128xf32, #tpu.memory_space<vmem>>) attributes {dimension_semantics = [#tpu.dimension_semantics<arbitrary>], iteration_bounds = array<i64: 160>, scalar_prefetch = 0 : i64, scratch_operands = 0 : i64, tpu.core_type = #tpu.core_type<tc>, window_params = [{transform_indices = @transform_0, window_bounds = array<i64: 2048, 16>}, {pipeline_mode = #tpu.pipeline_mode<synchronous>, transform_indices = @transform_1, window_bounds = array<i64: 16, 128>}, {pipeline_mode = #tpu.pipeline_mode<synchronous>, transform_indices = @transform_2, window_bounds = array<i64: 1, 128>}, {transform_indices = @transform_3, window_bounds = array<i64: 2048, 128>}]} {
    %get3A = arith.constant 0 : index
    %get3A_0 = arith.constant 0 : index
    %get3A_1 = vector.load %arg1[%get3A, %get3A_0] : memref<2048x16xf32, #tpu.memory_space<vmem>>, vector<2048x16xf32>
    %get3A_2 = arith.constant 0 : index
    %get3A_3 = arith.constant 0 : index
    %get3A_4 = vector.load %arg2[%get3A_2, %get3A_3] : memref<16x128xf32, #tpu.memory_space<vmem>>, vector<16x128xf32>
    %dot_general3A = arith.constant dense<0.000000e+00> : vector<2048x128xf32>
    %dot_general3A_5 = tpu.matmul %get3A_1, %get3A_4, %dot_general3A {dimension_numbers = #tpu.dot_dimension_numbers<[1], [0], [0], [1], [0, 0, 1, 1], [], []>, transpose_lhs_hint = false} : vector<2048x16xf32>, vector<16x128xf32>, vector<2048x128xf32> -> vector<2048x128xf32>
    %get3A_6 = arith.constant 0 : index
    %get3A_7 = arith.constant 0 : index
    %get3A_8 = vector.load %arg3[%get3A_6, %get3A_7] : memref<1x128xf32, #tpu.memory_space<vmem>>, vector<1x128xf32>
    %add3A = vector.broadcast %get3A_8 : vector<1x128xf32> to vector<2048x128xf32>
    %add3A_9 = arith.addf %dot_general3A_5, %add3A : vector<2048x128xf32>
    %swap3A = arith.constant 0 : index
    %swap3A_10 = arith.constant 0 : index
    %swap3A_11 = vector.load %arg4[%swap3A, %swap3A_10] : memref<2048x128xf32, #tpu.memory_space<vmem>>, vector<2048x128xf32>
    tpu.vector_store %arg4[%swap3A, %swap3A_10], %add3A_9 {strides = array<i32>} : memref<2048x128xf32, #tpu.memory_space<vmem>>, vector<2048x128xf32>,
    return
  }
  func.func @transform_0(%arg0: i32) -> (i32, i32) {
    %c0_i32 = arith.constant 0 : i32
    %c0_i32_0 = arith.constant 0 : i32
    return %arg0, %c0_i32 : i32, i32
  }
  func.func @transform_1(%arg0: i32) -> (i32, i32) {
    %c0_i32 = arith.constant 0 : i32
    %c0_i32_0 = arith.constant 0 : i32
    %c0_i32_1 = arith.constant 0 : i32
    return %c0_i32, %c0_i32_0 : i32, i32
  }
  func.func @transform_2(%arg0: i32) -> (i32, i32) {
    %c0_i32 = arith.constant 0 : i32
    %c0_i32_0 = arith.constant 0 : i32
    %c0_i32_1 = arith.constant 0 : i32
    return %c0_i32, %c0_i32_0 : i32, i32
  }
  func.func @transform_3(%arg0: i32) -> (i32, i32) {
    %c0_i32 = arith.constant 0 : i32
    %c0_i32_0 = arith.constant 0 : i32
    return %arg0, %c0_i32 : i32, i32
  }
}

module attributes {stable_mosaic.version = 14 : i64} {
  func.func @body(%arg0: i32, %arg1: memref<2048x16xf32, #tpu.memory_space<vmem>>, %arg2: memref<16x256xf32, #tpu.memory_space<vmem>>, %arg3: memref<1x256xf32, #tpu.memory_space<vmem>>, %arg4: memref<2x2048x128xf32, #tpu.memory_space<vmem>>) attributes {dimension_semantics = [#tpu.dimension_semantics<arbitrary>], iteration_bounds = array<i64: 160>, scalar_prefetch = 0 : i64, scratch_operands = 0 : i64, tpu.core_type = #tpu.core_type<tc>, window_params = [{transform_indices = @transform_0, window_bounds = array<i64: 2048, 16>}, {pipeline_mode = #tpu.pipeline_mode<synchronous>, transform_indices = @transform_1, window_bounds = array<i64: 16, 256>}, {pipeline_mode = #tpu.pipeline_mode<synchronous>, transform_indices = @transform_2, window_bounds = array<i64: 1, 256>}, {transform_indices = @transform_3, window_bounds = array<i64: 2, 2048, 128>}]} {
    %get3A = arith.constant 0 : index
    %get3A_0 = arith.constant 0 : index
    %get3A_1 = vector.load %arg1[%get3A, %get3A_0] : memref<2048x16xf32, #tpu.memory_space<vmem>>, vector<2048x16xf32>
    %get3A_2 = arith.constant 0 : index
    %get3A_3 = arith.constant 0 : index
    %get3A_4 = vector.load %arg2[%get3A_2, %get3A_3] : memref<16x256xf32, #tpu.memory_space<vmem>>, vector<16x256xf32>
    %dot_general3A = arith.constant dense<0.000000e+00> : vector<2048x256xf32>
    %dot_general3A_5 = tpu.matmul %get3A_1, %get3A_4, %dot_general3A {dimension_numbers = #tpu.dot_dimension_numbers<[1], [0], [0], [1], [0, 0, 1, 1], [], []>, transpose_lhs_hint = false} : vector<2048x16xf32>, vector<16x256xf32>, vector<2048x256xf32> -> vector<2048x256xf32>
    %get3A_6 = arith.constant 0 : index
    %get3A_7 = arith.constant 0 : index
    %get3A_8 = vector.load %arg3[%get3A_6, %get3A_7] : memref<1x256xf32, #tpu.memory_space<vmem>>, vector<1x256xf32>
    %add3A = vector.broadcast %get3A_8 : vector<1x256xf32> to vector<2048x256xf32>
    %add3A_9 = arith.addf %dot_general3A_5, %add3A : vector<2048x256xf32>
    %slice3A = vector.extract_strided_slice %add3A_9 {offsets = [0, 0], sizes = [2048, 128], strides = [1, 1]} : vector<2048x256xf32> to vector<2048x128xf32>
    %swap3A = arith.constant 0 : index
    %swap3A_10 = arith.constant 0 : index
    %swap3A_11 = arith.constant 0 : index
    %swap3A_12 = vector.load %arg4[%swap3A, %swap3A_10, %swap3A_11] : memref<2x2048x128xf32, #tpu.memory_space<vmem>>, vector<1x2048x128xf32>
    %swap3A_13 = vector.shape_cast %swap3A_12 : vector<1x2048x128xf32> to vector<2048x128xf32>
    %swap3A_14 = vector.shape_cast %slice3A : vector<2048x128xf32> to vector<1x2048x128xf32>
    tpu.vector_store %arg4[%swap3A, %swap3A_10, %swap3A_11], %swap3A_14 {strides = array<i32>} : memref<2x2048x128xf32, #tpu.memory_space<vmem>>, vector<1x2048x128xf32>,
    %slice3A_15 = vector.extract_strided_slice %add3A_9 {offsets = [0, 128], sizes = [2048, 128], strides = [1, 1]} : vector<2048x256xf32> to vector<2048x128xf32>
    %swap3A_16 = arith.constant 1 : index
    %swap3A_17 = arith.constant 0 : index
    %swap3A_18 = arith.constant 0 : index
    %swap3A_19 = vector.load %arg4[%swap3A_16, %swap3A_17, %swap3A_18] : memref<2x2048x128xf32, #tpu.memory_space<vmem>>, vector<1x2048x128xf32>
    %swap3A_20 = vector.shape_cast %swap3A_19 : vector<1x2048x128xf32> to vector<2048x128xf32>
    %swap3A_21 = vector.shape_cast %slice3A_15 : vector<2048x128xf32> to vector<1x2048x128xf32>
    tpu.vector_store %arg4[%swap3A_16, %swap3A_17, %swap3A_18], %swap3A_21 {strides = array<i32>} : memref<2x2048x128xf32, #tpu.memory_space<vmem>>, vector<1x2048x128xf32>,
    return
  }
  func.func @transform_0(%arg0: i32) -> (i32, i32) {
    %c0_i32 = arith.constant 0 : i32
    %c0_i32_0 = arith.constant 0 : i32
    return %arg0, %c0_i32 : i32, i32
  }
  func.func @transform_1(%arg0: i32) -> (i32, i32) {
    %c0_i32 = arith.constant 0 : i32
    %c0_i32_0 = arith.constant 0 : i32
    %c0_i32_1 = arith.constant 0 : i32
    return %c0_i32, %c0_i32_0 : i32, i32
  }
  func.func @transform_2(%arg0: i32) -> (i32, i32) {
    %c0_i32 = arith.constant 0 : i32
    %c0_i32_0 = arith.constant 0 : i32
    %c0_i32_1 = arith.constant 0 : i32
    return %c0_i32, %c0_i32_0 : i32, i32
  }
  func.func @transform_3(%arg0: i32) -> (i32, i32, i32) {
    %c0_i32 = arith.constant 0 : i32
    %c0_i32_0 = arith.constant 0 : i32
    %c0_i32_1 = arith.constant 0 : i32
    return %c0_i32, %arg0, %c0_i32_0 : i32, i32, i32
  }
}

module attributes {stable_mosaic.version = 14 : i64} {
  func.func @body(%arg0: i32, %arg1: memref<1000x128xf32, #tpu.memory_space<vmem>>, %arg2: memref<2x1000x128xf32, #tpu.memory_space<vmem>>, %arg3: memref<128x256xf32, #tpu.memory_space<vmem>>, %arg4: memref<1x256xf32, #tpu.memory_space<vmem>>, %arg5: memref<1x1xf32, #tpu.memory_space<vmem>>, %arg6: memref<1000x256xf32, #tpu.memory_space<vmem>>, %arg7: memref<2x256xf32, #tpu.memory_space<vmem>>) attributes {dimension_semantics = [#tpu.dimension_semantics<arbitrary>], iteration_bounds = array<i64: 10>, scalar_prefetch = 0 : i64, scratch_operands = 0 : i64, tpu.core_type = #tpu.core_type<tc>, window_params = [{transform_indices = @transform_0, window_bounds = array<i64: 1000, 128>}, {transform_indices = @transform_1, window_bounds = array<i64: 2, 1000, 128>}, {pipeline_mode = #tpu.pipeline_mode<synchronous>, transform_indices = @transform_2, window_bounds = array<i64: 128, 256>}, {pipeline_mode = #tpu.pipeline_mode<synchronous>, transform_indices = @transform_3, window_bounds = array<i64: 1, 256>}, {pipeline_mode = #tpu.pipeline_mode<synchronous>, transform_indices = @transform_4, window_bounds = array<i64: 1, 1>}, {transform_indices = @transform_5, window_bounds = array<i64: 1000, 256>}, {pipeline_mode = #tpu.pipeline_mode<synchronous>, transform_indices = @transform_6, window_bounds = array<i64: 2, 256>}]} {
    %get3A = arith.constant 0 : index
    %get3A_0 = arith.constant 0 : index
    %get3A_1 = arith.constant 0 : index
    %get3A_2 = vector.load %arg2[%get3A, %get3A_0, %get3A_1] : memref<2x1000x128xf32, #tpu.memory_space<vmem>>, vector<1x1000x128xf32>
    %get3A_3 = vector.shape_cast %get3A_2 : vector<1x1000x128xf32> to vector<1000x128xf32>
    %get3A_4 = arith.constant 1 : index
    %get3A_5 = arith.constant 0 : index
    %get3A_6 = arith.constant 0 : index
    %get3A_7 = vector.load %arg2[%get3A_4, %get3A_5, %get3A_6] : memref<2x1000x128xf32, #tpu.memory_space<vmem>>, vector<1x1000x128xf32>
    %get3A_8 = vector.shape_cast %get3A_7 : vector<1x1000x128xf32> to vector<1000x128xf32>
    %add3A = arith.addf %get3A_3, %get3A_8 : vector<1000x128xf32>
    %get3A_9 = arith.constant 0 : index
    %get3A_10 = arith.constant 0 : index
    %get3A_11 = vector.load %arg5[%get3A_9, %get3A_10] : memref<1x1xf32, #tpu.memory_space<vmem>>, vector<1x1xf32>
    %get3A_12 = vector.extract %get3A_11[0, 0] : f32 from vector<1x1xf32>
    %get3A_13 = arith.constant 0 : index
    %get3A_14 = arith.constant 0 : index
    %get3A_15 = vector.load %arg1[%get3A_13, %get3A_14] : memref<1000x128xf32, #tpu.memory_space<vmem>>, vector<1000x128xf32>
    %mul3A = vector.broadcast %get3A_12 : f32 to vector<1000x128xf32>
    %mul3A_16 = arith.mulf %mul3A, %get3A_15 : vector<1000x128xf32>
    %add3A_17 = arith.addf %mul3A_16, %add3A : vector<1000x128xf32>
    %get3A_18 = arith.constant 0 : index
    %get3A_19 = arith.constant 0 : index
    %get3A_20 = vector.load %arg3[%get3A_18, %get3A_19] : memref<128x256xf32, #tpu.memory_space<vmem>>, vector<128x256xf32>
    %dot_general3A = arith.constant dense<0.000000e+00> : vector<1000x256xf32>
    %dot_general3A_21 = tpu.matmul %add3A_17, %get3A_20, %dot_general3A {dimension_numbers = #tpu.dot_dimension_numbers<[1], [0], [0], [1], [0, 0, 1, 1], [], []>, transpose_lhs_hint = false} : vector<1000x128xf32>, vector<128x256xf32>, vector<1000x256xf32> -> vector<1000x256xf32>
    %get3A_22 = arith.constant 0 : index
    %get3A_23 = arith.constant 0 : index
    %get3A_24 = vector.load %arg4[%get3A_22, %get3A_23] : memref<1x256xf32, #tpu.memory_space<vmem>>, vector<1x256xf32>
    %add3A_25 = vector.broadcast %get3A_24 : vector<1x256xf32> to vector<1000x256xf32>
    %add3A_26 = arith.addf %dot_general3A_21, %add3A_25 : vector<1000x256xf32>
    %swap3A = arith.constant 0 : index
    %swap3A_27 = arith.constant 0 : index
    %swap3A_28 = vector.load %arg6[%swap3A, %swap3A_27] : memref<1000x256xf32, #tpu.memory_space<vmem>>, vector<1000x256xf32>
    tpu.vector_store %arg6[%swap3A, %swap3A_27], %add3A_26 {strides = array<i32>} : memref<1000x256xf32, #tpu.memory_space<vmem>>, vector<1000x256xf32>,
    %eq3A = arith.constant 0 : i32
    %eq3A_29 = arith.cmpi eq, %arg0, %eq3A : i32
    %convert_element_type3A = arith.extui %eq3A_29 : i1 to i32
    %cond3A = arith.constant 0 : i32
    %cond3A_30 = arith.cmpi ne, %convert_element_type3A, %cond3A : i32
    scf.if %cond3A_30 {
      %broadcast_in_dim3A = arith.constant 0.000000e+00 : f32
      %broadcast_in_dim3A_44 = vector.broadcast %broadcast_in_dim3A : f32 to vector<2x256xf32>
      %swap3A_45 = arith.constant 0 : index
      %swap3A_46 = arith.constant 0 : index
      %swap3A_47 = vector.load %arg7[%swap3A_45, %swap3A_46] : memref<2x256xf32, #tpu.memory_space<vmem>>, vector<2x256xf32>
      tpu.vector_store %arg7[%swap3A_45, %swap3A_46], %broadcast_in_dim3A_44 {strides = array<i32>} : memref<2x256xf32, #tpu.memory_space<vmem>>, vector<2x256xf32>,
    } else {
    }
    %get3A_31 = arith.constant 0 : index
    %get3A_32 = arith.constant 0 : index
    %get3A_33 = vector.load %arg7[%get3A_31, %get3A_32] : memref<2x256xf32, #tpu.memory_space<vmem>>, vector<2x256xf32>
    %reduce_sum3A = arith.constant dense<0.000000e+00> : vector<256xf32>
    %reduce_sum3A_34 = vector.multi_reduction <add>, %add3A_26, %reduce_sum3A [0] : vector<1000x256xf32> to vector<256xf32>
    %mul3A_35 = arith.mulf %add3A_26, %add3A_26 : vector<1000x256xf32>
    %reduce_sum3A_36 = arith.constant dense<0.000000e+00> : vector<256xf32>
    %reduce_sum3A_37 = vector.multi_reduction <add>, %mul3A_35, %reduce_sum3A_36 [0] : vector<1000x256xf32> to vector<256xf32>
    %stack3A = vector.shape_cast %reduce_sum3A_34 : vector<256xf32> to vector<1x256xf32>
    %stack3A_38 = vector.shape_cast %reduce_sum3A_37 : vector<256xf32> to vector<1x256xf32>
    %stack3A_39 = tpu.concatenate %stack3A, %stack3A_38 in 0 : vector<1x256xf32>, vector<1x256xf32> -> vector<2x256xf32>
    %add3A_40 = arith.addf %get3A_33, %stack3A_39 : vector<2x256xf32>
    %swap3A_41 = arith.constant 0 : index
    %swap3A_42 = arith.constant 0 : index
    %swap3A_43 = vector.load %arg7[%swap3A_41, %swap3A_42] : memref<2x256xf32, #tpu.memory_space<vmem>>, vector<2x256xf32>
    tpu.vector_store %arg7[%swap3A_41, %swap3A_42], %add3A_40 {strides = array<i32>} : memref<2x256xf32, #tpu.memory_space<vmem>>, vector<2x256xf32>,
    return
  }
  func.func @transform_0(%arg0: i32) -> (i32, i32) {
    %c0_i32 = arith.constant 0 : i32
    %c0_i32_0 = arith.constant 0 : i32
    return %arg0, %c0_i32 : i32, i32
  }
  func.func @transform_1(%arg0: i32) -> (i32, i32, i32) {
    %c0_i32 = arith.constant 0 : i32
    %c0_i32_0 = arith.constant 0 : i32
    %c0_i32_1 = arith.constant 0 : i32
    return %c0_i32, %arg0, %c0_i32_0 : i32, i32, i32
  }
  func.func @transform_2(%arg0: i32) -> (i32, i32) {
    %c0_i32 = arith.constant 0 : i32
    %c0_i32_0 = arith.constant 0 : i32
    %c0_i32_1 = arith.constant 0 : i32
    return %c0_i32, %c0_i32_0 : i32, i32
  }
  func.func @transform_3(%arg0: i32) -> (i32, i32) {
    %c0_i32 = arith.constant 0 : i32
    %c0_i32_0 = arith.constant 0 : i32
    %c0_i32_1 = arith.constant 0 : i32
    return %c0_i32, %c0_i32_0 : i32, i32
  }
  func.func @transform_4(%arg0: i32) -> (i32, i32) {
    %c0_i32 = arith.constant 0 : i32
    %c0_i32_0 = arith.constant 0 : i32
    %c0_i32_1 = arith.constant 0 : i32
    return %c0_i32, %c0_i32_0 : i32, i32
  }
  func.func @transform_5(%arg0: i32) -> (i32, i32) {
    %c0_i32 = arith.constant 0 : i32
    %c0_i32_0 = arith.constant 0 : i32
    return %arg0, %c0_i32 : i32, i32
  }
  func.func @transform_6(%arg0: i32) -> (i32, i32) {
    %c0_i32 = arith.constant 0 : i32
    %c0_i32_0 = arith.constant 0 : i32
    %c0_i32_1 = arith.constant 0 : i32
    return %c0_i32, %c0_i32_0 : i32, i32
  }
}

module attributes {stable_mosaic.version = 14 : i64} {
  func.func @body(%arg0: i32, %arg1: memref<1000x256xf32, #tpu.memory_space<vmem>>, %arg2: memref<2x256xf32, #tpu.memory_space<vmem>>, %arg3: memref<1x256xf32, #tpu.memory_space<vmem>>, %arg4: memref<1x256xf32, #tpu.memory_space<vmem>>, %arg5: memref<256x256xf32, #tpu.memory_space<vmem>>, %arg6: memref<1x256xf32, #tpu.memory_space<vmem>>, %arg7: memref<1000x256xf32, #tpu.memory_space<vmem>>, %arg8: memref<2x256xf32, #tpu.memory_space<vmem>>) attributes {dimension_semantics = [#tpu.dimension_semantics<arbitrary>], iteration_bounds = array<i64: 10>, scalar_prefetch = 0 : i64, scratch_operands = 0 : i64, tpu.core_type = #tpu.core_type<tc>, window_params = [{transform_indices = @transform_0, window_bounds = array<i64: 1000, 256>}, {pipeline_mode = #tpu.pipeline_mode<synchronous>, transform_indices = @transform_1, window_bounds = array<i64: 2, 256>}, {pipeline_mode = #tpu.pipeline_mode<synchronous>, transform_indices = @transform_2, window_bounds = array<i64: 1, 256>}, {pipeline_mode = #tpu.pipeline_mode<synchronous>, transform_indices = @transform_3, window_bounds = array<i64: 1, 256>}, {pipeline_mode = #tpu.pipeline_mode<synchronous>, transform_indices = @transform_4, window_bounds = array<i64: 256, 256>}, {pipeline_mode = #tpu.pipeline_mode<synchronous>, transform_indices = @transform_5, window_bounds = array<i64: 1, 256>}, {transform_indices = @transform_6, window_bounds = array<i64: 1000, 256>}, {pipeline_mode = #tpu.pipeline_mode<synchronous>, transform_indices = @transform_7, window_bounds = array<i64: 2, 256>}]} {
    %get3A = arith.constant 0 : index
    %get3A_0 = arith.constant 0 : index
    %get3A_1 = vector.load %arg2[%get3A, %get3A_0] : memref<2x256xf32, #tpu.memory_space<vmem>>, vector<1x256xf32>
    %mul3A = arith.constant 9.99999974E-5 : f32
    %mul3A_2 = vector.broadcast %mul3A : f32 to vector<1x256xf32>
    %mul3A_3 = arith.mulf %get3A_1, %mul3A_2 : vector<1x256xf32>
    %get3A_4 = arith.constant 1 : index
    %get3A_5 = arith.constant 0 : index
    %get3A_6 = vector.load %arg2[%get3A_4, %get3A_5] : memref<2x256xf32, #tpu.memory_space<vmem>>, vector<1x256xf32>
    %mul3A_7 = arith.constant 9.99999974E-5 : f32
    %mul3A_8 = vector.broadcast %mul3A_7 : f32 to vector<1x256xf32>
    %mul3A_9 = arith.mulf %get3A_6, %mul3A_8 : vector<1x256xf32>
    %mul3A_10 = arith.mulf %mul3A_3, %mul3A_3 : vector<1x256xf32>
    %sub3A = arith.subf %mul3A_9, %mul3A_10 : vector<1x256xf32>
    %add3A = arith.constant 9.99999974E-6 : f32
    %add3A_11 = vector.broadcast %add3A : f32 to vector<1x256xf32>
    %add3A_12 = arith.addf %sub3A, %add3A_11 : vector<1x256xf32>
    %rsqrt3A = math.rsqrt %add3A_12 : vector<1x256xf32>
    %get3A_13 = arith.constant 0 : index
    %get3A_14 = arith.constant 0 : index
    %get3A_15 = vector.load %arg3[%get3A_13, %get3A_14] : memref<1x256xf32, #tpu.memory_space<vmem>>, vector<1x256xf32>
    %get3A_16 = arith.constant 0 : index
    %get3A_17 = arith.constant 0 : index
    %get3A_18 = vector.load %arg1[%get3A_16, %get3A_17] : memref<1000x256xf32, #tpu.memory_space<vmem>>, vector<1000x256xf32>
    %sub3A_19 = vector.broadcast %mul3A_3 : vector<1x256xf32> to vector<1000x256xf32>
    %sub3A_20 = arith.subf %get3A_18, %sub3A_19 : vector<1000x256xf32>
    %mul3A_21 = vector.broadcast %get3A_15 : vector<1x256xf32> to vector<1000x256xf32>
    %mul3A_22 = arith.mulf %mul3A_21, %sub3A_20 : vector<1000x256xf32>
    %mul3A_23 = vector.broadcast %rsqrt3A : vector<1x256xf32> to vector<1000x256xf32>
    %mul3A_24 = arith.mulf %mul3A_22, %mul3A_23 : vector<1000x256xf32>
    %get3A_25 = arith.constant 0 : index
    %get3A_26 = arith.constant 0 : index
    %get3A_27 = vector.load %arg4[%get3A_25, %get3A_26] : memref<1x256xf32, #tpu.memory_space<vmem>>, vector<1x256xf32>
    %add3A_28 = vector.broadcast %get3A_27 : vector<1x256xf32> to vector<1000x256xf32>
    %add3A_29 = arith.addf %mul3A_24, %add3A_28 : vector<1000x256xf32>
    %ge3A = arith.constant 0.000000e+00 : f32
    %ge3A_30 = vector.broadcast %ge3A : f32 to vector<1000x256xf32>
    %ge3A_31 = arith.cmpf oge, %add3A_29, %ge3A_30 : vector<1000x256xf32>
    %mul3A_32 = arith.constant 0.00999999977 : f32
    %mul3A_33 = vector.broadcast %mul3A_32 : f32 to vector<1000x256xf32>
    %mul3A_34 = arith.mulf %mul3A_33, %add3A_29 : vector<1000x256xf32>
    %select_n3A = arith.select %ge3A_31, %add3A_29, %mul3A_34 : vector<1000x256xi1>, vector<1000x256xf32>
    %get3A_35 = arith.constant 0 : index
    %get3A_36 = arith.constant 0 : index
    %get3A_37 = vector.load %arg5[%get3A_35, %get3A_36] : memref<256x256xf32, #tpu.memory_space<vmem>>, vector<256x256xf32>
    %dot_general3A = arith.constant dense<0.000000e+00> : vector<1000x256xf32>
    %dot_general3A_38 = tpu.matmul %select_n3A, %get3A_37, %dot_general3A {dimension_numbers = #tpu.dot_dimension_numbers<[1], [0], [0], [1], [0, 0, 1, 1], [], []>, transpose_lhs_hint = false} : vector<1000x256xf32>, vector<256x256xf32>, vector<1000x256xf32> -> vector<1000x256xf32>
    %get3A_39 = arith.constant 0 : index
    %get3A_40 = arith.constant 0 : index
    %get3A_41 = vector.load %arg6[%get3A_39, %get3A_40] : memref<1x256xf32, #tpu.memory_space<vmem>>, vector<1x256xf32>
    %add3A_42 = vector.broadcast %get3A_41 : vector<1x256xf32> to vector<1000x256xf32>
    %add3A_43 = arith.addf %dot_general3A_38, %add3A_42 : vector<1000x256xf32>
    %swap3A = arith.constant 0 : index
    %swap3A_44 = arith.constant 0 : index
    %swap3A_45 = vector.load %arg7[%swap3A, %swap3A_44] : memref<1000x256xf32, #tpu.memory_space<vmem>>, vector<1000x256xf32>
    tpu.vector_store %arg7[%swap3A, %swap3A_44], %add3A_43 {strides = array<i32>} : memref<1000x256xf32, #tpu.memory_space<vmem>>, vector<1000x256xf32>,
    %eq3A = arith.constant 0 : i32
    %eq3A_46 = arith.cmpi eq, %arg0, %eq3A : i32
    %convert_element_type3A = arith.extui %eq3A_46 : i1 to i32
    %cond3A = arith.constant 0 : i32
    %cond3A_47 = arith.cmpi ne, %convert_element_type3A, %cond3A : i32
    scf.if %cond3A_47 {
      %broadcast_in_dim3A = arith.constant 0.000000e+00 : f32
      %broadcast_in_dim3A_61 = vector.broadcast %broadcast_in_dim3A : f32 to vector<2x256xf32>
      %swap3A_62 = arith.constant 0 : index
      %swap3A_63 = arith.constant 0 : index
      %swap3A_64 = vector.load %arg8[%swap3A_62, %swap3A_63] : memref<2x256xf32, #tpu.memory_space<vmem>>, vector<2x256xf32>
      tpu.vector_store %arg8[%swap3A_62, %swap3A_63], %broadcast_in_dim3A_61 {strides = array<i32>} : memref<2x256xf32, #tpu.memory_space<vmem>>, vector<2x256xf32>,
    } else {
    }
    %get3A_48 = arith.constant 0 : index
    %get3A_49 = arith.constant 0 : index
    %get3A_50 = vector.load %arg8[%get3A_48, %get3A_49] : memref<2x256xf32, #tpu.memory_space<vmem>>, vector<2x256xf32>
    %reduce_sum3A = arith.constant dense<0.000000e+00> : vector<256xf32>
    %reduce_sum3A_51 = vector.multi_reduction <add>, %add3A_43, %reduce_sum3A [0] : vector<1000x256xf32> to vector<256xf32>
    %mul3A_52 = arith.mulf %add3A_43, %add3A_43 : vector<1000x256xf32>
    %reduce_sum3A_53 = arith.constant dense<0.000000e+00> : vector<256xf32>
    %reduce_sum3A_54 = vector.multi_reduction <add>, %mul3A_52, %reduce_sum3A_53 [0] : vector<1000x256xf32> to vector<256xf32>
    %stack3A = vector.shape_cast %reduce_sum3A_51 : vector<256xf32> to vector<1x256xf32>
    %stack3A_55 = vector.shape_cast %reduce_sum3A_54 : vector<256xf32> to vector<1x256xf32>
    %stack3A_56 = tpu.concatenate %stack3A, %stack3A_55 in 0 : vector<1x256xf32>, vector<1x256xf32> -> vector<2x256xf32>
    %add3A_57 = arith.addf %get3A_50, %stack3A_56 : vector<2x256xf32>
    %swap3A_58 = arith.constant 0 : index
    %swap3A_59 = arith.constant 0 : index
    %swap3A_60 = vector.load %arg8[%swap3A_58, %swap3A_59] : memref<2x256xf32, #tpu.memory_space<vmem>>, vector<2x256xf32>
    tpu.vector_store %arg8[%swap3A_58, %swap3A_59], %add3A_57 {strides = array<i32>} : memref<2x256xf32, #tpu.memory_space<vmem>>, vector<2x256xf32>,
    return
  }
  func.func @transform_0(%arg0: i32) -> (i32, i32) {
    %c0_i32 = arith.constant 0 : i32
    %c0_i32_0 = arith.constant 0 : i32
    return %arg0, %c0_i32 : i32, i32
  }
  func.func @transform_1(%arg0: i32) -> (i32, i32) {
    %c0_i32 = arith.constant 0 : i32
    %c0_i32_0 = arith.constant 0 : i32
    %c0_i32_1 = arith.constant 0 : i32
    return %c0_i32, %c0_i32_0 : i32, i32
  }
  func.func @transform_2(%arg0: i32) -> (i32, i32) {
    %c0_i32 = arith.constant 0 : i32
    %c0_i32_0 = arith.constant 0 : i32
    %c0_i32_1 = arith.constant 0 : i32
    return %c0_i32, %c0_i32_0 : i32, i32
  }
  func.func @transform_3(%arg0: i32) -> (i32, i32) {
    %c0_i32 = arith.constant 0 : i32
    %c0_i32_0 = arith.constant 0 : i32
    %c0_i32_1 = arith.constant 0 : i32
    return %c0_i32, %c0_i32_0 : i32, i32
  }
  func.func @transform_4(%arg0: i32) -> (i32, i32) {
    %c0_i32 = arith.constant 0 : i32
    %c0_i32_0 = arith.constant 0 : i32
    %c0_i32_1 = arith.constant 0 : i32
    return %c0_i32, %c0_i32_0 : i32, i32
  }
  func.func @transform_5(%arg0: i32) -> (i32, i32) {
    %c0_i32 = arith.constant 0 : i32
    %c0_i32_0 = arith.constant 0 : i32
    %c0_i32_1 = arith.constant 0 : i32
    return %c0_i32, %c0_i32_0 : i32, i32
  }
  func.func @transform_6(%arg0: i32) -> (i32, i32) {
    %c0_i32 = arith.constant 0 : i32
    %c0_i32_0 = arith.constant 0 : i32
    return %arg0, %c0_i32 : i32, i32
  }
  func.func @transform_7(%arg0: i32) -> (i32, i32) {
    %c0_i32 = arith.constant 0 : i32
    %c0_i32_0 = arith.constant 0 : i32
    %c0_i32_1 = arith.constant 0 : i32
    return %c0_i32, %c0_i32_0 : i32, i32
  }
}

module attributes {stable_mosaic.version = 14 : i64} {
  func.func @body(%arg0: i32, %arg1: memref<1000x256xf32, #tpu.memory_space<vmem>>, %arg2: memref<2x256xf32, #tpu.memory_space<vmem>>, %arg3: memref<1x256xf32, #tpu.memory_space<vmem>>, %arg4: memref<1x256xf32, #tpu.memory_space<vmem>>, %arg5: memref<1000x256xf32, #tpu.memory_space<vmem>>, %arg6: memref<1000x128xf32, #tpu.memory_space<vmem>>, %arg7: memref<1000x128xf32, #tpu.memory_space<vmem>>) attributes {dimension_semantics = [#tpu.dimension_semantics<arbitrary>], iteration_bounds = array<i64: 10>, scalar_prefetch = 0 : i64, scratch_operands = 0 : i64, tpu.core_type = #tpu.core_type<tc>, window_params = [{transform_indices = @transform_0, window_bounds = array<i64: 1000, 256>}, {pipeline_mode = #tpu.pipeline_mode<synchronous>, transform_indices = @transform_1, window_bounds = array<i64: 2, 256>}, {pipeline_mode = #tpu.pipeline_mode<synchronous>, transform_indices = @transform_2, window_bounds = array<i64: 1, 256>}, {pipeline_mode = #tpu.pipeline_mode<synchronous>, transform_indices = @transform_3, window_bounds = array<i64: 1, 256>}, {transform_indices = @transform_4, window_bounds = array<i64: 1000, 256>}, {transform_indices = @transform_5, window_bounds = array<i64: 1000, 128>}, {transform_indices = @transform_6, window_bounds = array<i64: 1000, 128>}]} {
    %get3A = arith.constant 0 : index
    %get3A_0 = arith.constant 0 : index
    %get3A_1 = vector.load %arg2[%get3A, %get3A_0] : memref<2x256xf32, #tpu.memory_space<vmem>>, vector<1x256xf32>
    %mul3A = arith.constant 9.99999974E-5 : f32
    %mul3A_2 = vector.broadcast %mul3A : f32 to vector<1x256xf32>
    %mul3A_3 = arith.mulf %get3A_1, %mul3A_2 : vector<1x256xf32>
    %get3A_4 = arith.constant 1 : index
    %get3A_5 = arith.constant 0 : index
    %get3A_6 = vector.load %arg2[%get3A_4, %get3A_5] : memref<2x256xf32, #tpu.memory_space<vmem>>, vector<1x256xf32>
    %mul3A_7 = arith.constant 9.99999974E-5 : f32
    %mul3A_8 = vector.broadcast %mul3A_7 : f32 to vector<1x256xf32>
    %mul3A_9 = arith.mulf %get3A_6, %mul3A_8 : vector<1x256xf32>
    %mul3A_10 = arith.mulf %mul3A_3, %mul3A_3 : vector<1x256xf32>
    %sub3A = arith.subf %mul3A_9, %mul3A_10 : vector<1x256xf32>
    %add3A = arith.constant 9.99999974E-6 : f32
    %add3A_11 = vector.broadcast %add3A : f32 to vector<1x256xf32>
    %add3A_12 = arith.addf %sub3A, %add3A_11 : vector<1x256xf32>
    %rsqrt3A = math.rsqrt %add3A_12 : vector<1x256xf32>
    %get3A_13 = arith.constant 0 : index
    %get3A_14 = arith.constant 0 : index
    %get3A_15 = vector.load %arg3[%get3A_13, %get3A_14] : memref<1x256xf32, #tpu.memory_space<vmem>>, vector<1x256xf32>
    %get3A_16 = arith.constant 0 : index
    %get3A_17 = arith.constant 0 : index
    %get3A_18 = vector.load %arg1[%get3A_16, %get3A_17] : memref<1000x256xf32, #tpu.memory_space<vmem>>, vector<1000x256xf32>
    %sub3A_19 = vector.broadcast %mul3A_3 : vector<1x256xf32> to vector<1000x256xf32>
    %sub3A_20 = arith.subf %get3A_18, %sub3A_19 : vector<1000x256xf32>
    %mul3A_21 = vector.broadcast %get3A_15 : vector<1x256xf32> to vector<1000x256xf32>
    %mul3A_22 = arith.mulf %mul3A_21, %sub3A_20 : vector<1000x256xf32>
    %mul3A_23 = vector.broadcast %rsqrt3A : vector<1x256xf32> to vector<1000x256xf32>
    %mul3A_24 = arith.mulf %mul3A_22, %mul3A_23 : vector<1000x256xf32>
    %get3A_25 = arith.constant 0 : index
    %get3A_26 = arith.constant 0 : index
    %get3A_27 = vector.load %arg4[%get3A_25, %get3A_26] : memref<1x256xf32, #tpu.memory_space<vmem>>, vector<1x256xf32>
    %add3A_28 = vector.broadcast %get3A_27 : vector<1x256xf32> to vector<1000x256xf32>
    %add3A_29 = arith.addf %mul3A_24, %add3A_28 : vector<1000x256xf32>
    %ge3A = arith.constant 0.000000e+00 : f32
    %ge3A_30 = vector.broadcast %ge3A : f32 to vector<1000x256xf32>
    %ge3A_31 = arith.cmpf oge, %add3A_29, %ge3A_30 : vector<1000x256xf32>
    %mul3A_32 = arith.constant 0.00999999977 : f32
    %mul3A_33 = vector.broadcast %mul3A_32 : f32 to vector<1000x256xf32>
    %mul3A_34 = arith.mulf %mul3A_33, %add3A_29 : vector<1000x256xf32>
    %select_n3A = arith.select %ge3A_31, %add3A_29, %mul3A_34 : vector<1000x256xi1>, vector<1000x256xf32>
    %swap3A = arith.constant 0 : index
    %swap3A_35 = arith.constant 0 : index
    %swap3A_36 = vector.load %arg5[%swap3A, %swap3A_35] : memref<1000x256xf32, #tpu.memory_space<vmem>>, vector<1000x256xf32>
    tpu.vector_store %arg5[%swap3A, %swap3A_35], %select_n3A {strides = array<i32>} : memref<1000x256xf32, #tpu.memory_space<vmem>>, vector<1000x256xf32>,
    %slice3A = vector.extract_strided_slice %select_n3A {offsets = [0, 0], sizes = [1000, 128], strides = [1, 1]} : vector<1000x256xf32> to vector<1000x128xf32>
    %swap3A_37 = arith.constant 0 : index
    %swap3A_38 = arith.constant 0 : index
    %swap3A_39 = vector.load %arg6[%swap3A_37, %swap3A_38] : memref<1000x128xf32, #tpu.memory_space<vmem>>, vector<1000x128xf32>
    tpu.vector_store %arg6[%swap3A_37, %swap3A_38], %slice3A {strides = array<i32>} : memref<1000x128xf32, #tpu.memory_space<vmem>>, vector<1000x128xf32>,
    %slice3A_40 = vector.extract_strided_slice %select_n3A {offsets = [0, 128], sizes = [1000, 128], strides = [1, 1]} : vector<1000x256xf32> to vector<1000x128xf32>
    %swap3A_41 = arith.constant 0 : index
    %swap3A_42 = arith.constant 0 : index
    %swap3A_43 = vector.load %arg7[%swap3A_41, %swap3A_42] : memref<1000x128xf32, #tpu.memory_space<vmem>>, vector<1000x128xf32>
    tpu.vector_store %arg7[%swap3A_41, %swap3A_42], %slice3A_40 {strides = array<i32>} : memref<1000x128xf32, #tpu.memory_space<vmem>>, vector<1000x128xf32>,
    return
  }
  func.func @transform_0(%arg0: i32) -> (i32, i32) {
    %c0_i32 = arith.constant 0 : i32
    %c0_i32_0 = arith.constant 0 : i32
    return %arg0, %c0_i32 : i32, i32
  }
  func.func @transform_1(%arg0: i32) -> (i32, i32) {
    %c0_i32 = arith.constant 0 : i32
    %c0_i32_0 = arith.constant 0 : i32
    %c0_i32_1 = arith.constant 0 : i32
    return %c0_i32, %c0_i32_0 : i32, i32
  }
  func.func @transform_2(%arg0: i32) -> (i32, i32) {
    %c0_i32 = arith.constant 0 : i32
    %c0_i32_0 = arith.constant 0 : i32
    %c0_i32_1 = arith.constant 0 : i32
    return %c0_i32, %c0_i32_0 : i32, i32
  }
  func.func @transform_3(%arg0: i32) -> (i32, i32) {
    %c0_i32 = arith.constant 0 : i32
    %c0_i32_0 = arith.constant 0 : i32
    %c0_i32_1 = arith.constant 0 : i32
    return %c0_i32, %c0_i32_0 : i32, i32
  }
  func.func @transform_4(%arg0: i32) -> (i32, i32) {
    %c0_i32 = arith.constant 0 : i32
    %c0_i32_0 = arith.constant 0 : i32
    return %arg0, %c0_i32 : i32, i32
  }
  func.func @transform_5(%arg0: i32) -> (i32, i32) {
    %c0_i32 = arith.constant 0 : i32
    %c0_i32_0 = arith.constant 0 : i32
    return %arg0, %c0_i32 : i32, i32
  }
  func.func @transform_6(%arg0: i32) -> (i32, i32) {
    %c0_i32 = arith.constant 0 : i32
    %c0_i32_0 = arith.constant 0 : i32
    return %arg0, %c0_i32 : i32, i32
  }
}

module attributes {stable_mosaic.version = 14 : i64} {
  func.func @body(%arg0: i32, %arg1: memref<1000x256xf32, #tpu.memory_space<vmem>>, %arg2: memref<2x1000x128xf32, #tpu.memory_space<vmem>>, %arg3: memref<256x256xf32, #tpu.memory_space<vmem>>, %arg4: memref<1x256xf32, #tpu.memory_space<vmem>>, %arg5: memref<1x1xf32, #tpu.memory_space<vmem>>, %arg6: memref<1000x256xf32, #tpu.memory_space<vmem>>, %arg7: memref<2x256xf32, #tpu.memory_space<vmem>>) attributes {dimension_semantics = [#tpu.dimension_semantics<arbitrary>], iteration_bounds = array<i64: 10>, scalar_prefetch = 0 : i64, scratch_operands = 0 : i64, tpu.core_type = #tpu.core_type<tc>, window_params = [{transform_indices = @transform_0, window_bounds = array<i64: 1000, 256>}, {transform_indices = @transform_1, window_bounds = array<i64: 2, 1000, 128>}, {pipeline_mode = #tpu.pipeline_mode<synchronous>, transform_indices = @transform_2, window_bounds = array<i64: 256, 256>}, {pipeline_mode = #tpu.pipeline_mode<synchronous>, transform_indices = @transform_3, window_bounds = array<i64: 1, 256>}, {pipeline_mode = #tpu.pipeline_mode<synchronous>, transform_indices = @transform_4, window_bounds = array<i64: 1, 1>}, {transform_indices = @transform_5, window_bounds = array<i64: 1000, 256>}, {pipeline_mode = #tpu.pipeline_mode<synchronous>, transform_indices = @transform_6, window_bounds = array<i64: 2, 256>}]} {
    %get3A = arith.constant 0 : index
    %get3A_0 = arith.constant 0 : index
    %get3A_1 = arith.constant 0 : index
    %get3A_2 = vector.load %arg2[%get3A, %get3A_0, %get3A_1] : memref<2x1000x128xf32, #tpu.memory_space<vmem>>, vector<1x1000x128xf32>
    %get3A_3 = vector.shape_cast %get3A_2 : vector<1x1000x128xf32> to vector<1000x128xf32>
    %get3A_4 = arith.constant 1 : index
    %get3A_5 = arith.constant 0 : index
    %get3A_6 = arith.constant 0 : index
    %get3A_7 = vector.load %arg2[%get3A_4, %get3A_5, %get3A_6] : memref<2x1000x128xf32, #tpu.memory_space<vmem>>, vector<1x1000x128xf32>
    %get3A_8 = vector.shape_cast %get3A_7 : vector<1x1000x128xf32> to vector<1000x128xf32>
    %concatenate3A = tpu.concatenate %get3A_3, %get3A_8 in 1 : vector<1000x128xf32>, vector<1000x128xf32> -> vector<1000x256xf32>
    %get3A_9 = arith.constant 0 : index
    %get3A_10 = arith.constant 0 : index
    %get3A_11 = vector.load %arg5[%get3A_9, %get3A_10] : memref<1x1xf32, #tpu.memory_space<vmem>>, vector<1x1xf32>
    %get3A_12 = vector.extract %get3A_11[0, 0] : f32 from vector<1x1xf32>
    %get3A_13 = arith.constant 0 : index
    %get3A_14 = arith.constant 0 : index
    %get3A_15 = vector.load %arg1[%get3A_13, %get3A_14] : memref<1000x256xf32, #tpu.memory_space<vmem>>, vector<1000x256xf32>
    %mul3A = vector.broadcast %get3A_12 : f32 to vector<1000x256xf32>
    %mul3A_16 = arith.mulf %mul3A, %get3A_15 : vector<1000x256xf32>
    %add3A = arith.addf %mul3A_16, %concatenate3A : vector<1000x256xf32>
    %get3A_17 = arith.constant 0 : index
    %get3A_18 = arith.constant 0 : index
    %get3A_19 = vector.load %arg3[%get3A_17, %get3A_18] : memref<256x256xf32, #tpu.memory_space<vmem>>, vector<256x256xf32>
    %dot_general3A = arith.constant dense<0.000000e+00> : vector<1000x256xf32>
    %dot_general3A_20 = tpu.matmul %add3A, %get3A_19, %dot_general3A {dimension_numbers = #tpu.dot_dimension_numbers<[1], [0], [0], [1], [0, 0, 1, 1], [], []>, transpose_lhs_hint = false} : vector<1000x256xf32>, vector<256x256xf32>, vector<1000x256xf32> -> vector<1000x256xf32>
    %get3A_21 = arith.constant 0 : index
    %get3A_22 = arith.constant 0 : index
    %get3A_23 = vector.load %arg4[%get3A_21, %get3A_22] : memref<1x256xf32, #tpu.memory_space<vmem>>, vector<1x256xf32>
    %add3A_24 = vector.broadcast %get3A_23 : vector<1x256xf32> to vector<1000x256xf32>
    %add3A_25 = arith.addf %dot_general3A_20, %add3A_24 : vector<1000x256xf32>
    %swap3A = arith.constant 0 : index
    %swap3A_26 = arith.constant 0 : index
    %swap3A_27 = vector.load %arg6[%swap3A, %swap3A_26] : memref<1000x256xf32, #tpu.memory_space<vmem>>, vector<1000x256xf32>
    tpu.vector_store %arg6[%swap3A, %swap3A_26], %add3A_25 {strides = array<i32>} : memref<1000x256xf32, #tpu.memory_space<vmem>>, vector<1000x256xf32>,
    %eq3A = arith.constant 0 : i32
    %eq3A_28 = arith.cmpi eq, %arg0, %eq3A : i32
    %convert_element_type3A = arith.extui %eq3A_28 : i1 to i32
    %cond3A = arith.constant 0 : i32
    %cond3A_29 = arith.cmpi ne, %convert_element_type3A, %cond3A : i32
    scf.if %cond3A_29 {
      %broadcast_in_dim3A = arith.constant 0.000000e+00 : f32
      %broadcast_in_dim3A_43 = vector.broadcast %broadcast_in_dim3A : f32 to vector<2x256xf32>
      %swap3A_44 = arith.constant 0 : index
      %swap3A_45 = arith.constant 0 : index
      %swap3A_46 = vector.load %arg7[%swap3A_44, %swap3A_45] : memref<2x256xf32, #tpu.memory_space<vmem>>, vector<2x256xf32>
      tpu.vector_store %arg7[%swap3A_44, %swap3A_45], %broadcast_in_dim3A_43 {strides = array<i32>} : memref<2x256xf32, #tpu.memory_space<vmem>>, vector<2x256xf32>,
    } else {
    }
    %get3A_30 = arith.constant 0 : index
    %get3A_31 = arith.constant 0 : index
    %get3A_32 = vector.load %arg7[%get3A_30, %get3A_31] : memref<2x256xf32, #tpu.memory_space<vmem>>, vector<2x256xf32>
    %reduce_sum3A = arith.constant dense<0.000000e+00> : vector<256xf32>
    %reduce_sum3A_33 = vector.multi_reduction <add>, %add3A_25, %reduce_sum3A [0] : vector<1000x256xf32> to vector<256xf32>
    %mul3A_34 = arith.mulf %add3A_25, %add3A_25 : vector<1000x256xf32>
    %reduce_sum3A_35 = arith.constant dense<0.000000e+00> : vector<256xf32>
    %reduce_sum3A_36 = vector.multi_reduction <add>, %mul3A_34, %reduce_sum3A_35 [0] : vector<1000x256xf32> to vector<256xf32>
    %stack3A = vector.shape_cast %reduce_sum3A_33 : vector<256xf32> to vector<1x256xf32>
    %stack3A_37 = vector.shape_cast %reduce_sum3A_36 : vector<256xf32> to vector<1x256xf32>
    %stack3A_38 = tpu.concatenate %stack3A, %stack3A_37 in 0 : vector<1x256xf32>, vector<1x256xf32> -> vector<2x256xf32>
    %add3A_39 = arith.addf %get3A_32, %stack3A_38 : vector<2x256xf32>
    %swap3A_40 = arith.constant 0 : index
    %swap3A_41 = arith.constant 0 : index
    %swap3A_42 = vector.load %arg7[%swap3A_40, %swap3A_41] : memref<2x256xf32, #tpu.memory_space<vmem>>, vector<2x256xf32>
    tpu.vector_store %arg7[%swap3A_40, %swap3A_41], %add3A_39 {strides = array<i32>} : memref<2x256xf32, #tpu.memory_space<vmem>>, vector<2x256xf32>,
    return
  }
  func.func @transform_0(%arg0: i32) -> (i32, i32) {
    %c0_i32 = arith.constant 0 : i32
    %c0_i32_0 = arith.constant 0 : i32
    return %arg0, %c0_i32 : i32, i32
  }
  func.func @transform_1(%arg0: i32) -> (i32, i32, i32) {
    %c0_i32 = arith.constant 0 : i32
    %c0_i32_0 = arith.constant 0 : i32
    %c0_i32_1 = arith.constant 0 : i32
    return %c0_i32, %arg0, %c0_i32_0 : i32, i32, i32
  }
  func.func @transform_2(%arg0: i32) -> (i32, i32) {
    %c0_i32 = arith.constant 0 : i32
    %c0_i32_0 = arith.constant 0 : i32
    %c0_i32_1 = arith.constant 0 : i32
    return %c0_i32, %c0_i32_0 : i32, i32
  }
  func.func @transform_3(%arg0: i32) -> (i32, i32) {
    %c0_i32 = arith.constant 0 : i32
    %c0_i32_0 = arith.constant 0 : i32
    %c0_i32_1 = arith.constant 0 : i32
    return %c0_i32, %c0_i32_0 : i32, i32
  }
  func.func @transform_4(%arg0: i32) -> (i32, i32) {
    %c0_i32 = arith.constant 0 : i32
    %c0_i32_0 = arith.constant 0 : i32
    %c0_i32_1 = arith.constant 0 : i32
    return %c0_i32, %c0_i32_0 : i32, i32
  }
  func.func @transform_5(%arg0: i32) -> (i32, i32) {
    %c0_i32 = arith.constant 0 : i32
    %c0_i32_0 = arith.constant 0 : i32
    return %arg0, %c0_i32 : i32, i32
  }
  func.func @transform_6(%arg0: i32) -> (i32, i32) {
    %c0_i32 = arith.constant 0 : i32
    %c0_i32_0 = arith.constant 0 : i32
    %c0_i32_1 = arith.constant 0 : i32
    return %c0_i32, %c0_i32_0 : i32, i32
  }
}

module attributes {stable_mosaic.version = 14 : i64} {
  func.func @body(%arg0: i32, %arg1: memref<1000x256xf32, #tpu.memory_space<vmem>>, %arg2: memref<2x256xf32, #tpu.memory_space<vmem>>, %arg3: memref<1x256xf32, #tpu.memory_space<vmem>>, %arg4: memref<1x256xf32, #tpu.memory_space<vmem>>, %arg5: memref<1000x256xf32, #tpu.memory_space<vmem>>, %arg6: memref<1000x128xf32, #tpu.memory_space<vmem>>, %arg7: memref<1000x128xf32, #tpu.memory_space<vmem>>) attributes {dimension_semantics = [#tpu.dimension_semantics<arbitrary>], iteration_bounds = array<i64: 10>, scalar_prefetch = 0 : i64, scratch_operands = 0 : i64, tpu.core_type = #tpu.core_type<tc>, window_params = [{transform_indices = @transform_0, window_bounds = array<i64: 1000, 256>}, {pipeline_mode = #tpu.pipeline_mode<synchronous>, transform_indices = @transform_1, window_bounds = array<i64: 2, 256>}, {pipeline_mode = #tpu.pipeline_mode<synchronous>, transform_indices = @transform_2, window_bounds = array<i64: 1, 256>}, {pipeline_mode = #tpu.pipeline_mode<synchronous>, transform_indices = @transform_3, window_bounds = array<i64: 1, 256>}, {transform_indices = @transform_4, window_bounds = array<i64: 1000, 256>}, {transform_indices = @transform_5, window_bounds = array<i64: 1000, 128>}, {transform_indices = @transform_6, window_bounds = array<i64: 1000, 128>}]} {
    %get3A = arith.constant 0 : index
    %get3A_0 = arith.constant 0 : index
    %get3A_1 = vector.load %arg2[%get3A, %get3A_0] : memref<2x256xf32, #tpu.memory_space<vmem>>, vector<1x256xf32>
    %mul3A = arith.constant 9.99999974E-5 : f32
    %mul3A_2 = vector.broadcast %mul3A : f32 to vector<1x256xf32>
    %mul3A_3 = arith.mulf %get3A_1, %mul3A_2 : vector<1x256xf32>
    %get3A_4 = arith.constant 1 : index
    %get3A_5 = arith.constant 0 : index
    %get3A_6 = vector.load %arg2[%get3A_4, %get3A_5] : memref<2x256xf32, #tpu.memory_space<vmem>>, vector<1x256xf32>
    %mul3A_7 = arith.constant 9.99999974E-5 : f32
    %mul3A_8 = vector.broadcast %mul3A_7 : f32 to vector<1x256xf32>
    %mul3A_9 = arith.mulf %get3A_6, %mul3A_8 : vector<1x256xf32>
    %mul3A_10 = arith.mulf %mul3A_3, %mul3A_3 : vector<1x256xf32>
    %sub3A = arith.subf %mul3A_9, %mul3A_10 : vector<1x256xf32>
    %add3A = arith.constant 9.99999974E-6 : f32
    %add3A_11 = vector.broadcast %add3A : f32 to vector<1x256xf32>
    %add3A_12 = arith.addf %sub3A, %add3A_11 : vector<1x256xf32>
    %rsqrt3A = math.rsqrt %add3A_12 : vector<1x256xf32>
    %get3A_13 = arith.constant 0 : index
    %get3A_14 = arith.constant 0 : index
    %get3A_15 = vector.load %arg3[%get3A_13, %get3A_14] : memref<1x256xf32, #tpu.memory_space<vmem>>, vector<1x256xf32>
    %get3A_16 = arith.constant 0 : index
    %get3A_17 = arith.constant 0 : index
    %get3A_18 = vector.load %arg1[%get3A_16, %get3A_17] : memref<1000x256xf32, #tpu.memory_space<vmem>>, vector<1000x256xf32>
    %sub3A_19 = vector.broadcast %mul3A_3 : vector<1x256xf32> to vector<1000x256xf32>
    %sub3A_20 = arith.subf %get3A_18, %sub3A_19 : vector<1000x256xf32>
    %mul3A_21 = vector.broadcast %get3A_15 : vector<1x256xf32> to vector<1000x256xf32>
    %mul3A_22 = arith.mulf %mul3A_21, %sub3A_20 : vector<1000x256xf32>
    %mul3A_23 = vector.broadcast %rsqrt3A : vector<1x256xf32> to vector<1000x256xf32>
    %mul3A_24 = arith.mulf %mul3A_22, %mul3A_23 : vector<1000x256xf32>
    %get3A_25 = arith.constant 0 : index
    %get3A_26 = arith.constant 0 : index
    %get3A_27 = vector.load %arg4[%get3A_25, %get3A_26] : memref<1x256xf32, #tpu.memory_space<vmem>>, vector<1x256xf32>
    %add3A_28 = vector.broadcast %get3A_27 : vector<1x256xf32> to vector<1000x256xf32>
    %add3A_29 = arith.addf %mul3A_24, %add3A_28 : vector<1000x256xf32>
    %ge3A = arith.constant 0.000000e+00 : f32
    %ge3A_30 = vector.broadcast %ge3A : f32 to vector<1000x256xf32>
    %ge3A_31 = arith.cmpf oge, %add3A_29, %ge3A_30 : vector<1000x256xf32>
    %mul3A_32 = arith.constant 0.00999999977 : f32
    %mul3A_33 = vector.broadcast %mul3A_32 : f32 to vector<1000x256xf32>
    %mul3A_34 = arith.mulf %mul3A_33, %add3A_29 : vector<1000x256xf32>
    %select_n3A = arith.select %ge3A_31, %add3A_29, %mul3A_34 : vector<1000x256xi1>, vector<1000x256xf32>
    %swap3A = arith.constant 0 : index
    %swap3A_35 = arith.constant 0 : index
    %swap3A_36 = vector.load %arg5[%swap3A, %swap3A_35] : memref<1000x256xf32, #tpu.memory_space<vmem>>, vector<1000x256xf32>
    tpu.vector_store %arg5[%swap3A, %swap3A_35], %select_n3A {strides = array<i32>} : memref<1000x256xf32, #tpu.memory_space<vmem>>, vector<1000x256xf32>,
    %slice3A = vector.extract_strided_slice %select_n3A {offsets = [0, 0], sizes = [1000, 128], strides = [1, 1]} : vector<1000x256xf32> to vector<1000x128xf32>
    %swap3A_37 = arith.constant 0 : index
    %swap3A_38 = arith.constant 0 : index
    %swap3A_39 = vector.load %arg6[%swap3A_37, %swap3A_38] : memref<1000x128xf32, #tpu.memory_space<vmem>>, vector<1000x128xf32>
    tpu.vector_store %arg6[%swap3A_37, %swap3A_38], %slice3A {strides = array<i32>} : memref<1000x128xf32, #tpu.memory_space<vmem>>, vector<1000x128xf32>,
    %slice3A_40 = vector.extract_strided_slice %select_n3A {offsets = [0, 128], sizes = [1000, 128], strides = [1, 1]} : vector<1000x256xf32> to vector<1000x128xf32>
    %swap3A_41 = arith.constant 0 : index
    %swap3A_42 = arith.constant 0 : index
    %swap3A_43 = vector.load %arg7[%swap3A_41, %swap3A_42] : memref<1000x128xf32, #tpu.memory_space<vmem>>, vector<1000x128xf32>
    tpu.vector_store %arg7[%swap3A_41, %swap3A_42], %slice3A_40 {strides = array<i32>} : memref<1000x128xf32, #tpu.memory_space<vmem>>, vector<1000x128xf32>,
    return
  }
  func.func @transform_0(%arg0: i32) -> (i32, i32) {
    %c0_i32 = arith.constant 0 : i32
    %c0_i32_0 = arith.constant 0 : i32
    return %arg0, %c0_i32 : i32, i32
  }
  func.func @transform_1(%arg0: i32) -> (i32, i32) {
    %c0_i32 = arith.constant 0 : i32
    %c0_i32_0 = arith.constant 0 : i32
    %c0_i32_1 = arith.constant 0 : i32
    return %c0_i32, %c0_i32_0 : i32, i32
  }
  func.func @transform_2(%arg0: i32) -> (i32, i32) {
    %c0_i32 = arith.constant 0 : i32
    %c0_i32_0 = arith.constant 0 : i32
    %c0_i32_1 = arith.constant 0 : i32
    return %c0_i32, %c0_i32_0 : i32, i32
  }
  func.func @transform_3(%arg0: i32) -> (i32, i32) {
    %c0_i32 = arith.constant 0 : i32
    %c0_i32_0 = arith.constant 0 : i32
    %c0_i32_1 = arith.constant 0 : i32
    return %c0_i32, %c0_i32_0 : i32, i32
  }
  func.func @transform_4(%arg0: i32) -> (i32, i32) {
    %c0_i32 = arith.constant 0 : i32
    %c0_i32_0 = arith.constant 0 : i32
    return %arg0, %c0_i32 : i32, i32
  }
  func.func @transform_5(%arg0: i32) -> (i32, i32) {
    %c0_i32 = arith.constant 0 : i32
    %c0_i32_0 = arith.constant 0 : i32
    return %arg0, %c0_i32 : i32, i32
  }
  func.func @transform_6(%arg0: i32) -> (i32, i32) {
    %c0_i32 = arith.constant 0 : i32
    %c0_i32_0 = arith.constant 0 : i32
    return %arg0, %c0_i32 : i32, i32
  }
}

module attributes {stable_mosaic.version = 14 : i64} {
  func.func @body(%arg0: i32, %arg1: memref<1000x256xf32, #tpu.memory_space<vmem>>, %arg2: memref<1000x256xf32, #tpu.memory_space<vmem>>, %arg3: memref<1000x256xf32, #tpu.memory_space<vmem>>, %arg4: memref<768x128xf32, #tpu.memory_space<vmem>>, %arg5: memref<1x128xf32, #tpu.memory_space<vmem>>, %arg6: memref<1000x128xf32, #tpu.memory_space<vmem>>) attributes {dimension_semantics = [#tpu.dimension_semantics<arbitrary>], iteration_bounds = array<i64: 10>, scalar_prefetch = 0 : i64, scratch_operands = 0 : i64, tpu.core_type = #tpu.core_type<tc>, window_params = [{transform_indices = @transform_0, window_bounds = array<i64: 1000, 256>}, {transform_indices = @transform_1, window_bounds = array<i64: 1000, 256>}, {transform_indices = @transform_2, window_bounds = array<i64: 1000, 256>}, {pipeline_mode = #tpu.pipeline_mode<synchronous>, transform_indices = @transform_3, window_bounds = array<i64: 768, 128>}, {pipeline_mode = #tpu.pipeline_mode<synchronous>, transform_indices = @transform_4, window_bounds = array<i64: 1, 128>}, {transform_indices = @transform_5, window_bounds = array<i64: 1000, 128>}]} {
    %get3A = arith.constant 0 : index
    %get3A_0 = arith.constant 0 : index
    %get3A_1 = vector.load %arg1[%get3A, %get3A_0] : memref<1000x256xf32, #tpu.memory_space<vmem>>, vector<1000x256xf32>
    %get3A_2 = arith.constant 0 : index
    %get3A_3 = arith.constant 0 : index
    %get3A_4 = vector.load %arg2[%get3A_2, %get3A_3] : memref<1000x256xf32, #tpu.memory_space<vmem>>, vector<1000x256xf32>
    %get3A_5 = arith.constant 0 : index
    %get3A_6 = arith.constant 0 : index
    %get3A_7 = vector.load %arg3[%get3A_5, %get3A_6] : memref<1000x256xf32, #tpu.memory_space<vmem>>, vector<1000x256xf32>
    %concatenate3A = tpu.concatenate %get3A_1, %get3A_4, %get3A_7 in 1 : vector<1000x256xf32>, vector<1000x256xf32>, vector<1000x256xf32> -> vector<1000x768xf32>
    %get3A_8 = arith.constant 0 : index
    %get3A_9 = arith.constant 0 : index
    %get3A_10 = vector.load %arg4[%get3A_8, %get3A_9] : memref<768x128xf32, #tpu.memory_space<vmem>>, vector<768x128xf32>
    %dot_general3A = arith.constant dense<0.000000e+00> : vector<1000x128xf32>
    %dot_general3A_11 = tpu.matmul %concatenate3A, %get3A_10, %dot_general3A {dimension_numbers = #tpu.dot_dimension_numbers<[1], [0], [0], [1], [0, 0, 1, 1], [], []>, transpose_lhs_hint = false} : vector<1000x768xf32>, vector<768x128xf32>, vector<1000x128xf32> -> vector<1000x128xf32>
    %get3A_12 = arith.constant 0 : index
    %get3A_13 = arith.constant 0 : index
    %get3A_14 = vector.load %arg5[%get3A_12, %get3A_13] : memref<1x128xf32, #tpu.memory_space<vmem>>, vector<1x128xf32>
    %add3A = vector.broadcast %get3A_14 : vector<1x128xf32> to vector<1000x128xf32>
    %add3A_15 = arith.addf %dot_general3A_11, %add3A : vector<1000x128xf32>
    %iota3A = tpu.iota {dimensions = array<i32: 1>} : vector<1000x128xi32>
    %lt3A = arith.constant 8 : i32
    %lt3A_16 = vector.broadcast %lt3A : i32 to vector<1000x128xi32>
    %lt3A_17 = arith.cmpi slt, %iota3A, %lt3A_16 : vector<1000x128xi32>
    %jit3A = arith.constant -1.000000e+30 : f32
    %broadcast_in_dim3A = vector.broadcast %jit3A : f32 to vector<1000x128xf32>
    %select_n3A = arith.select %lt3A_17, %add3A_15, %broadcast_in_dim3A : vector<1000x128xi1>, vector<1000x128xf32>
    %reduce_max3A = arith.constant dense<0xFF800000> : vector<1000xf32>
    %reduce_max3A_18 = vector.multi_reduction <maximumf>, %select_n3A, %reduce_max3A [1] : vector<1000x128xf32> to vector<1000xf32>
    %broadcast_in_dim3A_19 = vector.shape_cast %reduce_max3A_18 : vector<1000xf32> to vector<1000x1xf32>
    %sub3A = vector.broadcast %broadcast_in_dim3A_19 : vector<1000x1xf32> to vector<1000x128xf32>
    %sub3A_20 = arith.subf %select_n3A, %sub3A : vector<1000x128xf32>
    %exp3A = math.exp %sub3A_20 : vector<1000x128xf32>
    %reduce_sum3A = arith.constant dense<0.000000e+00> : vector<1000xf32>
    %reduce_sum3A_21 = vector.multi_reduction <add>, %exp3A, %reduce_sum3A [1] : vector<1000x128xf32> to vector<1000xf32>
    %broadcast_in_dim3A_22 = vector.shape_cast %reduce_sum3A_21 : vector<1000xf32> to vector<1000x1xf32>
    %div3A = vector.broadcast %broadcast_in_dim3A_22 : vector<1000x1xf32> to vector<1000x128xf32>
    %div3A_23 = arith.divf %exp3A, %div3A : vector<1000x128xf32>
    %swap3A = arith.constant 0 : index
    %swap3A_24 = arith.constant 0 : index
    %swap3A_25 = vector.load %arg6[%swap3A, %swap3A_24] : memref<1000x128xf32, #tpu.memory_space<vmem>>, vector<1000x128xf32>
    tpu.vector_store %arg6[%swap3A, %swap3A_24], %div3A_23 {strides = array<i32>} : memref<1000x128xf32, #tpu.memory_space<vmem>>, vector<1000x128xf32>,
    return
  }
  func.func @transform_0(%arg0: i32) -> (i32, i32) {
    %c0_i32 = arith.constant 0 : i32
    %c0_i32_0 = arith.constant 0 : i32
    return %arg0, %c0_i32 : i32, i32
  }
  func.func @transform_1(%arg0: i32) -> (i32, i32) {
    %c0_i32 = arith.constant 0 : i32
    %c0_i32_0 = arith.constant 0 : i32
    return %arg0, %c0_i32 : i32, i32
  }
  func.func @transform_2(%arg0: i32) -> (i32, i32) {
    %c0_i32 = arith.constant 0 : i32
    %c0_i32_0 = arith.constant 0 : i32
    return %arg0, %c0_i32 : i32, i32
  }
  func.func @transform_3(%arg0: i32) -> (i32, i32) {
    %c0_i32 = arith.constant 0 : i32
    %c0_i32_0 = arith.constant 0 : i32
    %c0_i32_1 = arith.constant 0 : i32
    return %c0_i32, %c0_i32_0 : i32, i32
  }
  func.func @transform_4(%arg0: i32) -> (i32, i32) {
    %c0_i32 = arith.constant 0 : i32
    %c0_i32_0 = arith.constant 0 : i32
    %c0_i32_1 = arith.constant 0 : i32
    return %c0_i32, %c0_i32_0 : i32, i32
  }
  func.func @transform_5(%arg0: i32) -> (i32, i32) {
    %c0_i32 = arith.constant 0 : i32
    %c0_i32_0 = arith.constant 0 : i32
    return %arg0, %c0_i32 : i32, i32
  }
}

</mosaic_0001>

<sc_bundles>
// kernel: kernel.18.cloned.1.call-start
scs
__scs_entry_jumppad:
0x0: {  	(pc) =	sbr.rel $0x88, $3  }
0x1: {  	(tag) =	ssettag $0x0;
	lr =	simm.s32 $0x1  }
0x2: {  	[smem:$0x3F7B] =	sst lr;
	_ =	strace $0xD0000000  }
0x3: {  	_ = 	snop  }
0x4: {  	_ = 	snop  }
0x5: {  	_ = 	snop  }
0x6: {  	_ = 	snop  }
0x7: {  	_ = 	snop  }
__scs_overlays_trampoline_lowered:
0x8: {  	[smem:$0x3F8A] =	sst s0  }
0x9: {  	[smem:$0x3F8B] =	sst s1  }
0xa: {  	[smem:$0x3F8C] =	sst s2  }
0xb: {  	[smem:$0x3F8D] =	sst s3  }
0xc: {  	[smem:$0x3F8E] =	sst s4  }
0xd: {  	[smem:$0x3F8F] =	sst s5  }
0xe: {  	[smem:$0x3F90] =	sst s6  }
0xf: {  	[smem:$0x3F91] =	sst s7  }
0x10: {  	[smem:$0x3F92] =	sst s8  }
0x11: {  	[smem:$0x3F93] =	sst s9;
	s0 =	simm.s32 @!p0 $0x0  }
0x12: {  	s1 =	sld [smem:$0x3F79];
	s0 =	simm.s32 @p0 $0x1  }
0x13: {  	[smem:$0x3F94] =	sst s0;
	s0 =	simm.s32 @!p1 $0x0  }
0x14: {  	s2 =	sld [smem:$0x3F78];
	s0 =	simm.s32 @p1 $0x1  }
0x15: {  	[smem:$0x3F95] =	sst s0;
	s0 =	simm.s32 @!p2 $0x0  }
0x16: {  	s3 =	sld [smem:$0x3FDB];
	s0 =	simm.s32 @p2 $0x1  }
0x17: {  	s4 =	simm.s32 $0x1BF5;
	[smem:$0x3F97] =	sst s0  }
0x18: {  	s0 =	sld [smem:$0x3F7A];
	_ =	swait.ge [sflag:s4], $0x0  }
0x19: {  	s7 =	sld [smem:$0x3F7B]  }
0x1a: {  	s8 =	sadd.s32 $0xFFFFE003, lr  }
0x1b: {  	s9 =	sadd.s32 $0xFFFFFEF7, lr;
	s5 =	simm.s32 $0xFFFFFFFF;
	p2 =	slt.u32 s8, $0xFFFFF086  }
0x1c: {  	p1 =	slt.u32 s9, $0xF7A;
	s5 =	simm.s32 @!p2 $0x0  }
0x1d: {  	s5 =	simm.s32 @p1 $0x1;
	p0 =	seq.s32 s7, s2  }
0x1e: {  	s7 =	smul.u32 @!p0 $0xF7A, s2;
	p2 =	seq.s32 @!p0 s5, $0x0  }
0x1f: {  	s9 =	smul.u32 $0xF7A, s1;
	s8 =	simm.s32 @!p0 $0x1BF5;
	p2 =	por !p2, p0  }
0x20: {  	[sflag:s8] =	ssyncset.s32 @!p0 $0xFFFFF086;
	s6 =	sadd.s32 @!p0 s3, s7;
	s7 =	simm.s32 @!p0 $0x108  }
0x21: {  	s3 =	sadd.s32 s3, s9;
	s6 =	sadd.s32 @!p0 $0x88, s6;
	s7 =	simm.s32 @p2 $0x1082  }
0x22: {  	[simem:s7], [sflag:s8] =	dma.local @!p0 [hbm:s6], $0xF7A  }
0x23: {  	s9 =	sor.u32 $0xD0000000, s2;
	s6 =	simm.s32 $0x108;
	_ =	swait.ge @!p0 [sflag:s8], $0x0  }
0x24: {  	s3 =	sadd.s32 $0x88, s3;
	s6 =	simm.s32 @!p1 $0x1082;
	[sflag:s4] =	ssyncset.s32 $0xFFFFF086  }
0x25: {  	[simem:s6], [sflag:s4] =	dma.local [hbm:s3], $0xF7A  }
0x26: {  	[smem:$0x3F7B] =	sst s1;
	(tag) =	ssettag s2;
	_ =	strace s9  }
0x27: {  	s1 =	sld [smem:$0x3F8B]  }
0x28: {  	s2 =	sld [smem:$0x3F8C]  }
0x29: {  	s4 =	sld [smem:$0x3F8E]  }
0x2a: {  	p0 =	seq.s32 s5, $0x0;
	s5 =	sld [smem:$0x3F8F]  }
0x2b: {  	s6 =	sld [smem:$0x3F90]  }
0x2c: {  	s7 =	sld [smem:$0x3F91]  }
0x2d: {  	s3 =	simm.s32 $0x108;
	s8 =	sld [smem:$0x3F92]  }
0x2e: {  	s3 =	simm.s32 @!p0 $0x1082;
	s9 =	sld [smem:$0x3F93]  }
0x2f: {  	lr =	sadd.s32 s0, s3;
	s0 =	sld [smem:$0x3F8A]  }
0x30: {  	s3 =	sld [smem:$0x3F8D]  }
0x31: {  	[smem:$0x3F96] =	sst s10  }
0x32: {  	s10 =	sld [smem:$0x3F94];
	_ =	sdelay $0x3  }
0x33: {  	p0 =	seq.s32 s10, $0x1;
	s10 =	sld [smem:$0x3F96];
	_ =	sdelay $0x3  }
0x34: {  	[smem:$0x3F96] =	sst s10  }
0x35: {  	s10 =	sld [smem:$0x3F95];
	_ =	sdelay $0x3  }
0x36: {  	p1 =	seq.s32 s10, $0x1;
	s10 =	sld [smem:$0x3F96];
	_ =	sdelay $0x3  }
0x37: {  	[smem:$0x3F96] =	sst s10  }
0x38: {  	s10 =	sld [smem:$0x3F97]  }
0x39: {  	_ = 	snop;
	(pc) =	sbr.ind lr, $3  }
0x3a: {  	_ = 	snop  }
0x3b: {  	_ = 	snop  }
0x3c: {  	p2 =	seq.s32 s10, $0x1;
	s10 =	sld [smem:$0x3F96]  }
0x3d: {  	_ =	shalt  }
0x3e: {  	_ =	shalt  }
0x3f: {  	_ =	shalt  }
0x40: {  	_ =	shalt  }
0x41: {  	_ =	shalt  }
0x42: {  	_ =	shalt  }
0x43: {  	_ =	shalt  }
0x44: {  	_ =	shalt  }
0x45: {  	_ =	shalt  }
0x46: {  	_ =	shalt  }
0x47: {  	_ =	shalt  }
0x48: {  	_ =	shalt  }
0x49: {  	_ =	shalt  }
0x4a: {  	_ =	shalt  }
0x4b: {  	_ =	shalt  }
0x4c: {  	_ =	shalt  }
0x4d: {  	_ =	shalt  }
0x4e: {  	_ =	shalt  }
0x4f: {  	_ =	shalt  }
0x50: {  	_ =	shalt  }
0x51: {  	_ =	shalt  }
0x52: {  	_ =	shalt  }
0x53: {  	_ =	shalt  }
0x54: {  	_ =	shalt  }
0x55: {  	_ =	shalt  }
0x56: {  	_ =	shalt  }
0x57: {  	_ =	shalt  }
0x58: {  	_ =	shalt  }
0x59: {  	_ =	shalt  }
0x5a: {  	_ =	shalt  }
0x5b: {  	_ =	shalt  }
0x5c: {  	_ =	shalt  }
0x5d: {  	_ =	shalt  }
0x5e: {  	_ =	shalt  }
0x5f: {  	_ =	shalt  }
0x60: {  	_ =	shalt  }
0x61: {  	_ =	shalt  }
0x62: {  	_ =	shalt  }
0x63: {  	_ =	shalt  }
0x64: {  	_ =	shalt  }
0x65: {  	_ =	shalt  }
0x66: {  	_ =	shalt  }
0x67: {  	_ =	shalt  }
0x68: {  	_ =	shalt  }
0x69: {  	_ =	shalt  }
0x6a: {  	_ =	shalt  }
0x6b: {  	_ =	shalt  }
0x6c: {  	_ =	shalt  }
0x6d: {  	_ =	shalt  }
0x6e: {  	_ =	shalt  }
0x6f: {  	_ =	shalt  }
0x70: {  	_ =	shalt  }
0x71: {  	_ =	shalt  }
0x72: {  	_ =	shalt  }
0x73: {  	_ =	shalt  }
0x74: {  	_ =	shalt  }
0x75: {  	_ =	shalt  }
0x76: {  	_ =	shalt  }
0x77: {  	_ =	shalt  }
0x78: {  	_ =	shalt  }
0x79: {  	_ =	shalt  }
0x7a: {  	_ =	shalt  }
0x7b: {  	_ =	shalt  }
0x7c: {  	_ =	shalt  }
0x7d: {  	_ =	shalt  }
0x7e: {  	_ =	shalt  }
0x7f: {  	_ =	shalt  }
0x80: {  	_ =	shalt  }
0x81: {  	_ =	shalt  }
0x82: {  	_ =	shalt  }
0x83: {  	_ =	shalt  }
0x84: {  	_ =	shalt  }
0x85: {  	_ =	shalt  }
0x86: {  	_ =	shalt  }
0x87: {  	_ =	shalt  }
.Lfunc_end0:
.L_simem_size_0:
called_computation_lowered:
.L_overlay_start_0:
0x88: {  	s2 =	sld [smem:$0x3FD9]  }
0x89: {  	s3 =	sld [smem:$0x3FFE];
	_ =	sdelay $0x1  }
0x8a: {  	s1 =	srdreg.scid  }
0x8b: {  	s0 =	sand.u32 $0x1, s1  }
0x8c: {  	s17 =	sshll.u32 s0, $0xA;
	s2 =	sadd.s32 s3, s2  }
0x8d: {  	s2 =	sadd.s32 s2, s17  }
0x8e: {  	[smem:$0x3FA2] =	sst s2  }
0x8f: {  	_ = 	snop  }
0x90: {  	s2 =	sld [smem:$0x3FC9];
	(tm) =	ssettm $0x1  }
0x91: {  	s18 =	sld [smem:$0x3FFB];
	_ =	sdelay $0x3  }
0x92: {  	_ =	strace s18  }
0x93: {  	s3 =	sld [smem:$0x3FFC];
	_ =	sdelay $0x3  }
0x94: {  	_ =	strace s3  }
0x95: {  	s3 =	sld [smem:$0x3FFD];
	_ =	sdelay $0x3  }
0x96: {  	_ =	strace s3  }
0x97: {  	_ =	strace $0x8FFFFFFF  }
0x98: {  	s19 =	sld [smem:$0x3FDB];
	_ =	sdelay $0x1  }
0x99: {  	s4 =	simm.s32 $_scs_section_size  }
0x9a: {  	s5 =	simm.s32 $_size__tile_overlayer_lowered;
	s6 =	simm.s32 $_tile_overlayer_lowered  }
0x9b: {  	s22 =	simm.s32 $0x1BFF;
	s21 =	sshll.u32 s6, $0x1;
	s3 =	sadd.s32 s4, s19  }
0x9c: {  	s7 =	simm.s32 $0x0;
	s20 =	sshll.u32 s5, $0x1;
	s5 =	sadd.s32 s21, s3  }
0x9d: {  	[timem:s7], [sflag:s22] =	dma.local [hbm:s5], s20  }
0x9e: {  	_ =	swait.ge [sflag:s22], s20  }
0x9f: {  	s4 =	ssub.s32 $0x0, s20;
	[sflag:s22] =	ssyncset.done $0x0  }
0xa0: {  	[sflag:s22] =	ssyncadd.s32 s4;
	_ =	sdelay $0x1  }
0xa1: {  	s23 =	simm.s32 $0x1B8B  }
0xa2: {  	_ =	swait.ge [sflag:s23], $0x1  }
0xa3: {  	[sflag:s23] =	ssyncset.done $0x0  }
0xa4: {  	s25 =	simm.s32 $0x1B8E;
	s24 =	sld [smem:$0x3FFE];
	[sflag:s23] =	ssyncadd.s32 $0xFFFFFFFF  }
0xa5: {  	s26 =	simm.s32 $execute0_lowered;
	[smem:$0x3FD2] =	sst s25  }
0xa6: {  	s5 =	sshll.u32 s26, $0x1;
	_ =	strace $0x80000046;
	[dreg:$0x1] =	wrdreg $0xFFFFFFFF  }
0xa7: {  	s28 =	simm.s32 $_size_execute0_lowered;
	s3 =	sadd.s32 s3, s5;
	[dreg:$0x0] =	wrdreg $0x0  }
0xa8: {  	s5 =	sshll.u32 s28, $0x1;
	[dreg:$0x2] =	wrdreg s3  }
0xa9: {  	[dreg:$0x3] =	wrdreg s5  }
0xaa: {  	[dreg:$0x4] =	wrdreg $0xC0  }
0xab: {  	_ =	task [dreg:s7], $0x5FFFF  }
0xac: {  	[dreg:$0x1] =	wrdreg $0xFFFFFFFF  }
0xad: {  	[dreg:$0x0] =	wrdreg $0x60  }
0xae: {  	[dreg:$0x2] =	wrdreg s2  }
0xaf: {  	[dreg:$0x3] =	wrdreg s24  }
0xb0: {  	[dreg:$0x4] =	wrdreg $0xC2000  }
0xb1: {  	[dreg:$0x5] =	wrdreg $0x9  }
0xb2: {  	_ =	task.clear_ibuf [dreg:s7], $0x6FFFF;
	_ =	strace $0x90000046  }
0xb3: {  	s29 =	simm.s32 $0x9;
	_ =	strace $0x80000048  }
0xb4: {  	_ =	swait.ge [sflag:s29], $0x1  }
0xb5: {  	[sflag:s29] =	ssyncadd.s32 $0xFFFFFFFF  }
0xb6: {  	_ =	strace $0x90000048  }
0xb7: {  	_ =	sfence  }
0xb8: {  	s30 =	sld [smem:$0x0];
	_ =	sdelay $0x2  }
0xb9: {  	s31 =	sshll.u32 s1, $0xD;
	s1 =	sshrl.u32 s1, $0x2  }
0xba: {  	s3 =	sand.u32 $0x4000, s31;
	s1 =	sadd.s32 s1, s30  }
0xbb: {  	s0 =	sor.u32 s3, s0;
	s1 =	sshll.u32 s1, $0x11  }
0xbc: {  	s0 =	sor.u32 s1, s0  }
0xbd: {  	s0 =	sadd.s32 $0x8F2B, s0  }
0xbe: {  	[sflag:s0] =	ssyncadd.remote.s32 $0x1  }
0xbf: {  	_ =	sfence.sel $0xFFFF  }
0xc0: {  	[dreg:$0x0] =	wrdreg $0xFFFFFFFF;
	(pc) =	sbr.abs _section_cstart, $3  }
0xc1: {  	[dreg:$0x1] =	wrdreg $0xFFFFFFFF  }
0xc2: {  	_ =	task.clear_ibuf [dreg:s7], $0x2FFFF;
	_ =	strace $0x9FFFFFFF  }
0xc3: {  	(tm) =	ssettm $0x7FFFFFFF  }
tec
execute0_lowered:
.L_overlay_start_1:
0x0: {  	(tag) =	ssettag $0x1  }
0x1: {  	s1 =	rddreg [dreg:$0x0]  }
0x2: {  	s0 =	srdreg.scid;
	s2 =	rddreg [dreg:$0x1]  }
0x3: {  	s10 =	stileid.u32;
	s3 =	rddreg [dreg:$0x2];
	s4 =	simm.s32 $0x0  }
0x4: {  	s18 =	simm.s32 $0x200;
	s19 =	simm.s32 $0x4;
	s20 =	simm.s32 $0x1  }
0x5: {  	s21 =	simm.s32 $0x80;
	s28 =	simm.s32 $0x180;
	s29 =	simm.s32 $0x0  }
0x6: {  	s30 =	simm.s32 $0x0;
	s0 =	sand.u32 $0x1, s0;
	s8 =	smul.u32 $0x4F000, s10  }
0x7: {  	s5 =	smul.u32 $0x13C000, s0;
	s9 =	ssub.s32 $0x2, s0;
	s0 =	sshll.u32 s0, $0x4  }
0x8: {  	s6 =	smul.u32 $0x13C00, s10;
	[smem:$0x7FF] =	sst s4;
	s0 =	sor.u32 s10, s0  }
0x9: {  	_ =	strace $0x80000047;
	s22 =	sshrl.u32 s8, $0x2;
	s25 =	smul.u32 $0xA00, s0  }
0xa: {  	s23 =	sshrl.u32 s9, $0x1;
	s5 =	sadd.s32 s6, s5;
	s14 =	smul.u32 $0x28000, s0  }
0xb: {  	s6 =	sadd.s32 $0x8C00, s2;
	s8 =	ssub.s32 s9, s23;
	s12 =	smul.u32 $0x50, s0  }
0xc: {  	s15 =	smul.u32 $0x140000, s0;
	s23 =	simm.s32 $0x2;
	s7 =	sshrl.u32 s5, $0x3  }
0xd: {  	s5 =	sadd.s32 $0x9EAC00, s2;
	s17 =	smax.u32 s8, $0x1;
	s2 =	sadd.s32 s7, s2  }
0xe: {  	s7 =	sadd.s32 s22, s3;
	s13 =	sadd.s32 s6, s25;
	s14 =	sadd.s32 s5, s14  }
0xf: {  	s22 =	simm.s32 $0x8200;
	s25 =	simm.s32 $0x4200;
	s24 =	sadd.s32 $0x4000, s7  }
0x10: {  	s26 =	sadd.s32 $0x8000, s7;
	s31 =	sadd.s32 $0xC000, s7;
	[dreg:$0x4] =	wrdreg s24  }
0x11: {  	s11 =	sadd.s32 $0x10000, s7;
	s16 =	sadd.s32 $0x1CC00, s2;
	[dreg:$0x5] =	wrdreg s26  }
0x12: {  	v0 =	vimm.f32 $0.0e+00;
	[dreg:$0x6] =	wrdreg s31;
	s24 =	simm.s32 $0x100;
	s26 =	simm.s32 $0x3  }
.LBB2_1:
0x13: {  	s0 =	simm.s32 $0x0;
	s2 =	simm.s32 $0x200  }
.LBB2_2:
0x14: {  	p0 =	sne.s32 s2, $0xFE00;
	[tilespmem:s0+$0x270] =	vst v0  }
0x15: {  	[tilespmem:s0+$0x200] =	vst v0  }
0x16: {  	[tilespmem:s0+$0x210] =	vst v0  }
.Ltmp0:
0x17: {  	[tilespmem:s0+$0x220] =	vst v0;
	(pc) =	sbr.rel @p0 .LBB2_2-.Ltmp0, $4  }
0x18: {  	[tilespmem:s0+$0x230] =	vst v0  }
0x19: {  	[tilespmem:s0+$0x240] =	vst v0  }
0x1a: {  	[tilespmem:s0+$0x250] =	vst v0  }
0x1b: {  	[tilespmem:s0+$0x260] =	vst v0;
	s0 =	sshra.s32 s2, $0x2;
	s2 =	sadd.s32 $0x200, s2  }
0x1c: {  	[tilespmem:s0+$0x270] =	vst v0  }
0x1d: {  	[tilespmem:s0+$0x200] =	vst v0  }
0x1e: {  	[tilespmem:s0+$0x210] =	vst v0  }
0x1f: {  	[tilespmem:s0+$0x220] =	vst v0  }
0x20: {  	[tilespmem:s0+$0x230] =	vst v0  }
0x21: {  	[tilespmem:s0+$0x240] =	vst v0  }
0x22: {  	[tilespmem:s0+$0x250] =	vst v0  }
0x23: {  	[tilespmem:s0+$0x260] =	vst v0  }
0x24: {  	[spmem:s7] =	stream.linear.scatter [tilespmem:s18], [sflag:$0x4], $0x4000, $0x38;
	[tilespmem:$0x1FE00] =	vst v63  }
0x25: {  	_ =	swait.ge [sflag:s19], $0x4000  }
0x26: {  	[sflag:s19] =	ssyncset.done $0x0  }
0x27: {  	s8 =	rddreg [dreg:$0x4];
	[sflag:s19] =	ssyncadd.s32 $0xFFFFC000  }
0x28: {  	[spmem:s8] =	stream.linear.scatter [tilespmem:s18], [sflag:$0x4], $0x4000, $0x38;
	[tilespmem:$0x1FE00] =	vst v63  }
0x29: {  	_ =	swait.ge [sflag:s19], $0x4000  }
0x2a: {  	[sflag:s19] =	ssyncset.done $0x0  }
0x2b: {  	s9 =	rddreg [dreg:$0x5];
	[sflag:s19] =	ssyncadd.s32 $0xFFFFC000  }
0x2c: {  	[spmem:s9] =	stream.linear.scatter [tilespmem:s18], [sflag:$0x4], $0x4000, $0x38;
	[tilespmem:$0x1FE00] =	vst v63  }
0x2d: {  	_ =	swait.ge [sflag:s19], $0x4000  }
0x2e: {  	[sflag:s19] =	ssyncset.done $0x0  }
0x2f: {  	s10 =	rddreg [dreg:$0x6];
	[sflag:s19] =	ssyncadd.s32 $0xFFFFC000  }
0x30: {  	[spmem:s10] =	stream.linear.scatter [tilespmem:s18], [sflag:$0x4], $0x4000, $0x38;
	[tilespmem:$0x1FE00] =	vst v63  }
0x31: {  	_ =	swait.ge [sflag:s19], $0x4000  }
0x32: {  	[sflag:s19] =	ssyncset.done $0x0  }
0x33: {  	[sflag:s19] =	ssyncadd.s32 $0xFFFFC000  }
0x34: {  	[spmem:s11] =	stream.linear.scatter [tilespmem:s18], [sflag:$0x4], $0x3C00, $0x38;
	[tilespmem:$0x1FE00] =	vst v63  }
0x35: {  	_ =	swait.ge [sflag:s19], $0x3C00  }
0x36: {  	[sflag:s19] =	ssyncset.done $0x0  }
0x37: {  	[sflag:s19] =	ssyncadd.s32 $0xFFFFC400  }
0x38: {  	[bflag:$0x0] =	sbarrier.arrive $0xFFFF  }
0x39: {  	[tilespmem:s30], [sflag:$0x1] =	stream.linear.gather [hbm4b:s13+s30], $0x100, $0x38;
	[tilespmem:$0x1FE00] =	vst v63  }
0x3a: {  	s31 =	simm.s32 $0x0  }
0x3b: {  	[tilespmem:s18], [sflag:$0x1] =	stream.linear.gather [hbm4b:s14+s30], $0x4000, $0x38;
	[tilespmem:$0x1FE00] =	vst v63  }
.LBB2_4:
0x3c: {  	_ =	swait.ge [sflag:s20], $0x100  }
0x3d: {  	[sflag:s20] =	ssyncset.done $0x0  }
0x3e: {  	[sflag:s20] =	ssyncadd.s32 $0xFFFFFF00  }
0x3f: {  	_ =	swait.ge [sflag:s20], $0x4000  }
0x40: {  	[sflag:s20] =	ssyncset.done $0x0  }
0x41: {  	[sflag:s20] =	ssyncadd.s32 $0xFFFFC000  }
0x42: {  	[tilespmem:s22], [sflag:$0x2] =	stream.indirect.gather [hbm4b:s1+s21], $0x80, s4, s21, $0xb8;
	[tilespmem:$0x1FE00] =	vst v63  }
0x43: {  	s2 =	sshll.u32 s31, $0x1;
	_ =	swait.ge [sflag:s23], $0x4000  }
0x44: {  	p0 =	seq.s32 s31, $0x0;
	s0 =	sor.u32 $0x1, s2;
	[sflag:s23] =	ssyncset.done $0x0  }
0x45: {  	s8 =	simm.s32 @!p0 $0x3;
	s9 =	sadd.s32 s12, s0;
	[sflag:s23] =	ssyncadd.s32 $0xFFFFC000  }
0x46: {  	s9 =	sshll.u32 s9, $0x5;
	_ =	swait.ge @!p0 [sflag:s8], $0x800  }
0x47: {  	s10 =	sshll.u32 s0, $0xE;
	s9 =	sand.u32 $0x1FFFFFE0, s9;
	[sflag:s8] =	ssyncset.done @!p0 $0x0  }
0x48: {  	s9 =	sadd.s32 s6, s9;
	[sflag:s8] =	ssyncadd.s32 @!p0 $0xFFFFF800;
	s8 =	sadd.s32 s15, s10  }
0x49: {  	[tilespmem:s24], [sflag:$0x1] =	stream.linear.gather [hbm4b:s9+s30], $0x100, $0x38;
	[tilespmem:$0x1FE00] =	vst v63  }
0x4a: {  	s8 =	sshrl.u32 s8, $0x3  }
0x4b: {  	s8 =	sadd.s32 s5, s8  }
0x4c: {  	[tilespmem:s25], [sflag:$0x1] =	stream.linear.gather [hbm4b:s8+s30], $0x4000, $0x38;
	[tilespmem:$0x1FE00] =	vst v63  }
0x4d: {  	s8 =	simm.s32 $0x0  }
0x4e: {  	v7 =	vld [tilespmem:s8+$0x8200]  }
0x4f: {  	v12 =	vld [tilespmem:s8+$0x8210]  }
0x50: {  	v6 =	vld [tilespmem:s8+$0x8220]  }
0x51: {  	v5 =	vld [tilespmem:s8+$0x8230]  }
0x52: {  	v4 =	vld [tilespmem:s8+$0x8240]  }
0x53: {  	v3 =	vld [tilespmem:s8+$0x8250]  }
0x54: {  	v2 =	vld [tilespmem:s8+$0x8260]  }
0x55: {  	v1 =	vld [tilespmem:s8+$0x8270]  }
0x56: {  	v13 =	vld [tilespmem:s8+$0x200]  }
0x57: {  	v14 =	vld [tilespmem:s8+$0x210]  }
0x58: {  	v11 =	vld [tilespmem:s8+$0x220]  }
0x59: {  	v10 =	vld [tilespmem:s8+$0x230]  }
0x5a: {  	v9 =	vld [tilespmem:s8+$0x240]  }
0x5b: {  	v8 =	vld [tilespmem:s8+$0x250];
	v13 =	vadd.f32 v7, v13  }
0x5c: {  	s9 =	simm.s32 $0x200;
	v12 =	vadd.f32 v12, v14;
	v7 =	vld [tilespmem:s8+$0x260]  }
.LBB2_5:
0x5d: {  	s10 =	sshra.s32 s9, $0x2;
	p0 =	sne.s32 s9, $0xFE00;
	v13 =	vmax.f32 v13, $0.0e+00;
	v6 =	vadd.f32 v6, v11;
	v11 =	vld [tilespmem:s8+$0x270]  }
0x5e: {  	v14 =	vld [tilespmem:s10+$0x8200];
	[tilespmem:s8+$0x200] =	vst v13;
	v12 =	vmax.f32 v12, $0.0e+00;
	v5 =	vadd.f32 v5, v10  }
0x5f: {  	v15 =	vld [tilespmem:s10+$0x8210];
	[tilespmem:s8+$0x210] =	vst v12;
	v10 =	vmax.f32 v6, $0.0e+00;
	v4 =	vadd.f32 v4, v9  }
0x60: {  	v6 =	vld [tilespmem:s10+$0x8220];
	[tilespmem:s8+$0x220] =	vst v10;
	v9 =	vmax.f32 v5, $0.0e+00;
	v3 =	vadd.f32 v3, v8  }
0x61: {  	v5 =	vld [tilespmem:s10+$0x8230];
	[tilespmem:s8+$0x230] =	vst v9;
	v8 =	vmax.f32 v4, $0.0e+00;
	v2 =	vadd.f32 v2, v7  }
0x62: {  	v4 =	vld [tilespmem:s10+$0x8240];
	[tilespmem:s8+$0x240] =	vst v8;
	v7 =	vmax.f32 v3, $0.0e+00;
	v1 =	vadd.f32 v1, v11  }
0x63: {  	v3 =	vld [tilespmem:s10+$0x8250];
	[tilespmem:s8+$0x250] =	vst v7;
	v7 =	vmax.f32 v2, $0.0e+00  }
0x64: {  	v2 =	vld [tilespmem:s10+$0x8260];
	[tilespmem:s8+$0x260] =	vst v7;
	v7 =	vmax.f32 v1, $0.0e+00  }
0x65: {  	v1 =	vld [tilespmem:s10+$0x8270];
	[tilespmem:s8+$0x270] =	vst v7;
	s8 =	smov.u32 s10  }
0x66: {  	v7 =	vld [tilespmem:s8+$0x200]  }
0x67: {  	v12 =	vld [tilespmem:s8+$0x210]  }
.Ltmp1:
0x68: {  	v11 =	vld [tilespmem:s8+$0x220];
	(pc) =	sbr.rel @p0 .LBB2_5-.Ltmp1, $4  }
0x69: {  	v10 =	vld [tilespmem:s8+$0x230]  }
0x6a: {  	v9 =	vld [tilespmem:s8+$0x240]  }
0x6b: {  	v13 =	vadd.f32 v14, v7;
	v8 =	vld [tilespmem:s8+$0x250]  }
0x6c: {  	s9 =	sadd.s32 $0x200, s9;
	v12 =	vadd.f32 v15, v12;
	v7 =	vld [tilespmem:s8+$0x260]  }
0x6d: {  	v13 =	vmax.f32 v13, $0.0e+00;
	v6 =	vadd.f32 v6, v11;
	v11 =	vld [tilespmem:s8+$0x270]  }
0x6e: {  	[tilespmem:s8+$0x200] =	vst v13;
	v12 =	vmax.f32 v12, $0.0e+00;
	v5 =	vadd.f32 v5, v10  }
0x6f: {  	[tilespmem:s8+$0x210] =	vst v12;
	v6 =	vmax.f32 v6, $0.0e+00;
	v4 =	vadd.f32 v4, v9  }
0x70: {  	[tilespmem:s8+$0x220] =	vst v6;
	v5 =	vmax.f32 v5, $0.0e+00;
	v3 =	vadd.f32 v3, v8  }
0x71: {  	[tilespmem:s8+$0x230] =	vst v5;
	v4 =	vmax.f32 v4, $0.0e+00;
	v2 =	vadd.f32 v2, v7  }
0x72: {  	[tilespmem:s8+$0x240] =	vst v4;
	v3 =	vmax.f32 v3, $0.0e+00;
	v1 =	vadd.f32 v1, v11  }
0x73: {  	[tilespmem:s8+$0x250] =	vst v3;
	v2 =	vmax.f32 v2, $0.0e+00  }
0x74: {  	[tilespmem:s8+$0x260] =	vst v2;
	v1 =	vmax.f32 v1, $0.0e+00  }
0x75: {  	[tilespmem:s8+$0x270] =	vst v1  }
0x76: {  	[spmem:s3] =	stream.indirect.scatter.add.f32 [tilespmem:s18], [sflag:$0x3], $0x80, s21, s21, $0xb8;
	[tilespmem:$0x1FE00] =	vst v63  }
0x77: {  	_ =	swait.ge [sflag:s20], $0x100  }
0x78: {  	[sflag:s20] =	ssyncset.done $0x0  }
0x79: {  	[sflag:s20] =	ssyncadd.s32 $0xFFFFFF00  }
0x7a: {  	_ =	swait.ge [sflag:s20], $0x4000  }
0x7b: {  	[sflag:s20] =	ssyncset.done $0x0  }
0x7c: {  	[sflag:s20] =	ssyncadd.s32 $0xFFFFC000  }
0x7d: {  	[tilespmem:s22], [sflag:$0x2] =	stream.indirect.gather [hbm4b:s1+s21], $0x80, s24, s21, $0xb8;
	[tilespmem:$0x1FE00] =	vst v63  }
0x7e: {  	p0 =	sgt.u32 s0, $0x4E;
	_ =	swait.ge [sflag:s23], $0x4000  }
0x7f: {  	s0 =	sadd.s32 @!p0 $0x2, s2;
	[sflag:s23] =	ssyncset.done $0x0  }
0x80: {  	s2 =	sadd.s32 @!p0 s12, s0;
	s0 =	sshll.u32 @!p0 s0, $0xE;
	[sflag:s23] =	ssyncadd.s32 $0xFFFFC000  }
0x81: {  	s2 =	sshll.u32 @!p0 s2, $0x5;
	s0 =	sadd.s32 @!p0 s15, s0;
	_ =	swait.ge [sflag:s26], $0x800  }
0x82: {  	s2 =	sand.u32 @!p0 $0x1FFFFFC0, s2;
	s0 =	sshrl.u32 @!p0 s0, $0x3;
	[sflag:s26] =	ssyncset.done $0x0  }
0x83: {  	s2 =	sadd.s32 @!p0 s6, s2;
	s8 =	simm.s32 @!p0 $0x0;
	[sflag:s26] =	ssyncadd.s32 $0xFFFFF800  }
0x84: {  	[tilespmem:s8], [sflag:$0x1] =	stream.linear.gather @!p0 [hbm4b:s2+s8], $0x100, $0x38;
	[tilespmem:$0x1FE00] =	vst v63  }
0x85: {  	s0 =	sadd.s32 @!p0 s5, s0;
	s2 =	simm.s32 @!p0 $0x200  }
0x86: {  	[tilespmem:s2], [sflag:$0x1] =	stream.linear.gather @!p0 [hbm4b:s0+s8], $0x4000, $0x38;
	[tilespmem:$0x1FE00] =	vst v63  }
0x87: {  	s0 =	simm.s32 $0x0  }
0x88: {  	v7 =	vld [tilespmem:s0+$0x8200]  }
0x89: {  	v12 =	vld [tilespmem:s0+$0x8210]  }
0x8a: {  	v6 =	vld [tilespmem:s0+$0x8220]  }
0x8b: {  	v5 =	vld [tilespmem:s0+$0x8230]  }
0x8c: {  	v4 =	vld [tilespmem:s0+$0x8240]  }
0x8d: {  	v3 =	vld [tilespmem:s0+$0x8250]  }
0x8e: {  	v2 =	vld [tilespmem:s0+$0x8260]  }
0x8f: {  	v1 =	vld [tilespmem:s0+$0x8270]  }
0x90: {  	v13 =	vld [tilespmem:s0+$0x4200]  }
0x91: {  	v14 =	vld [tilespmem:s0+$0x4210]  }
0x92: {  	v11 =	vld [tilespmem:s0+$0x4220]  }
0x93: {  	v10 =	vld [tilespmem:s0+$0x4230]  }
0x94: {  	v9 =	vld [tilespmem:s0+$0x4240]  }
0x95: {  	v8 =	vld [tilespmem:s0+$0x4250];
	v13 =	vadd.f32 v7, v13  }
0x96: {  	s2 =	simm.s32 $0x200;
	v12 =	vadd.f32 v12, v14;
	v7 =	vld [tilespmem:s0+$0x4260]  }
.LBB2_7:
0x97: {  	s8 =	sshra.s32 s2, $0x2;
	p0 =	sne.s32 s2, $0xFE00;
	v13 =	vmax.f32 v13, $0.0e+00;
	v6 =	vadd.f32 v6, v11;
	v11 =	vld [tilespmem:s0+$0x4270]  }
0x98: {  	v14 =	vld [tilespmem:s8+$0x8200];
	[tilespmem:s0+$0x4200] =	vst v13;
	v12 =	vmax.f32 v12, $0.0e+00;
	v5 =	vadd.f32 v5, v10  }
0x99: {  	v15 =	vld [tilespmem:s8+$0x8210];
	[tilespmem:s0+$0x4210] =	vst v12;
	v10 =	vmax.f32 v6, $0.0e+00;
	v4 =	vadd.f32 v4, v9  }
0x9a: {  	v6 =	vld [tilespmem:s8+$0x8220];
	[tilespmem:s0+$0x4220] =	vst v10;
	v9 =	vmax.f32 v5, $0.0e+00;
	v3 =	vadd.f32 v3, v8  }
0x9b: {  	v5 =	vld [tilespmem:s8+$0x8230];
	[tilespmem:s0+$0x4230] =	vst v9;
	v8 =	vmax.f32 v4, $0.0e+00;
	v2 =	vadd.f32 v2, v7  }
0x9c: {  	v4 =	vld [tilespmem:s8+$0x8240];
	[tilespmem:s0+$0x4240] =	vst v8;
	v7 =	vmax.f32 v3, $0.0e+00;
	v1 =	vadd.f32 v1, v11  }
0x9d: {  	v3 =	vld [tilespmem:s8+$0x8250];
	[tilespmem:s0+$0x4250] =	vst v7;
	v7 =	vmax.f32 v2, $0.0e+00  }
0x9e: {  	v2 =	vld [tilespmem:s8+$0x8260];
	[tilespmem:s0+$0x4260] =	vst v7;
	v7 =	vmax.f32 v1, $0.0e+00  }
0x9f: {  	v1 =	vld [tilespmem:s8+$0x8270];
	[tilespmem:s0+$0x4270] =	vst v7;
	s0 =	smov.u32 s8  }
0xa0: {  	v7 =	vld [tilespmem:s0+$0x4200]  }
0xa1: {  	v12 =	vld [tilespmem:s0+$0x4210]  }
.Ltmp2:
0xa2: {  	v11 =	vld [tilespmem:s0+$0x4220];
	(pc) =	sbr.rel @p0 .LBB2_7-.Ltmp2, $4  }
0xa3: {  	v10 =	vld [tilespmem:s0+$0x4230]  }
0xa4: {  	v9 =	vld [tilespmem:s0+$0x4240]  }
0xa5: {  	v13 =	vadd.f32 v14, v7;
	v8 =	vld [tilespmem:s0+$0x4250]  }
0xa6: {  	s2 =	sadd.s32 $0x200, s2;
	v12 =	vadd.f32 v15, v12;
	v7 =	vld [tilespmem:s0+$0x4260]  }
0xa7: {  	v13 =	vmax.f32 v13, $0.0e+00;
	v6 =	vadd.f32 v6, v11;
	v63 =	vld [tilespmem:s0+$0x4270]  }
0xa8: {  	[tilespmem:s0+$0x4200] =	vst v13;
	v12 =	vmax.f32 v12, $0.0e+00;
	v5 =	vadd.f32 v5, v10  }
0xa9: {  	[tilespmem:s0+$0x4210] =	vst v12;
	v6 =	vmax.f32 v6, $0.0e+00;
	v4 =	vadd.f32 v4, v9  }
0xaa: {  	s31 =	sadd.s32 $0x1, s31;
	[tilespmem:s0+$0x4220] =	vst v6;
	v5 =	vmax.f32 v5, $0.0e+00;
	v3 =	vadd.f32 v3, v8  }
0xab: {  	p0 =	sne.s32 s31, $0x28;
	[tilespmem:s0+$0x4230] =	vst v5;
	v4 =	vmax.f32 v4, $0.0e+00;
	v2 =	vadd.f32 v2, v7  }
.Ltmp3:
0xac: {  	[tilespmem:s0+$0x4240] =	vst v4;
	v3 =	vmax.f32 v3, $0.0e+00;
	v1 =	vadd.f32 v1, v63;
	(pc) =	sbr.rel @p0 .LBB2_4-.Ltmp3, $4  }
0xad: {  	[tilespmem:s0+$0x4250] =	vst v3;
	v2 =	vmax.f32 v2, $0.0e+00  }
0xae: {  	[tilespmem:s0+$0x4260] =	vst v2;
	v1 =	vmax.f32 v1, $0.0e+00  }
0xaf: {  	[tilespmem:s0+$0x4270] =	vst v1  }
0xb0: {  	[spmem:s3] =	stream.indirect.scatter.add.f32 [tilespmem:s25], [sflag:$0x3], $0x80, s28, s21, $0xb8;
	[tilespmem:$0x1FE00] =	vst v63  }
0xb1: {  	_ =	swait.ge [sflag:s26], $0x800;
	s0 =	stileid.u32  }
0xb2: {  	s2 =	sshrl.u32 s7, $0x3;
	s29 =	sadd.s32 $0x1, s29;
	[sflag:s26] =	ssyncset.done $0x0  }
0xb3: {  	s0 =	sshll.u32 s0, $0x6;
	p0 =	sne.s32 s29, s17;
	[sflag:s26] =	ssyncadd.s32 $0xFFFFF800  }
.Ltmp4:
0xb4: {  	s0 =	sor.u32 $0x1C04, s0;
	[bflag:$0x0] =	sbarrier.arrive $0xFFFF;
	(pc) =	sbr.rel @p0 .LBB2_1-.Ltmp4, $4  }
0xb5: {  	[hbm:s16], [sflag:s0] =	dma.local [spmem:s2], $0x2780  }
0xb6: {  	_ =	swait.ge [sflag:s19], $0x2780  }
0xb7: {  	[sflag:s19] =	ssyncset.done $0x0  }
0xb8: {  	[sflag:s19] =	ssyncadd.s32 $0xFFFFD880  }
0xb9: {  	_ =	sfence.sel $0x180000  }
0xba: {  	[bflag:$0x0] =	sbarrier.arrive $0xFFFF  }
0xbb: {  	_ =	strace $0x90000047  }
0xbc: {  	s0 =	stileid.u32;
	[bflag:$0x2] =	sbarrier.arrive $0xFFFF  }
0xbd: {  	p0 =	sne.s32 s0, $0x0;
	s0 =	rddreg [dreg:$0x3]  }
0xbe: {  	s0 =	sadd.s32 @!p0 $0x100000, s0  }
0xbf: {  	[sflag:s0] =	ssyncadd.tile.s32 @!p0 $0x1;
	_ =	shalt  }
.Lfunc_end2:
_tile_overlayer_lowered:
.L_overlay_start_2:
0xc0: {  	(tag) =	ssettag $0x2  }
0xc1: {  	s0 =	rddreg [dreg:$0x0];
	s2 =	stileid.u32  }
0xc2: {  	s1 =	rddreg [dreg:$0x1];
	p0 =	sne.s32 s2, $0x0  }
0xc3: {  	s3 =	rddreg [dreg:$0x2];
	[bflag:$0x3] =	sbarrier.arrive $0xFFFF;
	s2 =	simm.s32 @!p0 $0x1C04  }
0xc4: {  	[timem:s3], [sflag:s2] =	dma.local @!p0 [hbm:s0], s1  }
0xc5: {  	s0 =	simm.s32 @!p0 $0x4  }
0xc6: {  	_ =	swait.ge @!p0 [sflag:s0], s1  }
0xc7: {  	s1 =	ssub.s32 @!p0 $0x0, s1;
	[sflag:s0] =	ssyncset.done @!p0 $0x0  }
0xc8: {  	[sflag:s0] =	ssyncadd.s32 @!p0 s1  }
0xc9: {  	[bflag:$0x3] =	sbarrier.arrive $0xFFFF  }
0xca: {  	_ =	shalt  }

// kernel: kernel.21.cloned.1.call-start
scs
__scs_entry_jumppad:
0x0: {  	(pc) =	sbr.rel $0x88, $3  }
0x1: {  	(tag) =	ssettag $0x0;
	lr =	simm.s32 $0x1  }
0x2: {  	[smem:$0x3F7B] =	sst lr;
	_ =	strace $0xD0000000  }
0x3: {  	_ = 	snop  }
0x4: {  	_ = 	snop  }
0x5: {  	_ = 	snop  }
0x6: {  	_ = 	snop  }
0x7: {  	_ = 	snop  }
__scs_overlays_trampoline_lowered:
0x8: {  	[smem:$0x3F8A] =	sst s0  }
0x9: {  	[smem:$0x3F8B] =	sst s1  }
0xa: {  	[smem:$0x3F8C] =	sst s2  }
0xb: {  	[smem:$0x3F8D] =	sst s3  }
0xc: {  	[smem:$0x3F8E] =	sst s4  }
0xd: {  	[smem:$0x3F8F] =	sst s5  }
0xe: {  	[smem:$0x3F90] =	sst s6  }
0xf: {  	[smem:$0x3F91] =	sst s7  }
0x10: {  	[smem:$0x3F92] =	sst s8  }
0x11: {  	[smem:$0x3F93] =	sst s9;
	s0 =	simm.s32 @!p0 $0x0  }
0x12: {  	s1 =	sld [smem:$0x3F79];
	s0 =	simm.s32 @p0 $0x1  }
0x13: {  	[smem:$0x3F94] =	sst s0;
	s0 =	simm.s32 @!p1 $0x0  }
0x14: {  	s2 =	sld [smem:$0x3F78];
	s0 =	simm.s32 @p1 $0x1  }
0x15: {  	[smem:$0x3F95] =	sst s0;
	s0 =	simm.s32 @!p2 $0x0  }
0x16: {  	s3 =	sld [smem:$0x3FDB];
	s0 =	simm.s32 @p2 $0x1  }
0x17: {  	s4 =	simm.s32 $0x1BF5;
	[smem:$0x3F97] =	sst s0  }
0x18: {  	s0 =	sld [smem:$0x3F7A];
	_ =	swait.ge [sflag:s4], $0x0  }
0x19: {  	s7 =	sld [smem:$0x3F7B]  }
0x1a: {  	s8 =	sadd.s32 $0xFFFFE003, lr  }
0x1b: {  	s9 =	sadd.s32 $0xFFFFFEF7, lr;
	s5 =	simm.s32 $0xFFFFFFFF;
	p2 =	slt.u32 s8, $0xFFFFF086  }
0x1c: {  	p1 =	slt.u32 s9, $0xF7A;
	s5 =	simm.s32 @!p2 $0x0  }
0x1d: {  	s5 =	simm.s32 @p1 $0x1;
	p0 =	seq.s32 s7, s2  }
0x1e: {  	s7 =	smul.u32 @!p0 $0xF7A, s2;
	p2 =	seq.s32 @!p0 s5, $0x0  }
0x1f: {  	s9 =	smul.u32 $0xF7A, s1;
	s8 =	simm.s32 @!p0 $0x1BF5;
	p2 =	por !p2, p0  }
0x20: {  	[sflag:s8] =	ssyncset.s32 @!p0 $0xFFFFF086;
	s6 =	sadd.s32 @!p0 s3, s7;
	s7 =	simm.s32 @!p0 $0x108  }
0x21: {  	s3 =	sadd.s32 s3, s9;
	s6 =	sadd.s32 @!p0 $0x88, s6;
	s7 =	simm.s32 @p2 $0x1082  }
0x22: {  	[simem:s7], [sflag:s8] =	dma.local @!p0 [hbm:s6], $0xF7A  }
0x23: {  	s9 =	sor.u32 $0xD0000000, s2;
	s6 =	simm.s32 $0x108;
	_ =	swait.ge @!p0 [sflag:s8], $0x0  }
0x24: {  	s3 =	sadd.s32 $0x88, s3;
	s6 =	simm.s32 @!p1 $0x1082;
	[sflag:s4] =	ssyncset.s32 $0xFFFFF086  }
0x25: {  	[simem:s6], [sflag:s4] =	dma.local [hbm:s3], $0xF7A  }
0x26: {  	[smem:$0x3F7B] =	sst s1;
	(tag) =	ssettag s2;
	_ =	strace s9  }
0x27: {  	s1 =	sld [smem:$0x3F8B]  }
0x28: {  	s2 =	sld [smem:$0x3F8C]  }
0x29: {  	s4 =	sld [smem:$0x3F8E]  }
0x2a: {  	p0 =	seq.s32 s5, $0x0;
	s5 =	sld [smem:$0x3F8F]  }
0x2b: {  	s6 =	sld [smem:$0x3F90]  }
0x2c: {  	s7 =	sld [smem:$0x3F91]  }
0x2d: {  	s3 =	simm.s32 $0x108;
	s8 =	sld [smem:$0x3F92]  }
0x2e: {  	s3 =	simm.s32 @!p0 $0x1082;
	s9 =	sld [smem:$0x3F93]  }
0x2f: {  	lr =	sadd.s32 s0, s3;
	s0 =	sld [smem:$0x3F8A]  }
0x30: {  	s3 =	sld [smem:$0x3F8D]  }
0x31: {  	[smem:$0x3F96] =	sst s10  }
0x32: {  	s10 =	sld [smem:$0x3F94];
	_ =	sdelay $0x3  }
0x33: {  	p0 =	seq.s32 s10, $0x1;
	s10 =	sld [smem:$0x3F96];
	_ =	sdelay $0x3  }
0x34: {  	[smem:$0x3F96] =	sst s10  }
0x35: {  	s10 =	sld [smem:$0x3F95];
	_ =	sdelay $0x3  }
0x36: {  	p1 =	seq.s32 s10, $0x1;
	s10 =	sld [smem:$0x3F96];
	_ =	sdelay $0x3  }
0x37: {  	[smem:$0x3F96] =	sst s10  }
0x38: {  	s10 =	sld [smem:$0x3F97]  }
0x39: {  	_ = 	snop;
	(pc) =	sbr.ind lr, $3  }
0x3a: {  	_ = 	snop  }
0x3b: {  	_ = 	snop  }
0x3c: {  	p2 =	seq.s32 s10, $0x1;
	s10 =	sld [smem:$0x3F96]  }
0x3d: {  	_ =	shalt  }
0x3e: {  	_ =	shalt  }
0x3f: {  	_ =	shalt  }
0x40: {  	_ =	shalt  }
0x41: {  	_ =	shalt  }
0x42: {  	_ =	shalt  }
0x43: {  	_ =	shalt  }
0x44: {  	_ =	shalt  }
0x45: {  	_ =	shalt  }
0x46: {  	_ =	shalt  }
0x47: {  	_ =	shalt  }
0x48: {  	_ =	shalt  }
0x49: {  	_ =	shalt  }
0x4a: {  	_ =	shalt  }
0x4b: {  	_ =	shalt  }
0x4c: {  	_ =	shalt  }
0x4d: {  	_ =	shalt  }
0x4e: {  	_ =	shalt  }
0x4f: {  	_ =	shalt  }
0x50: {  	_ =	shalt  }
0x51: {  	_ =	shalt  }
0x52: {  	_ =	shalt  }
0x53: {  	_ =	shalt  }
0x54: {  	_ =	shalt  }
0x55: {  	_ =	shalt  }
0x56: {  	_ =	shalt  }
0x57: {  	_ =	shalt  }
0x58: {  	_ =	shalt  }
0x59: {  	_ =	shalt  }
0x5a: {  	_ =	shalt  }
0x5b: {  	_ =	shalt  }
0x5c: {  	_ =	shalt  }
0x5d: {  	_ =	shalt  }
0x5e: {  	_ =	shalt  }
0x5f: {  	_ =	shalt  }
0x60: {  	_ =	shalt  }
0x61: {  	_ =	shalt  }
0x62: {  	_ =	shalt  }
0x63: {  	_ =	shalt  }
0x64: {  	_ =	shalt  }
0x65: {  	_ =	shalt  }
0x66: {  	_ =	shalt  }
0x67: {  	_ =	shalt  }
0x68: {  	_ =	shalt  }
0x69: {  	_ =	shalt  }
0x6a: {  	_ =	shalt  }
0x6b: {  	_ =	shalt  }
0x6c: {  	_ =	shalt  }
0x6d: {  	_ =	shalt  }
0x6e: {  	_ =	shalt  }
0x6f: {  	_ =	shalt  }
0x70: {  	_ =	shalt  }
0x71: {  	_ =	shalt  }
0x72: {  	_ =	shalt  }
0x73: {  	_ =	shalt  }
0x74: {  	_ =	shalt  }
0x75: {  	_ =	shalt  }
0x76: {  	_ =	shalt  }
0x77: {  	_ =	shalt  }
0x78: {  	_ =	shalt  }
0x79: {  	_ =	shalt  }
0x7a: {  	_ =	shalt  }
0x7b: {  	_ =	shalt  }
0x7c: {  	_ =	shalt  }
0x7d: {  	_ =	shalt  }
0x7e: {  	_ =	shalt  }
0x7f: {  	_ =	shalt  }
0x80: {  	_ =	shalt  }
0x81: {  	_ =	shalt  }
0x82: {  	_ =	shalt  }
0x83: {  	_ =	shalt  }
0x84: {  	_ =	shalt  }
0x85: {  	_ =	shalt  }
0x86: {  	_ =	shalt  }
0x87: {  	_ =	shalt  }
.Lfunc_end0:
.L_simem_size_0:
called_computation.1_lowered:
.L_overlay_start_0:
0x88: {  	s2 =	sld [smem:$0x3FD9]  }
0x89: {  	s3 =	sld [smem:$0x3FFE];
	_ =	sdelay $0x1  }
0x8a: {  	s1 =	srdreg.scid  }
0x8b: {  	s0 =	sand.u32 $0x1, s1  }
0x8c: {  	s16 =	sshll.u32 s0, $0xA;
	s2 =	sadd.s32 s3, s2  }
0x8d: {  	s2 =	sadd.s32 s2, s16  }
0x8e: {  	[smem:$0x3FA2] =	sst s2  }
0x8f: {  	_ = 	snop  }
0x90: {  	(tm) =	ssettm $0x1  }
0x91: {  	s17 =	sld [smem:$0x3FFB];
	_ =	sdelay $0x3  }
0x92: {  	_ =	strace s17  }
0x93: {  	s2 =	sld [smem:$0x3FFC];
	_ =	sdelay $0x3  }
0x94: {  	_ =	strace s2  }
0x95: {  	s2 =	sld [smem:$0x3FFD];
	_ =	sdelay $0x3  }
0x96: {  	_ =	strace s2  }
0x97: {  	_ =	strace $0x8FFFFFFF  }
0x98: {  	s18 =	sld [smem:$0x3FDB];
	_ =	sdelay $0x1  }
0x99: {  	s19 =	simm.s32 $_scs_section_size  }
0x9a: {  	s4 =	simm.s32 $_size__tile_overlayer_lowered;
	s5 =	simm.s32 $_tile_overlayer_lowered  }
0x9b: {  	s22 =	simm.s32 $0x1BFF;
	s21 =	sshll.u32 s5, $0x1;
	s2 =	sadd.s32 s19, s18  }
0x9c: {  	s6 =	simm.s32 $0x0;
	s20 =	sshll.u32 s4, $0x1;
	s4 =	sadd.s32 s21, s2  }
0x9d: {  	[timem:s6], [sflag:s22] =	dma.local [hbm:s4], s20  }
0x9e: {  	_ =	swait.ge [sflag:s22], s20  }
0x9f: {  	s3 =	ssub.s32 $0x0, s20;
	[sflag:s22] =	ssyncset.done $0x0  }
0xa0: {  	[sflag:s22] =	ssyncadd.s32 s3;
	_ =	sdelay $0x1  }
0xa1: {  	s23 =	simm.s32 $0x1B8B  }
0xa2: {  	_ =	swait.ge [sflag:s23], $0x1  }
0xa3: {  	[sflag:s23] =	ssyncset.done $0x0  }
0xa4: {  	s25 =	simm.s32 $0x1B8E;
	s24 =	sld [smem:$0x3FFE];
	[sflag:s23] =	ssyncadd.s32 $0xFFFFFFFF  }
0xa5: {  	s26 =	simm.s32 $execute0_lowered;
	[smem:$0x3FD2] =	sst s25  }
0xa6: {  	s4 =	sshll.u32 s26, $0x1;
	_ =	strace $0x80000049;
	[dreg:$0x1] =	wrdreg $0xFFFFFFFF  }
0xa7: {  	s28 =	simm.s32 $_size_execute0_lowered;
	s2 =	sadd.s32 s2, s4;
	[dreg:$0x0] =	wrdreg $0x0  }
0xa8: {  	s4 =	sshll.u32 s28, $0x1;
	[dreg:$0x2] =	wrdreg s2  }
0xa9: {  	[dreg:$0x3] =	wrdreg s4  }
0xaa: {  	[dreg:$0x4] =	wrdreg $0xC0  }
0xab: {  	_ =	task [dreg:s6], $0x5FFFF  }
0xac: {  	[dreg:$0x1] =	wrdreg $0xFFFFFFFF  }
0xad: {  	[dreg:$0x0] =	wrdreg $0x60  }
0xae: {  	[dreg:$0x2] =	wrdreg s24  }
0xaf: {  	[dreg:$0x3] =	wrdreg $0xC2000  }
0xb0: {  	[dreg:$0x4] =	wrdreg $0x9  }
0xb1: {  	_ =	task.clear_ibuf [dreg:s6], $0x5FFFF;
	_ =	strace $0x90000049  }
0xb2: {  	s29 =	simm.s32 $0x9;
	_ =	strace $0x8000004B  }
0xb3: {  	_ =	swait.ge [sflag:s29], $0x1  }
0xb4: {  	[sflag:s29] =	ssyncadd.s32 $0xFFFFFFFF  }
0xb5: {  	_ =	strace $0x9000004B  }
0xb6: {  	_ =	sfence  }
0xb7: {  	s30 =	sld [smem:$0x0];
	_ =	sdelay $0x2  }
0xb8: {  	s31 =	sshll.u32 s1, $0xD;
	s1 =	sshrl.u32 s1, $0x2  }
0xb9: {  	s3 =	sand.u32 $0x4000, s31;
	s1 =	sadd.s32 s1, s30  }
0xba: {  	s0 =	sor.u32 s3, s0;
	s1 =	sshll.u32 s1, $0x11  }
0xbb: {  	s0 =	sor.u32 s1, s0  }
0xbc: {  	s0 =	sadd.s32 $0x8F2B, s0  }
0xbd: {  	[sflag:s0] =	ssyncadd.remote.s32 $0x1  }
0xbe: {  	_ =	sfence.sel $0xFFFF  }
0xbf: {  	[dreg:$0x0] =	wrdreg $0xFFFFFFFF;
	(pc) =	sbr.abs _section_cstart, $3  }
0xc0: {  	[dreg:$0x1] =	wrdreg $0xFFFFFFFF  }
0xc1: {  	_ =	task.clear_ibuf [dreg:s6], $0x2FFFF;
	_ =	strace $0x9FFFFFFF  }
0xc2: {  	(tm) =	ssettm $0x7FFFFFFF  }
0xc3: {  	_ =	shalt  }
tec
execute0_lowered:
.L_overlay_start_1:
0x0: {  	(tag) =	ssettag $0x1  }
0x1: {  	s0 =	rddreg [dreg:$0x0]  }
0x2: {  	s1 =	rddreg [dreg:$0x1];
	s2 =	srdreg.scid  }
0x3: {  	s3 =	simm.s32 $0x0;
	s13 =	stileid.u32;
	s28 =	simm.s32 $0x100  }
0x4: {  	s29 =	simm.s32 $0x4200;
	s30 =	simm.s32 $0x3;
	s7 =	smul.u32 $0x13C00, s13  }
0x5: {  	s31 =	simm.s32 $0x180;
	s2 =	sand.u32 $0x1, s2;
	s9 =	smul.u32 $0x4F000, s13  }
0x6: {  	[smem:$0x7FF] =	sst s3;
	s4 =	sadd.s32 $0x1CC00, s0;
	s24 =	smul.u32 $0x1400, s13  }
0x7: {  	s5 =	sadd.s32 $0x43E00, s0;
	s6 =	smul.u32 $0x13C000, s2;
	_ =	strace $0x8000004A  }
0x8: {  	s10 =	ssub.s32 $0x2, s2;
	p0 =	seq.s32 s2, $0x1;
	s21 =	sshrl.u32 s9, $0x2  }
0x9: {  	s11 =	sshrl.u32 s10, $0x1;
	s9 =	smul.u32 $0xA0, s13;
	s8 =	sadd.s32 s7, s6  }
0xa: {  	s6 =	sadd.s32 $0xEEAC00, s0;
	s10 =	ssub.s32 s10, s11;
	s11 =	smul.u32 $0x280000, s13  }
0xb: {  	s7 =	sadd.s32 $0x8C00, s0;
	s13 =	smul.u32 $0x50000, s13;
	s8 =	sshrl.u32 s8, $0x3  }
0xc: {  	s16 =	sadd.s32 s7, s24;
	s20 =	smax.u32 s10, $0x1;
	s24 =	simm.s32 $0x80  }
0xd: {  	s0 =	sadd.s32 s8, s0;
	s8 =	sadd.s32 s21, s1;
	s15 =	sadd.s32 $0x2800000, s11  }
0xe: {  	s26 =	sadd.s32 s6, s13;
	s21 =	simm.s32 $0x200;
	s22 =	sadd.s32 $0x4000, s8  }
0xf: {  	s12 =	sadd.s32 $0x8000, s8;
	s23 =	sadd.s32 $0xC000, s8;
	[dreg:$0x7] =	wrdreg s26  }
.Ltmp0:
0x10: {  	s14 =	sadd.s32 $0x10000, s8;
	[dreg:$0x3] =	wrdreg s22;
	(pc) =	sbr.rel .LBB2_1-.Ltmp0, $4  }
0x11: {  	s25 =	sshrl.u32 s15, $0x3;
	s19 =	sadd.s32 $0xB9200, s0;
	[dreg:$0x4] =	wrdreg s12  }
0x12: {  	s26 =	simm.s32 $0x2;
	s0 =	simm.s32 $0x0;
	[dreg:$0x5] =	wrdreg s23  }
0x13: {  	[dreg:$0x6] =	wrdreg s14;
	s2 =	sadd.s32 s6, s25;
	s22 =	simm.s32 $0x4  }
0x14: {  	v0 =	vimm.f32 $0.0e+00;
	s23 =	simm.s32 $0x1;
	s25 =	simm.s32 $0x8200;
	[dreg:$0x8] =	wrdreg s2  }
.LBB2_16:
0x15: {  	_ =	swait.ge [sflag:s30], $0x800;
	s2 =	stileid.u32  }
0x16: {  	s10 =	sshrl.u32 s8, $0x3;
	s0 =	sadd.s32 $0x1, s0;
	[sflag:s30] =	ssyncset.done $0x0  }
0x17: {  	s2 =	sshll.u32 s2, $0x6;
	p1 =	sne.s32 s0, s20;
	[sflag:s30] =	ssyncadd.s32 $0xFFFFF800  }
.Ltmp1:
0x18: {  	s2 =	sor.u32 $0x1C04, s2;
	[bflag:$0x0] =	sbarrier.arrive $0xFFFF;
	(pc) =	sbr.rel @!p1 .LBB2_17-.Ltmp1, $4  }
0x19: {  	[hbm:s19], [sflag:s2] =	dma.local [spmem:s10], $0x2780  }
0x1a: {  	_ =	swait.ge [sflag:s22], $0x2780  }
0x1b: {  	[sflag:s22] =	ssyncset.done $0x0  }
0x1c: {  	[sflag:s22] =	ssyncadd.s32 $0xFFFFD880  }
.LBB2_1:
0x1d: {  	s2 =	simm.s32 $0x0;
	s10 =	simm.s32 $0x200  }
.LBB2_2:
0x1e: {  	p1 =	sne.s32 s10, $0xFE00;
	[tilespmem:s2+$0x270] =	vst v0  }
0x1f: {  	[tilespmem:s2+$0x200] =	vst v0  }
0x20: {  	[tilespmem:s2+$0x210] =	vst v0  }
.Ltmp2:
0x21: {  	[tilespmem:s2+$0x220] =	vst v0;
	(pc) =	sbr.rel @p1 .LBB2_2-.Ltmp2, $4  }
0x22: {  	[tilespmem:s2+$0x230] =	vst v0  }
0x23: {  	[tilespmem:s2+$0x240] =	vst v0  }
0x24: {  	[tilespmem:s2+$0x250] =	vst v0  }
0x25: {  	[tilespmem:s2+$0x260] =	vst v0;
	s2 =	sshra.s32 s10, $0x2;
	s10 =	sadd.s32 $0x200, s10  }
0x26: {  	[tilespmem:s2+$0x270] =	vst v0  }
0x27: {  	[tilespmem:s2+$0x200] =	vst v0  }
0x28: {  	[tilespmem:s2+$0x210] =	vst v0  }
0x29: {  	[tilespmem:s2+$0x220] =	vst v0  }
0x2a: {  	[tilespmem:s2+$0x230] =	vst v0  }
0x2b: {  	[tilespmem:s2+$0x240] =	vst v0  }
0x2c: {  	[tilespmem:s2+$0x250] =	vst v0  }
0x2d: {  	[tilespmem:s2+$0x260] =	vst v0  }
0x2e: {  	[spmem:s8] =	stream.linear.scatter [tilespmem:s21], [sflag:$0x4], $0x4000, $0x38;
	[tilespmem:$0x1FE00] =	vst v63  }
0x2f: {  	_ =	swait.ge [sflag:s22], $0x4000  }
0x30: {  	[sflag:s22] =	ssyncset.done $0x0  }
0x31: {  	s13 =	rddreg [dreg:$0x3];
	[sflag:s22] =	ssyncadd.s32 $0xFFFFC000  }
0x32: {  	[spmem:s13] =	stream.linear.scatter [tilespmem:s21], [sflag:$0x4], $0x4000, $0x38;
	[tilespmem:$0x1FE00] =	vst v63  }
0x33: {  	_ =	swait.ge [sflag:s22], $0x4000  }
0x34: {  	[sflag:s22] =	ssyncset.done $0x0  }
0x35: {  	s14 =	rddreg [dreg:$0x4];
	[sflag:s22] =	ssyncadd.s32 $0xFFFFC000  }
0x36: {  	[spmem:s14] =	stream.linear.scatter [tilespmem:s21], [sflag:$0x4], $0x4000, $0x38;
	[tilespmem:$0x1FE00] =	vst v63  }
0x37: {  	_ =	swait.ge [sflag:s22], $0x4000  }
0x38: {  	[sflag:s22] =	ssyncset.done $0x0  }
0x39: {  	s17 =	rddreg [dreg:$0x5];
	[sflag:s22] =	ssyncadd.s32 $0xFFFFC000  }
0x3a: {  	[spmem:s17] =	stream.linear.scatter [tilespmem:s21], [sflag:$0x4], $0x4000, $0x38;
	[tilespmem:$0x1FE00] =	vst v63  }
0x3b: {  	_ =	swait.ge [sflag:s22], $0x4000  }
0x3c: {  	[sflag:s22] =	ssyncset.done $0x0  }
0x3d: {  	s18 =	rddreg [dreg:$0x6];
	[sflag:s22] =	ssyncadd.s32 $0xFFFFC000  }
0x3e: {  	[spmem:s18] =	stream.linear.scatter [tilespmem:s21], [sflag:$0x4], $0x3C00, $0x38;
	[tilespmem:$0x1FE00] =	vst v63  }
.Ltmp3:
0x3f: {  	_ =	swait.ge [sflag:s22], $0x3C00;
	(pc) =	sbr.rel @!p0 .LBB2_4-.Ltmp3, $4  }
0x40: {  	[sflag:s22] =	ssyncset.done $0x0  }
0x41: {  	[sflag:s22] =	ssyncadd.s32 $0xFFFFC400  }
0x42: {  	s17 =	simm.s32 $0x0;
	[bflag:$0x0] =	sbarrier.arrive $0xFFFF  }
0x43: {  	[tilespmem:s3], [sflag:$0x1] =	stream.linear.gather [hbm4b:s16+s3], $0x100, $0x38;
	[tilespmem:$0x1FE00] =	vst v63  }
0x44: {  	s2 =	rddreg [dreg:$0x8];
	s18 =	simm.s32 $0x0  }
0x45: {  	[tilespmem:s21], [sflag:$0x1] =	stream.linear.gather [hbm4b:s2+s17], $0x4000, $0x38;
	[tilespmem:$0x1FE00] =	vst v63  }
.LBB2_11:
0x46: {  	_ =	swait.ge [sflag:s23], $0x100  }
0x47: {  	[sflag:s23] =	ssyncset.done $0x0  }
0x48: {  	[sflag:s23] =	ssyncadd.s32 $0xFFFFFF00  }
0x49: {  	_ =	swait.ge [sflag:s23], $0x4000  }
0x4a: {  	[sflag:s23] =	ssyncset.done $0x0  }
0x4b: {  	[sflag:s23] =	ssyncadd.s32 $0xFFFFC000  }
0x4c: {  	[tilespmem:s25], [sflag:$0x2] =	stream.indirect.gather [hbm4b:s5+s24], $0x80, s3, s24, $0xb8;
	[tilespmem:$0x1FE00] =	vst v63  }
0x4d: {  	_ =	swait.ge [sflag:s26], $0x4000  }
0x4e: {  	s2 =	sshll.u32 s18, $0x1;
	p1 =	seq.s32 s18, $0x0;
	[sflag:s26] =	ssyncset.done $0x0  }
0x4f: {  	s12 =	simm.s32 @!p1 $0x3;
	s10 =	sor.u32 $0x1, s2;
	[sflag:s26] =	ssyncadd.s32 $0xFFFFC000  }
0x50: {  	s13 =	sadd.s32 s9, s10;
	_ =	swait.ge @!p1 [sflag:s12], $0x800  }
0x51: {  	s14 =	sshll.u32 s10, $0xE;
	s13 =	sshll.u32 s13, $0x5;
	[sflag:s12] =	ssyncset.done @!p1 $0x0  }
0x52: {  	s13 =	sadd.s32 s7, s13;
	[sflag:s12] =	ssyncadd.s32 @!p1 $0xFFFFF800;
	s12 =	sadd.s32 s14, s15  }
0x53: {  	[tilespmem:s28], [sflag:$0x1] =	stream.linear.gather [hbm4b:s13+s17], $0x100, $0x38;
	[tilespmem:$0x1FE00] =	vst v63  }
0x54: {  	s12 =	sshrl.u32 s12, $0x3  }
0x55: {  	s12 =	sadd.s32 s6, s12  }
0x56: {  	[tilespmem:s29], [sflag:$0x1] =	stream.linear.gather [hbm4b:s12+s17], $0x4000, $0x38;
	[tilespmem:$0x1FE00] =	vst v63  }
0x57: {  	s12 =	simm.s32 $0x0  }
0x58: {  	v7 =	vld [tilespmem:s12+$0x8200]  }
0x59: {  	v12 =	vld [tilespmem:s12+$0x8210]  }
0x5a: {  	v6 =	vld [tilespmem:s12+$0x8220]  }
0x5b: {  	v5 =	vld [tilespmem:s12+$0x8230]  }
0x5c: {  	v4 =	vld [tilespmem:s12+$0x8240]  }
0x5d: {  	v3 =	vld [tilespmem:s12+$0x8250]  }
0x5e: {  	v2 =	vld [tilespmem:s12+$0x8260]  }
0x5f: {  	v1 =	vld [tilespmem:s12+$0x8270]  }
0x60: {  	v13 =	vld [tilespmem:s12+$0x200]  }
0x61: {  	v14 =	vld [tilespmem:s12+$0x210]  }
0x62: {  	v11 =	vld [tilespmem:s12+$0x220]  }
0x63: {  	v10 =	vld [tilespmem:s12+$0x230]  }
0x64: {  	v9 =	vld [tilespmem:s12+$0x240]  }
0x65: {  	v8 =	vld [tilespmem:s12+$0x250];
	v13 =	vadd.f32 v7, v13  }
0x66: {  	s13 =	simm.s32 $0x200;
	v12 =	vadd.f32 v12, v14;
	v7 =	vld [tilespmem:s12+$0x260]  }
.LBB2_12:
0x67: {  	s14 =	sshra.s32 s13, $0x2;
	p1 =	sne.s32 s13, $0xFE00;
	v13 =	vmax.f32 v13, $0.0e+00;
	v6 =	vadd.f32 v6, v11;
	v11 =	vld [tilespmem:s12+$0x270]  }
0x68: {  	v14 =	vld [tilespmem:s14+$0x8200];
	[tilespmem:s12+$0x200] =	vst v13;
	v12 =	vmax.f32 v12, $0.0e+00;
	v5 =	vadd.f32 v5, v10  }
0x69: {  	v15 =	vld [tilespmem:s14+$0x8210];
	[tilespmem:s12+$0x210] =	vst v12;
	v10 =	vmax.f32 v6, $0.0e+00;
	v4 =	vadd.f32 v4, v9  }
0x6a: {  	v6 =	vld [tilespmem:s14+$0x8220];
	[tilespmem:s12+$0x220] =	vst v10;
	v9 =	vmax.f32 v5, $0.0e+00;
	v3 =	vadd.f32 v3, v8  }
0x6b: {  	v5 =	vld [tilespmem:s14+$0x8230];
	[tilespmem:s12+$0x230] =	vst v9;
	v8 =	vmax.f32 v4, $0.0e+00;
	v2 =	vadd.f32 v2, v7  }
0x6c: {  	v4 =	vld [tilespmem:s14+$0x8240];
	[tilespmem:s12+$0x240] =	vst v8;
	v7 =	vmax.f32 v3, $0.0e+00;
	v1 =	vadd.f32 v1, v11  }
0x6d: {  	v3 =	vld [tilespmem:s14+$0x8250];
	[tilespmem:s12+$0x250] =	vst v7;
	v7 =	vmax.f32 v2, $0.0e+00  }
0x6e: {  	v2 =	vld [tilespmem:s14+$0x8260];
	[tilespmem:s12+$0x260] =	vst v7;
	v7 =	vmax.f32 v1, $0.0e+00  }
0x6f: {  	v1 =	vld [tilespmem:s14+$0x8270];
	[tilespmem:s12+$0x270] =	vst v7;
	s12 =	smov.u32 s14  }
0x70: {  	v7 =	vld [tilespmem:s12+$0x200]  }
0x71: {  	v12 =	vld [tilespmem:s12+$0x210]  }
.Ltmp4:
0x72: {  	v11 =	vld [tilespmem:s12+$0x220];
	(pc) =	sbr.rel @p1 .LBB2_12-.Ltmp4, $4  }
0x73: {  	v10 =	vld [tilespmem:s12+$0x230]  }
0x74: {  	v9 =	vld [tilespmem:s12+$0x240]  }
0x75: {  	v13 =	vadd.f32 v14, v7;
	v8 =	vld [tilespmem:s12+$0x250]  }
0x76: {  	s13 =	sadd.s32 $0x200, s13;
	v12 =	vadd.f32 v15, v12;
	v7 =	vld [tilespmem:s12+$0x260]  }
0x77: {  	v13 =	vmax.f32 v13, $0.0e+00;
	v6 =	vadd.f32 v6, v11;
	v11 =	vld [tilespmem:s12+$0x270]  }
0x78: {  	[tilespmem:s12+$0x200] =	vst v13;
	v12 =	vmax.f32 v12, $0.0e+00;
	v5 =	vadd.f32 v5, v10  }
0x79: {  	[tilespmem:s12+$0x210] =	vst v12;
	v6 =	vmax.f32 v6, $0.0e+00;
	v4 =	vadd.f32 v4, v9  }
0x7a: {  	[tilespmem:s12+$0x220] =	vst v6;
	v5 =	vmax.f32 v5, $0.0e+00;
	v3 =	vadd.f32 v3, v8  }
0x7b: {  	[tilespmem:s12+$0x230] =	vst v5;
	v4 =	vmax.f32 v4, $0.0e+00;
	v2 =	vadd.f32 v2, v7  }
0x7c: {  	[tilespmem:s12+$0x240] =	vst v4;
	v3 =	vmax.f32 v3, $0.0e+00;
	v1 =	vadd.f32 v1, v11  }
0x7d: {  	[tilespmem:s12+$0x250] =	vst v3;
	v2 =	vmax.f32 v2, $0.0e+00  }
0x7e: {  	[tilespmem:s12+$0x260] =	vst v2;
	v1 =	vmax.f32 v1, $0.0e+00  }
0x7f: {  	[tilespmem:s12+$0x270] =	vst v1  }
0x80: {  	[spmem:s1] =	stream.indirect.scatter.add.f32 [tilespmem:s21], [sflag:$0x3], $0x80, s24, s24, $0xb8;
	[tilespmem:$0x1FE00] =	vst v63  }
0x81: {  	_ =	swait.ge [sflag:s23], $0x100  }
0x82: {  	[sflag:s23] =	ssyncset.done $0x0  }
0x83: {  	[sflag:s23] =	ssyncadd.s32 $0xFFFFFF00  }
0x84: {  	_ =	swait.ge [sflag:s23], $0x4000  }
0x85: {  	[sflag:s23] =	ssyncset.done $0x0  }
0x86: {  	[sflag:s23] =	ssyncadd.s32 $0xFFFFC000  }
0x87: {  	[tilespmem:s25], [sflag:$0x2] =	stream.indirect.gather [hbm4b:s5+s24], $0x80, s28, s24, $0xb8;
	[tilespmem:$0x1FE00] =	vst v63  }
0x88: {  	p1 =	sgt.u32 s10, $0x9E;
	_ =	swait.ge [sflag:s26], $0x4000  }
0x89: {  	s2 =	sadd.s32 @!p1 $0x2, s2;
	[sflag:s26] =	ssyncset.done $0x0  }
0x8a: {  	s10 =	sadd.s32 @!p1 s9, s2;
	[sflag:s26] =	ssyncadd.s32 $0xFFFFC000  }
0x8b: {  	s2 =	sshll.u32 @!p1 s2, $0xE;
	s10 =	sshll.u32 @!p1 s10, $0x5;
	_ =	swait.ge [sflag:s30], $0x800  }
0x8c: {  	s2 =	sadd.s32 @!p1 s2, s15;
	s10 =	sadd.s32 @!p1 s7, s10;
	[sflag:s30] =	ssyncset.done $0x0  }
0x8d: {  	s2 =	sshrl.u32 @!p1 s2, $0x3;
	s12 =	simm.s32 @!p1 $0x0;
	[sflag:s30] =	ssyncadd.s32 $0xFFFFF800  }
0x8e: {  	[tilespmem:s12], [sflag:$0x1] =	stream.linear.gather @!p1 [hbm4b:s10+s12], $0x100, $0x38;
	[tilespmem:$0x1FE00] =	vst v63  }
0x8f: {  	s2 =	sadd.s32 @!p1 s6, s2;
	s10 =	simm.s32 @!p1 $0x200  }
0x90: {  	[tilespmem:s10], [sflag:$0x1] =	stream.linear.gather @!p1 [hbm4b:s2+s12], $0x4000, $0x38;
	[tilespmem:$0x1FE00] =	vst v63  }
0x91: {  	s2 =	simm.s32 $0x0  }
0x92: {  	v7 =	vld [tilespmem:s2+$0x8200]  }
0x93: {  	v12 =	vld [tilespmem:s2+$0x8210]  }
0x94: {  	v6 =	vld [tilespmem:s2+$0x8220]  }
0x95: {  	v5 =	vld [tilespmem:s2+$0x8230]  }
0x96: {  	v4 =	vld [tilespmem:s2+$0x8240]  }
0x97: {  	v3 =	vld [tilespmem:s2+$0x8250]  }
0x98: {  	v2 =	vld [tilespmem:s2+$0x8260]  }
0x99: {  	v1 =	vld [tilespmem:s2+$0x8270]  }
0x9a: {  	v13 =	vld [tilespmem:s2+$0x4200]  }
0x9b: {  	v14 =	vld [tilespmem:s2+$0x4210]  }
0x9c: {  	v11 =	vld [tilespmem:s2+$0x4220]  }
0x9d: {  	v10 =	vld [tilespmem:s2+$0x4230]  }
0x9e: {  	v9 =	vld [tilespmem:s2+$0x4240]  }
0x9f: {  	v8 =	vld [tilespmem:s2+$0x4250];
	v13 =	vadd.f32 v7, v13  }
0xa0: {  	s10 =	simm.s32 $0x200;
	v12 =	vadd.f32 v12, v14;
	v7 =	vld [tilespmem:s2+$0x4260]  }
.LBB2_14:
0xa1: {  	s12 =	sshra.s32 s10, $0x2;
	p1 =	sne.s32 s10, $0xFE00;
	v13 =	vmax.f32 v13, $0.0e+00;
	v6 =	vadd.f32 v6, v11;
	v11 =	vld [tilespmem:s2+$0x4270]  }
0xa2: {  	v14 =	vld [tilespmem:s12+$0x8200];
	[tilespmem:s2+$0x4200] =	vst v13;
	v12 =	vmax.f32 v12, $0.0e+00;
	v5 =	vadd.f32 v5, v10  }
0xa3: {  	v15 =	vld [tilespmem:s12+$0x8210];
	[tilespmem:s2+$0x4210] =	vst v12;
	v10 =	vmax.f32 v6, $0.0e+00;
	v4 =	vadd.f32 v4, v9  }
0xa4: {  	v6 =	vld [tilespmem:s12+$0x8220];
	[tilespmem:s2+$0x4220] =	vst v10;
	v9 =	vmax.f32 v5, $0.0e+00;
	v3 =	vadd.f32 v3, v8  }
0xa5: {  	v5 =	vld [tilespmem:s12+$0x8230];
	[tilespmem:s2+$0x4230] =	vst v9;
	v8 =	vmax.f32 v4, $0.0e+00;
	v2 =	vadd.f32 v2, v7  }
0xa6: {  	v4 =	vld [tilespmem:s12+$0x8240];
	[tilespmem:s2+$0x4240] =	vst v8;
	v7 =	vmax.f32 v3, $0.0e+00;
	v1 =	vadd.f32 v1, v11  }
0xa7: {  	v3 =	vld [tilespmem:s12+$0x8250];
	[tilespmem:s2+$0x4250] =	vst v7;
	v7 =	vmax.f32 v2, $0.0e+00  }
0xa8: {  	v2 =	vld [tilespmem:s12+$0x8260];
	[tilespmem:s2+$0x4260] =	vst v7;
	v7 =	vmax.f32 v1, $0.0e+00  }
0xa9: {  	v1 =	vld [tilespmem:s12+$0x8270];
	[tilespmem:s2+$0x4270] =	vst v7;
	s2 =	smov.u32 s12  }
0xaa: {  	v7 =	vld [tilespmem:s2+$0x4200]  }
0xab: {  	v12 =	vld [tilespmem:s2+$0x4210]  }
.Ltmp5:
0xac: {  	v11 =	vld [tilespmem:s2+$0x4220];
	(pc) =	sbr.rel @p1 .LBB2_14-.Ltmp5, $4  }
0xad: {  	v10 =	vld [tilespmem:s2+$0x4230]  }
0xae: {  	v9 =	vld [tilespmem:s2+$0x4240]  }
0xaf: {  	v13 =	vadd.f32 v14, v7;
	v8 =	vld [tilespmem:s2+$0x4250]  }
0xb0: {  	s10 =	sadd.s32 $0x200, s10;
	v12 =	vadd.f32 v15, v12;
	v7 =	vld [tilespmem:s2+$0x4260]  }
0xb1: {  	v13 =	vmax.f32 v13, $0.0e+00;
	v6 =	vadd.f32 v6, v11;
	v63 =	vld [tilespmem:s2+$0x4270]  }
0xb2: {  	[tilespmem:s2+$0x4200] =	vst v13;
	v12 =	vmax.f32 v12, $0.0e+00;
	v5 =	vadd.f32 v5, v10  }
0xb3: {  	[tilespmem:s2+$0x4210] =	vst v12;
	v6 =	vmax.f32 v6, $0.0e+00;
	v4 =	vadd.f32 v4, v9  }
0xb4: {  	s18 =	sadd.s32 $0x1, s18;
	[tilespmem:s2+$0x4220] =	vst v6;
	v5 =	vmax.f32 v5, $0.0e+00;
	v3 =	vadd.f32 v3, v8  }
0xb5: {  	p1 =	sne.s32 s18, $0x50;
	[tilespmem:s2+$0x4230] =	vst v5;
	v4 =	vmax.f32 v4, $0.0e+00;
	v2 =	vadd.f32 v2, v7  }
.Ltmp6:
0xb6: {  	[tilespmem:s2+$0x4240] =	vst v4;
	v3 =	vmax.f32 v3, $0.0e+00;
	v1 =	vadd.f32 v1, v63;
	(pc) =	sbr.rel @p1 .LBB2_11-.Ltmp6, $4  }
.Ltmp7:
0xb7: {  	[tilespmem:s2+$0x4250] =	vst v3;
	v2 =	vmax.f32 v2, $0.0e+00;
	(pc) =	sbr.rel @!p1 .LBB2_16-.Ltmp7, $4  }
0xb8: {  	[tilespmem:s2+$0x4260] =	vst v2;
	v1 =	vmax.f32 v1, $0.0e+00  }
0xb9: {  	[tilespmem:s2+$0x4270] =	vst v1  }
0xba: {  	[spmem:s1] =	stream.indirect.scatter.add.f32 [tilespmem:s29], [sflag:$0x3], $0x80, s31, s24, $0xb8;
	[tilespmem:$0x1FE00] =	vst v63  }
0xbb: {  	_ = 	snop  }
.LBB2_4:
0xbc: {  	s2 =	rddreg [dreg:$0x7];
	s18 =	simm.s32 $0x0  }
0xbd: {  	[tilespmem:s21], [sflag:$0x1] =	stream.linear.gather [hbm4b:s2+s17], $0x4000, $0x38;
	[tilespmem:$0x1FE00] =	vst v63  }
.LBB2_5:
0xbe: {  	_ =	swait.ge [sflag:s23], $0x100  }
0xbf: {  	[sflag:s23] =	ssyncset.done $0x0  }
0xc0: {  	[sflag:s23] =	ssyncadd.s32 $0xFFFFFF00  }
0xc1: {  	_ =	swait.ge [sflag:s23], $0x4000  }
0xc2: {  	[sflag:s23] =	ssyncset.done $0x0  }
0xc3: {  	[sflag:s23] =	ssyncadd.s32 $0xFFFFC000  }
0xc4: {  	[tilespmem:s25], [sflag:$0x2] =	stream.indirect.gather [hbm4b:s4+s24], $0x80, s3, s24, $0xb8;
	[tilespmem:$0x1FE00] =	vst v63  }
0xc5: {  	_ =	swait.ge [sflag:s26], $0x4000  }
0xc6: {  	s2 =	sshll.u32 s18, $0x1;
	p1 =	seq.s32 s18, $0x0;
	[sflag:s26] =	ssyncset.done $0x0  }
0xc7: {  	s12 =	simm.s32 @!p1 $0x3;
	s10 =	sor.u32 $0x1, s2;
	[sflag:s26] =	ssyncadd.s32 $0xFFFFC000  }
0xc8: {  	s13 =	sadd.s32 s9, s10;
	_ =	swait.ge @!p1 [sflag:s12], $0x800  }
0xc9: {  	s14 =	sshll.u32 s10, $0xE;
	s13 =	sshll.u32 s13, $0x5;
	[sflag:s12] =	ssyncset.done @!p1 $0x0  }
0xca: {  	s13 =	sadd.s32 s7, s13;
	[sflag:s12] =	ssyncadd.s32 @!p1 $0xFFFFF800;
	s12 =	sadd.s32 s11, s14  }
0xcb: {  	[tilespmem:s28], [sflag:$0x1] =	stream.linear.gather [hbm4b:s13+s17], $0x100, $0x38;
	[tilespmem:$0x1FE00] =	vst v63  }
0xcc: {  	s12 =	sshrl.u32 s12, $0x3  }
0xcd: {  	s12 =	sadd.s32 s6, s12  }
0xce: {  	[tilespmem:s29], [sflag:$0x1] =	stream.linear.gather [hbm4b:s12+s17], $0x4000, $0x38;
	[tilespmem:$0x1FE00] =	vst v63  }
0xcf: {  	s12 =	simm.s32 $0x0  }
0xd0: {  	v7 =	vld [tilespmem:s12+$0x8200]  }
0xd1: {  	v12 =	vld [tilespmem:s12+$0x8210]  }
0xd2: {  	v6 =	vld [tilespmem:s12+$0x8220]  }
0xd3: {  	v5 =	vld [tilespmem:s12+$0x8230]  }
0xd4: {  	v4 =	vld [tilespmem:s12+$0x8240]  }
0xd5: {  	v3 =	vld [tilespmem:s12+$0x8250]  }
0xd6: {  	v2 =	vld [tilespmem:s12+$0x8260]  }
0xd7: {  	v1 =	vld [tilespmem:s12+$0x8270]  }
0xd8: {  	v13 =	vld [tilespmem:s12+$0x200]  }
0xd9: {  	v14 =	vld [tilespmem:s12+$0x210]  }
0xda: {  	v11 =	vld [tilespmem:s12+$0x220]  }
0xdb: {  	v10 =	vld [tilespmem:s12+$0x230]  }
0xdc: {  	v9 =	vld [tilespmem:s12+$0x240]  }
0xdd: {  	v8 =	vld [tilespmem:s12+$0x250];
	v13 =	vadd.f32 v7, v13  }
0xde: {  	s13 =	simm.s32 $0x200;
	v12 =	vadd.f32 v12, v14;
	v7 =	vld [tilespmem:s12+$0x260]  }
.LBB2_6:
0xdf: {  	s14 =	sshra.s32 s13, $0x2;
	p1 =	sne.s32 s13, $0xFE00;
	v13 =	vmax.f32 v13, $0.0e+00;
	v6 =	vadd.f32 v6, v11;
	v11 =	vld [tilespmem:s12+$0x270]  }
0xe0: {  	v14 =	vld [tilespmem:s14+$0x8200];
	[tilespmem:s12+$0x200] =	vst v13;
	v12 =	vmax.f32 v12, $0.0e+00;
	v5 =	vadd.f32 v5, v10  }
0xe1: {  	v15 =	vld [tilespmem:s14+$0x8210];
	[tilespmem:s12+$0x210] =	vst v12;
	v10 =	vmax.f32 v6, $0.0e+00;
	v4 =	vadd.f32 v4, v9  }
0xe2: {  	v6 =	vld [tilespmem:s14+$0x8220];
	[tilespmem:s12+$0x220] =	vst v10;
	v9 =	vmax.f32 v5, $0.0e+00;
	v3 =	vadd.f32 v3, v8  }
0xe3: {  	v5 =	vld [tilespmem:s14+$0x8230];
	[tilespmem:s12+$0x230] =	vst v9;
	v8 =	vmax.f32 v4, $0.0e+00;
	v2 =	vadd.f32 v2, v7  }
0xe4: {  	v4 =	vld [tilespmem:s14+$0x8240];
	[tilespmem:s12+$0x240] =	vst v8;
	v7 =	vmax.f32 v3, $0.0e+00;
	v1 =	vadd.f32 v1, v11  }
0xe5: {  	v3 =	vld [tilespmem:s14+$0x8250];
	[tilespmem:s12+$0x250] =	vst v7;
	v7 =	vmax.f32 v2, $0.0e+00  }
0xe6: {  	v2 =	vld [tilespmem:s14+$0x8260];
	[tilespmem:s12+$0x260] =	vst v7;
	v7 =	vmax.f32 v1, $0.0e+00  }
0xe7: {  	v1 =	vld [tilespmem:s14+$0x8270];
	[tilespmem:s12+$0x270] =	vst v7;
	s12 =	smov.u32 s14  }
0xe8: {  	v7 =	vld [tilespmem:s12+$0x200]  }
0xe9: {  	v12 =	vld [tilespmem:s12+$0x210]  }
.Ltmp8:
0xea: {  	v11 =	vld [tilespmem:s12+$0x220];
	(pc) =	sbr.rel @p1 .LBB2_6-.Ltmp8, $4  }
0xeb: {  	v10 =	vld [tilespmem:s12+$0x230]  }
0xec: {  	v9 =	vld [tilespmem:s12+$0x240]  }
0xed: {  	v13 =	vadd.f32 v14, v7;
	v8 =	vld [tilespmem:s12+$0x250]  }
0xee: {  	s13 =	sadd.s32 $0x200, s13;
	v12 =	vadd.f32 v15, v12;
	v7 =	vld [tilespmem:s12+$0x260]  }
0xef: {  	v13 =	vmax.f32 v13, $0.0e+00;
	v6 =	vadd.f32 v6, v11;
	v11 =	vld [tilespmem:s12+$0x270]  }
0xf0: {  	[tilespmem:s12+$0x200] =	vst v13;
	v12 =	vmax.f32 v12, $0.0e+00;
	v5 =	vadd.f32 v5, v10  }
0xf1: {  	[tilespmem:s12+$0x210] =	vst v12;
	v6 =	vmax.f32 v6, $0.0e+00;
	v4 =	vadd.f32 v4, v9  }
0xf2: {  	[tilespmem:s12+$0x220] =	vst v6;
	v5 =	vmax.f32 v5, $0.0e+00;
	v3 =	vadd.f32 v3, v8  }
0xf3: {  	[tilespmem:s12+$0x230] =	vst v5;
	v4 =	vmax.f32 v4, $0.0e+00;
	v2 =	vadd.f32 v2, v7  }
0xf4: {  	[tilespmem:s12+$0x240] =	vst v4;
	v3 =	vmax.f32 v3, $0.0e+00;
	v1 =	vadd.f32 v1, v11  }
0xf5: {  	[tilespmem:s12+$0x250] =	vst v3;
	v2 =	vmax.f32 v2, $0.0e+00  }
0xf6: {  	[tilespmem:s12+$0x260] =	vst v2;
	v1 =	vmax.f32 v1, $0.0e+00  }
0xf7: {  	[tilespmem:s12+$0x270] =	vst v1  }
0xf8: {  	[spmem:s1] =	stream.indirect.scatter.add.f32 [tilespmem:s21], [sflag:$0x3], $0x80, s24, s24, $0xb8;
	[tilespmem:$0x1FE00] =	vst v63  }
0xf9: {  	_ =	swait.ge [sflag:s23], $0x100  }
0xfa: {  	[sflag:s23] =	ssyncset.done $0x0  }
0xfb: {  	[sflag:s23] =	ssyncadd.s32 $0xFFFFFF00  }
0xfc: {  	_ =	swait.ge [sflag:s23], $0x4000  }
0xfd: {  	[sflag:s23] =	ssyncset.done $0x0  }
0xfe: {  	[sflag:s23] =	ssyncadd.s32 $0xFFFFC000  }
0xff: {  	[tilespmem:s25], [sflag:$0x2] =	stream.indirect.gather [hbm4b:s4+s24], $0x80, s28, s24, $0xb8;
	[tilespmem:$0x1FE00] =	vst v63  }
0x100: {  	p1 =	sgt.u32 s10, $0x9E;
	_ =	swait.ge [sflag:s26], $0x4000  }
0x101: {  	s2 =	sadd.s32 @!p1 $0x2, s2;
	[sflag:s26] =	ssyncset.done $0x0  }
0x102: {  	s10 =	sadd.s32 @!p1 s9, s2;
	[sflag:s26] =	ssyncadd.s32 $0xFFFFC000  }
0x103: {  	s2 =	sshll.u32 @!p1 s2, $0xE;
	s10 =	sshll.u32 @!p1 s10, $0x5;
	_ =	swait.ge [sflag:s30], $0x800  }
0x104: {  	s2 =	sadd.s32 @!p1 s11, s2;
	s10 =	sadd.s32 @!p1 s7, s10;
	[sflag:s30] =	ssyncset.done $0x0  }
0x105: {  	s2 =	sshrl.u32 @!p1 s2, $0x3;
	s12 =	simm.s32 @!p1 $0x0;
	[sflag:s30] =	ssyncadd.s32 $0xFFFFF800  }
0x106: {  	[tilespmem:s12], [sflag:$0x1] =	stream.linear.gather @!p1 [hbm4b:s10+s12], $0x100, $0x38;
	[tilespmem:$0x1FE00] =	vst v63  }
0x107: {  	s2 =	sadd.s32 @!p1 s6, s2;
	s10 =	simm.s32 @!p1 $0x200  }
0x108: {  	[tilespmem:s10], [sflag:$0x1] =	stream.linear.gather @!p1 [hbm4b:s2+s12], $0x4000, $0x38;
	[tilespmem:$0x1FE00] =	vst v63  }
0x109: {  	s2 =	simm.s32 $0x0  }
0x10a: {  	v7 =	vld [tilespmem:s2+$0x8200]  }
0x10b: {  	v12 =	vld [tilespmem:s2+$0x8210]  }
0x10c: {  	v6 =	vld [tilespmem:s2+$0x8220]  }
0x10d: {  	v5 =	vld [tilespmem:s2+$0x8230]  }
0x10e: {  	v4 =	vld [tilespmem:s2+$0x8240]  }
0x10f: {  	v3 =	vld [tilespmem:s2+$0x8250]  }
0x110: {  	v2 =	vld [tilespmem:s2+$0x8260]  }
0x111: {  	v1 =	vld [tilespmem:s2+$0x8270]  }
0x112: {  	v13 =	vld [tilespmem:s2+$0x4200]  }
0x113: {  	v14 =	vld [tilespmem:s2+$0x4210]  }
0x114: {  	v11 =	vld [tilespmem:s2+$0x4220]  }
0x115: {  	v10 =	vld [tilespmem:s2+$0x4230]  }
0x116: {  	v9 =	vld [tilespmem:s2+$0x4240]  }
0x117: {  	v8 =	vld [tilespmem:s2+$0x4250];
	v13 =	vadd.f32 v7, v13  }
0x118: {  	s10 =	simm.s32 $0x200;
	v12 =	vadd.f32 v12, v14;
	v7 =	vld [tilespmem:s2+$0x4260]  }
.LBB2_8:
0x119: {  	s12 =	sshra.s32 s10, $0x2;
	p1 =	sne.s32 s10, $0xFE00;
	v13 =	vmax.f32 v13, $0.0e+00;
	v6 =	vadd.f32 v6, v11;
	v11 =	vld [tilespmem:s2+$0x4270]  }
0x11a: {  	v14 =	vld [tilespmem:s12+$0x8200];
	[tilespmem:s2+$0x4200] =	vst v13;
	v12 =	vmax.f32 v12, $0.0e+00;
	v5 =	vadd.f32 v5, v10  }
0x11b: {  	v15 =	vld [tilespmem:s12+$0x8210];
	[tilespmem:s2+$0x4210] =	vst v12;
	v10 =	vmax.f32 v6, $0.0e+00;
	v4 =	vadd.f32 v4, v9  }
0x11c: {  	v6 =	vld [tilespmem:s12+$0x8220];
	[tilespmem:s2+$0x4220] =	vst v10;
	v9 =	vmax.f32 v5, $0.0e+00;
	v3 =	vadd.f32 v3, v8  }
0x11d: {  	v5 =	vld [tilespmem:s12+$0x8230];
	[tilespmem:s2+$0x4230] =	vst v9;
	v8 =	vmax.f32 v4, $0.0e+00;
	v2 =	vadd.f32 v2, v7  }
0x11e: {  	v4 =	vld [tilespmem:s12+$0x8240];
	[tilespmem:s2+$0x4240] =	vst v8;
	v7 =	vmax.f32 v3, $0.0e+00;
	v1 =	vadd.f32 v1, v11  }
0x11f: {  	v3 =	vld [tilespmem:s12+$0x8250];
	[tilespmem:s2+$0x4250] =	vst v7;
	v7 =	vmax.f32 v2, $0.0e+00  }
0x120: {  	v2 =	vld [tilespmem:s12+$0x8260];
	[tilespmem:s2+$0x4260] =	vst v7;
	v7 =	vmax.f32 v1, $0.0e+00  }
0x121: {  	v1 =	vld [tilespmem:s12+$0x8270];
	[tilespmem:s2+$0x4270] =	vst v7;
	s2 =	smov.u32 s12  }
0x122: {  	v7 =	vld [tilespmem:s2+$0x4200]  }
0x123: {  	v12 =	vld [tilespmem:s2+$0x4210]  }
.Ltmp9:
0x124: {  	v11 =	vld [tilespmem:s2+$0x4220];
	(pc) =	sbr.rel @p1 .LBB2_8-.Ltmp9, $4  }
0x125: {  	v10 =	vld [tilespmem:s2+$0x4230]  }
0x126: {  	v9 =	vld [tilespmem:s2+$0x4240]  }
0x127: {  	v13 =	vadd.f32 v14, v7;
	v8 =	vld [tilespmem:s2+$0x4250]  }
0x128: {  	s10 =	sadd.s32 $0x200, s10;
	v12 =	vadd.f32 v15, v12;
	v7 =	vld [tilespmem:s2+$0x4260]  }
0x129: {  	v13 =	vmax.f32 v13, $0.0e+00;
	v6 =	vadd.f32 v6, v11;
	v63 =	vld [tilespmem:s2+$0x4270]  }
0x12a: {  	[tilespmem:s2+$0x4200] =	vst v13;
	v12 =	vmax.f32 v12, $0.0e+00;
	v5 =	vadd.f32 v5, v10  }
0x12b: {  	[tilespmem:s2+$0x4210] =	vst v12;
	v6 =	vmax.f32 v6, $0.0e+00;
	v4 =	vadd.f32 v4, v9  }
0x12c: {  	s18 =	sadd.s32 $0x1, s18;
	[tilespmem:s2+$0x4220] =	vst v6;
	v5 =	vmax.f32 v5, $0.0e+00;
	v3 =	vadd.f32 v3, v8  }
0x12d: {  	p1 =	seq.s32 s18, $0x50;
	[tilespmem:s2+$0x4230] =	vst v5;
	v4 =	vmax.f32 v4, $0.0e+00;
	v2 =	vadd.f32 v2, v7  }
.Ltmp10:
0x12e: {  	[tilespmem:s2+$0x4240] =	vst v4;
	v3 =	vmax.f32 v3, $0.0e+00;
	v1 =	vadd.f32 v1, v63;
	(pc) =	sbr.rel @!p1 .LBB2_5-.Ltmp10, $4  }
.Ltmp11:
0x12f: {  	[tilespmem:s2+$0x4250] =	vst v3;
	v2 =	vmax.f32 v2, $0.0e+00;
	(pc) =	sbr.rel @p1 .LBB2_16-.Ltmp11, $4  }
0x130: {  	[tilespmem:s2+$0x4260] =	vst v2;
	v1 =	vmax.f32 v1, $0.0e+00  }
0x131: {  	[tilespmem:s2+$0x4270] =	vst v1  }
0x132: {  	[spmem:s1] =	stream.indirect.scatter.add.f32 [tilespmem:s29], [sflag:$0x3], $0x80, s31, s24, $0xb8;
	[tilespmem:$0x1FE00] =	vst v63  }
0x133: {  	_ = 	snop  }
.LBB2_17:
0x134: {  	_ =	sfence.sel $0x180000  }
0x135: {  	[bflag:$0x0] =	sbarrier.arrive $0xFFFF  }
0x136: {  	_ =	strace $0x9000004A  }
0x137: {  	s0 =	stileid.u32;
	[bflag:$0x2] =	sbarrier.arrive $0xFFFF  }
0x138: {  	p0 =	sne.s32 s0, $0x0;
	s0 =	rddreg [dreg:$0x2]  }
0x139: {  	s0 =	sadd.s32 @!p0 $0x100000, s0  }
0x13a: {  	[sflag:s0] =	ssyncadd.tile.s32 @!p0 $0x1;
	_ =	shalt  }
.Lfunc_end2:
_tile_overlayer_lowered:
.L_overlay_start_2:
0x13b: {  	(tag) =	ssettag $0x2  }
0x13c: {  	s0 =	rddreg [dreg:$0x0];
	s2 =	stileid.u32  }
0x13d: {  	s1 =	rddreg [dreg:$0x1];
	p0 =	sne.s32 s2, $0x0  }
0x13e: {  	s3 =	rddreg [dreg:$0x2];
	[bflag:$0x3] =	sbarrier.arrive $0xFFFF;
	s2 =	simm.s32 @!p0 $0x1C04  }
0x13f: {  	[timem:s3], [sflag:s2] =	dma.local @!p0 [hbm:s0], s1  }
0x140: {  	s0 =	simm.s32 @!p0 $0x4  }
0x141: {  	_ =	swait.ge @!p0 [sflag:s0], s1  }
0x142: {  	s1 =	ssub.s32 @!p0 $0x0, s1;
	[sflag:s0] =	ssyncset.done @!p0 $0x0  }
0x143: {  	[sflag:s0] =	ssyncadd.s32 @!p0 s1  }
0x144: {  	[bflag:$0x3] =	sbarrier.arrive $0xFFFF  }
0x145: {  	_ =	shalt  }

// kernel: kernel.24.cloned.1.call-start
scs
__scs_entry_jumppad:
0x0: {  	(pc) =	sbr.rel $0x88, $3  }
0x1: {  	(tag) =	ssettag $0x0;
	lr =	simm.s32 $0x1  }
0x2: {  	[smem:$0x3F7B] =	sst lr;
	_ =	strace $0xD0000000  }
0x3: {  	_ = 	snop  }
0x4: {  	_ = 	snop  }
0x5: {  	_ = 	snop  }
0x6: {  	_ = 	snop  }
0x7: {  	_ = 	snop  }
__scs_overlays_trampoline_lowered:
0x8: {  	[smem:$0x3F8A] =	sst s0  }
0x9: {  	[smem:$0x3F8B] =	sst s1  }
0xa: {  	[smem:$0x3F8C] =	sst s2  }
0xb: {  	[smem:$0x3F8D] =	sst s3  }
0xc: {  	[smem:$0x3F8E] =	sst s4  }
0xd: {  	[smem:$0x3F8F] =	sst s5  }
0xe: {  	[smem:$0x3F90] =	sst s6  }
0xf: {  	[smem:$0x3F91] =	sst s7  }
0x10: {  	[smem:$0x3F92] =	sst s8  }
0x11: {  	[smem:$0x3F93] =	sst s9;
	s0 =	simm.s32 @!p0 $0x0  }
0x12: {  	s1 =	sld [smem:$0x3F79];
	s0 =	simm.s32 @p0 $0x1  }
0x13: {  	[smem:$0x3F94] =	sst s0;
	s0 =	simm.s32 @!p1 $0x0  }
0x14: {  	s2 =	sld [smem:$0x3F78];
	s0 =	simm.s32 @p1 $0x1  }
0x15: {  	[smem:$0x3F95] =	sst s0;
	s0 =	simm.s32 @!p2 $0x0  }
0x16: {  	s3 =	sld [smem:$0x3FDB];
	s0 =	simm.s32 @p2 $0x1  }
0x17: {  	s4 =	simm.s32 $0x1BF5;
	[smem:$0x3F97] =	sst s0  }
0x18: {  	s0 =	sld [smem:$0x3F7A];
	_ =	swait.ge [sflag:s4], $0x0  }
0x19: {  	s7 =	sld [smem:$0x3F7B]  }
0x1a: {  	s8 =	sadd.s32 $0xFFFFE003, lr  }
0x1b: {  	s9 =	sadd.s32 $0xFFFFFEF7, lr;
	s5 =	simm.s32 $0xFFFFFFFF;
	p2 =	slt.u32 s8, $0xFFFFF086  }
0x1c: {  	p1 =	slt.u32 s9, $0xF7A;
	s5 =	simm.s32 @!p2 $0x0  }
0x1d: {  	s5 =	simm.s32 @p1 $0x1;
	p0 =	seq.s32 s7, s2  }
0x1e: {  	s7 =	smul.u32 @!p0 $0xF7A, s2;
	p2 =	seq.s32 @!p0 s5, $0x0  }
0x1f: {  	s9 =	smul.u32 $0xF7A, s1;
	s8 =	simm.s32 @!p0 $0x1BF5;
	p2 =	por !p2, p0  }
0x20: {  	[sflag:s8] =	ssyncset.s32 @!p0 $0xFFFFF086;
	s6 =	sadd.s32 @!p0 s3, s7;
	s7 =	simm.s32 @!p0 $0x108  }
0x21: {  	s3 =	sadd.s32 s3, s9;
	s6 =	sadd.s32 @!p0 $0x88, s6;
	s7 =	simm.s32 @p2 $0x1082  }
0x22: {  	[simem:s7], [sflag:s8] =	dma.local @!p0 [hbm:s6], $0xF7A  }
0x23: {  	s9 =	sor.u32 $0xD0000000, s2;
	s6 =	simm.s32 $0x108;
	_ =	swait.ge @!p0 [sflag:s8], $0x0  }
0x24: {  	s3 =	sadd.s32 $0x88, s3;
	s6 =	simm.s32 @!p1 $0x1082;
	[sflag:s4] =	ssyncset.s32 $0xFFFFF086  }
0x25: {  	[simem:s6], [sflag:s4] =	dma.local [hbm:s3], $0xF7A  }
0x26: {  	[smem:$0x3F7B] =	sst s1;
	(tag) =	ssettag s2;
	_ =	strace s9  }
0x27: {  	s1 =	sld [smem:$0x3F8B]  }
0x28: {  	s2 =	sld [smem:$0x3F8C]  }
0x29: {  	s4 =	sld [smem:$0x3F8E]  }
0x2a: {  	p0 =	seq.s32 s5, $0x0;
	s5 =	sld [smem:$0x3F8F]  }
0x2b: {  	s6 =	sld [smem:$0x3F90]  }
0x2c: {  	s7 =	sld [smem:$0x3F91]  }
0x2d: {  	s3 =	simm.s32 $0x108;
	s8 =	sld [smem:$0x3F92]  }
0x2e: {  	s3 =	simm.s32 @!p0 $0x1082;
	s9 =	sld [smem:$0x3F93]  }
0x2f: {  	lr =	sadd.s32 s0, s3;
	s0 =	sld [smem:$0x3F8A]  }
0x30: {  	s3 =	sld [smem:$0x3F8D]  }
0x31: {  	[smem:$0x3F96] =	sst s10  }
0x32: {  	s10 =	sld [smem:$0x3F94];
	_ =	sdelay $0x3  }
0x33: {  	p0 =	seq.s32 s10, $0x1;
	s10 =	sld [smem:$0x3F96];
	_ =	sdelay $0x3  }
0x34: {  	[smem:$0x3F96] =	sst s10  }
0x35: {  	s10 =	sld [smem:$0x3F95];
	_ =	sdelay $0x3  }
0x36: {  	p1 =	seq.s32 s10, $0x1;
	s10 =	sld [smem:$0x3F96];
	_ =	sdelay $0x3  }
0x37: {  	[smem:$0x3F96] =	sst s10  }
0x38: {  	s10 =	sld [smem:$0x3F97]  }
0x39: {  	_ = 	snop;
	(pc) =	sbr.ind lr, $3  }
0x3a: {  	_ = 	snop  }
0x3b: {  	_ = 	snop  }
0x3c: {  	p2 =	seq.s32 s10, $0x1;
	s10 =	sld [smem:$0x3F96]  }
0x3d: {  	_ =	shalt  }
0x3e: {  	_ =	shalt  }
0x3f: {  	_ =	shalt  }
0x40: {  	_ =	shalt  }
0x41: {  	_ =	shalt  }
0x42: {  	_ =	shalt  }
0x43: {  	_ =	shalt  }
0x44: {  	_ =	shalt  }
0x45: {  	_ =	shalt  }
0x46: {  	_ =	shalt  }
0x47: {  	_ =	shalt  }
0x48: {  	_ =	shalt  }
0x49: {  	_ =	shalt  }
0x4a: {  	_ =	shalt  }
0x4b: {  	_ =	shalt  }
0x4c: {  	_ =	shalt  }
0x4d: {  	_ =	shalt  }
0x4e: {  	_ =	shalt  }
0x4f: {  	_ =	shalt  }
0x50: {  	_ =	shalt  }
0x51: {  	_ =	shalt  }
0x52: {  	_ =	shalt  }
0x53: {  	_ =	shalt  }
0x54: {  	_ =	shalt  }
0x55: {  	_ =	shalt  }
0x56: {  	_ =	shalt  }
0x57: {  	_ =	shalt  }
0x58: {  	_ =	shalt  }
0x59: {  	_ =	shalt  }
0x5a: {  	_ =	shalt  }
0x5b: {  	_ =	shalt  }
0x5c: {  	_ =	shalt  }
0x5d: {  	_ =	shalt  }
0x5e: {  	_ =	shalt  }
0x5f: {  	_ =	shalt  }
0x60: {  	_ =	shalt  }
0x61: {  	_ =	shalt  }
0x62: {  	_ =	shalt  }
0x63: {  	_ =	shalt  }
0x64: {  	_ =	shalt  }
0x65: {  	_ =	shalt  }
0x66: {  	_ =	shalt  }
0x67: {  	_ =	shalt  }
0x68: {  	_ =	shalt  }
0x69: {  	_ =	shalt  }
0x6a: {  	_ =	shalt  }
0x6b: {  	_ =	shalt  }
0x6c: {  	_ =	shalt  }
0x6d: {  	_ =	shalt  }
0x6e: {  	_ =	shalt  }
0x6f: {  	_ =	shalt  }
0x70: {  	_ =	shalt  }
0x71: {  	_ =	shalt  }
0x72: {  	_ =	shalt  }
0x73: {  	_ =	shalt  }
0x74: {  	_ =	shalt  }
0x75: {  	_ =	shalt  }
0x76: {  	_ =	shalt  }
0x77: {  	_ =	shalt  }
0x78: {  	_ =	shalt  }
0x79: {  	_ =	shalt  }
0x7a: {  	_ =	shalt  }
0x7b: {  	_ =	shalt  }
0x7c: {  	_ =	shalt  }
0x7d: {  	_ =	shalt  }
0x7e: {  	_ =	shalt  }
0x7f: {  	_ =	shalt  }
0x80: {  	_ =	shalt  }
0x81: {  	_ =	shalt  }
0x82: {  	_ =	shalt  }
0x83: {  	_ =	shalt  }
0x84: {  	_ =	shalt  }
0x85: {  	_ =	shalt  }
0x86: {  	_ =	shalt  }
0x87: {  	_ =	shalt  }
.Lfunc_end0:
.L_simem_size_0:
called_computation.2_lowered:
.L_overlay_start_0:
0x88: {  	s2 =	sld [smem:$0x3FD9]  }
0x89: {  	s3 =	sld [smem:$0x3FFE];
	_ =	sdelay $0x1  }
0x8a: {  	s1 =	srdreg.scid  }
0x8b: {  	s0 =	sand.u32 $0x1, s1  }
0x8c: {  	s16 =	sshll.u32 s0, $0xA;
	s2 =	sadd.s32 s3, s2  }
0x8d: {  	s2 =	sadd.s32 s2, s16  }
0x8e: {  	[smem:$0x3FA2] =	sst s2  }
0x8f: {  	_ = 	snop  }
0x90: {  	(tm) =	ssettm $0x1  }
0x91: {  	s17 =	sld [smem:$0x3FFB];
	_ =	sdelay $0x3  }
0x92: {  	_ =	strace s17  }
0x93: {  	s2 =	sld [smem:$0x3FFC];
	_ =	sdelay $0x3  }
0x94: {  	_ =	strace s2  }
0x95: {  	s2 =	sld [smem:$0x3FFD];
	_ =	sdelay $0x3  }
0x96: {  	_ =	strace s2  }
0x97: {  	_ =	strace $0x8FFFFFFF  }
0x98: {  	s18 =	sld [smem:$0x3FDB];
	_ =	sdelay $0x1  }
0x99: {  	s19 =	simm.s32 $_scs_section_size  }
0x9a: {  	s4 =	simm.s32 $_size__tile_overlayer_lowered;
	s5 =	simm.s32 $_tile_overlayer_lowered  }
0x9b: {  	s22 =	simm.s32 $0x1BFF;
	s21 =	sshll.u32 s5, $0x1;
	s2 =	sadd.s32 s19, s18  }
0x9c: {  	s6 =	simm.s32 $0x0;
	s20 =	sshll.u32 s4, $0x1;
	s4 =	sadd.s32 s21, s2  }
0x9d: {  	[timem:s6], [sflag:s22] =	dma.local [hbm:s4], s20  }
0x9e: {  	_ =	swait.ge [sflag:s22], s20  }
0x9f: {  	s3 =	ssub.s32 $0x0, s20;
	[sflag:s22] =	ssyncset.done $0x0  }
0xa0: {  	[sflag:s22] =	ssyncadd.s32 s3;
	_ =	sdelay $0x1  }
0xa1: {  	s23 =	simm.s32 $0x1B8B  }
0xa2: {  	_ =	swait.ge [sflag:s23], $0x1  }
0xa3: {  	[sflag:s23] =	ssyncset.done $0x0  }
0xa4: {  	s25 =	simm.s32 $0x1B8E;
	s24 =	sld [smem:$0x3FFE];
	[sflag:s23] =	ssyncadd.s32 $0xFFFFFFFF  }
0xa5: {  	s26 =	simm.s32 $execute0_lowered;
	[smem:$0x3FD2] =	sst s25  }
0xa6: {  	s4 =	sshll.u32 s26, $0x1;
	_ =	strace $0x8000004C;
	[dreg:$0x1] =	wrdreg $0xFFFFFFFF  }
0xa7: {  	s28 =	simm.s32 $_size_execute0_lowered;
	s2 =	sadd.s32 s2, s4;
	[dreg:$0x0] =	wrdreg $0x0  }
0xa8: {  	s4 =	sshll.u32 s28, $0x1;
	[dreg:$0x2] =	wrdreg s2  }
0xa9: {  	[dreg:$0x3] =	wrdreg s4  }
0xaa: {  	[dreg:$0x4] =	wrdreg $0xC0  }
0xab: {  	_ =	task [dreg:s6], $0x5FFFF  }
0xac: {  	[dreg:$0x1] =	wrdreg $0xFFFFFFFF  }
0xad: {  	[dreg:$0x0] =	wrdreg $0x60  }
0xae: {  	[dreg:$0x2] =	wrdreg s24  }
0xaf: {  	[dreg:$0x3] =	wrdreg $0xC2000  }
0xb0: {  	[dreg:$0x4] =	wrdreg $0x9  }
0xb1: {  	_ =	task.clear_ibuf [dreg:s6], $0x5FFFF;
	_ =	strace $0x9000004C  }
0xb2: {  	s29 =	simm.s32 $0x9;
	_ =	strace $0x8000004E  }
0xb3: {  	_ =	swait.ge [sflag:s29], $0x1  }
0xb4: {  	[sflag:s29] =	ssyncadd.s32 $0xFFFFFFFF  }
0xb5: {  	_ =	strace $0x9000004E  }
0xb6: {  	_ =	sfence  }
0xb7: {  	s30 =	sld [smem:$0x0];
	_ =	sdelay $0x2  }
0xb8: {  	s31 =	sshll.u32 s1, $0xD;
	s1 =	sshrl.u32 s1, $0x2  }
0xb9: {  	s3 =	sand.u32 $0x4000, s31;
	s1 =	sadd.s32 s1, s30  }
0xba: {  	s0 =	sor.u32 s3, s0;
	s1 =	sshll.u32 s1, $0x11  }
0xbb: {  	s0 =	sor.u32 s1, s0  }
0xbc: {  	s0 =	sadd.s32 $0x8F2B, s0  }
0xbd: {  	[sflag:s0] =	ssyncadd.remote.s32 $0x1  }
0xbe: {  	_ =	sfence.sel $0xFFFF  }
0xbf: {  	[dreg:$0x0] =	wrdreg $0xFFFFFFFF;
	(pc) =	sbr.abs _section_cstart, $3  }
0xc0: {  	[dreg:$0x1] =	wrdreg $0xFFFFFFFF  }
0xc1: {  	_ =	task.clear_ibuf [dreg:s6], $0x2FFFF;
	_ =	strace $0x9FFFFFFF  }
0xc2: {  	(tm) =	ssettm $0x7FFFFFFF  }
0xc3: {  	_ =	shalt  }
tec
execute0_lowered:
.L_overlay_start_1:
0x0: {  	(tag) =	ssettag $0x1  }
0x1: {  	s0 =	rddreg [dreg:$0x0]  }
0x2: {  	s1 =	rddreg [dreg:$0x1];
	s2 =	srdreg.scid  }
0x3: {  	s3 =	simm.s32 $0x0;
	s13 =	stileid.u32;
	s28 =	simm.s32 $0x100  }
0x4: {  	s29 =	simm.s32 $0x4200;
	s30 =	simm.s32 $0x3;
	s7 =	smul.u32 $0x13C00, s13  }
0x5: {  	s31 =	simm.s32 $0x180;
	s2 =	sand.u32 $0x1, s2;
	s9 =	smul.u32 $0x4F000, s13  }
0x6: {  	[smem:$0x7FF] =	sst s3;
	s4 =	sadd.s32 $0x1CC00, s0;
	s24 =	smul.u32 $0x1400, s13  }
0x7: {  	s5 =	sadd.s32 $0x43E00, s0;
	s6 =	smul.u32 $0x13C000, s2;
	_ =	strace $0x8000004D  }
0x8: {  	s10 =	ssub.s32 $0x2, s2;
	p0 =	seq.s32 s2, $0x1;
	s21 =	sshrl.u32 s9, $0x2  }
0x9: {  	s11 =	sshrl.u32 s10, $0x1;
	s9 =	smul.u32 $0xA0, s13;
	s8 =	sadd.s32 s7, s6  }
0xa: {  	s6 =	sadd.s32 $0x18EAC00, s0;
	s10 =	ssub.s32 s10, s11;
	s11 =	smul.u32 $0x280000, s13  }
0xb: {  	s7 =	sadd.s32 $0x8C00, s0;
	s13 =	smul.u32 $0x50000, s13;
	s8 =	sshrl.u32 s8, $0x3  }
0xc: {  	s16 =	sadd.s32 s7, s24;
	s20 =	smax.u32 s10, $0x1;
	s24 =	simm.s32 $0x80  }
0xd: {  	s0 =	sadd.s32 s8, s0;
	s8 =	sadd.s32 s21, s1;
	s15 =	sadd.s32 $0x2800000, s11  }
0xe: {  	s26 =	sadd.s32 s6, s13;
	s21 =	simm.s32 $0x200;
	s22 =	sadd.s32 $0x4000, s8  }
0xf: {  	s12 =	sadd.s32 $0x8000, s8;
	s23 =	sadd.s32 $0xC000, s8;
	[dreg:$0x7] =	wrdreg s26  }
.Ltmp0:
0x10: {  	s14 =	sadd.s32 $0x10000, s8;
	[dreg:$0x3] =	wrdreg s22;
	(pc) =	sbr.rel .LBB2_1-.Ltmp0, $4  }
0x11: {  	s25 =	sshrl.u32 s15, $0x3;
	s19 =	sadd.s32 $0x107400, s0;
	[dreg:$0x4] =	wrdreg s12  }
0x12: {  	s26 =	simm.s32 $0x2;
	s0 =	simm.s32 $0x0;
	[dreg:$0x5] =	wrdreg s23  }
0x13: {  	[dreg:$0x6] =	wrdreg s14;
	s2 =	sadd.s32 s6, s25;
	s22 =	simm.s32 $0x4  }
0x14: {  	v0 =	vimm.f32 $0.0e+00;
	s23 =	simm.s32 $0x1;
	s25 =	simm.s32 $0x8200;
	[dreg:$0x8] =	wrdreg s2  }
.LBB2_16:
0x15: {  	_ =	swait.ge [sflag:s30], $0x800;
	s2 =	stileid.u32  }
0x16: {  	s10 =	sshrl.u32 s8, $0x3;
	s0 =	sadd.s32 $0x1, s0;
	[sflag:s30] =	ssyncset.done $0x0  }
0x17: {  	s2 =	sshll.u32 s2, $0x6;
	p1 =	sne.s32 s0, s20;
	[sflag:s30] =	ssyncadd.s32 $0xFFFFF800  }
.Ltmp1:
0x18: {  	s2 =	sor.u32 $0x1C04, s2;
	[bflag:$0x0] =	sbarrier.arrive $0xFFFF;
	(pc) =	sbr.rel @!p1 .LBB2_17-.Ltmp1, $4  }
0x19: {  	[hbm:s19], [sflag:s2] =	dma.local [spmem:s10], $0x2780  }
0x1a: {  	_ =	swait.ge [sflag:s22], $0x2780  }
0x1b: {  	[sflag:s22] =	ssyncset.done $0x0  }
0x1c: {  	[sflag:s22] =	ssyncadd.s32 $0xFFFFD880  }
.LBB2_1:
0x1d: {  	s2 =	simm.s32 $0x0;
	s10 =	simm.s32 $0x200  }
.LBB2_2:
0x1e: {  	p1 =	sne.s32 s10, $0xFE00;
	[tilespmem:s2+$0x270] =	vst v0  }
0x1f: {  	[tilespmem:s2+$0x200] =	vst v0  }
0x20: {  	[tilespmem:s2+$0x210] =	vst v0  }
.Ltmp2:
0x21: {  	[tilespmem:s2+$0x220] =	vst v0;
	(pc) =	sbr.rel @p1 .LBB2_2-.Ltmp2, $4  }
0x22: {  	[tilespmem:s2+$0x230] =	vst v0  }
0x23: {  	[tilespmem:s2+$0x240] =	vst v0  }
0x24: {  	[tilespmem:s2+$0x250] =	vst v0  }
0x25: {  	[tilespmem:s2+$0x260] =	vst v0;
	s2 =	sshra.s32 s10, $0x2;
	s10 =	sadd.s32 $0x200, s10  }
0x26: {  	[tilespmem:s2+$0x270] =	vst v0  }
0x27: {  	[tilespmem:s2+$0x200] =	vst v0  }
0x28: {  	[tilespmem:s2+$0x210] =	vst v0  }
0x29: {  	[tilespmem:s2+$0x220] =	vst v0  }
0x2a: {  	[tilespmem:s2+$0x230] =	vst v0  }
0x2b: {  	[tilespmem:s2+$0x240] =	vst v0  }
0x2c: {  	[tilespmem:s2+$0x250] =	vst v0  }
0x2d: {  	[tilespmem:s2+$0x260] =	vst v0  }
0x2e: {  	[spmem:s8] =	stream.linear.scatter [tilespmem:s21], [sflag:$0x4], $0x4000, $0x38;
	[tilespmem:$0x1FE00] =	vst v63  }
0x2f: {  	_ =	swait.ge [sflag:s22], $0x4000  }
0x30: {  	[sflag:s22] =	ssyncset.done $0x0  }
0x31: {  	s13 =	rddreg [dreg:$0x3];
	[sflag:s22] =	ssyncadd.s32 $0xFFFFC000  }
0x32: {  	[spmem:s13] =	stream.linear.scatter [tilespmem:s21], [sflag:$0x4], $0x4000, $0x38;
	[tilespmem:$0x1FE00] =	vst v63  }
0x33: {  	_ =	swait.ge [sflag:s22], $0x4000  }
0x34: {  	[sflag:s22] =	ssyncset.done $0x0  }
0x35: {  	s14 =	rddreg [dreg:$0x4];
	[sflag:s22] =	ssyncadd.s32 $0xFFFFC000  }
0x36: {  	[spmem:s14] =	stream.linear.scatter [tilespmem:s21], [sflag:$0x4], $0x4000, $0x38;
	[tilespmem:$0x1FE00] =	vst v63  }
0x37: {  	_ =	swait.ge [sflag:s22], $0x4000  }
0x38: {  	[sflag:s22] =	ssyncset.done $0x0  }
0x39: {  	s17 =	rddreg [dreg:$0x5];
	[sflag:s22] =	ssyncadd.s32 $0xFFFFC000  }
0x3a: {  	[spmem:s17] =	stream.linear.scatter [tilespmem:s21], [sflag:$0x4], $0x4000, $0x38;
	[tilespmem:$0x1FE00] =	vst v63  }
0x3b: {  	_ =	swait.ge [sflag:s22], $0x4000  }
0x3c: {  	[sflag:s22] =	ssyncset.done $0x0  }
0x3d: {  	s18 =	rddreg [dreg:$0x6];
	[sflag:s22] =	ssyncadd.s32 $0xFFFFC000  }
0x3e: {  	[spmem:s18] =	stream.linear.scatter [tilespmem:s21], [sflag:$0x4], $0x3C00, $0x38;
	[tilespmem:$0x1FE00] =	vst v63  }
.Ltmp3:
0x3f: {  	_ =	swait.ge [sflag:s22], $0x3C00;
	(pc) =	sbr.rel @!p0 .LBB2_4-.Ltmp3, $4  }
0x40: {  	[sflag:s22] =	ssyncset.done $0x0  }
0x41: {  	[sflag:s22] =	ssyncadd.s32 $0xFFFFC400  }
0x42: {  	s17 =	simm.s32 $0x0;
	[bflag:$0x0] =	sbarrier.arrive $0xFFFF  }
0x43: {  	[tilespmem:s3], [sflag:$0x1] =	stream.linear.gather [hbm4b:s16+s3], $0x100, $0x38;
	[tilespmem:$0x1FE00] =	vst v63  }
0x44: {  	s2 =	rddreg [dreg:$0x8];
	s18 =	simm.s32 $0x0  }
0x45: {  	[tilespmem:s21], [sflag:$0x1] =	stream.linear.gather [hbm4b:s2+s17], $0x4000, $0x38;
	[tilespmem:$0x1FE00] =	vst v63  }
.LBB2_11:
0x46: {  	_ =	swait.ge [sflag:s23], $0x100  }
0x47: {  	[sflag:s23] =	ssyncset.done $0x0  }
0x48: {  	[sflag:s23] =	ssyncadd.s32 $0xFFFFFF00  }
0x49: {  	_ =	swait.ge [sflag:s23], $0x4000  }
0x4a: {  	[sflag:s23] =	ssyncset.done $0x0  }
0x4b: {  	[sflag:s23] =	ssyncadd.s32 $0xFFFFC000  }
0x4c: {  	[tilespmem:s25], [sflag:$0x2] =	stream.indirect.gather [hbm4b:s5+s24], $0x80, s3, s24, $0xb8;
	[tilespmem:$0x1FE00] =	vst v63  }
0x4d: {  	_ =	swait.ge [sflag:s26], $0x4000  }
0x4e: {  	s2 =	sshll.u32 s18, $0x1;
	p1 =	seq.s32 s18, $0x0;
	[sflag:s26] =	ssyncset.done $0x0  }
0x4f: {  	s12 =	simm.s32 @!p1 $0x3;
	s10 =	sor.u32 $0x1, s2;
	[sflag:s26] =	ssyncadd.s32 $0xFFFFC000  }
0x50: {  	s13 =	sadd.s32 s9, s10;
	_ =	swait.ge @!p1 [sflag:s12], $0x800  }
0x51: {  	s14 =	sshll.u32 s10, $0xE;
	s13 =	sshll.u32 s13, $0x5;
	[sflag:s12] =	ssyncset.done @!p1 $0x0  }
0x52: {  	s13 =	sadd.s32 s7, s13;
	[sflag:s12] =	ssyncadd.s32 @!p1 $0xFFFFF800;
	s12 =	sadd.s32 s14, s15  }
0x53: {  	[tilespmem:s28], [sflag:$0x1] =	stream.linear.gather [hbm4b:s13+s17], $0x100, $0x38;
	[tilespmem:$0x1FE00] =	vst v63  }
0x54: {  	s12 =	sshrl.u32 s12, $0x3  }
0x55: {  	s12 =	sadd.s32 s6, s12  }
0x56: {  	[tilespmem:s29], [sflag:$0x1] =	stream.linear.gather [hbm4b:s12+s17], $0x4000, $0x38;
	[tilespmem:$0x1FE00] =	vst v63  }
0x57: {  	s12 =	simm.s32 $0x0  }
0x58: {  	v7 =	vld [tilespmem:s12+$0x8200]  }
0x59: {  	v12 =	vld [tilespmem:s12+$0x8210]  }
0x5a: {  	v6 =	vld [tilespmem:s12+$0x8220]  }
0x5b: {  	v5 =	vld [tilespmem:s12+$0x8230]  }
0x5c: {  	v4 =	vld [tilespmem:s12+$0x8240]  }
0x5d: {  	v3 =	vld [tilespmem:s12+$0x8250]  }
0x5e: {  	v2 =	vld [tilespmem:s12+$0x8260]  }
0x5f: {  	v1 =	vld [tilespmem:s12+$0x8270]  }
0x60: {  	v13 =	vld [tilespmem:s12+$0x200]  }
0x61: {  	v14 =	vld [tilespmem:s12+$0x210]  }
0x62: {  	v11 =	vld [tilespmem:s12+$0x220]  }
0x63: {  	v10 =	vld [tilespmem:s12+$0x230]  }
0x64: {  	v9 =	vld [tilespmem:s12+$0x240]  }
0x65: {  	v8 =	vld [tilespmem:s12+$0x250];
	v13 =	vadd.f32 v7, v13  }
0x66: {  	s13 =	simm.s32 $0x200;
	v12 =	vadd.f32 v12, v14;
	v7 =	vld [tilespmem:s12+$0x260]  }
.LBB2_12:
0x67: {  	s14 =	sshra.s32 s13, $0x2;
	p1 =	sne.s32 s13, $0xFE00;
	v13 =	vmax.f32 v13, $0.0e+00;
	v6 =	vadd.f32 v6, v11;
	v11 =	vld [tilespmem:s12+$0x270]  }
0x68: {  	v14 =	vld [tilespmem:s14+$0x8200];
	[tilespmem:s12+$0x200] =	vst v13;
	v12 =	vmax.f32 v12, $0.0e+00;
	v5 =	vadd.f32 v5, v10  }
0x69: {  	v15 =	vld [tilespmem:s14+$0x8210];
	[tilespmem:s12+$0x210] =	vst v12;
	v10 =	vmax.f32 v6, $0.0e+00;
	v4 =	vadd.f32 v4, v9  }
0x6a: {  	v6 =	vld [tilespmem:s14+$0x8220];
	[tilespmem:s12+$0x220] =	vst v10;
	v9 =	vmax.f32 v5, $0.0e+00;
	v3 =	vadd.f32 v3, v8  }
0x6b: {  	v5 =	vld [tilespmem:s14+$0x8230];
	[tilespmem:s12+$0x230] =	vst v9;
	v8 =	vmax.f32 v4, $0.0e+00;
	v2 =	vadd.f32 v2, v7  }
0x6c: {  	v4 =	vld [tilespmem:s14+$0x8240];
	[tilespmem:s12+$0x240] =	vst v8;
	v7 =	vmax.f32 v3, $0.0e+00;
	v1 =	vadd.f32 v1, v11  }
0x6d: {  	v3 =	vld [tilespmem:s14+$0x8250];
	[tilespmem:s12+$0x250] =	vst v7;
	v7 =	vmax.f32 v2, $0.0e+00  }
0x6e: {  	v2 =	vld [tilespmem:s14+$0x8260];
	[tilespmem:s12+$0x260] =	vst v7;
	v7 =	vmax.f32 v1, $0.0e+00  }
0x6f: {  	v1 =	vld [tilespmem:s14+$0x8270];
	[tilespmem:s12+$0x270] =	vst v7;
	s12 =	smov.u32 s14  }
0x70: {  	v7 =	vld [tilespmem:s12+$0x200]  }
0x71: {  	v12 =	vld [tilespmem:s12+$0x210]  }
.Ltmp4:
0x72: {  	v11 =	vld [tilespmem:s12+$0x220];
	(pc) =	sbr.rel @p1 .LBB2_12-.Ltmp4, $4  }
0x73: {  	v10 =	vld [tilespmem:s12+$0x230]  }
0x74: {  	v9 =	vld [tilespmem:s12+$0x240]  }
0x75: {  	v13 =	vadd.f32 v14, v7;
	v8 =	vld [tilespmem:s12+$0x250]  }
0x76: {  	s13 =	sadd.s32 $0x200, s13;
	v12 =	vadd.f32 v15, v12;
	v7 =	vld [tilespmem:s12+$0x260]  }
0x77: {  	v13 =	vmax.f32 v13, $0.0e+00;
	v6 =	vadd.f32 v6, v11;
	v11 =	vld [tilespmem:s12+$0x270]  }
0x78: {  	[tilespmem:s12+$0x200] =	vst v13;
	v12 =	vmax.f32 v12, $0.0e+00;
	v5 =	vadd.f32 v5, v10  }
0x79: {  	[tilespmem:s12+$0x210] =	vst v12;
	v6 =	vmax.f32 v6, $0.0e+00;
	v4 =	vadd.f32 v4, v9  }
0x7a: {  	[tilespmem:s12+$0x220] =	vst v6;
	v5 =	vmax.f32 v5, $0.0e+00;
	v3 =	vadd.f32 v3, v8  }
0x7b: {  	[tilespmem:s12+$0x230] =	vst v5;
	v4 =	vmax.f32 v4, $0.0e+00;
	v2 =	vadd.f32 v2, v7  }
0x7c: {  	[tilespmem:s12+$0x240] =	vst v4;
	v3 =	vmax.f32 v3, $0.0e+00;
	v1 =	vadd.f32 v1, v11  }
0x7d: {  	[tilespmem:s12+$0x250] =	vst v3;
	v2 =	vmax.f32 v2, $0.0e+00  }
0x7e: {  	[tilespmem:s12+$0x260] =	vst v2;
	v1 =	vmax.f32 v1, $0.0e+00  }
0x7f: {  	[tilespmem:s12+$0x270] =	vst v1  }
0x80: {  	[spmem:s1] =	stream.indirect.scatter.add.f32 [tilespmem:s21], [sflag:$0x3], $0x80, s24, s24, $0xb8;
	[tilespmem:$0x1FE00] =	vst v63  }
0x81: {  	_ =	swait.ge [sflag:s23], $0x100  }
0x82: {  	[sflag:s23] =	ssyncset.done $0x0  }
0x83: {  	[sflag:s23] =	ssyncadd.s32 $0xFFFFFF00  }
0x84: {  	_ =	swait.ge [sflag:s23], $0x4000  }
0x85: {  	[sflag:s23] =	ssyncset.done $0x0  }
0x86: {  	[sflag:s23] =	ssyncadd.s32 $0xFFFFC000  }
0x87: {  	[tilespmem:s25], [sflag:$0x2] =	stream.indirect.gather [hbm4b:s5+s24], $0x80, s28, s24, $0xb8;
	[tilespmem:$0x1FE00] =	vst v63  }
0x88: {  	p1 =	sgt.u32 s10, $0x9E;
	_ =	swait.ge [sflag:s26], $0x4000  }
0x89: {  	s2 =	sadd.s32 @!p1 $0x2, s2;
	[sflag:s26] =	ssyncset.done $0x0  }
0x8a: {  	s10 =	sadd.s32 @!p1 s9, s2;
	[sflag:s26] =	ssyncadd.s32 $0xFFFFC000  }
0x8b: {  	s2 =	sshll.u32 @!p1 s2, $0xE;
	s10 =	sshll.u32 @!p1 s10, $0x5;
	_ =	swait.ge [sflag:s30], $0x800  }
0x8c: {  	s2 =	sadd.s32 @!p1 s2, s15;
	s10 =	sadd.s32 @!p1 s7, s10;
	[sflag:s30] =	ssyncset.done $0x0  }
0x8d: {  	s2 =	sshrl.u32 @!p1 s2, $0x3;
	s12 =	simm.s32 @!p1 $0x0;
	[sflag:s30] =	ssyncadd.s32 $0xFFFFF800  }
0x8e: {  	[tilespmem:s12], [sflag:$0x1] =	stream.linear.gather @!p1 [hbm4b:s10+s12], $0x100, $0x38;
	[tilespmem:$0x1FE00] =	vst v63  }
0x8f: {  	s2 =	sadd.s32 @!p1 s6, s2;
	s10 =	simm.s32 @!p1 $0x200  }
0x90: {  	[tilespmem:s10], [sflag:$0x1] =	stream.linear.gather @!p1 [hbm4b:s2+s12], $0x4000, $0x38;
	[tilespmem:$0x1FE00] =	vst v63  }
0x91: {  	s2 =	simm.s32 $0x0  }
0x92: {  	v7 =	vld [tilespmem:s2+$0x8200]  }
0x93: {  	v12 =	vld [tilespmem:s2+$0x8210]  }
0x94: {  	v6 =	vld [tilespmem:s2+$0x8220]  }
0x95: {  	v5 =	vld [tilespmem:s2+$0x8230]  }
0x96: {  	v4 =	vld [tilespmem:s2+$0x8240]  }
0x97: {  	v3 =	vld [tilespmem:s2+$0x8250]  }
0x98: {  	v2 =	vld [tilespmem:s2+$0x8260]  }
0x99: {  	v1 =	vld [tilespmem:s2+$0x8270]  }
0x9a: {  	v13 =	vld [tilespmem:s2+$0x4200]  }
0x9b: {  	v14 =	vld [tilespmem:s2+$0x4210]  }
0x9c: {  	v11 =	vld [tilespmem:s2+$0x4220]  }
0x9d: {  	v10 =	vld [tilespmem:s2+$0x4230]  }
0x9e: {  	v9 =	vld [tilespmem:s2+$0x4240]  }
0x9f: {  	v8 =	vld [tilespmem:s2+$0x4250];
	v13 =	vadd.f32 v7, v13  }
0xa0: {  	s10 =	simm.s32 $0x200;
	v12 =	vadd.f32 v12, v14;
	v7 =	vld [tilespmem:s2+$0x4260]  }
.LBB2_14:
0xa1: {  	s12 =	sshra.s32 s10, $0x2;
	p1 =	sne.s32 s10, $0xFE00;
	v13 =	vmax.f32 v13, $0.0e+00;
	v6 =	vadd.f32 v6, v11;
	v11 =	vld [tilespmem:s2+$0x4270]  }
0xa2: {  	v14 =	vld [tilespmem:s12+$0x8200];
	[tilespmem:s2+$0x4200] =	vst v13;
	v12 =	vmax.f32 v12, $0.0e+00;
	v5 =	vadd.f32 v5, v10  }
0xa3: {  	v15 =	vld [tilespmem:s12+$0x8210];
	[tilespmem:s2+$0x4210] =	vst v12;
	v10 =	vmax.f32 v6, $0.0e+00;
	v4 =	vadd.f32 v4, v9  }
0xa4: {  	v6 =	vld [tilespmem:s12+$0x8220];
	[tilespmem:s2+$0x4220] =	vst v10;
	v9 =	vmax.f32 v5, $0.0e+00;
	v3 =	vadd.f32 v3, v8  }
0xa5: {  	v5 =	vld [tilespmem:s12+$0x8230];
	[tilespmem:s2+$0x4230] =	vst v9;
	v8 =	vmax.f32 v4, $0.0e+00;
	v2 =	vadd.f32 v2, v7  }
0xa6: {  	v4 =	vld [tilespmem:s12+$0x8240];
	[tilespmem:s2+$0x4240] =	vst v8;
	v7 =	vmax.f32 v3, $0.0e+00;
	v1 =	vadd.f32 v1, v11  }
0xa7: {  	v3 =	vld [tilespmem:s12+$0x8250];
	[tilespmem:s2+$0x4250] =	vst v7;
	v7 =	vmax.f32 v2, $0.0e+00  }
0xa8: {  	v2 =	vld [tilespmem:s12+$0x8260];
	[tilespmem:s2+$0x4260] =	vst v7;
	v7 =	vmax.f32 v1, $0.0e+00  }
0xa9: {  	v1 =	vld [tilespmem:s12+$0x8270];
	[tilespmem:s2+$0x4270] =	vst v7;
	s2 =	smov.u32 s12  }
0xaa: {  	v7 =	vld [tilespmem:s2+$0x4200]  }
0xab: {  	v12 =	vld [tilespmem:s2+$0x4210]  }
.Ltmp5:
0xac: {  	v11 =	vld [tilespmem:s2+$0x4220];
	(pc) =	sbr.rel @p1 .LBB2_14-.Ltmp5, $4  }
0xad: {  	v10 =	vld [tilespmem:s2+$0x4230]  }
0xae: {  	v9 =	vld [tilespmem:s2+$0x4240]  }
0xaf: {  	v13 =	vadd.f32 v14, v7;
	v8 =	vld [tilespmem:s2+$0x4250]  }
0xb0: {  	s10 =	sadd.s32 $0x200, s10;
	v12 =	vadd.f32 v15, v12;
	v7 =	vld [tilespmem:s2+$0x4260]  }
0xb1: {  	v13 =	vmax.f32 v13, $0.0e+00;
	v6 =	vadd.f32 v6, v11;
	v63 =	vld [tilespmem:s2+$0x4270]  }
0xb2: {  	[tilespmem:s2+$0x4200] =	vst v13;
	v12 =	vmax.f32 v12, $0.0e+00;
	v5 =	vadd.f32 v5, v10  }
0xb3: {  	[tilespmem:s2+$0x4210] =	vst v12;
	v6 =	vmax.f32 v6, $0.0e+00;
	v4 =	vadd.f32 v4, v9  }
0xb4: {  	s18 =	sadd.s32 $0x1, s18;
	[tilespmem:s2+$0x4220] =	vst v6;
	v5 =	vmax.f32 v5, $0.0e+00;
	v3 =	vadd.f32 v3, v8  }
0xb5: {  	p1 =	sne.s32 s18, $0x50;
	[tilespmem:s2+$0x4230] =	vst v5;
	v4 =	vmax.f32 v4, $0.0e+00;
	v2 =	vadd.f32 v2, v7  }
.Ltmp6:
0xb6: {  	[tilespmem:s2+$0x4240] =	vst v4;
	v3 =	vmax.f32 v3, $0.0e+00;
	v1 =	vadd.f32 v1, v63;
	(pc) =	sbr.rel @p1 .LBB2_11-.Ltmp6, $4  }
.Ltmp7:
0xb7: {  	[tilespmem:s2+$0x4250] =	vst v3;
	v2 =	vmax.f32 v2, $0.0e+00;
	(pc) =	sbr.rel @!p1 .LBB2_16-.Ltmp7, $4  }
0xb8: {  	[tilespmem:s2+$0x4260] =	vst v2;
	v1 =	vmax.f32 v1, $0.0e+00  }
0xb9: {  	[tilespmem:s2+$0x4270] =	vst v1  }
0xba: {  	[spmem:s1] =	stream.indirect.scatter.add.f32 [tilespmem:s29], [sflag:$0x3], $0x80, s31, s24, $0xb8;
	[tilespmem:$0x1FE00] =	vst v63  }
0xbb: {  	_ = 	snop  }
.LBB2_4:
0xbc: {  	s2 =	rddreg [dreg:$0x7];
	s18 =	simm.s32 $0x0  }
0xbd: {  	[tilespmem:s21], [sflag:$0x1] =	stream.linear.gather [hbm4b:s2+s17], $0x4000, $0x38;
	[tilespmem:$0x1FE00] =	vst v63  }
.LBB2_5:
0xbe: {  	_ =	swait.ge [sflag:s23], $0x100  }
0xbf: {  	[sflag:s23] =	ssyncset.done $0x0  }
0xc0: {  	[sflag:s23] =	ssyncadd.s32 $0xFFFFFF00  }
0xc1: {  	_ =	swait.ge [sflag:s23], $0x4000  }
0xc2: {  	[sflag:s23] =	ssyncset.done $0x0  }
0xc3: {  	[sflag:s23] =	ssyncadd.s32 $0xFFFFC000  }
0xc4: {  	[tilespmem:s25], [sflag:$0x2] =	stream.indirect.gather [hbm4b:s4+s24], $0x80, s3, s24, $0xb8;
	[tilespmem:$0x1FE00] =	vst v63  }
0xc5: {  	_ =	swait.ge [sflag:s26], $0x4000  }
0xc6: {  	s2 =	sshll.u32 s18, $0x1;
	p1 =	seq.s32 s18, $0x0;
	[sflag:s26] =	ssyncset.done $0x0  }
0xc7: {  	s12 =	simm.s32 @!p1 $0x3;
	s10 =	sor.u32 $0x1, s2;
	[sflag:s26] =	ssyncadd.s32 $0xFFFFC000  }
0xc8: {  	s13 =	sadd.s32 s9, s10;
	_ =	swait.ge @!p1 [sflag:s12], $0x800  }
0xc9: {  	s14 =	sshll.u32 s10, $0xE;
	s13 =	sshll.u32 s13, $0x5;
	[sflag:s12] =	ssyncset.done @!p1 $0x0  }
0xca: {  	s13 =	sadd.s32 s7, s13;
	[sflag:s12] =	ssyncadd.s32 @!p1 $0xFFFFF800;
	s12 =	sadd.s32 s11, s14  }
0xcb: {  	[tilespmem:s28], [sflag:$0x1] =	stream.linear.gather [hbm4b:s13+s17], $0x100, $0x38;
	[tilespmem:$0x1FE00] =	vst v63  }
0xcc: {  	s12 =	sshrl.u32 s12, $0x3  }
0xcd: {  	s12 =	sadd.s32 s6, s12  }
0xce: {  	[tilespmem:s29], [sflag:$0x1] =	stream.linear.gather [hbm4b:s12+s17], $0x4000, $0x38;
	[tilespmem:$0x1FE00] =	vst v63  }
0xcf: {  	s12 =	simm.s32 $0x0  }
0xd0: {  	v7 =	vld [tilespmem:s12+$0x8200]  }
0xd1: {  	v12 =	vld [tilespmem:s12+$0x8210]  }
0xd2: {  	v6 =	vld [tilespmem:s12+$0x8220]  }
0xd3: {  	v5 =	vld [tilespmem:s12+$0x8230]  }
0xd4: {  	v4 =	vld [tilespmem:s12+$0x8240]  }
0xd5: {  	v3 =	vld [tilespmem:s12+$0x8250]  }
0xd6: {  	v2 =	vld [tilespmem:s12+$0x8260]  }
0xd7: {  	v1 =	vld [tilespmem:s12+$0x8270]  }
0xd8: {  	v13 =	vld [tilespmem:s12+$0x200]  }
0xd9: {  	v14 =	vld [tilespmem:s12+$0x210]  }
0xda: {  	v11 =	vld [tilespmem:s12+$0x220]  }
0xdb: {  	v10 =	vld [tilespmem:s12+$0x230]  }
0xdc: {  	v9 =	vld [tilespmem:s12+$0x240]  }
0xdd: {  	v8 =	vld [tilespmem:s12+$0x250];
	v13 =	vadd.f32 v7, v13  }
0xde: {  	s13 =	simm.s32 $0x200;
	v12 =	vadd.f32 v12, v14;
	v7 =	vld [tilespmem:s12+$0x260]  }
.LBB2_6:
0xdf: {  	s14 =	sshra.s32 s13, $0x2;
	p1 =	sne.s32 s13, $0xFE00;
	v13 =	vmax.f32 v13, $0.0e+00;
	v6 =	vadd.f32 v6, v11;
	v11 =	vld [tilespmem:s12+$0x270]  }
0xe0: {  	v14 =	vld [tilespmem:s14+$0x8200];
	[tilespmem:s12+$0x200] =	vst v13;
	v12 =	vmax.f32 v12, $0.0e+00;
	v5 =	vadd.f32 v5, v10  }
0xe1: {  	v15 =	vld [tilespmem:s14+$0x8210];
	[tilespmem:s12+$0x210] =	vst v12;
	v10 =	vmax.f32 v6, $0.0e+00;
	v4 =	vadd.f32 v4, v9  }
0xe2: {  	v6 =	vld [tilespmem:s14+$0x8220];
	[tilespmem:s12+$0x220] =	vst v10;
	v9 =	vmax.f32 v5, $0.0e+00;
	v3 =	vadd.f32 v3, v8  }
0xe3: {  	v5 =	vld [tilespmem:s14+$0x8230];
	[tilespmem:s12+$0x230] =	vst v9;
	v8 =	vmax.f32 v4, $0.0e+00;
	v2 =	vadd.f32 v2, v7  }
0xe4: {  	v4 =	vld [tilespmem:s14+$0x8240];
	[tilespmem:s12+$0x240] =	vst v8;
	v7 =	vmax.f32 v3, $0.0e+00;
	v1 =	vadd.f32 v1, v11  }
0xe5: {  	v3 =	vld [tilespmem:s14+$0x8250];
	[tilespmem:s12+$0x250] =	vst v7;
	v7 =	vmax.f32 v2, $0.0e+00  }
0xe6: {  	v2 =	vld [tilespmem:s14+$0x8260];
	[tilespmem:s12+$0x260] =	vst v7;
	v7 =	vmax.f32 v1, $0.0e+00  }
0xe7: {  	v1 =	vld [tilespmem:s14+$0x8270];
	[tilespmem:s12+$0x270] =	vst v7;
	s12 =	smov.u32 s14  }
0xe8: {  	v7 =	vld [tilespmem:s12+$0x200]  }
0xe9: {  	v12 =	vld [tilespmem:s12+$0x210]  }
.Ltmp8:
0xea: {  	v11 =	vld [tilespmem:s12+$0x220];
	(pc) =	sbr.rel @p1 .LBB2_6-.Ltmp8, $4  }
0xeb: {  	v10 =	vld [tilespmem:s12+$0x230]  }
0xec: {  	v9 =	vld [tilespmem:s12+$0x240]  }
0xed: {  	v13 =	vadd.f32 v14, v7;
	v8 =	vld [tilespmem:s12+$0x250]  }
0xee: {  	s13 =	sadd.s32 $0x200, s13;
	v12 =	vadd.f32 v15, v12;
	v7 =	vld [tilespmem:s12+$0x260]  }
0xef: {  	v13 =	vmax.f32 v13, $0.0e+00;
	v6 =	vadd.f32 v6, v11;
	v11 =	vld [tilespmem:s12+$0x270]  }
0xf0: {  	[tilespmem:s12+$0x200] =	vst v13;
	v12 =	vmax.f32 v12, $0.0e+00;
	v5 =	vadd.f32 v5, v10  }
0xf1: {  	[tilespmem:s12+$0x210] =	vst v12;
	v6 =	vmax.f32 v6, $0.0e+00;
	v4 =	vadd.f32 v4, v9  }
0xf2: {  	[tilespmem:s12+$0x220] =	vst v6;
	v5 =	vmax.f32 v5, $0.0e+00;
	v3 =	vadd.f32 v3, v8  }
0xf3: {  	[tilespmem:s12+$0x230] =	vst v5;
	v4 =	vmax.f32 v4, $0.0e+00;
	v2 =	vadd.f32 v2, v7  }
0xf4: {  	[tilespmem:s12+$0x240] =	vst v4;
	v3 =	vmax.f32 v3, $0.0e+00;
	v1 =	vadd.f32 v1, v11  }
0xf5: {  	[tilespmem:s12+$0x250] =	vst v3;
	v2 =	vmax.f32 v2, $0.0e+00  }
0xf6: {  	[tilespmem:s12+$0x260] =	vst v2;
	v1 =	vmax.f32 v1, $0.0e+00  }
0xf7: {  	[tilespmem:s12+$0x270] =	vst v1  }
0xf8: {  	[spmem:s1] =	stream.indirect.scatter.add.f32 [tilespmem:s21], [sflag:$0x3], $0x80, s24, s24, $0xb8;
	[tilespmem:$0x1FE00] =	vst v63  }
0xf9: {  	_ =	swait.ge [sflag:s23], $0x100  }
0xfa: {  	[sflag:s23] =	ssyncset.done $0x0  }
0xfb: {  	[sflag:s23] =	ssyncadd.s32 $0xFFFFFF00  }
0xfc: {  	_ =	swait.ge [sflag:s23], $0x4000  }
0xfd: {  	[sflag:s23] =	ssyncset.done $0x0  }
0xfe: {  	[sflag:s23] =	ssyncadd.s32 $0xFFFFC000  }
0xff: {  	[tilespmem:s25], [sflag:$0x2] =	stream.indirect.gather [hbm4b:s4+s24], $0x80, s28, s24, $0xb8;
	[tilespmem:$0x1FE00] =	vst v63  }
0x100: {  	p1 =	sgt.u32 s10, $0x9E;
	_ =	swait.ge [sflag:s26], $0x4000  }
0x101: {  	s2 =	sadd.s32 @!p1 $0x2, s2;
	[sflag:s26] =	ssyncset.done $0x0  }
0x102: {  	s10 =	sadd.s32 @!p1 s9, s2;
	[sflag:s26] =	ssyncadd.s32 $0xFFFFC000  }
0x103: {  	s2 =	sshll.u32 @!p1 s2, $0xE;
	s10 =	sshll.u32 @!p1 s10, $0x5;
	_ =	swait.ge [sflag:s30], $0x800  }
0x104: {  	s2 =	sadd.s32 @!p1 s11, s2;
	s10 =	sadd.s32 @!p1 s7, s10;
	[sflag:s30] =	ssyncset.done $0x0  }
0x105: {  	s2 =	sshrl.u32 @!p1 s2, $0x3;
	s12 =	simm.s32 @!p1 $0x0;
	[sflag:s30] =	ssyncadd.s32 $0xFFFFF800  }
0x106: {  	[tilespmem:s12], [sflag:$0x1] =	stream.linear.gather @!p1 [hbm4b:s10+s12], $0x100, $0x38;
	[tilespmem:$0x1FE00] =	vst v63  }
0x107: {  	s2 =	sadd.s32 @!p1 s6, s2;
	s10 =	simm.s32 @!p1 $0x200  }
0x108: {  	[tilespmem:s10], [sflag:$0x1] =	stream.linear.gather @!p1 [hbm4b:s2+s12], $0x4000, $0x38;
	[tilespmem:$0x1FE00] =	vst v63  }
0x109: {  	s2 =	simm.s32 $0x0  }
0x10a: {  	v7 =	vld [tilespmem:s2+$0x8200]  }
0x10b: {  	v12 =	vld [tilespmem:s2+$0x8210]  }
0x10c: {  	v6 =	vld [tilespmem:s2+$0x8220]  }
0x10d: {  	v5 =	vld [tilespmem:s2+$0x8230]  }
0x10e: {  	v4 =	vld [tilespmem:s2+$0x8240]  }
0x10f: {  	v3 =	vld [tilespmem:s2+$0x8250]  }
0x110: {  	v2 =	vld [tilespmem:s2+$0x8260]  }
0x111: {  	v1 =	vld [tilespmem:s2+$0x8270]  }
0x112: {  	v13 =	vld [tilespmem:s2+$0x4200]  }
0x113: {  	v14 =	vld [tilespmem:s2+$0x4210]  }
0x114: {  	v11 =	vld [tilespmem:s2+$0x4220]  }
0x115: {  	v10 =	vld [tilespmem:s2+$0x4230]  }
0x116: {  	v9 =	vld [tilespmem:s2+$0x4240]  }
0x117: {  	v8 =	vld [tilespmem:s2+$0x4250];
	v13 =	vadd.f32 v7, v13  }
0x118: {  	s10 =	simm.s32 $0x200;
	v12 =	vadd.f32 v12, v14;
	v7 =	vld [tilespmem:s2+$0x4260]  }
.LBB2_8:
0x119: {  	s12 =	sshra.s32 s10, $0x2;
	p1 =	sne.s32 s10, $0xFE00;
	v13 =	vmax.f32 v13, $0.0e+00;
	v6 =	vadd.f32 v6, v11;
	v11 =	vld [tilespmem:s2+$0x4270]  }
0x11a: {  	v14 =	vld [tilespmem:s12+$0x8200];
	[tilespmem:s2+$0x4200] =	vst v13;
	v12 =	vmax.f32 v12, $0.0e+00;
	v5 =	vadd.f32 v5, v10  }
0x11b: {  	v15 =	vld [tilespmem:s12+$0x8210];
	[tilespmem:s2+$0x4210] =	vst v12;
	v10 =	vmax.f32 v6, $0.0e+00;
	v4 =	vadd.f32 v4, v9  }
0x11c: {  	v6 =	vld [tilespmem:s12+$0x8220];
	[tilespmem:s2+$0x4220] =	vst v10;
	v9 =	vmax.f32 v5, $0.0e+00;
	v3 =	vadd.f32 v3, v8  }
0x11d: {  	v5 =	vld [tilespmem:s12+$0x8230];
	[tilespmem:s2+$0x4230] =	vst v9;
	v8 =	vmax.f32 v4, $0.0e+00;
	v2 =	vadd.f32 v2, v7  }
0x11e: {  	v4 =	vld [tilespmem:s12+$0x8240];
	[tilespmem:s2+$0x4240] =	vst v8;
	v7 =	vmax.f32 v3, $0.0e+00;
	v1 =	vadd.f32 v1, v11  }
0x11f: {  	v3 =	vld [tilespmem:s12+$0x8250];
	[tilespmem:s2+$0x4250] =	vst v7;
	v7 =	vmax.f32 v2, $0.0e+00  }
0x120: {  	v2 =	vld [tilespmem:s12+$0x8260];
	[tilespmem:s2+$0x4260] =	vst v7;
	v7 =	vmax.f32 v1, $0.0e+00  }
0x121: {  	v1 =	vld [tilespmem:s12+$0x8270];
	[tilespmem:s2+$0x4270] =	vst v7;
	s2 =	smov.u32 s12  }
0x122: {  	v7 =	vld [tilespmem:s2+$0x4200]  }
0x123: {  	v12 =	vld [tilespmem:s2+$0x4210]  }
.Ltmp9:
0x124: {  	v11 =	vld [tilespmem:s2+$0x4220];
	(pc) =	sbr.rel @p1 .LBB2_8-.Ltmp9, $4  }
0x125: {  	v10 =	vld [tilespmem:s2+$0x4230]  }
0x126: {  	v9 =	vld [tilespmem:s2+$0x4240]  }
0x127: {  	v13 =	vadd.f32 v14, v7;
	v8 =	vld [tilespmem:s2+$0x4250]  }
0x128: {  	s10 =	sadd.s32 $0x200, s10;
	v12 =	vadd.f32 v15, v12;
	v7 =	vld [tilespmem:s2+$0x4260]  }
0x129: {  	v13 =	vmax.f32 v13, $0.0e+00;
	v6 =	vadd.f32 v6, v11;
	v63 =	vld [tilespmem:s2+$0x4270]  }
0x12a: {  	[tilespmem:s2+$0x4200] =	vst v13;
	v12 =	vmax.f32 v12, $0.0e+00;
	v5 =	vadd.f32 v5, v10  }
0x12b: {  	[tilespmem:s2+$0x4210] =	vst v12;
	v6 =	vmax.f32 v6, $0.0e+00;
	v4 =	vadd.f32 v4, v9  }
0x12c: {  	s18 =	sadd.s32 $0x1, s18;
	[tilespmem:s2+$0x4220] =	vst v6;
	v5 =	vmax.f32 v5, $0.0e+00;
	v3 =	vadd.f32 v3, v8  }
0x12d: {  	p1 =	seq.s32 s18, $0x50;
	[tilespmem:s2+$0x4230] =	vst v5;
	v4 =	vmax.f32 v4, $0.0e+00;
	v2 =	vadd.f32 v2, v7  }
.Ltmp10:
0x12e: {  	[tilespmem:s2+$0x4240] =	vst v4;
	v3 =	vmax.f32 v3, $0.0e+00;
	v1 =	vadd.f32 v1, v63;
	(pc) =	sbr.rel @!p1 .LBB2_5-.Ltmp10, $4  }
.Ltmp11:
0x12f: {  	[tilespmem:s2+$0x4250] =	vst v3;
	v2 =	vmax.f32 v2, $0.0e+00;
	(pc) =	sbr.rel @p1 .LBB2_16-.Ltmp11, $4  }
0x130: {  	[tilespmem:s2+$0x4260] =	vst v2;
	v1 =	vmax.f32 v1, $0.0e+00  }
0x131: {  	[tilespmem:s2+$0x4270] =	vst v1  }
0x132: {  	[spmem:s1] =	stream.indirect.scatter.add.f32 [tilespmem:s29], [sflag:$0x3], $0x80, s31, s24, $0xb8;
	[tilespmem:$0x1FE00] =	vst v63  }
0x133: {  	_ = 	snop  }
.LBB2_17:
0x134: {  	_ =	sfence.sel $0x180000  }
0x135: {  	[bflag:$0x0] =	sbarrier.arrive $0xFFFF  }
0x136: {  	_ =	strace $0x9000004D  }
0x137: {  	s0 =	stileid.u32;
	[bflag:$0x2] =	sbarrier.arrive $0xFFFF  }
0x138: {  	p0 =	sne.s32 s0, $0x0;
	s0 =	rddreg [dreg:$0x2]  }
0x139: {  	s0 =	sadd.s32 @!p0 $0x100000, s0  }
0x13a: {  	[sflag:s0] =	ssyncadd.tile.s32 @!p0 $0x1;
	_ =	shalt  }
.Lfunc_end2:
_tile_overlayer_lowered:
.L_overlay_start_2:
0x13b: {  	(tag) =	ssettag $0x2  }
0x13c: {  	s0 =	rddreg [dreg:$0x0];
	s2 =	stileid.u32  }
0x13d: {  	s1 =	rddreg [dreg:$0x1];
	p0 =	sne.s32 s2, $0x0  }
0x13e: {  	s3 =	rddreg [dreg:$0x2];
	[bflag:$0x3] =	sbarrier.arrive $0xFFFF;
	s2 =	simm.s32 @!p0 $0x1C04  }
0x13f: {  	[timem:s3], [sflag:s2] =	dma.local @!p0 [hbm:s0], s1  }
0x140: {  	s0 =	simm.s32 @!p0 $0x4  }
0x141: {  	_ =	swait.ge @!p0 [sflag:s0], s1  }
0x142: {  	s1 =	ssub.s32 @!p0 $0x0, s1;
	[sflag:s0] =	ssyncset.done @!p0 $0x0  }
0x143: {  	[sflag:s0] =	ssyncadd.s32 @!p0 s1  }
0x144: {  	[bflag:$0x3] =	sbarrier.arrive $0xFFFF  }
0x145: {  	_ =	shalt  }

</sc_bundles>
